<compile_context>
chip_gen: v7x
topology: tpu7x:2x2x1
jax: 0.10.2.dev20260603
libtpu: 0.0.44.dev20260713+nightly
codegen_flags: <defaults>
</compile_context>

<pallas_src>
import functools

import jax
import jax.numpy as jnp
from jax import lax
from jax.experimental import pallas as pl
from jax.experimental.pallas import tpu as pltpu
from jax.experimental.pallas import tpu_sc as plsc

_LANES = 128
_NBUF = 2
_BR = 8
_C0 = 44 * 1024
_SC_CH = 2048
_TC_BC = 4096




def _make_tc_body(v):
    nchunks = _TC_BC // _LANES

    def body(x_ref, max_ref, idx_ref, m_s, g_s):
        j = pl.program_id(0)
        nsteps = pl.num_programs(0)
        br = x_ref.shape[0]
        lane = lax.broadcasted_iota(jnp.int32, (br, _LANES), 1)

        @pl.when(j == 0)
        def _():
            m_s[...] = jnp.full((br, _LANES), -jnp.inf, jnp.float32)
            g_s[...] = jnp.zeros((br, _LANES), jnp.int32)

        m = m_s[...]
        g = g_s[...]
        base0 = _C0 + j * _TC_BC
        for k in range(nchunks):
            chunk = x_ref[:, k * _LANES : (k + 1) * _LANES]
            gidx = lane + (base0 + k * _LANES)
            upd = (chunk > m) & (gidx < v)
            m = jnp.where(upd, chunk, m)
            g = jnp.where(upd, gidx, g)
        m_s[...] = m
        g_s[...] = g

        @pl.when(j == nsteps - 1)
        def _():
            rowmax = jnp.max(m, axis=1, keepdims=True)
            cand = jnp.where(m == rowmax, g, jnp.int32(10**9))
            idx_ref[...] = jnp.min(cand, axis=1, keepdims=True)
            max_ref[...] = rowmax

    return body


def _argmax_tc(inputs):
    b, v = inputs.shape
    nsteps = -(-(v - _C0) // _TC_BC)
    off = _C0 // _TC_BC
    return pl.pallas_call(
        _make_tc_body(v),
        grid=(nsteps,),
        in_specs=[pl.BlockSpec((b, _TC_BC), lambda j: (0, j + off))],
        out_specs=[
            pl.BlockSpec((b, 1), lambda j: (0, 0)),
            pl.BlockSpec((b, 1), lambda j: (0, 0)),
        ],
        out_shape=[
            jax.ShapeDtypeStruct((b, 1), jnp.float32),
            jax.ShapeDtypeStruct((b, 1), jnp.int32),
        ],
        scratch_shapes=[
            pltpu.VMEM((b, _LANES), jnp.float32),
            pltpu.VMEM((b, _LANES), jnp.int32),
        ],
        compiler_params=pltpu.CompilerParams(vmem_limit_bytes=100 * 1024 * 1024),
    )(inputs)




def _argmax_sc(inputs):
    b, v = inputs.shape
    info = plsc.get_sparse_core_info()
    nw = info.num_cores * info.num_subcores
    nl = info.num_lanes
    rows_per_w = b // nw
    ngroups = rows_per_w // 8
    nch = _C0 // _SC_CH
    mesh = plsc.VectorSubcoreMesh(core_axis_name="c", subcore_axis_name="s", num_cores=2)

    @functools.partial(
        pl.kernel,
        mesh=mesh,
        out_type=(
            jax.ShapeDtypeStruct((b,), jnp.float32),
            jax.ShapeDtypeStruct((b,), jnp.int32),
        ),
        scratch_types=[
            pltpu.VMEM((_NBUF, 8, _SC_CH), jnp.float32),
            pltpu.VMEM((rows_per_w,), jnp.float32),
            pltpu.VMEM((rows_per_w,), jnp.int32),
            pltpu.SemaphoreType.DMA((_NBUF,)),
        ],
        compiler_params=pltpu.CompilerParams(needs_layout_passes=False),
    )
    def sc_argmax_kernel(x_hbm, max_hbm, idx_hbm, buf, mstage, istage, sems):
        wid = lax.axis_index("s") * info.num_cores + lax.axis_index("c")
        row0 = wid * rows_per_w
        lane = lax.iota(jnp.int32, nl)
        nvec = _SC_CH // nl

        def start(par, grow, ch):
            pltpu.make_async_copy(
                x_hbm.at[pl.ds(grow, 8), pl.ds(ch * _SC_CH, _SC_CH)],
                buf.at[par],
                sems.at[par],
            ).start()

        def wait(par):
            pltpu.make_async_copy(
                x_hbm.at[pl.ds(0, 8), pl.ds(0, _SC_CH)],
                buf.at[par],
                sems.at[par],
            ).wait()

        for g in range(ngroups):
            grow = row0 + g * 8
            start(0, grow, 0)
            start(1, grow, 1)
            neg = jnp.full((nl,), -jnp.inf, jnp.float32)
            zero = jnp.zeros((nl,), jnp.int32)
            carry0 = (neg,) * 8 + (zero,) * 8

            def dbl_step(i, carry):
                for par in range(_NBUF):
                    ch = i * _NBUF + par
                    wait(par)

                    def vec_step(j, carry2):
                        ms = carry2[:8]
                        gs = carry2[8:]
                        giota = lane + (ch * _SC_CH + j * nl)
                        new_m = []
                        new_g = []
                        for r in range(8):
                            chunk = buf[par, r, pl.ds(j * nl, nl)]
                            upd = chunk > ms[r]
                            new_m.append(jnp.where(upd, chunk, ms[r]))
                            new_g.append(jnp.where(upd, giota, gs[r]))
                        return tuple(new_m) + tuple(new_g)

                    carry = lax.fori_loop(0, nvec, vec_step, carry)

                    @pl.when(ch + _NBUF < nch)
                    def _():
                        start(par, grow, ch + _NBUF)

                return carry

            carry = lax.fori_loop(0, nch // _NBUF, dbl_step, carry0)

            ms = carry[:8]
            gs = carry[8:]
            for r in range(8):
                rmax = jnp.max(ms[r])
                cand = jnp.where(ms[r] == rmax, gs[r], jnp.int32(10**9))
                ridx = jnp.min(cand)
                srow = g * 8 + r
                half = srow // nl
                sel = lane == (srow % nl)
                mh = mstage[pl.ds(half * nl, nl)]
                ih = istage[pl.ds(half * nl, nl)]
                mstage[pl.ds(half * nl, nl)] = jnp.where(sel, rmax, mh)
                istage[pl.ds(half * nl, nl)] = jnp.where(sel, ridx, ih)

        pltpu.sync_copy(mstage, max_hbm.at[pl.ds(row0, rows_per_w)])
        pltpu.sync_copy(istage, idx_hbm.at[pl.ds(row0, rows_per_w)])

    return sc_argmax_kernel(inputs)




def _gather_sc(embeddings, tc_max, tc_idx, sc_max, sc_idx):
    (b,) = tc_idx.shape
    v, d = embeddings.shape
    info = plsc.get_sparse_core_info()
    nw = info.num_cores * info.num_subcores
    nl = info.num_lanes
    assert b % (8 * nw) == 0 and d % nl == 0
    b_per_w = b // nw
    mesh = plsc.VectorSubcoreMesh(core_axis_name="c", subcore_axis_name="s", num_cores=2)

    @functools.partial(
        pl.kernel,
        mesh=mesh,
        out_type=jax.ShapeDtypeStruct((b, d), jnp.float32),
        scratch_types=[
            pltpu.VMEM((b_per_w,), jnp.float32),
            pltpu.VMEM((b_per_w,), jnp.int32),
            pltpu.VMEM((b_per_w,), jnp.float32),
            pltpu.VMEM((b_per_w,), jnp.int32),
            pltpu.VMEM((b_per_w,), jnp.int32),
            pltpu.VMEM((b_per_w, d), jnp.float32),
            pltpu.SemaphoreType.DMA,
        ],
        compiler_params=pltpu.CompilerParams(use_tc_tiling_on_sc=False),
    )
    def gather_kernel(
        table_hbm,
        tcm_hbm,
        tci_hbm,
        scm_hbm,
        sci_hbm,
        out_hbm,
        tcm_v,
        tci_v,
        scm_v,
        sci_v,
        idx_v,
        rows_v,
        sem,
    ):
        wid = lax.axis_index("s") * info.num_cores + lax.axis_index("c")
        base = wid * b_per_w
        pltpu.sync_copy(tcm_hbm.at[pl.ds(base, b_per_w)], tcm_v)
        pltpu.sync_copy(tci_hbm.at[pl.ds(base, b_per_w)], tci_v)
        pltpu.sync_copy(scm_hbm.at[pl.ds(base, b_per_w)], scm_v)
        pltpu.sync_copy(sci_hbm.at[pl.ds(base, b_per_w)], sci_v)
        for h in range(b_per_w // nl):
            sl = pl.ds(h * nl, nl)
            tm = tcm_v[sl]
            ti = tci_v[sl]
            sm = scm_v[sl]
            si = sci_v[sl]
            upd = tm > sm
            idx_v[sl] = jnp.where(upd, ti, si)
        pltpu.async_copy(table_hbm.at[idx_v], rows_v, sem).wait()
        pltpu.sync_copy(rows_v, out_hbm.at[pl.ds(base, b_per_w)])

    return gather_kernel(embeddings, tc_max, tc_idx, sc_max, sc_idx)


def kernel(inputs, embeddings):
    b = inputs.shape[0]
    sc_max, sc_idx = _argmax_sc(inputs)
    tc_max, tc_idx = _argmax_tc(inputs)
    return _gather_sc(
        embeddings,
        tc_max.reshape(b),
        tc_idx.reshape(b),
        sc_max,
        sc_idx,
    )

# --- scband reference (transcript-rebuilt; emitter-appended) ---
"""Pipeline reference for scband-adaptive-embedding-61667140436659 (READ-ONLY COPY).

The authoritative reference and input builder live on the scoring server;
editing this copy changes nothing except your own understanding.
"""

import jax, jax.numpy as jnp
import numpy as np

VOCAB = 100000
EMBED_DIM = 64
BATCH = 1024

def setup_inputs(seed: int = 0) -> dict:
    key = jax.random.key(seed)
    k1, k2 = jax.random.split(key)
    inputs = jax.random.normal(k1, (BATCH, VOCAB), dtype=jnp.float32)
    # glorot_uniform for embeddings table of shape (VOCAB, EMBED_DIM)
    limit = float(np.sqrt(6.0 / (VOCAB + EMBED_DIM)))
    embeddings = jax.random.uniform(k2, (VOCAB, EMBED_DIM), dtype=jnp.float32, minval=-limit, maxval=limit)
    return {"inputs": inputs, "embeddings": embeddings}

def reference(inputs, embeddings):
    # Faithful translation of AdaptiveEmbedding.call:
    #   indices = argmax(inputs, axis=-1); out = embedding_lookup(table, indices)
    indices = jnp.argmax(inputs, axis=-1).astype(jnp.int32)
    out = jnp.take(embeddings, indices, axis=0)
    return out

if __name__ == "__main__":
    import jax
    _d = setup_inputs()
    print(jax.jit(kernel)(*tuple(_d.values())))

</pallas_src>

<mosaic_0001>
#map = affine_map<(d0, d1) -> (0, 0)>
#map1 = affine_map<(d0, d1) -> (0)>
module attributes {stable_mosaic.version = 14 : i64} {
  func.func @sc_argmax_kernel(%arg0: i32, %arg1: i32, %arg2: memref<1024x100000xf32, #tpu.memory_space<hbm>>, %arg3: memref<1024xf32, #tpu.memory_space<hbm>>, %arg4: memref<1024xi32, #tpu.memory_space<hbm>>, %arg5: memref<2x8x2048xf32, #tpu.memory_space<vmem>>, %arg6: memref<32xf32, #tpu.memory_space<vmem>>, %arg7: memref<32xi32, #tpu.memory_space<vmem>>, %arg8: memref<2x!tpu.dma_semaphore, #tpu.memory_space<semaphore_mem>>) attributes {dimension_semantics = [#tpu.dimension_semantics<core_parallel>, #tpu.dimension_semantics<subcore_parallel>], iteration_bounds = array<i64: 2, 16>, scalar_prefetch = 0 : i64, scratch_operands = 4 : i64, tpu.core_type = #tpu.core_type<sc_vector_subcore>, window_params = [{transform_indices = #map}, {transform_indices = #map1}, {transform_indices = #map1}]} {
    %mul3A = arith.constant 2 : i32
    %mul3A_0 = arith.muli %arg1, %mul3A : i32
    %add3A = arith.addi %mul3A_0, %arg0 : i32
    %mul3A_1 = arith.constant 32 : i32
    %mul3A_2 = arith.muli %add3A, %mul3A_1 : i32
    %iota3A = tpu.iota {dimensions = array<i32: 0>} : vector<16xi32>
    %add3A_3 = arith.constant 0 : i32
    %add3A_4 = arith.addi %mul3A_2, %add3A_3 : i32
    %dma_start3A = arith.constant 0 : i32
    %dma_start3A_5 = arith.constant 0 : i32
    %dma_start3A_6 = arith.constant 0 : i32
    %dma_start3A_7 = arith.constant 0 : i32
    %dma_start3A_8 = tpu.memref_slice %arg5[%dma_start3A, %dma_start3A_6, %dma_start3A_7] : memref<2x8x2048xf32, #tpu.memory_space<vmem>> -> memref<1x8x2048xf32, #tpu.memory_space<vmem>>
    %dma_start3A_9 = tpu.memref_squeeze %dma_start3A_8 : memref<1x8x2048xf32, #tpu.memory_space<vmem>> -> memref<8x2048xf32, #tpu.memory_space<vmem>>
    %dma_start3A_10 = arith.constant 0 : i32
    %dma_start3A_11 = tpu.memref_slice %arg2[%add3A_4, %dma_start3A_10] : memref<1024x100000xf32, #tpu.memory_space<hbm>> -> memref<8x2048xf32, #tpu.memory_space<hbm>>
    %dma_start3A_12 = tpu.memref_slice %arg8[%dma_start3A_5] : memref<2x!tpu.dma_semaphore, #tpu.memory_space<semaphore_mem>> -> memref<1x!tpu.dma_semaphore, #tpu.memory_space<semaphore_mem>>
    %dma_start3A_13 = tpu.memref_squeeze %dma_start3A_12 : memref<1x!tpu.dma_semaphore, #tpu.memory_space<semaphore_mem>> -> memref<!tpu.dma_semaphore, #tpu.memory_space<semaphore_mem>>
    %dma_start3A_14 = arith.constant 0 : i32
    %dma_start3A_15 = arith.constant 0 : i32
    %dma_start3A_16 = tpu.memref_slice %arg5[%dma_start3A, %dma_start3A_14, %dma_start3A_15] : memref<2x8x2048xf32, #tpu.memory_space<vmem>> -> memref<1x8x2048xf32, #tpu.memory_space<vmem>>
    %dma_start3A_17 = tpu.memref_squeeze %dma_start3A_16 : memref<1x8x2048xf32, #tpu.memory_space<vmem>> -> memref<8x2048xf32, #tpu.memory_space<vmem>>
    %dma_start3A_18 = arith.constant 0 : i32
    %dma_start3A_19 = tpu.memref_slice %arg2[%add3A_4, %dma_start3A_18] : memref<1024x100000xf32, #tpu.memory_space<hbm>> -> memref<8x2048xf32, #tpu.memory_space<hbm>>
    tpu.enqueue_dma source(%dma_start3A_19 : memref<8x2048xf32, #tpu.memory_space<hbm>>) target(%dma_start3A_17 : memref<8x2048xf32, #tpu.memory_space<vmem>>) target_semaphore(%dma_start3A_13 : memref<!tpu.dma_semaphore, #tpu.memory_space<semaphore_mem>>)
    %dma_start3A_20 = arith.constant 1 : i32
    %dma_start3A_21 = arith.constant 1 : i32
    %dma_start3A_22 = arith.constant 0 : i32
    %dma_start3A_23 = arith.constant 0 : i32
    %dma_start3A_24 = tpu.memref_slice %arg5[%dma_start3A_20, %dma_start3A_22, %dma_start3A_23] : memref<2x8x2048xf32, #tpu.memory_space<vmem>> -> memref<1x8x2048xf32, #tpu.memory_space<vmem>>
    %dma_start3A_25 = tpu.memref_squeeze %dma_start3A_24 : memref<1x8x2048xf32, #tpu.memory_space<vmem>> -> memref<8x2048xf32, #tpu.memory_space<vmem>>
    %dma_start3A_26 = arith.constant 2048 : i32
    %dma_start3A_27 = tpu.memref_slice %arg2[%add3A_4, %dma_start3A_26] : memref<1024x100000xf32, #tpu.memory_space<hbm>> -> memref<8x2048xf32, #tpu.memory_space<hbm>>
    %dma_start3A_28 = tpu.memref_slice %arg8[%dma_start3A_21] : memref<2x!tpu.dma_semaphore, #tpu.memory_space<semaphore_mem>> -> memref<1x!tpu.dma_semaphore, #tpu.memory_space<semaphore_mem>>
    %dma_start3A_29 = tpu.memref_squeeze %dma_start3A_28 : memref<1x!tpu.dma_semaphore, #tpu.memory_space<semaphore_mem>> -> memref<!tpu.dma_semaphore, #tpu.memory_space<semaphore_mem>>
    %dma_start3A_30 = arith.constant 0 : i32
    %dma_start3A_31 = arith.constant 0 : i32
    %dma_start3A_32 = tpu.memref_slice %arg5[%dma_start3A_20, %dma_start3A_30, %dma_start3A_31] : memref<2x8x2048xf32, #tpu.memory_space<vmem>> -> memref<1x8x2048xf32, #tpu.memory_space<vmem>>
    %dma_start3A_33 = tpu.memref_squeeze %dma_start3A_32 : memref<1x8x2048xf32, #tpu.memory_space<vmem>> -> memref<8x2048xf32, #tpu.memory_space<vmem>>
    %dma_start3A_34 = arith.constant 2048 : i32
    %dma_start3A_35 = tpu.memref_slice %arg2[%add3A_4, %dma_start3A_34] : memref<1024x100000xf32, #tpu.memory_space<hbm>> -> memref<8x2048xf32, #tpu.memory_space<hbm>>
    tpu.enqueue_dma source(%dma_start3A_35 : memref<8x2048xf32, #tpu.memory_space<hbm>>) target(%dma_start3A_33 : memref<8x2048xf32, #tpu.memory_space<vmem>>) target_semaphore(%dma_start3A_29 : memref<!tpu.dma_semaphore, #tpu.memory_space<semaphore_mem>>)
    %broadcast_in_dim3A = arith.constant 0xFF800000 : f32
    %broadcast_in_dim3A_36 = vector.broadcast %broadcast_in_dim3A : f32 to vector<16xf32>
    %broadcast_in_dim3A_37 = arith.constant 0 : i32
    %broadcast_in_dim3A_38 = vector.broadcast %broadcast_in_dim3A_37 : i32 to vector<16xi32>
    %scan3A = arith.constant 0 : i32
    %scan3A_39 = arith.constant 11 : i32
    %scan3A_40 = arith.addi %scan3A, %scan3A_39 : i32
    %scan3A_41 = arith.constant 1 : i32
    %scan3A_42:16 = scf.for %scan3A_1193 = %scan3A to %scan3A_40 step %scan3A_41 iter_args(%scan3A_1194 = %broadcast_in_dim3A_36, %scan3A_1195 = %broadcast_in_dim3A_36, %scan3A_1196 = %broadcast_in_dim3A_36, %scan3A_1197 = %broadcast_in_dim3A_36, %scan3A_1198 = %broadcast_in_dim3A_36, %scan3A_1199 = %broadcast_in_dim3A_36, %scan3A_1200 = %broadcast_in_dim3A_36, %scan3A_1201 = %broadcast_in_dim3A_36, %scan3A_1202 = %broadcast_in_dim3A_38, %scan3A_1203 = %broadcast_in_dim3A_38, %scan3A_1204 = %broadcast_in_dim3A_38, %scan3A_1205 = %broadcast_in_dim3A_38, %scan3A_1206 = %broadcast_in_dim3A_38, %scan3A_1207 = %broadcast_in_dim3A_38, %scan3A_1208 = %broadcast_in_dim3A_38, %scan3A_1209 = %broadcast_in_dim3A_38) -> (vector<16xf32>, vector<16xf32>, vector<16xf32>, vector<16xf32>, vector<16xf32>, vector<16xf32>, vector<16xf32>, vector<16xf32>, vector<16xi32>, vector<16xi32>, vector<16xi32>, vector<16xi32>, vector<16xi32>, vector<16xi32>, vector<16xi32>, vector<16xi32>)  : i32 {
      %mul3A_1210 = arith.constant 2 : i32
      %mul3A_1211 = arith.muli %scan3A_1193, %mul3A_1210 : i32
      %add3A_1212 = arith.constant 0 : i32
      %add3A_1213 = arith.addi %mul3A_1211, %add3A_1212 : i32
      %dma_wait3A = arith.constant 0 : i32
      %dma_wait3A_1214 = arith.constant 0 : i32
      %dma_wait3A_1215 = arith.constant 0 : i32
      %dma_wait3A_1216 = arith.constant 0 : i32
      %dma_wait3A_1217 = tpu.memref_slice %arg5[%dma_wait3A, %dma_wait3A_1215, %dma_wait3A_1216] : memref<2x8x2048xf32, #tpu.memory_space<vmem>> -> memref<1x8x2048xf32, #tpu.memory_space<vmem>>
      %dma_wait3A_1218 = tpu.memref_squeeze %dma_wait3A_1217 : memref<1x8x2048xf32, #tpu.memory_space<vmem>> -> memref<8x2048xf32, #tpu.memory_space<vmem>>
      %dma_wait3A_1219 = arith.constant 0 : i32
      %dma_wait3A_1220 = arith.constant 0 : i32
      %dma_wait3A_1221 = tpu.memref_slice %arg2[%dma_wait3A_1219, %dma_wait3A_1220] : memref<1024x100000xf32, #tpu.memory_space<hbm>> -> memref<8x2048xf32, #tpu.memory_space<hbm>>
      %dma_wait3A_1222 = tpu.memref_slice %arg8[%dma_wait3A_1214] : memref<2x!tpu.dma_semaphore, #tpu.memory_space<semaphore_mem>> -> memref<1x!tpu.dma_semaphore, #tpu.memory_space<semaphore_mem>>
      %dma_wait3A_1223 = tpu.memref_squeeze %dma_wait3A_1222 : memref<1x!tpu.dma_semaphore, #tpu.memory_space<semaphore_mem>> -> memref<!tpu.dma_semaphore, #tpu.memory_space<semaphore_mem>>
      %dma_wait3A_1224 = arith.constant 0 : i32
      %dma_wait3A_1225 = arith.constant 0 : i32
      %dma_wait3A_1226 = tpu.memref_slice %arg5[%dma_wait3A, %dma_wait3A_1224, %dma_wait3A_1225] : memref<2x8x2048xf32, #tpu.memory_space<vmem>> -> memref<1x8x2048xf32, #tpu.memory_space<vmem>>
      %dma_wait3A_1227 = tpu.memref_squeeze %dma_wait3A_1226 : memref<1x8x2048xf32, #tpu.memory_space<vmem>> -> memref<8x2048xf32, #tpu.memory_space<vmem>>
      %dma_wait3A_1228 = arith.constant 0 : i32
      %dma_wait3A_1229 = arith.constant 0 : i32
      %dma_wait3A_1230 = tpu.memref_slice %arg2[%dma_wait3A_1228, %dma_wait3A_1229] : memref<1024x100000xf32, #tpu.memory_space<hbm>> -> memref<8x2048xf32, #tpu.memory_space<hbm>>
      tpu.wait_dma2 semaphore(%dma_wait3A_1223 : memref<!tpu.dma_semaphore, #tpu.memory_space<semaphore_mem>>) src(%dma_wait3A_1230 : memref<8x2048xf32, #tpu.memory_space<hbm>>) dst(%dma_wait3A_1227 : memref<8x2048xf32, #tpu.memory_space<vmem>>)
      %scan3A_1231 = arith.constant 0 : i32
      %scan3A_1232 = arith.constant 128 : i32
      %scan3A_1233 = arith.addi %scan3A_1231, %scan3A_1232 : i32
      %scan3A_1234 = arith.constant 1 : i32
      %scan3A_1235:16 = scf.for %scan3A_1276 = %scan3A_1231 to %scan3A_1233 step %scan3A_1234 iter_args(%scan3A_1277 = %scan3A_1194, %scan3A_1278 = %scan3A_1195, %scan3A_1279 = %scan3A_1196, %scan3A_1280 = %scan3A_1197, %scan3A_1281 = %scan3A_1198, %scan3A_1282 = %scan3A_1199, %scan3A_1283 = %scan3A_1200, %scan3A_1284 = %scan3A_1201, %scan3A_1285 = %scan3A_1202, %scan3A_1286 = %scan3A_1203, %scan3A_1287 = %scan3A_1204, %scan3A_1288 = %scan3A_1205, %scan3A_1289 = %scan3A_1206, %scan3A_1290 = %scan3A_1207, %scan3A_1291 = %scan3A_1208, %scan3A_1292 = %scan3A_1209) -> (vector<16xf32>, vector<16xf32>, vector<16xf32>, vector<16xf32>, vector<16xf32>, vector<16xf32>, vector<16xf32>, vector<16xf32>, vector<16xi32>, vector<16xi32>, vector<16xi32>, vector<16xi32>, vector<16xi32>, vector<16xi32>, vector<16xi32>, vector<16xi32>)  : i32 {
        %mul3A_1293 = arith.constant 2048 : i32
        %mul3A_1294 = arith.muli %add3A_1213, %mul3A_1293 : i32
        %mul3A_1295 = arith.constant 16 : i32
        %mul3A_1296 = arith.muli %scan3A_1276, %mul3A_1295 : i32
        %add3A_1297 = arith.addi %mul3A_1294, %mul3A_1296 : i32
        %add3A_1298 = vector.broadcast %add3A_1297 : i32 to vector<16xi32>
        %add3A_1299 = arith.addi %iota3A, %add3A_1298 : vector<16xi32>
        %mul3A_1300 = arith.constant 16 : i32
        %mul3A_1301 = arith.muli %scan3A_1276, %mul3A_1300 : i32
        %get3A_1302 = arith.constant 0 : i32
        %get3A_1303 = arith.constant 0 : i32
        %get3A_1304 = arith.index_cast %get3A_1302 : i32 to index
        %get3A_1305 = arith.index_cast %get3A_1303 : i32 to index
        %get3A_1306 = arith.index_cast %mul3A_1301 : i32 to index
        %get3A_1307 = tpu.vector_load %arg5[%get3A_1304, %get3A_1305, %get3A_1306] {strides = array<i32>} : memref<2x8x2048xf32, #tpu.memory_space<vmem>>, vector<16xf32>,
        %gt3A = arith.cmpf ogt, %get3A_1307, %scan3A_1277 : vector<16xf32>
        %select_n3A_1308 = arith.select %gt3A, %get3A_1307, %scan3A_1277 : vector<16xi1>, vector<16xf32>
        %select_n3A_1309 = arith.select %gt3A, %add3A_1299, %scan3A_1285 : vector<16xi1>, vector<16xi32>
        %mul3A_1310 = arith.constant 16 : i32
        %mul3A_1311 = arith.muli %scan3A_1276, %mul3A_1310 : i32
        %get3A_1312 = arith.constant 0 : i32
        %get3A_1313 = arith.constant 1 : i32
        %get3A_1314 = arith.index_cast %get3A_1312 : i32 to index
        %get3A_1315 = arith.index_cast %get3A_1313 : i32 to index
        %get3A_1316 = arith.index_cast %mul3A_1311 : i32 to index
        %get3A_1317 = tpu.vector_load %arg5[%get3A_1314, %get3A_1315, %get3A_1316] {strides = array<i32>} : memref<2x8x2048xf32, #tpu.memory_space<vmem>>, vector<16xf32>,
        %gt3A_1318 = arith.cmpf ogt, %get3A_1317, %scan3A_1278 : vector<16xf32>
        %select_n3A_1319 = arith.select %gt3A_1318, %get3A_1317, %scan3A_1278 : vector<16xi1>, vector<16xf32>
        %select_n3A_1320 = arith.select %gt3A_1318, %add3A_1299, %scan3A_1286 : vector<16xi1>, vector<16xi32>
        %mul3A_1321 = arith.constant 16 : i32
        %mul3A_1322 = arith.muli %scan3A_1276, %mul3A_1321 : i32
        %get3A_1323 = arith.constant 0 : i32
        %get3A_1324 = arith.constant 2 : i32
        %get3A_1325 = arith.index_cast %get3A_1323 : i32 to index
        %get3A_1326 = arith.index_cast %get3A_1324 : i32 to index
        %get3A_1327 = arith.index_cast %mul3A_1322 : i32 to index
        %get3A_1328 = tpu.vector_load %arg5[%get3A_1325, %get3A_1326, %get3A_1327] {strides = array<i32>} : memref<2x8x2048xf32, #tpu.memory_space<vmem>>, vector<16xf32>,
        %gt3A_1329 = arith.cmpf ogt, %get3A_1328, %scan3A_1279 : vector<16xf32>
        %select_n3A_1330 = arith.select %gt3A_1329, %get3A_1328, %scan3A_1279 : vector<16xi1>, vector<16xf32>
        %select_n3A_1331 = arith.select %gt3A_1329, %add3A_1299, %scan3A_1287 : vector<16xi1>, vector<16xi32>
        %mul3A_1332 = arith.constant 16 : i32
        %mul3A_1333 = arith.muli %scan3A_1276, %mul3A_1332 : i32
        %get3A_1334 = arith.constant 0 : i32
        %get3A_1335 = arith.constant 3 : i32
        %get3A_1336 = arith.index_cast %get3A_1334 : i32 to index
        %get3A_1337 = arith.index_cast %get3A_1335 : i32 to index
        %get3A_1338 = arith.index_cast %mul3A_1333 : i32 to index
        %get3A_1339 = tpu.vector_load %arg5[%get3A_1336, %get3A_1337, %get3A_1338] {strides = array<i32>} : memref<2x8x2048xf32, #tpu.memory_space<vmem>>, vector<16xf32>,
        %gt3A_1340 = arith.cmpf ogt, %get3A_1339, %scan3A_1280 : vector<16xf32>
        %select_n3A_1341 = arith.select %gt3A_1340, %get3A_1339, %scan3A_1280 : vector<16xi1>, vector<16xf32>
        %select_n3A_1342 = arith.select %gt3A_1340, %add3A_1299, %scan3A_1288 : vector<16xi1>, vector<16xi32>
        %mul3A_1343 = arith.constant 16 : i32
        %mul3A_1344 = arith.muli %scan3A_1276, %mul3A_1343 : i32
        %get3A_1345 = arith.constant 0 : i32
        %get3A_1346 = arith.constant 4 : i32
        %get3A_1347 = arith.index_cast %get3A_1345 : i32 to index
        %get3A_1348 = arith.index_cast %get3A_1346 : i32 to index
        %get3A_1349 = arith.index_cast %mul3A_1344 : i32 to index
        %get3A_1350 = tpu.vector_load %arg5[%get3A_1347, %get3A_1348, %get3A_1349] {strides = array<i32>} : memref<2x8x2048xf32, #tpu.memory_space<vmem>>, vector<16xf32>,
        %gt3A_1351 = arith.cmpf ogt, %get3A_1350, %scan3A_1281 : vector<16xf32>
        %select_n3A_1352 = arith.select %gt3A_1351, %get3A_1350, %scan3A_1281 : vector<16xi1>, vector<16xf32>
        %select_n3A_1353 = arith.select %gt3A_1351, %add3A_1299, %scan3A_1289 : vector<16xi1>, vector<16xi32>
        %mul3A_1354 = arith.constant 16 : i32
        %mul3A_1355 = arith.muli %scan3A_1276, %mul3A_1354 : i32
        %get3A_1356 = arith.constant 0 : i32
        %get3A_1357 = arith.constant 5 : i32
        %get3A_1358 = arith.index_cast %get3A_1356 : i32 to index
        %get3A_1359 = arith.index_cast %get3A_1357 : i32 to index
        %get3A_1360 = arith.index_cast %mul3A_1355 : i32 to index
        %get3A_1361 = tpu.vector_load %arg5[%get3A_1358, %get3A_1359, %get3A_1360] {strides = array<i32>} : memref<2x8x2048xf32, #tpu.memory_space<vmem>>, vector<16xf32>,
        %gt3A_1362 = arith.cmpf ogt, %get3A_1361, %scan3A_1282 : vector<16xf32>
        %select_n3A_1363 = arith.select %gt3A_1362, %get3A_1361, %scan3A_1282 : vector<16xi1>, vector<16xf32>
        %select_n3A_1364 = arith.select %gt3A_1362, %add3A_1299, %scan3A_1290 : vector<16xi1>, vector<16xi32>
        %mul3A_1365 = arith.constant 16 : i32
        %mul3A_1366 = arith.muli %scan3A_1276, %mul3A_1365 : i32
        %get3A_1367 = arith.constant 0 : i32
        %get3A_1368 = arith.constant 6 : i32
        %get3A_1369 = arith.index_cast %get3A_1367 : i32 to index
        %get3A_1370 = arith.index_cast %get3A_1368 : i32 to index
        %get3A_1371 = arith.index_cast %mul3A_1366 : i32 to index
        %get3A_1372 = tpu.vector_load %arg5[%get3A_1369, %get3A_1370, %get3A_1371] {strides = array<i32>} : memref<2x8x2048xf32, #tpu.memory_space<vmem>>, vector<16xf32>,
        %gt3A_1373 = arith.cmpf ogt, %get3A_1372, %scan3A_1283 : vector<16xf32>
        %select_n3A_1374 = arith.select %gt3A_1373, %get3A_1372, %scan3A_1283 : vector<16xi1>, vector<16xf32>
        %select_n3A_1375 = arith.select %gt3A_1373, %add3A_1299, %scan3A_1291 : vector<16xi1>, vector<16xi32>
        %mul3A_1376 = arith.constant 16 : i32
        %mul3A_1377 = arith.muli %scan3A_1276, %mul3A_1376 : i32
        %get3A_1378 = arith.constant 0 : i32
        %get3A_1379 = arith.constant 7 : i32
        %get3A_1380 = arith.index_cast %get3A_1378 : i32 to index
        %get3A_1381 = arith.index_cast %get3A_1379 : i32 to index
        %get3A_1382 = arith.index_cast %mul3A_1377 : i32 to index
        %get3A_1383 = tpu.vector_load %arg5[%get3A_1380, %get3A_1381, %get3A_1382] {strides = array<i32>} : memref<2x8x2048xf32, #tpu.memory_space<vmem>>, vector<16xf32>,
        %gt3A_1384 = arith.cmpf ogt, %get3A_1383, %scan3A_1284 : vector<16xf32>
        %select_n3A_1385 = arith.select %gt3A_1384, %get3A_1383, %scan3A_1284 : vector<16xi1>, vector<16xf32>
        %select_n3A_1386 = arith.select %gt3A_1384, %add3A_1299, %scan3A_1292 : vector<16xi1>, vector<16xi32>
        scf.yield %select_n3A_1308, %select_n3A_1319, %select_n3A_1330, %select_n3A_1341, %select_n3A_1352, %select_n3A_1363, %select_n3A_1374, %select_n3A_1385, %select_n3A_1309, %select_n3A_1320, %select_n3A_1331, %select_n3A_1342, %select_n3A_1353, %select_n3A_1364, %select_n3A_1375, %select_n3A_1386 : vector<16xf32>, vector<16xf32>, vector<16xf32>, vector<16xf32>, vector<16xf32>, vector<16xf32>, vector<16xf32>, vector<16xf32>, vector<16xi32>, vector<16xi32>, vector<16xi32>, vector<16xi32>, vector<16xi32>, vector<16xi32>, vector<16xi32>, vector<16xi32>
      }
      %scan3A_1236 = arith.constant 128 : i32
      %add3A_1237 = arith.constant 2 : i32
      %add3A_1238 = arith.addi %add3A_1213, %add3A_1237 : i32
      %lt3A = arith.constant 22 : i32
      %lt3A_1239 = arith.cmpi slt, %add3A_1238, %lt3A : i32
      %convert_element_type3A = arith.extui %lt3A_1239 : i1 to i32
      %cond3A = arith.constant 0 : i32
      %cond3A_1240 = arith.cmpi ne, %convert_element_type3A, %cond3A : i32
      scf.if %cond3A_1240 {
        %add3A_1276 = arith.constant 2 : i32
        %add3A_1277 = arith.addi %add3A_1213, %add3A_1276 : i32
        %mul3A_1278 = arith.constant 2048 : i32
        %mul3A_1279 = arith.muli %add3A_1277, %mul3A_1278 : i32
        %dma_start3A_1280 = arith.constant 0 : i32
        %dma_start3A_1281 = arith.constant 0 : i32
        %dma_start3A_1282 = arith.constant 0 : i32
        %dma_start3A_1283 = arith.constant 0 : i32
        %dma_start3A_1284 = tpu.memref_slice %arg5[%dma_start3A_1280, %dma_start3A_1282, %dma_start3A_1283] : memref<2x8x2048xf32, #tpu.memory_space<vmem>> -> memref<1x8x2048xf32, #tpu.memory_space<vmem>>
        %dma_start3A_1285 = tpu.memref_squeeze %dma_start3A_1284 : memref<1x8x2048xf32, #tpu.memory_space<vmem>> -> memref<8x2048xf32, #tpu.memory_space<vmem>>
        %dma_start3A_1286 = tpu.memref_slice %arg2[%add3A_4, %mul3A_1279] : memref<1024x100000xf32, #tpu.memory_space<hbm>> -> memref<8x2048xf32, #tpu.memory_space<hbm>>
        %dma_start3A_1287 = tpu.memref_slice %arg8[%dma_start3A_1281] : memref<2x!tpu.dma_semaphore, #tpu.memory_space<semaphore_mem>> -> memref<1x!tpu.dma_semaphore, #tpu.memory_space<semaphore_mem>>
        %dma_start3A_1288 = tpu.memref_squeeze %dma_start3A_1287 : memref<1x!tpu.dma_semaphore, #tpu.memory_space<semaphore_mem>> -> memref<!tpu.dma_semaphore, #tpu.memory_space<semaphore_mem>>
        %dma_start3A_1289 = arith.constant 0 : i32
        %dma_start3A_1290 = arith.constant 0 : i32
        %dma_start3A_1291 = tpu.memref_slice %arg5[%dma_start3A_1280, %dma_start3A_1289, %dma_start3A_1290] : memref<2x8x2048xf32, #tpu.memory_space<vmem>> -> memref<1x8x2048xf32, #tpu.memory_space<vmem>>
        %dma_start3A_1292 = tpu.memref_squeeze %dma_start3A_1291 : memref<1x8x2048xf32, #tpu.memory_space<vmem>> -> memref<8x2048xf32, #tpu.memory_space<vmem>>
        %dma_start3A_1293 = tpu.memref_slice %arg2[%add3A_4, %mul3A_1279] : memref<1024x100000xf32, #tpu.memory_space<hbm>> -> memref<8x2048xf32, #tpu.memory_space<hbm>>
        tpu.enqueue_dma source(%dma_start3A_1293 : memref<8x2048xf32, #tpu.memory_space<hbm>>) target(%dma_start3A_1292 : memref<8x2048xf32, #tpu.memory_space<vmem>>) target_semaphore(%dma_start3A_1288 : memref<!tpu.dma_semaphore, #tpu.memory_space<semaphore_mem>>)
      } else {
      }
      %mul3A_1241 = arith.constant 2 : i32
      %mul3A_1242 = arith.muli %scan3A_1193, %mul3A_1241 : i32
      %add3A_1243 = arith.constant 1 : i32
      %add3A_1244 = arith.addi %mul3A_1242, %add3A_1243 : i32
      %dma_wait3A_1245 = arith.constant 1 : i32
      %dma_wait3A_1246 = arith.constant 1 : i32
      %dma_wait3A_1247 = arith.constant 0 : i32
      %dma_wait3A_1248 = arith.constant 0 : i32
      %dma_wait3A_1249 = tpu.memref_slice %arg5[%dma_wait3A_1245, %dma_wait3A_1247, %dma_wait3A_1248] : memref<2x8x2048xf32, #tpu.memory_space<vmem>> -> memref<1x8x2048xf32, #tpu.memory_space<vmem>>
      %dma_wait3A_1250 = tpu.memref_squeeze %dma_wait3A_1249 : memref<1x8x2048xf32, #tpu.memory_space<vmem>> -> memref<8x2048xf32, #tpu.memory_space<vmem>>
      %dma_wait3A_1251 = arith.constant 0 : i32
      %dma_wait3A_1252 = arith.constant 0 : i32
      %dma_wait3A_1253 = tpu.memref_slice %arg2[%dma_wait3A_1251, %dma_wait3A_1252] : memref<1024x100000xf32, #tpu.memory_space<hbm>> -> memref<8x2048xf32, #tpu.memory_space<hbm>>
      %dma_wait3A_1254 = tpu.memref_slice %arg8[%dma_wait3A_1246] : memref<2x!tpu.dma_semaphore, #tpu.memory_space<semaphore_mem>> -> memref<1x!tpu.dma_semaphore, #tpu.memory_space<semaphore_mem>>
      %dma_wait3A_1255 = tpu.memref_squeeze %dma_wait3A_1254 : memref<1x!tpu.dma_semaphore, #tpu.memory_space<semaphore_mem>> -> memref<!tpu.dma_semaphore, #tpu.memory_space<semaphore_mem>>
      %dma_wait3A_1256 = arith.constant 0 : i32
      %dma_wait3A_1257 = arith.constant 0 : i32
      %dma_wait3A_1258 = tpu.memref_slice %arg5[%dma_wait3A_1245, %dma_wait3A_1256, %dma_wait3A_1257] : memref<2x8x2048xf32, #tpu.memory_space<vmem>> -> memref<1x8x2048xf32, #tpu.memory_space<vmem>>
      %dma_wait3A_1259 = tpu.memref_squeeze %dma_wait3A_1258 : memref<1x8x2048xf32, #tpu.memory_space<vmem>> -> memref<8x2048xf32, #tpu.memory_space<vmem>>
      %dma_wait3A_1260 = arith.constant 0 : i32
      %dma_wait3A_1261 = arith.constant 0 : i32
      %dma_wait3A_1262 = tpu.memref_slice %arg2[%dma_wait3A_1260, %dma_wait3A_1261] : memref<1024x100000xf32, #tpu.memory_space<hbm>> -> memref<8x2048xf32, #tpu.memory_space<hbm>>
      tpu.wait_dma2 semaphore(%dma_wait3A_1255 : memref<!tpu.dma_semaphore, #tpu.memory_space<semaphore_mem>>) src(%dma_wait3A_1262 : memref<8x2048xf32, #tpu.memory_space<hbm>>) dst(%dma_wait3A_1259 : memref<8x2048xf32, #tpu.memory_space<vmem>>)
      %scan3A_1263 = arith.constant 0 : i32
      %scan3A_1264 = arith.constant 128 : i32
      %scan3A_1265 = arith.addi %scan3A_1263, %scan3A_1264 : i32
      %scan3A_1266 = arith.constant 1 : i32
      %scan3A_1267:16 = scf.for %scan3A_1276 = %scan3A_1263 to %scan3A_1265 step %scan3A_1266 iter_args(%scan3A_1277 = %scan3A_1235#0, %scan3A_1278 = %scan3A_1235#1, %scan3A_1279 = %scan3A_1235#2, %scan3A_1280 = %scan3A_1235#3, %scan3A_1281 = %scan3A_1235#4, %scan3A_1282 = %scan3A_1235#5, %scan3A_1283 = %scan3A_1235#6, %scan3A_1284 = %scan3A_1235#7, %scan3A_1285 = %scan3A_1235#8, %scan3A_1286 = %scan3A_1235#9, %scan3A_1287 = %scan3A_1235#10, %scan3A_1288 = %scan3A_1235#11, %scan3A_1289 = %scan3A_1235#12, %scan3A_1290 = %scan3A_1235#13, %scan3A_1291 = %scan3A_1235#14, %scan3A_1292 = %scan3A_1235#15) -> (vector<16xf32>, vector<16xf32>, vector<16xf32>, vector<16xf32>, vector<16xf32>, vector<16xf32>, vector<16xf32>, vector<16xf32>, vector<16xi32>, vector<16xi32>, vector<16xi32>, vector<16xi32>, vector<16xi32>, vector<16xi32>, vector<16xi32>, vector<16xi32>)  : i32 {
        %mul3A_1293 = arith.constant 2048 : i32
        %mul3A_1294 = arith.muli %add3A_1244, %mul3A_1293 : i32
        %mul3A_1295 = arith.constant 16 : i32
        %mul3A_1296 = arith.muli %scan3A_1276, %mul3A_1295 : i32
        %add3A_1297 = arith.addi %mul3A_1294, %mul3A_1296 : i32
        %add3A_1298 = vector.broadcast %add3A_1297 : i32 to vector<16xi32>
        %add3A_1299 = arith.addi %iota3A, %add3A_1298 : vector<16xi32>
        %mul3A_1300 = arith.constant 16 : i32
        %mul3A_1301 = arith.muli %scan3A_1276, %mul3A_1300 : i32
        %get3A_1302 = arith.constant 1 : i32
        %get3A_1303 = arith.constant 0 : i32
        %get3A_1304 = arith.index_cast %get3A_1302 : i32 to index
        %get3A_1305 = arith.index_cast %get3A_1303 : i32 to index
        %get3A_1306 = arith.index_cast %mul3A_1301 : i32 to index
        %get3A_1307 = tpu.vector_load %arg5[%get3A_1304, %get3A_1305, %get3A_1306] {strides = array<i32>} : memref<2x8x2048xf32, #tpu.memory_space<vmem>>, vector<16xf32>,
        %gt3A = arith.cmpf ogt, %get3A_1307, %scan3A_1277 : vector<16xf32>
        %select_n3A_1308 = arith.select %gt3A, %get3A_1307, %scan3A_1277 : vector<16xi1>, vector<16xf32>
        %select_n3A_1309 = arith.select %gt3A, %add3A_1299, %scan3A_1285 : vector<16xi1>, vector<16xi32>
        %mul3A_1310 = arith.constant 16 : i32
        %mul3A_1311 = arith.muli %scan3A_1276, %mul3A_1310 : i32
        %get3A_1312 = arith.constant 1 : i32
        %get3A_1313 = arith.constant 1 : i32
        %get3A_1314 = arith.index_cast %get3A_1312 : i32 to index
        %get3A_1315 = arith.index_cast %get3A_1313 : i32 to index
        %get3A_1316 = arith.index_cast %mul3A_1311 : i32 to index
        %get3A_1317 = tpu.vector_load %arg5[%get3A_1314, %get3A_1315, %get3A_1316] {strides = array<i32>} : memref<2x8x2048xf32, #tpu.memory_space<vmem>>, vector<16xf32>,
        %gt3A_1318 = arith.cmpf ogt, %get3A_1317, %scan3A_1278 : vector<16xf32>
        %select_n3A_1319 = arith.select %gt3A_1318, %get3A_1317, %scan3A_1278 : vector<16xi1>, vector<16xf32>
        %select_n3A_1320 = arith.select %gt3A_1318, %add3A_1299, %scan3A_1286 : vector<16xi1>, vector<16xi32>
        %mul3A_1321 = arith.constant 16 : i32
        %mul3A_1322 = arith.muli %scan3A_1276, %mul3A_1321 : i32
        %get3A_1323 = arith.constant 1 : i32
        %get3A_1324 = arith.constant 2 : i32
        %get3A_1325 = arith.index_cast %get3A_1323 : i32 to index
        %get3A_1326 = arith.index_cast %get3A_1324 : i32 to index
        %get3A_1327 = arith.index_cast %mul3A_1322 : i32 to index
        %get3A_1328 = tpu.vector_load %arg5[%get3A_1325, %get3A_1326, %get3A_1327] {strides = array<i32>} : memref<2x8x2048xf32, #tpu.memory_space<vmem>>, vector<16xf32>,
        %gt3A_1329 = arith.cmpf ogt, %get3A_1328, %scan3A_1279 : vector<16xf32>
        %select_n3A_1330 = arith.select %gt3A_1329, %get3A_1328, %scan3A_1279 : vector<16xi1>, vector<16xf32>
        %select_n3A_1331 = arith.select %gt3A_1329, %add3A_1299, %scan3A_1287 : vector<16xi1>, vector<16xi32>
        %mul3A_1332 = arith.constant 16 : i32
        %mul3A_1333 = arith.muli %scan3A_1276, %mul3A_1332 : i32
        %get3A_1334 = arith.constant 1 : i32
        %get3A_1335 = arith.constant 3 : i32
        %get3A_1336 = arith.index_cast %get3A_1334 : i32 to index
        %get3A_1337 = arith.index_cast %get3A_1335 : i32 to index
        %get3A_1338 = arith.index_cast %mul3A_1333 : i32 to index
        %get3A_1339 = tpu.vector_load %arg5[%get3A_1336, %get3A_1337, %get3A_1338] {strides = array<i32>} : memref<2x8x2048xf32, #tpu.memory_space<vmem>>, vector<16xf32>,
        %gt3A_1340 = arith.cmpf ogt, %get3A_1339, %scan3A_1280 : vector<16xf32>
        %select_n3A_1341 = arith.select %gt3A_1340, %get3A_1339, %scan3A_1280 : vector<16xi1>, vector<16xf32>
        %select_n3A_1342 = arith.select %gt3A_1340, %add3A_1299, %scan3A_1288 : vector<16xi1>, vector<16xi32>
        %mul3A_1343 = arith.constant 16 : i32
        %mul3A_1344 = arith.muli %scan3A_1276, %mul3A_1343 : i32
        %get3A_1345 = arith.constant 1 : i32
        %get3A_1346 = arith.constant 4 : i32
        %get3A_1347 = arith.index_cast %get3A_1345 : i32 to index
        %get3A_1348 = arith.index_cast %get3A_1346 : i32 to index
        %get3A_1349 = arith.index_cast %mul3A_1344 : i32 to index
        %get3A_1350 = tpu.vector_load %arg5[%get3A_1347, %get3A_1348, %get3A_1349] {strides = array<i32>} : memref<2x8x2048xf32, #tpu.memory_space<vmem>>, vector<16xf32>,
        %gt3A_1351 = arith.cmpf ogt, %get3A_1350, %scan3A_1281 : vector<16xf32>
        %select_n3A_1352 = arith.select %gt3A_1351, %get3A_1350, %scan3A_1281 : vector<16xi1>, vector<16xf32>
        %select_n3A_1353 = arith.select %gt3A_1351, %add3A_1299, %scan3A_1289 : vector<16xi1>, vector<16xi32>
        %mul3A_1354 = arith.constant 16 : i32
        %mul3A_1355 = arith.muli %scan3A_1276, %mul3A_1354 : i32
        %get3A_1356 = arith.constant 1 : i32
        %get3A_1357 = arith.constant 5 : i32
        %get3A_1358 = arith.index_cast %get3A_1356 : i32 to index
        %get3A_1359 = arith.index_cast %get3A_1357 : i32 to index
        %get3A_1360 = arith.index_cast %mul3A_1355 : i32 to index
        %get3A_1361 = tpu.vector_load %arg5[%get3A_1358, %get3A_1359, %get3A_1360] {strides = array<i32>} : memref<2x8x2048xf32, #tpu.memory_space<vmem>>, vector<16xf32>,
        %gt3A_1362 = arith.cmpf ogt, %get3A_1361, %scan3A_1282 : vector<16xf32>
        %select_n3A_1363 = arith.select %gt3A_1362, %get3A_1361, %scan3A_1282 : vector<16xi1>, vector<16xf32>
        %select_n3A_1364 = arith.select %gt3A_1362, %add3A_1299, %scan3A_1290 : vector<16xi1>, vector<16xi32>
        %mul3A_1365 = arith.constant 16 : i32
        %mul3A_1366 = arith.muli %scan3A_1276, %mul3A_1365 : i32
        %get3A_1367 = arith.constant 1 : i32
        %get3A_1368 = arith.constant 6 : i32
        %get3A_1369 = arith.index_cast %get3A_1367 : i32 to index
        %get3A_1370 = arith.index_cast %get3A_1368 : i32 to index
        %get3A_1371 = arith.index_cast %mul3A_1366 : i32 to index
        %get3A_1372 = tpu.vector_load %arg5[%get3A_1369, %get3A_1370, %get3A_1371] {strides = array<i32>} : memref<2x8x2048xf32, #tpu.memory_space<vmem>>, vector<16xf32>,
        %gt3A_1373 = arith.cmpf ogt, %get3A_1372, %scan3A_1283 : vector<16xf32>
        %select_n3A_1374 = arith.select %gt3A_1373, %get3A_1372, %scan3A_1283 : vector<16xi1>, vector<16xf32>
        %select_n3A_1375 = arith.select %gt3A_1373, %add3A_1299, %scan3A_1291 : vector<16xi1>, vector<16xi32>
        %mul3A_1376 = arith.constant 16 : i32
        %mul3A_1377 = arith.muli %scan3A_1276, %mul3A_1376 : i32
        %get3A_1378 = arith.constant 1 : i32
        %get3A_1379 = arith.constant 7 : i32
        %get3A_1380 = arith.index_cast %get3A_1378 : i32 to index
        %get3A_1381 = arith.index_cast %get3A_1379 : i32 to index
        %get3A_1382 = arith.index_cast %mul3A_1377 : i32 to index
        %get3A_1383 = tpu.vector_load %arg5[%get3A_1380, %get3A_1381, %get3A_1382] {strides = array<i32>} : memref<2x8x2048xf32, #tpu.memory_space<vmem>>, vector<16xf32>,
        %gt3A_1384 = arith.cmpf ogt, %get3A_1383, %scan3A_1284 : vector<16xf32>
        %select_n3A_1385 = arith.select %gt3A_1384, %get3A_1383, %scan3A_1284 : vector<16xi1>, vector<16xf32>
        %select_n3A_1386 = arith.select %gt3A_1384, %add3A_1299, %scan3A_1292 : vector<16xi1>, vector<16xi32>
        scf.yield %select_n3A_1308, %select_n3A_1319, %select_n3A_1330, %select_n3A_1341, %select_n3A_1352, %select_n3A_1363, %select_n3A_1374, %select_n3A_1385, %select_n3A_1309, %select_n3A_1320, %select_n3A_1331, %select_n3A_1342, %select_n3A_1353, %select_n3A_1364, %select_n3A_1375, %select_n3A_1386 : vector<16xf32>, vector<16xf32>, vector<16xf32>, vector<16xf32>, vector<16xf32>, vector<16xf32>, vector<16xf32>, vector<16xf32>, vector<16xi32>, vector<16xi32>, vector<16xi32>, vector<16xi32>, vector<16xi32>, vector<16xi32>, vector<16xi32>, vector<16xi32>
      }
      %scan3A_1268 = arith.constant 128 : i32
      %add3A_1269 = arith.constant 2 : i32
      %add3A_1270 = arith.addi %add3A_1244, %add3A_1269 : i32
      %lt3A_1271 = arith.constant 22 : i32
      %lt3A_1272 = arith.cmpi slt, %add3A_1270, %lt3A_1271 : i32
      %convert_element_type3A_1273 = arith.extui %lt3A_1272 : i1 to i32
      %cond3A_1274 = arith.constant 0 : i32
      %cond3A_1275 = arith.cmpi ne, %convert_element_type3A_1273, %cond3A_1274 : i32
      scf.if %cond3A_1275 {
        %add3A_1276 = arith.constant 2 : i32
        %add3A_1277 = arith.addi %add3A_1244, %add3A_1276 : i32
        %mul3A_1278 = arith.constant 2048 : i32
        %mul3A_1279 = arith.muli %add3A_1277, %mul3A_1278 : i32
        %dma_start3A_1280 = arith.constant 1 : i32
        %dma_start3A_1281 = arith.constant 1 : i32
        %dma_start3A_1282 = arith.constant 0 : i32
        %dma_start3A_1283 = arith.constant 0 : i32
        %dma_start3A_1284 = tpu.memref_slice %arg5[%dma_start3A_1280, %dma_start3A_1282, %dma_start3A_1283] : memref<2x8x2048xf32, #tpu.memory_space<vmem>> -> memref<1x8x2048xf32, #tpu.memory_space<vmem>>
        %dma_start3A_1285 = tpu.memref_squeeze %dma_start3A_1284 : memref<1x8x2048xf32, #tpu.memory_space<vmem>> -> memref<8x2048xf32, #tpu.memory_space<vmem>>
        %dma_start3A_1286 = tpu.memref_slice %arg2[%add3A_4, %mul3A_1279] : memref<1024x100000xf32, #tpu.memory_space<hbm>> -> memref<8x2048xf32, #tpu.memory_space<hbm>>
        %dma_start3A_1287 = tpu.memref_slice %arg8[%dma_start3A_1281] : memref<2x!tpu.dma_semaphore, #tpu.memory_space<semaphore_mem>> -> memref<1x!tpu.dma_semaphore, #tpu.memory_space<semaphore_mem>>
        %dma_start3A_1288 = tpu.memref_squeeze %dma_start3A_1287 : memref<1x!tpu.dma_semaphore, #tpu.memory_space<semaphore_mem>> -> memref<!tpu.dma_semaphore, #tpu.memory_space<semaphore_mem>>
        %dma_start3A_1289 = arith.constant 0 : i32
        %dma_start3A_1290 = arith.constant 0 : i32
        %dma_start3A_1291 = tpu.memref_slice %arg5[%dma_start3A_1280, %dma_start3A_1289, %dma_start3A_1290] : memref<2x8x2048xf32, #tpu.memory_space<vmem>> -> memref<1x8x2048xf32, #tpu.memory_space<vmem>>
        %dma_start3A_1292 = tpu.memref_squeeze %dma_start3A_1291 : memref<1x8x2048xf32, #tpu.memory_space<vmem>> -> memref<8x2048xf32, #tpu.memory_space<vmem>>
        %dma_start3A_1293 = tpu.memref_slice %arg2[%add3A_4, %mul3A_1279] : memref<1024x100000xf32, #tpu.memory_space<hbm>> -> memref<8x2048xf32, #tpu.memory_space<hbm>>
        tpu.enqueue_dma source(%dma_start3A_1293 : memref<8x2048xf32, #tpu.memory_space<hbm>>) target(%dma_start3A_1292 : memref<8x2048xf32, #tpu.memory_space<vmem>>) target_semaphore(%dma_start3A_1288 : memref<!tpu.dma_semaphore, #tpu.memory_space<semaphore_mem>>)
      } else {
      }
      scf.yield %scan3A_1267#0, %scan3A_1267#1, %scan3A_1267#2, %scan3A_1267#3, %scan3A_1267#4, %scan3A_1267#5, %scan3A_1267#6, %scan3A_1267#7, %scan3A_1267#8, %scan3A_1267#9, %scan3A_1267#10, %scan3A_1267#11, %scan3A_1267#12, %scan3A_1267#13, %scan3A_1267#14, %scan3A_1267#15 : vector<16xf32>, vector<16xf32>, vector<16xf32>, vector<16xf32>, vector<16xf32>, vector<16xf32>, vector<16xf32>, vector<16xf32>, vector<16xi32>, vector<16xi32>, vector<16xi32>, vector<16xi32>, vector<16xi32>, vector<16xi32>, vector<16xi32>, vector<16xi32>
    }
    %scan3A_43 = arith.constant 11 : i32
    %reduce_max3A = arith.constant true
    %reduce_max3A_44 = vector.broadcast %reduce_max3A : i1 to vector<16xi1>
    %reduce_max3A_45 = tpu.scan <max>, %scan3A_42#0 masked %reduce_max3A_44 : vector<16xf32>, vector<16xi1> -> vector<16xf32>
    %reduce_max3A_46 = vector.extract %reduce_max3A_45[15] : f32 from vector<16xf32>
    %eq3A = vector.broadcast %reduce_max3A_46 : f32 to vector<16xf32>
    %eq3A_47 = arith.cmpf oeq, %scan3A_42#0, %eq3A : vector<16xf32>
    %jit3A = arith.constant 1000000000 : i32
    %broadcast_in_dim3A_48 = vector.broadcast %jit3A : i32 to vector<16xi32>
    %select_n3A = arith.select %eq3A_47, %scan3A_42#8, %broadcast_in_dim3A_48 : vector<16xi1>, vector<16xi32>
    %reduce_min3A = arith.constant true
    %reduce_min3A_49 = vector.broadcast %reduce_min3A : i1 to vector<16xi1>
    %reduce_min3A_50 = arith.constant -2147483648 : i32
    %reduce_min3A_51 = vector.broadcast %reduce_min3A_50 : i32 to vector<16xi32>
    %reduce_min3A_52 = arith.xori %select_n3A, %reduce_min3A_51 : vector<16xi32>
    %reduce_min3A_53 = tpu.scan <min>, %reduce_min3A_52 masked %reduce_min3A_49 : vector<16xi32>, vector<16xi1> -> vector<16xi32>
    %reduce_min3A_54 = arith.xori %reduce_min3A_53, %reduce_min3A_51 : vector<16xi32>
    %reduce_min3A_55 = vector.extract %reduce_min3A_54[15] : i32 from vector<16xi32>
    %eq3A_56 = arith.constant 0 : i32
    %eq3A_57 = vector.broadcast %eq3A_56 : i32 to vector<16xi32>
    %eq3A_58 = arith.cmpi eq, %iota3A, %eq3A_57 : vector<16xi32>
    %get3A = arith.constant 0 : index
    %get3A_59 = tpu.vector_load %arg6[%get3A] {strides = array<i32>} : memref<32xf32, #tpu.memory_space<vmem>>, vector<16xf32>,
    %get3A_60 = arith.constant 0 : index
    %get3A_61 = tpu.vector_load %arg7[%get3A_60] {strides = array<i32>} : memref<32xi32, #tpu.memory_space<vmem>>, vector<16xi32>,
    %broadcast_in_dim3A_62 = vector.broadcast %reduce_max3A_46 : f32 to vector<16xf32>
    %select_n3A_63 = arith.select %eq3A_58, %broadcast_in_dim3A_62, %get3A_59 : vector<16xi1>, vector<16xf32>
    %swap3A = arith.constant 0 : index
    %swap3A_64 = tpu.vector_load %arg6[%swap3A] {strides = array<i32>} : memref<32xf32, #tpu.memory_space<vmem>>, vector<16xf32>,
    tpu.vector_store %arg6[%swap3A], %select_n3A_63 {strides = array<i32>} : memref<32xf32, #tpu.memory_space<vmem>>, vector<16xf32>,
    %broadcast_in_dim3A_65 = vector.broadcast %reduce_min3A_55 : i32 to vector<16xi32>
    %select_n3A_66 = arith.select %eq3A_58, %broadcast_in_dim3A_65, %get3A_61 : vector<16xi1>, vector<16xi32>
    %swap3A_67 = arith.constant 0 : index
    %swap3A_68 = tpu.vector_load %arg7[%swap3A_67] {strides = array<i32>} : memref<32xi32, #tpu.memory_space<vmem>>, vector<16xi32>,
    tpu.vector_store %arg7[%swap3A_67], %select_n3A_66 {strides = array<i32>} : memref<32xi32, #tpu.memory_space<vmem>>, vector<16xi32>,
    %reduce_max3A_69 = arith.constant true
    %reduce_max3A_70 = vector.broadcast %reduce_max3A_69 : i1 to vector<16xi1>
    %reduce_max3A_71 = tpu.scan <max>, %scan3A_42#1 masked %reduce_max3A_70 : vector<16xf32>, vector<16xi1> -> vector<16xf32>
    %reduce_max3A_72 = vector.extract %reduce_max3A_71[15] : f32 from vector<16xf32>
    %eq3A_73 = vector.broadcast %reduce_max3A_72 : f32 to vector<16xf32>
    %eq3A_74 = arith.cmpf oeq, %scan3A_42#1, %eq3A_73 : vector<16xf32>
    %jit3A_75 = arith.constant 1000000000 : i32
    %broadcast_in_dim3A_76 = vector.broadcast %jit3A_75 : i32 to vector<16xi32>
    %select_n3A_77 = arith.select %eq3A_74, %scan3A_42#9, %broadcast_in_dim3A_76 : vector<16xi1>, vector<16xi32>
    %reduce_min3A_78 = arith.constant true
    %reduce_min3A_79 = vector.broadcast %reduce_min3A_78 : i1 to vector<16xi1>
    %reduce_min3A_80 = arith.constant -2147483648 : i32
    %reduce_min3A_81 = vector.broadcast %reduce_min3A_80 : i32 to vector<16xi32>
    %reduce_min3A_82 = arith.xori %select_n3A_77, %reduce_min3A_81 : vector<16xi32>
    %reduce_min3A_83 = tpu.scan <min>, %reduce_min3A_82 masked %reduce_min3A_79 : vector<16xi32>, vector<16xi1> -> vector<16xi32>
    %reduce_min3A_84 = arith.xori %reduce_min3A_83, %reduce_min3A_81 : vector<16xi32>
    %reduce_min3A_85 = vector.extract %reduce_min3A_84[15] : i32 from vector<16xi32>
    %eq3A_86 = arith.constant 1 : i32
    %eq3A_87 = vector.broadcast %eq3A_86 : i32 to vector<16xi32>
    %eq3A_88 = arith.cmpi eq, %iota3A, %eq3A_87 : vector<16xi32>
    %get3A_89 = arith.constant 0 : index
    %get3A_90 = tpu.vector_load %arg6[%get3A_89] {strides = array<i32>} : memref<32xf32, #tpu.memory_space<vmem>>, vector<16xf32>,
    %get3A_91 = arith.constant 0 : index
    %get3A_92 = tpu.vector_load %arg7[%get3A_91] {strides = array<i32>} : memref<32xi32, #tpu.memory_space<vmem>>, vector<16xi32>,
    %broadcast_in_dim3A_93 = vector.broadcast %reduce_max3A_72 : f32 to vector<16xf32>
    %select_n3A_94 = arith.select %eq3A_88, %broadcast_in_dim3A_93, %get3A_90 : vector<16xi1>, vector<16xf32>
    %swap3A_95 = arith.constant 0 : index
    %swap3A_96 = tpu.vector_load %arg6[%swap3A_95] {strides = array<i32>} : memref<32xf32, #tpu.memory_space<vmem>>, vector<16xf32>,
    tpu.vector_store %arg6[%swap3A_95], %select_n3A_94 {strides = array<i32>} : memref<32xf32, #tpu.memory_space<vmem>>, vector<16xf32>,
    %broadcast_in_dim3A_97 = vector.broadcast %reduce_min3A_85 : i32 to vector<16xi32>
    %select_n3A_98 = arith.select %eq3A_88, %broadcast_in_dim3A_97, %get3A_92 : vector<16xi1>, vector<16xi32>
    %swap3A_99 = arith.constant 0 : index
    %swap3A_100 = tpu.vector_load %arg7[%swap3A_99] {strides = array<i32>} : memref<32xi32, #tpu.memory_space<vmem>>, vector<16xi32>,
    tpu.vector_store %arg7[%swap3A_99], %select_n3A_98 {strides = array<i32>} : memref<32xi32, #tpu.memory_space<vmem>>, vector<16xi32>,
    %reduce_max3A_101 = arith.constant true
    %reduce_max3A_102 = vector.broadcast %reduce_max3A_101 : i1 to vector<16xi1>
    %reduce_max3A_103 = tpu.scan <max>, %scan3A_42#2 masked %reduce_max3A_102 : vector<16xf32>, vector<16xi1> -> vector<16xf32>
    %reduce_max3A_104 = vector.extract %reduce_max3A_103[15] : f32 from vector<16xf32>
    %eq3A_105 = vector.broadcast %reduce_max3A_104 : f32 to vector<16xf32>
    %eq3A_106 = arith.cmpf oeq, %scan3A_42#2, %eq3A_105 : vector<16xf32>
    %jit3A_107 = arith.constant 1000000000 : i32
    %broadcast_in_dim3A_108 = vector.broadcast %jit3A_107 : i32 to vector<16xi32>
    %select_n3A_109 = arith.select %eq3A_106, %scan3A_42#10, %broadcast_in_dim3A_108 : vector<16xi1>, vector<16xi32>
    %reduce_min3A_110 = arith.constant true
    %reduce_min3A_111 = vector.broadcast %reduce_min3A_110 : i1 to vector<16xi1>
    %reduce_min3A_112 = arith.constant -2147483648 : i32
    %reduce_min3A_113 = vector.broadcast %reduce_min3A_112 : i32 to vector<16xi32>
    %reduce_min3A_114 = arith.xori %select_n3A_109, %reduce_min3A_113 : vector<16xi32>
    %reduce_min3A_115 = tpu.scan <min>, %reduce_min3A_114 masked %reduce_min3A_111 : vector<16xi32>, vector<16xi1> -> vector<16xi32>
    %reduce_min3A_116 = arith.xori %reduce_min3A_115, %reduce_min3A_113 : vector<16xi32>
    %reduce_min3A_117 = vector.extract %reduce_min3A_116[15] : i32 from vector<16xi32>
    %eq3A_118 = arith.constant 2 : i32
    %eq3A_119 = vector.broadcast %eq3A_118 : i32 to vector<16xi32>
    %eq3A_120 = arith.cmpi eq, %iota3A, %eq3A_119 : vector<16xi32>
    %get3A_121 = arith.constant 0 : index
    %get3A_122 = tpu.vector_load %arg6[%get3A_121] {strides = array<i32>} : memref<32xf32, #tpu.memory_space<vmem>>, vector<16xf32>,
    %get3A_123 = arith.constant 0 : index
    %get3A_124 = tpu.vector_load %arg7[%get3A_123] {strides = array<i32>} : memref<32xi32, #tpu.memory_space<vmem>>, vector<16xi32>,
    %broadcast_in_dim3A_125 = vector.broadcast %reduce_max3A_104 : f32 to vector<16xf32>
    %select_n3A_126 = arith.select %eq3A_120, %broadcast_in_dim3A_125, %get3A_122 : vector<16xi1>, vector<16xf32>
    %swap3A_127 = arith.constant 0 : index
    %swap3A_128 = tpu.vector_load %arg6[%swap3A_127] {strides = array<i32>} : memref<32xf32, #tpu.memory_space<vmem>>, vector<16xf32>,
    tpu.vector_store %arg6[%swap3A_127], %select_n3A_126 {strides = array<i32>} : memref<32xf32, #tpu.memory_space<vmem>>, vector<16xf32>,
    %broadcast_in_dim3A_129 = vector.broadcast %reduce_min3A_117 : i32 to vector<16xi32>
    %select_n3A_130 = arith.select %eq3A_120, %broadcast_in_dim3A_129, %get3A_124 : vector<16xi1>, vector<16xi32>
    %swap3A_131 = arith.constant 0 : index
    %swap3A_132 = tpu.vector_load %arg7[%swap3A_131] {strides = array<i32>} : memref<32xi32, #tpu.memory_space<vmem>>, vector<16xi32>,
    tpu.vector_store %arg7[%swap3A_131], %select_n3A_130 {strides = array<i32>} : memref<32xi32, #tpu.memory_space<vmem>>, vector<16xi32>,
    %reduce_max3A_133 = arith.constant true
    %reduce_max3A_134 = vector.broadcast %reduce_max3A_133 : i1 to vector<16xi1>
    %reduce_max3A_135 = tpu.scan <max>, %scan3A_42#3 masked %reduce_max3A_134 : vector<16xf32>, vector<16xi1> -> vector<16xf32>
    %reduce_max3A_136 = vector.extract %reduce_max3A_135[15] : f32 from vector<16xf32>
    %eq3A_137 = vector.broadcast %reduce_max3A_136 : f32 to vector<16xf32>
    %eq3A_138 = arith.cmpf oeq, %scan3A_42#3, %eq3A_137 : vector<16xf32>
    %jit3A_139 = arith.constant 1000000000 : i32
    %broadcast_in_dim3A_140 = vector.broadcast %jit3A_139 : i32 to vector<16xi32>
    %select_n3A_141 = arith.select %eq3A_138, %scan3A_42#11, %broadcast_in_dim3A_140 : vector<16xi1>, vector<16xi32>
    %reduce_min3A_142 = arith.constant true
    %reduce_min3A_143 = vector.broadcast %reduce_min3A_142 : i1 to vector<16xi1>
    %reduce_min3A_144 = arith.constant -2147483648 : i32
    %reduce_min3A_145 = vector.broadcast %reduce_min3A_144 : i32 to vector<16xi32>
    %reduce_min3A_146 = arith.xori %select_n3A_141, %reduce_min3A_145 : vector<16xi32>
    %reduce_min3A_147 = tpu.scan <min>, %reduce_min3A_146 masked %reduce_min3A_143 : vector<16xi32>, vector<16xi1> -> vector<16xi32>
    %reduce_min3A_148 = arith.xori %reduce_min3A_147, %reduce_min3A_145 : vector<16xi32>
    %reduce_min3A_149 = vector.extract %reduce_min3A_148[15] : i32 from vector<16xi32>
    %eq3A_150 = arith.constant 3 : i32
    %eq3A_151 = vector.broadcast %eq3A_150 : i32 to vector<16xi32>
    %eq3A_152 = arith.cmpi eq, %iota3A, %eq3A_151 : vector<16xi32>
    %get3A_153 = arith.constant 0 : index
    %get3A_154 = tpu.vector_load %arg6[%get3A_153] {strides = array<i32>} : memref<32xf32, #tpu.memory_space<vmem>>, vector<16xf32>,
    %get3A_155 = arith.constant 0 : index
    %get3A_156 = tpu.vector_load %arg7[%get3A_155] {strides = array<i32>} : memref<32xi32, #tpu.memory_space<vmem>>, vector<16xi32>,
    %broadcast_in_dim3A_157 = vector.broadcast %reduce_max3A_136 : f32 to vector<16xf32>
    %select_n3A_158 = arith.select %eq3A_152, %broadcast_in_dim3A_157, %get3A_154 : vector<16xi1>, vector<16xf32>
    %swap3A_159 = arith.constant 0 : index
    %swap3A_160 = tpu.vector_load %arg6[%swap3A_159] {strides = array<i32>} : memref<32xf32, #tpu.memory_space<vmem>>, vector<16xf32>,
    tpu.vector_store %arg6[%swap3A_159], %select_n3A_158 {strides = array<i32>} : memref<32xf32, #tpu.memory_space<vmem>>, vector<16xf32>,
    %broadcast_in_dim3A_161 = vector.broadcast %reduce_min3A_149 : i32 to vector<16xi32>
    %select_n3A_162 = arith.select %eq3A_152, %broadcast_in_dim3A_161, %get3A_156 : vector<16xi1>, vector<16xi32>
    %swap3A_163 = arith.constant 0 : index
    %swap3A_164 = tpu.vector_load %arg7[%swap3A_163] {strides = array<i32>} : memref<32xi32, #tpu.memory_space<vmem>>, vector<16xi32>,
    tpu.vector_store %arg7[%swap3A_163], %select_n3A_162 {strides = array<i32>} : memref<32xi32, #tpu.memory_space<vmem>>, vector<16xi32>,
    %reduce_max3A_165 = arith.constant true
    %reduce_max3A_166 = vector.broadcast %reduce_max3A_165 : i1 to vector<16xi1>
    %reduce_max3A_167 = tpu.scan <max>, %scan3A_42#4 masked %reduce_max3A_166 : vector<16xf32>, vector<16xi1> -> vector<16xf32>
    %reduce_max3A_168 = vector.extract %reduce_max3A_167[15] : f32 from vector<16xf32>
    %eq3A_169 = vector.broadcast %reduce_max3A_168 : f32 to vector<16xf32>
    %eq3A_170 = arith.cmpf oeq, %scan3A_42#4, %eq3A_169 : vector<16xf32>
    %jit3A_171 = arith.constant 1000000000 : i32
    %broadcast_in_dim3A_172 = vector.broadcast %jit3A_171 : i32 to vector<16xi32>
    %select_n3A_173 = arith.select %eq3A_170, %scan3A_42#12, %broadcast_in_dim3A_172 : vector<16xi1>, vector<16xi32>
    %reduce_min3A_174 = arith.constant true
    %reduce_min3A_175 = vector.broadcast %reduce_min3A_174 : i1 to vector<16xi1>
    %reduce_min3A_176 = arith.constant -2147483648 : i32
    %reduce_min3A_177 = vector.broadcast %reduce_min3A_176 : i32 to vector<16xi32>
    %reduce_min3A_178 = arith.xori %select_n3A_173, %reduce_min3A_177 : vector<16xi32>
    %reduce_min3A_179 = tpu.scan <min>, %reduce_min3A_178 masked %reduce_min3A_175 : vector<16xi32>, vector<16xi1> -> vector<16xi32>
    %reduce_min3A_180 = arith.xori %reduce_min3A_179, %reduce_min3A_177 : vector<16xi32>
    %reduce_min3A_181 = vector.extract %reduce_min3A_180[15] : i32 from vector<16xi32>
    %eq3A_182 = arith.constant 4 : i32
    %eq3A_183 = vector.broadcast %eq3A_182 : i32 to vector<16xi32>
    %eq3A_184 = arith.cmpi eq, %iota3A, %eq3A_183 : vector<16xi32>
    %get3A_185 = arith.constant 0 : index
    %get3A_186 = tpu.vector_load %arg6[%get3A_185] {strides = array<i32>} : memref<32xf32, #tpu.memory_space<vmem>>, vector<16xf32>,
    %get3A_187 = arith.constant 0 : index
    %get3A_188 = tpu.vector_load %arg7[%get3A_187] {strides = array<i32>} : memref<32xi32, #tpu.memory_space<vmem>>, vector<16xi32>,
    %broadcast_in_dim3A_189 = vector.broadcast %reduce_max3A_168 : f32 to vector<16xf32>
    %select_n3A_190 = arith.select %eq3A_184, %broadcast_in_dim3A_189, %get3A_186 : vector<16xi1>, vector<16xf32>
    %swap3A_191 = arith.constant 0 : index
    %swap3A_192 = tpu.vector_load %arg6[%swap3A_191] {strides = array<i32>} : memref<32xf32, #tpu.memory_space<vmem>>, vector<16xf32>,
    tpu.vector_store %arg6[%swap3A_191], %select_n3A_190 {strides = array<i32>} : memref<32xf32, #tpu.memory_space<vmem>>, vector<16xf32>,
    %broadcast_in_dim3A_193 = vector.broadcast %reduce_min3A_181 : i32 to vector<16xi32>
    %select_n3A_194 = arith.select %eq3A_184, %broadcast_in_dim3A_193, %get3A_188 : vector<16xi1>, vector<16xi32>
    %swap3A_195 = arith.constant 0 : index
    %swap3A_196 = tpu.vector_load %arg7[%swap3A_195] {strides = array<i32>} : memref<32xi32, #tpu.memory_space<vmem>>, vector<16xi32>,
    tpu.vector_store %arg7[%swap3A_195], %select_n3A_194 {strides = array<i32>} : memref<32xi32, #tpu.memory_space<vmem>>, vector<16xi32>,
    %reduce_max3A_197 = arith.constant true
    %reduce_max3A_198 = vector.broadcast %reduce_max3A_197 : i1 to vector<16xi1>
    %reduce_max3A_199 = tpu.scan <max>, %scan3A_42#5 masked %reduce_max3A_198 : vector<16xf32>, vector<16xi1> -> vector<16xf32>
    %reduce_max3A_200 = vector.extract %reduce_max3A_199[15] : f32 from vector<16xf32>
    %eq3A_201 = vector.broadcast %reduce_max3A_200 : f32 to vector<16xf32>
    %eq3A_202 = arith.cmpf oeq, %scan3A_42#5, %eq3A_201 : vector<16xf32>
    %jit3A_203 = arith.constant 1000000000 : i32
    %broadcast_in_dim3A_204 = vector.broadcast %jit3A_203 : i32 to vector<16xi32>
    %select_n3A_205 = arith.select %eq3A_202, %scan3A_42#13, %broadcast_in_dim3A_204 : vector<16xi1>, vector<16xi32>
    %reduce_min3A_206 = arith.constant true
    %reduce_min3A_207 = vector.broadcast %reduce_min3A_206 : i1 to vector<16xi1>
    %reduce_min3A_208 = arith.constant -2147483648 : i32
    %reduce_min3A_209 = vector.broadcast %reduce_min3A_208 : i32 to vector<16xi32>
    %reduce_min3A_210 = arith.xori %select_n3A_205, %reduce_min3A_209 : vector<16xi32>
    %reduce_min3A_211 = tpu.scan <min>, %reduce_min3A_210 masked %reduce_min3A_207 : vector<16xi32>, vector<16xi1> -> vector<16xi32>
    %reduce_min3A_212 = arith.xori %reduce_min3A_211, %reduce_min3A_209 : vector<16xi32>
    %reduce_min3A_213 = vector.extract %reduce_min3A_212[15] : i32 from vector<16xi32>
    %eq3A_214 = arith.constant 5 : i32
    %eq3A_215 = vector.broadcast %eq3A_214 : i32 to vector<16xi32>
    %eq3A_216 = arith.cmpi eq, %iota3A, %eq3A_215 : vector<16xi32>
    %get3A_217 = arith.constant 0 : index
    %get3A_218 = tpu.vector_load %arg6[%get3A_217] {strides = array<i32>} : memref<32xf32, #tpu.memory_space<vmem>>, vector<16xf32>,
    %get3A_219 = arith.constant 0 : index
    %get3A_220 = tpu.vector_load %arg7[%get3A_219] {strides = array<i32>} : memref<32xi32, #tpu.memory_space<vmem>>, vector<16xi32>,
    %broadcast_in_dim3A_221 = vector.broadcast %reduce_max3A_200 : f32 to vector<16xf32>
    %select_n3A_222 = arith.select %eq3A_216, %broadcast_in_dim3A_221, %get3A_218 : vector<16xi1>, vector<16xf32>
    %swap3A_223 = arith.constant 0 : index
    %swap3A_224 = tpu.vector_load %arg6[%swap3A_223] {strides = array<i32>} : memref<32xf32, #tpu.memory_space<vmem>>, vector<16xf32>,
    tpu.vector_store %arg6[%swap3A_223], %select_n3A_222 {strides = array<i32>} : memref<32xf32, #tpu.memory_space<vmem>>, vector<16xf32>,
    %broadcast_in_dim3A_225 = vector.broadcast %reduce_min3A_213 : i32 to vector<16xi32>
    %select_n3A_226 = arith.select %eq3A_216, %broadcast_in_dim3A_225, %get3A_220 : vector<16xi1>, vector<16xi32>
    %swap3A_227 = arith.constant 0 : index
    %swap3A_228 = tpu.vector_load %arg7[%swap3A_227] {strides = array<i32>} : memref<32xi32, #tpu.memory_space<vmem>>, vector<16xi32>,
    tpu.vector_store %arg7[%swap3A_227], %select_n3A_226 {strides = array<i32>} : memref<32xi32, #tpu.memory_space<vmem>>, vector<16xi32>,
    %reduce_max3A_229 = arith.constant true
    %reduce_max3A_230 = vector.broadcast %reduce_max3A_229 : i1 to vector<16xi1>
    %reduce_max3A_231 = tpu.scan <max>, %scan3A_42#6 masked %reduce_max3A_230 : vector<16xf32>, vector<16xi1> -> vector<16xf32>
    %reduce_max3A_232 = vector.extract %reduce_max3A_231[15] : f32 from vector<16xf32>
    %eq3A_233 = vector.broadcast %reduce_max3A_232 : f32 to vector<16xf32>
    %eq3A_234 = arith.cmpf oeq, %scan3A_42#6, %eq3A_233 : vector<16xf32>
    %jit3A_235 = arith.constant 1000000000 : i32
    %broadcast_in_dim3A_236 = vector.broadcast %jit3A_235 : i32 to vector<16xi32>
    %select_n3A_237 = arith.select %eq3A_234, %scan3A_42#14, %broadcast_in_dim3A_236 : vector<16xi1>, vector<16xi32>
    %reduce_min3A_238 = arith.constant true
    %reduce_min3A_239 = vector.broadcast %reduce_min3A_238 : i1 to vector<16xi1>
    %reduce_min3A_240 = arith.constant -2147483648 : i32
    %reduce_min3A_241 = vector.broadcast %reduce_min3A_240 : i32 to vector<16xi32>
    %reduce_min3A_242 = arith.xori %select_n3A_237, %reduce_min3A_241 : vector<16xi32>
    %reduce_min3A_243 = tpu.scan <min>, %reduce_min3A_242 masked %reduce_min3A_239 : vector<16xi32>, vector<16xi1> -> vector<16xi32>
    %reduce_min3A_244 = arith.xori %reduce_min3A_243, %reduce_min3A_241 : vector<16xi32>
    %reduce_min3A_245 = vector.extract %reduce_min3A_244[15] : i32 from vector<16xi32>
    %eq3A_246 = arith.constant 6 : i32
    %eq3A_247 = vector.broadcast %eq3A_246 : i32 to vector<16xi32>
    %eq3A_248 = arith.cmpi eq, %iota3A, %eq3A_247 : vector<16xi32>
    %get3A_249 = arith.constant 0 : index
    %get3A_250 = tpu.vector_load %arg6[%get3A_249] {strides = array<i32>} : memref<32xf32, #tpu.memory_space<vmem>>, vector<16xf32>,
    %get3A_251 = arith.constant 0 : index
    %get3A_252 = tpu.vector_load %arg7[%get3A_251] {strides = array<i32>} : memref<32xi32, #tpu.memory_space<vmem>>, vector<16xi32>,
    %broadcast_in_dim3A_253 = vector.broadcast %reduce_max3A_232 : f32 to vector<16xf32>
    %select_n3A_254 = arith.select %eq3A_248, %broadcast_in_dim3A_253, %get3A_250 : vector<16xi1>, vector<16xf32>
    %swap3A_255 = arith.constant 0 : index
    %swap3A_256 = tpu.vector_load %arg6[%swap3A_255] {strides = array<i32>} : memref<32xf32, #tpu.memory_space<vmem>>, vector<16xf32>,
    tpu.vector_store %arg6[%swap3A_255], %select_n3A_254 {strides = array<i32>} : memref<32xf32, #tpu.memory_space<vmem>>, vector<16xf32>,
    %broadcast_in_dim3A_257 = vector.broadcast %reduce_min3A_245 : i32 to vector<16xi32>
    %select_n3A_258 = arith.select %eq3A_248, %broadcast_in_dim3A_257, %get3A_252 : vector<16xi1>, vector<16xi32>
    %swap3A_259 = arith.constant 0 : index
    %swap3A_260 = tpu.vector_load %arg7[%swap3A_259] {strides = array<i32>} : memref<32xi32, #tpu.memory_space<vmem>>, vector<16xi32>,
    tpu.vector_store %arg7[%swap3A_259], %select_n3A_258 {strides = array<i32>} : memref<32xi32, #tpu.memory_space<vmem>>, vector<16xi32>,
    %reduce_max3A_261 = arith.constant true
    %reduce_max3A_262 = vector.broadcast %reduce_max3A_261 : i1 to vector<16xi1>
    %reduce_max3A_263 = tpu.scan <max>, %scan3A_42#7 masked %reduce_max3A_262 : vector<16xf32>, vector<16xi1> -> vector<16xf32>
    %reduce_max3A_264 = vector.extract %reduce_max3A_263[15] : f32 from vector<16xf32>
    %eq3A_265 = vector.broadcast %reduce_max3A_264 : f32 to vector<16xf32>
    %eq3A_266 = arith.cmpf oeq, %scan3A_42#7, %eq3A_265 : vector<16xf32>
    %jit3A_267 = arith.constant 1000000000 : i32
    %broadcast_in_dim3A_268 = vector.broadcast %jit3A_267 : i32 to vector<16xi32>
    %select_n3A_269 = arith.select %eq3A_266, %scan3A_42#15, %broadcast_in_dim3A_268 : vector<16xi1>, vector<16xi32>
    %reduce_min3A_270 = arith.constant true
    %reduce_min3A_271 = vector.broadcast %reduce_min3A_270 : i1 to vector<16xi1>
    %reduce_min3A_272 = arith.constant -2147483648 : i32
    %reduce_min3A_273 = vector.broadcast %reduce_min3A_272 : i32 to vector<16xi32>
    %reduce_min3A_274 = arith.xori %select_n3A_269, %reduce_min3A_273 : vector<16xi32>
    %reduce_min3A_275 = tpu.scan <min>, %reduce_min3A_274 masked %reduce_min3A_271 : vector<16xi32>, vector<16xi1> -> vector<16xi32>
    %reduce_min3A_276 = arith.xori %reduce_min3A_275, %reduce_min3A_273 : vector<16xi32>
    %reduce_min3A_277 = vector.extract %reduce_min3A_276[15] : i32 from vector<16xi32>
    %eq3A_278 = arith.constant 7 : i32
    %eq3A_279 = vector.broadcast %eq3A_278 : i32 to vector<16xi32>
    %eq3A_280 = arith.cmpi eq, %iota3A, %eq3A_279 : vector<16xi32>
    %get3A_281 = arith.constant 0 : index
    %get3A_282 = tpu.vector_load %arg6[%get3A_281] {strides = array<i32>} : memref<32xf32, #tpu.memory_space<vmem>>, vector<16xf32>,
    %get3A_283 = arith.constant 0 : index
    %get3A_284 = tpu.vector_load %arg7[%get3A_283] {strides = array<i32>} : memref<32xi32, #tpu.memory_space<vmem>>, vector<16xi32>,
    %broadcast_in_dim3A_285 = vector.broadcast %reduce_max3A_264 : f32 to vector<16xf32>
    %select_n3A_286 = arith.select %eq3A_280, %broadcast_in_dim3A_285, %get3A_282 : vector<16xi1>, vector<16xf32>
    %swap3A_287 = arith.constant 0 : index
    %swap3A_288 = tpu.vector_load %arg6[%swap3A_287] {strides = array<i32>} : memref<32xf32, #tpu.memory_space<vmem>>, vector<16xf32>,
    tpu.vector_store %arg6[%swap3A_287], %select_n3A_286 {strides = array<i32>} : memref<32xf32, #tpu.memory_space<vmem>>, vector<16xf32>,
    %broadcast_in_dim3A_289 = vector.broadcast %reduce_min3A_277 : i32 to vector<16xi32>
    %select_n3A_290 = arith.select %eq3A_280, %broadcast_in_dim3A_289, %get3A_284 : vector<16xi1>, vector<16xi32>
    %swap3A_291 = arith.constant 0 : index
    %swap3A_292 = tpu.vector_load %arg7[%swap3A_291] {strides = array<i32>} : memref<32xi32, #tpu.memory_space<vmem>>, vector<16xi32>,
    tpu.vector_store %arg7[%swap3A_291], %select_n3A_290 {strides = array<i32>} : memref<32xi32, #tpu.memory_space<vmem>>, vector<16xi32>,
    %add3A_293 = arith.constant 8 : i32
    %add3A_294 = arith.addi %mul3A_2, %add3A_293 : i32
    %dma_start3A_295 = arith.constant 0 : i32
    %dma_start3A_296 = arith.constant 0 : i32
    %dma_start3A_297 = arith.constant 0 : i32
    %dma_start3A_298 = arith.constant 0 : i32
    %dma_start3A_299 = tpu.memref_slice %arg5[%dma_start3A_295, %dma_start3A_297, %dma_start3A_298] : memref<2x8x2048xf32, #tpu.memory_space<vmem>> -> memref<1x8x2048xf32, #tpu.memory_space<vmem>>
    %dma_start3A_300 = tpu.memref_squeeze %dma_start3A_299 : memref<1x8x2048xf32, #tpu.memory_space<vmem>> -> memref<8x2048xf32, #tpu.memory_space<vmem>>
    %dma_start3A_301 = arith.constant 0 : i32
    %dma_start3A_302 = tpu.memref_slice %arg2[%add3A_294, %dma_start3A_301] : memref<1024x100000xf32, #tpu.memory_space<hbm>> -> memref<8x2048xf32, #tpu.memory_space<hbm>>
    %dma_start3A_303 = tpu.memref_slice %arg8[%dma_start3A_296] : memref<2x!tpu.dma_semaphore, #tpu.memory_space<semaphore_mem>> -> memref<1x!tpu.dma_semaphore, #tpu.memory_space<semaphore_mem>>
    %dma_start3A_304 = tpu.memref_squeeze %dma_start3A_303 : memref<1x!tpu.dma_semaphore, #tpu.memory_space<semaphore_mem>> -> memref<!tpu.dma_semaphore, #tpu.memory_space<semaphore_mem>>
    %dma_start3A_305 = arith.constant 0 : i32
    %dma_start3A_306 = arith.constant 0 : i32
    %dma_start3A_307 = tpu.memref_slice %arg5[%dma_start3A_295, %dma_start3A_305, %dma_start3A_306] : memref<2x8x2048xf32, #tpu.memory_space<vmem>> -> memref<1x8x2048xf32, #tpu.memory_space<vmem>>
    %dma_start3A_308 = tpu.memref_squeeze %dma_start3A_307 : memref<1x8x2048xf32, #tpu.memory_space<vmem>> -> memref<8x2048xf32, #tpu.memory_space<vmem>>
    %dma_start3A_309 = arith.constant 0 : i32
    %dma_start3A_310 = tpu.memref_slice %arg2[%add3A_294, %dma_start3A_309] : memref<1024x100000xf32, #tpu.memory_space<hbm>> -> memref<8x2048xf32, #tpu.memory_space<hbm>>
    tpu.enqueue_dma source(%dma_start3A_310 : memref<8x2048xf32, #tpu.memory_space<hbm>>) target(%dma_start3A_308 : memref<8x2048xf32, #tpu.memory_space<vmem>>) target_semaphore(%dma_start3A_304 : memref<!tpu.dma_semaphore, #tpu.memory_space<semaphore_mem>>)
    %dma_start3A_311 = arith.constant 1 : i32
    %dma_start3A_312 = arith.constant 1 : i32
    %dma_start3A_313 = arith.constant 0 : i32
    %dma_start3A_314 = arith.constant 0 : i32
    %dma_start3A_315 = tpu.memref_slice %arg5[%dma_start3A_311, %dma_start3A_313, %dma_start3A_314] : memref<2x8x2048xf32, #tpu.memory_space<vmem>> -> memref<1x8x2048xf32, #tpu.memory_space<vmem>>
    %dma_start3A_316 = tpu.memref_squeeze %dma_start3A_315 : memref<1x8x2048xf32, #tpu.memory_space<vmem>> -> memref<8x2048xf32, #tpu.memory_space<vmem>>
    %dma_start3A_317 = arith.constant 2048 : i32
    %dma_start3A_318 = tpu.memref_slice %arg2[%add3A_294, %dma_start3A_317] : memref<1024x100000xf32, #tpu.memory_space<hbm>> -> memref<8x2048xf32, #tpu.memory_space<hbm>>
    %dma_start3A_319 = tpu.memref_slice %arg8[%dma_start3A_312] : memref<2x!tpu.dma_semaphore, #tpu.memory_space<semaphore_mem>> -> memref<1x!tpu.dma_semaphore, #tpu.memory_space<semaphore_mem>>
    %dma_start3A_320 = tpu.memref_squeeze %dma_start3A_319 : memref<1x!tpu.dma_semaphore, #tpu.memory_space<semaphore_mem>> -> memref<!tpu.dma_semaphore, #tpu.memory_space<semaphore_mem>>
    %dma_start3A_321 = arith.constant 0 : i32
    %dma_start3A_322 = arith.constant 0 : i32
    %dma_start3A_323 = tpu.memref_slice %arg5[%dma_start3A_311, %dma_start3A_321, %dma_start3A_322] : memref<2x8x2048xf32, #tpu.memory_space<vmem>> -> memref<1x8x2048xf32, #tpu.memory_space<vmem>>
    %dma_start3A_324 = tpu.memref_squeeze %dma_start3A_323 : memref<1x8x2048xf32, #tpu.memory_space<vmem>> -> memref<8x2048xf32, #tpu.memory_space<vmem>>
    %dma_start3A_325 = arith.constant 2048 : i32
    %dma_start3A_326 = tpu.memref_slice %arg2[%add3A_294, %dma_start3A_325] : memref<1024x100000xf32, #tpu.memory_space<hbm>> -> memref<8x2048xf32, #tpu.memory_space<hbm>>
    tpu.enqueue_dma source(%dma_start3A_326 : memref<8x2048xf32, #tpu.memory_space<hbm>>) target(%dma_start3A_324 : memref<8x2048xf32, #tpu.memory_space<vmem>>) target_semaphore(%dma_start3A_320 : memref<!tpu.dma_semaphore, #tpu.memory_space<semaphore_mem>>)
    %broadcast_in_dim3A_327 = arith.constant 0xFF800000 : f32
    %broadcast_in_dim3A_328 = vector.broadcast %broadcast_in_dim3A_327 : f32 to vector<16xf32>
    %broadcast_in_dim3A_329 = arith.constant 0 : i32
    %broadcast_in_dim3A_330 = vector.broadcast %broadcast_in_dim3A_329 : i32 to vector<16xi32>
    %scan3A_331 = arith.constant 0 : i32
    %scan3A_332 = arith.constant 11 : i32
    %scan3A_333 = arith.addi %scan3A_331, %scan3A_332 : i32
    %scan3A_334 = arith.constant 1 : i32
    %scan3A_335:16 = scf.for %scan3A_1193 = %scan3A_331 to %scan3A_333 step %scan3A_334 iter_args(%scan3A_1194 = %broadcast_in_dim3A_328, %scan3A_1195 = %broadcast_in_dim3A_328, %scan3A_1196 = %broadcast_in_dim3A_328, %scan3A_1197 = %broadcast_in_dim3A_328, %scan3A_1198 = %broadcast_in_dim3A_328, %scan3A_1199 = %broadcast_in_dim3A_328, %scan3A_1200 = %broadcast_in_dim3A_328, %scan3A_1201 = %broadcast_in_dim3A_328, %scan3A_1202 = %broadcast_in_dim3A_330, %scan3A_1203 = %broadcast_in_dim3A_330, %scan3A_1204 = %broadcast_in_dim3A_330, %scan3A_1205 = %broadcast_in_dim3A_330, %scan3A_1206 = %broadcast_in_dim3A_330, %scan3A_1207 = %broadcast_in_dim3A_330, %scan3A_1208 = %broadcast_in_dim3A_330, %scan3A_1209 = %broadcast_in_dim3A_330) -> (vector<16xf32>, vector<16xf32>, vector<16xf32>, vector<16xf32>, vector<16xf32>, vector<16xf32>, vector<16xf32>, vector<16xf32>, vector<16xi32>, vector<16xi32>, vector<16xi32>, vector<16xi32>, vector<16xi32>, vector<16xi32>, vector<16xi32>, vector<16xi32>)  : i32 {
      %mul3A_1210 = arith.constant 2 : i32
      %mul3A_1211 = arith.muli %scan3A_1193, %mul3A_1210 : i32
      %add3A_1212 = arith.constant 0 : i32
      %add3A_1213 = arith.addi %mul3A_1211, %add3A_1212 : i32
      %dma_wait3A = arith.constant 0 : i32
      %dma_wait3A_1214 = arith.constant 0 : i32
      %dma_wait3A_1215 = arith.constant 0 : i32
      %dma_wait3A_1216 = arith.constant 0 : i32
      %dma_wait3A_1217 = tpu.memref_slice %arg5[%dma_wait3A, %dma_wait3A_1215, %dma_wait3A_1216] : memref<2x8x2048xf32, #tpu.memory_space<vmem>> -> memref<1x8x2048xf32, #tpu.memory_space<vmem>>
      %dma_wait3A_1218 = tpu.memref_squeeze %dma_wait3A_1217 : memref<1x8x2048xf32, #tpu.memory_space<vmem>> -> memref<8x2048xf32, #tpu.memory_space<vmem>>
      %dma_wait3A_1219 = arith.constant 0 : i32
      %dma_wait3A_1220 = arith.constant 0 : i32
      %dma_wait3A_1221 = tpu.memref_slice %arg2[%dma_wait3A_1219, %dma_wait3A_1220] : memref<1024x100000xf32, #tpu.memory_space<hbm>> -> memref<8x2048xf32, #tpu.memory_space<hbm>>
      %dma_wait3A_1222 = tpu.memref_slice %arg8[%dma_wait3A_1214] : memref<2x!tpu.dma_semaphore, #tpu.memory_space<semaphore_mem>> -> memref<1x!tpu.dma_semaphore, #tpu.memory_space<semaphore_mem>>
      %dma_wait3A_1223 = tpu.memref_squeeze %dma_wait3A_1222 : memref<1x!tpu.dma_semaphore, #tpu.memory_space<semaphore_mem>> -> memref<!tpu.dma_semaphore, #tpu.memory_space<semaphore_mem>>
      %dma_wait3A_1224 = arith.constant 0 : i32
      %dma_wait3A_1225 = arith.constant 0 : i32
      %dma_wait3A_1226 = tpu.memref_slice %arg5[%dma_wait3A, %dma_wait3A_1224, %dma_wait3A_1225] : memref<2x8x2048xf32, #tpu.memory_space<vmem>> -> memref<1x8x2048xf32, #tpu.memory_space<vmem>>
      %dma_wait3A_1227 = tpu.memref_squeeze %dma_wait3A_1226 : memref<1x8x2048xf32, #tpu.memory_space<vmem>> -> memref<8x2048xf32, #tpu.memory_space<vmem>>
      %dma_wait3A_1228 = arith.constant 0 : i32
      %dma_wait3A_1229 = arith.constant 0 : i32
      %dma_wait3A_1230 = tpu.memref_slice %arg2[%dma_wait3A_1228, %dma_wait3A_1229] : memref<1024x100000xf32, #tpu.memory_space<hbm>> -> memref<8x2048xf32, #tpu.memory_space<hbm>>
      tpu.wait_dma2 semaphore(%dma_wait3A_1223 : memref<!tpu.dma_semaphore, #tpu.memory_space<semaphore_mem>>) src(%dma_wait3A_1230 : memref<8x2048xf32, #tpu.memory_space<hbm>>) dst(%dma_wait3A_1227 : memref<8x2048xf32, #tpu.memory_space<vmem>>)
      %scan3A_1231 = arith.constant 0 : i32
      %scan3A_1232 = arith.constant 128 : i32
      %scan3A_1233 = arith.addi %scan3A_1231, %scan3A_1232 : i32
      %scan3A_1234 = arith.constant 1 : i32
      %scan3A_1235:16 = scf.for %scan3A_1276 = %scan3A_1231 to %scan3A_1233 step %scan3A_1234 iter_args(%scan3A_1277 = %scan3A_1194, %scan3A_1278 = %scan3A_1195, %scan3A_1279 = %scan3A_1196, %scan3A_1280 = %scan3A_1197, %scan3A_1281 = %scan3A_1198, %scan3A_1282 = %scan3A_1199, %scan3A_1283 = %scan3A_1200, %scan3A_1284 = %scan3A_1201, %scan3A_1285 = %scan3A_1202, %scan3A_1286 = %scan3A_1203, %scan3A_1287 = %scan3A_1204, %scan3A_1288 = %scan3A_1205, %scan3A_1289 = %scan3A_1206, %scan3A_1290 = %scan3A_1207, %scan3A_1291 = %scan3A_1208, %scan3A_1292 = %scan3A_1209) -> (vector<16xf32>, vector<16xf32>, vector<16xf32>, vector<16xf32>, vector<16xf32>, vector<16xf32>, vector<16xf32>, vector<16xf32>, vector<16xi32>, vector<16xi32>, vector<16xi32>, vector<16xi32>, vector<16xi32>, vector<16xi32>, vector<16xi32>, vector<16xi32>)  : i32 {
        %mul3A_1293 = arith.constant 2048 : i32
        %mul3A_1294 = arith.muli %add3A_1213, %mul3A_1293 : i32
        %mul3A_1295 = arith.constant 16 : i32
        %mul3A_1296 = arith.muli %scan3A_1276, %mul3A_1295 : i32
        %add3A_1297 = arith.addi %mul3A_1294, %mul3A_1296 : i32
        %add3A_1298 = vector.broadcast %add3A_1297 : i32 to vector<16xi32>
        %add3A_1299 = arith.addi %iota3A, %add3A_1298 : vector<16xi32>
        %mul3A_1300 = arith.constant 16 : i32
        %mul3A_1301 = arith.muli %scan3A_1276, %mul3A_1300 : i32
        %get3A_1302 = arith.constant 0 : i32
        %get3A_1303 = arith.constant 0 : i32
        %get3A_1304 = arith.index_cast %get3A_1302 : i32 to index
        %get3A_1305 = arith.index_cast %get3A_1303 : i32 to index
        %get3A_1306 = arith.index_cast %mul3A_1301 : i32 to index
        %get3A_1307 = tpu.vector_load %arg5[%get3A_1304, %get3A_1305, %get3A_1306] {strides = array<i32>} : memref<2x8x2048xf32, #tpu.memory_space<vmem>>, vector<16xf32>,
        %gt3A = arith.cmpf ogt, %get3A_1307, %scan3A_1277 : vector<16xf32>
        %select_n3A_1308 = arith.select %gt3A, %get3A_1307, %scan3A_1277 : vector<16xi1>, vector<16xf32>
        %select_n3A_1309 = arith.select %gt3A, %add3A_1299, %scan3A_1285 : vector<16xi1>, vector<16xi32>
        %mul3A_1310 = arith.constant 16 : i32
        %mul3A_1311 = arith.muli %scan3A_1276, %mul3A_1310 : i32
        %get3A_1312 = arith.constant 0 : i32
        %get3A_1313 = arith.constant 1 : i32
        %get3A_1314 = arith.index_cast %get3A_1312 : i32 to index
        %get3A_1315 = arith.index_cast %get3A_1313 : i32 to index
        %get3A_1316 = arith.index_cast %mul3A_1311 : i32 to index
        %get3A_1317 = tpu.vector_load %arg5[%get3A_1314, %get3A_1315, %get3A_1316] {strides = array<i32>} : memref<2x8x2048xf32, #tpu.memory_space<vmem>>, vector<16xf32>,
        %gt3A_1318 = arith.cmpf ogt, %get3A_1317, %scan3A_1278 : vector<16xf32>
        %select_n3A_1319 = arith.select %gt3A_1318, %get3A_1317, %scan3A_1278 : vector<16xi1>, vector<16xf32>
        %select_n3A_1320 = arith.select %gt3A_1318, %add3A_1299, %scan3A_1286 : vector<16xi1>, vector<16xi32>
        %mul3A_1321 = arith.constant 16 : i32
        %mul3A_1322 = arith.muli %scan3A_1276, %mul3A_1321 : i32
        %get3A_1323 = arith.constant 0 : i32
        %get3A_1324 = arith.constant 2 : i32
        %get3A_1325 = arith.index_cast %get3A_1323 : i32 to index
        %get3A_1326 = arith.index_cast %get3A_1324 : i32 to index
        %get3A_1327 = arith.index_cast %mul3A_1322 : i32 to index
        %get3A_1328 = tpu.vector_load %arg5[%get3A_1325, %get3A_1326, %get3A_1327] {strides = array<i32>} : memref<2x8x2048xf32, #tpu.memory_space<vmem>>, vector<16xf32>,
        %gt3A_1329 = arith.cmpf ogt, %get3A_1328, %scan3A_1279 : vector<16xf32>
        %select_n3A_1330 = arith.select %gt3A_1329, %get3A_1328, %scan3A_1279 : vector<16xi1>, vector<16xf32>
        %select_n3A_1331 = arith.select %gt3A_1329, %add3A_1299, %scan3A_1287 : vector<16xi1>, vector<16xi32>
        %mul3A_1332 = arith.constant 16 : i32
        %mul3A_1333 = arith.muli %scan3A_1276, %mul3A_1332 : i32
        %get3A_1334 = arith.constant 0 : i32
        %get3A_1335 = arith.constant 3 : i32
        %get3A_1336 = arith.index_cast %get3A_1334 : i32 to index
        %get3A_1337 = arith.index_cast %get3A_1335 : i32 to index
        %get3A_1338 = arith.index_cast %mul3A_1333 : i32 to index
        %get3A_1339 = tpu.vector_load %arg5[%get3A_1336, %get3A_1337, %get3A_1338] {strides = array<i32>} : memref<2x8x2048xf32, #tpu.memory_space<vmem>>, vector<16xf32>,
        %gt3A_1340 = arith.cmpf ogt, %get3A_1339, %scan3A_1280 : vector<16xf32>
        %select_n3A_1341 = arith.select %gt3A_1340, %get3A_1339, %scan3A_1280 : vector<16xi1>, vector<16xf32>
        %select_n3A_1342 = arith.select %gt3A_1340, %add3A_1299, %scan3A_1288 : vector<16xi1>, vector<16xi32>
        %mul3A_1343 = arith.constant 16 : i32
        %mul3A_1344 = arith.muli %scan3A_1276, %mul3A_1343 : i32
        %get3A_1345 = arith.constant 0 : i32
        %get3A_1346 = arith.constant 4 : i32
        %get3A_1347 = arith.index_cast %get3A_1345 : i32 to index
        %get3A_1348 = arith.index_cast %get3A_1346 : i32 to index
        %get3A_1349 = arith.index_cast %mul3A_1344 : i32 to index
        %get3A_1350 = tpu.vector_load %arg5[%get3A_1347, %get3A_1348, %get3A_1349] {strides = array<i32>} : memref<2x8x2048xf32, #tpu.memory_space<vmem>>, vector<16xf32>,
        %gt3A_1351 = arith.cmpf ogt, %get3A_1350, %scan3A_1281 : vector<16xf32>
        %select_n3A_1352 = arith.select %gt3A_1351, %get3A_1350, %scan3A_1281 : vector<16xi1>, vector<16xf32>
        %select_n3A_1353 = arith.select %gt3A_1351, %add3A_1299, %scan3A_1289 : vector<16xi1>, vector<16xi32>
        %mul3A_1354 = arith.constant 16 : i32
        %mul3A_1355 = arith.muli %scan3A_1276, %mul3A_1354 : i32
        %get3A_1356 = arith.constant 0 : i32
        %get3A_1357 = arith.constant 5 : i32
        %get3A_1358 = arith.index_cast %get3A_1356 : i32 to index
        %get3A_1359 = arith.index_cast %get3A_1357 : i32 to index
        %get3A_1360 = arith.index_cast %mul3A_1355 : i32 to index
        %get3A_1361 = tpu.vector_load %arg5[%get3A_1358, %get3A_1359, %get3A_1360] {strides = array<i32>} : memref<2x8x2048xf32, #tpu.memory_space<vmem>>, vector<16xf32>,
        %gt3A_1362 = arith.cmpf ogt, %get3A_1361, %scan3A_1282 : vector<16xf32>
        %select_n3A_1363 = arith.select %gt3A_1362, %get3A_1361, %scan3A_1282 : vector<16xi1>, vector<16xf32>
        %select_n3A_1364 = arith.select %gt3A_1362, %add3A_1299, %scan3A_1290 : vector<16xi1>, vector<16xi32>
        %mul3A_1365 = arith.constant 16 : i32
        %mul3A_1366 = arith.muli %scan3A_1276, %mul3A_1365 : i32
        %get3A_1367 = arith.constant 0 : i32
        %get3A_1368 = arith.constant 6 : i32
        %get3A_1369 = arith.index_cast %get3A_1367 : i32 to index
        %get3A_1370 = arith.index_cast %get3A_1368 : i32 to index
        %get3A_1371 = arith.index_cast %mul3A_1366 : i32 to index
        %get3A_1372 = tpu.vector_load %arg5[%get3A_1369, %get3A_1370, %get3A_1371] {strides = array<i32>} : memref<2x8x2048xf32, #tpu.memory_space<vmem>>, vector<16xf32>,
        %gt3A_1373 = arith.cmpf ogt, %get3A_1372, %scan3A_1283 : vector<16xf32>
        %select_n3A_1374 = arith.select %gt3A_1373, %get3A_1372, %scan3A_1283 : vector<16xi1>, vector<16xf32>
        %select_n3A_1375 = arith.select %gt3A_1373, %add3A_1299, %scan3A_1291 : vector<16xi1>, vector<16xi32>
        %mul3A_1376 = arith.constant 16 : i32
        %mul3A_1377 = arith.muli %scan3A_1276, %mul3A_1376 : i32
        %get3A_1378 = arith.constant 0 : i32
        %get3A_1379 = arith.constant 7 : i32
        %get3A_1380 = arith.index_cast %get3A_1378 : i32 to index
        %get3A_1381 = arith.index_cast %get3A_1379 : i32 to index
        %get3A_1382 = arith.index_cast %mul3A_1377 : i32 to index
        %get3A_1383 = tpu.vector_load %arg5[%get3A_1380, %get3A_1381, %get3A_1382] {strides = array<i32>} : memref<2x8x2048xf32, #tpu.memory_space<vmem>>, vector<16xf32>,
        %gt3A_1384 = arith.cmpf ogt, %get3A_1383, %scan3A_1284 : vector<16xf32>
        %select_n3A_1385 = arith.select %gt3A_1384, %get3A_1383, %scan3A_1284 : vector<16xi1>, vector<16xf32>
        %select_n3A_1386 = arith.select %gt3A_1384, %add3A_1299, %scan3A_1292 : vector<16xi1>, vector<16xi32>
        scf.yield %select_n3A_1308, %select_n3A_1319, %select_n3A_1330, %select_n3A_1341, %select_n3A_1352, %select_n3A_1363, %select_n3A_1374, %select_n3A_1385, %select_n3A_1309, %select_n3A_1320, %select_n3A_1331, %select_n3A_1342, %select_n3A_1353, %select_n3A_1364, %select_n3A_1375, %select_n3A_1386 : vector<16xf32>, vector<16xf32>, vector<16xf32>, vector<16xf32>, vector<16xf32>, vector<16xf32>, vector<16xf32>, vector<16xf32>, vector<16xi32>, vector<16xi32>, vector<16xi32>, vector<16xi32>, vector<16xi32>, vector<16xi32>, vector<16xi32>, vector<16xi32>
      }
      %scan3A_1236 = arith.constant 128 : i32
      %add3A_1237 = arith.constant 2 : i32
      %add3A_1238 = arith.addi %add3A_1213, %add3A_1237 : i32
      %lt3A = arith.constant 22 : i32
      %lt3A_1239 = arith.cmpi slt, %add3A_1238, %lt3A : i32
      %convert_element_type3A = arith.extui %lt3A_1239 : i1 to i32
      %cond3A = arith.constant 0 : i32
      %cond3A_1240 = arith.cmpi ne, %convert_element_type3A, %cond3A : i32
      scf.if %cond3A_1240 {
        %add3A_1276 = arith.constant 2 : i32
        %add3A_1277 = arith.addi %add3A_1213, %add3A_1276 : i32
        %mul3A_1278 = arith.constant 2048 : i32
        %mul3A_1279 = arith.muli %add3A_1277, %mul3A_1278 : i32
        %dma_start3A_1280 = arith.constant 0 : i32
        %dma_start3A_1281 = arith.constant 0 : i32
        %dma_start3A_1282 = arith.constant 0 : i32
        %dma_start3A_1283 = arith.constant 0 : i32
        %dma_start3A_1284 = tpu.memref_slice %arg5[%dma_start3A_1280, %dma_start3A_1282, %dma_start3A_1283] : memref<2x8x2048xf32, #tpu.memory_space<vmem>> -> memref<1x8x2048xf32, #tpu.memory_space<vmem>>
        %dma_start3A_1285 = tpu.memref_squeeze %dma_start3A_1284 : memref<1x8x2048xf32, #tpu.memory_space<vmem>> -> memref<8x2048xf32, #tpu.memory_space<vmem>>
        %dma_start3A_1286 = tpu.memref_slice %arg2[%add3A_294, %mul3A_1279] : memref<1024x100000xf32, #tpu.memory_space<hbm>> -> memref<8x2048xf32, #tpu.memory_space<hbm>>
        %dma_start3A_1287 = tpu.memref_slice %arg8[%dma_start3A_1281] : memref<2x!tpu.dma_semaphore, #tpu.memory_space<semaphore_mem>> -> memref<1x!tpu.dma_semaphore, #tpu.memory_space<semaphore_mem>>
        %dma_start3A_1288 = tpu.memref_squeeze %dma_start3A_1287 : memref<1x!tpu.dma_semaphore, #tpu.memory_space<semaphore_mem>> -> memref<!tpu.dma_semaphore, #tpu.memory_space<semaphore_mem>>
        %dma_start3A_1289 = arith.constant 0 : i32
        %dma_start3A_1290 = arith.constant 0 : i32
        %dma_start3A_1291 = tpu.memref_slice %arg5[%dma_start3A_1280, %dma_start3A_1289, %dma_start3A_1290] : memref<2x8x2048xf32, #tpu.memory_space<vmem>> -> memref<1x8x2048xf32, #tpu.memory_space<vmem>>
        %dma_start3A_1292 = tpu.memref_squeeze %dma_start3A_1291 : memref<1x8x2048xf32, #tpu.memory_space<vmem>> -> memref<8x2048xf32, #tpu.memory_space<vmem>>
        %dma_start3A_1293 = tpu.memref_slice %arg2[%add3A_294, %mul3A_1279] : memref<1024x100000xf32, #tpu.memory_space<hbm>> -> memref<8x2048xf32, #tpu.memory_space<hbm>>
        tpu.enqueue_dma source(%dma_start3A_1293 : memref<8x2048xf32, #tpu.memory_space<hbm>>) target(%dma_start3A_1292 : memref<8x2048xf32, #tpu.memory_space<vmem>>) target_semaphore(%dma_start3A_1288 : memref<!tpu.dma_semaphore, #tpu.memory_space<semaphore_mem>>)
      } else {
      }
      %mul3A_1241 = arith.constant 2 : i32
      %mul3A_1242 = arith.muli %scan3A_1193, %mul3A_1241 : i32
      %add3A_1243 = arith.constant 1 : i32
      %add3A_1244 = arith.addi %mul3A_1242, %add3A_1243 : i32
      %dma_wait3A_1245 = arith.constant 1 : i32
      %dma_wait3A_1246 = arith.constant 1 : i32
      %dma_wait3A_1247 = arith.constant 0 : i32
      %dma_wait3A_1248 = arith.constant 0 : i32
      %dma_wait3A_1249 = tpu.memref_slice %arg5[%dma_wait3A_1245, %dma_wait3A_1247, %dma_wait3A_1248] : memref<2x8x2048xf32, #tpu.memory_space<vmem>> -> memref<1x8x2048xf32, #tpu.memory_space<vmem>>
      %dma_wait3A_1250 = tpu.memref_squeeze %dma_wait3A_1249 : memref<1x8x2048xf32, #tpu.memory_space<vmem>> -> memref<8x2048xf32, #tpu.memory_space<vmem>>
      %dma_wait3A_1251 = arith.constant 0 : i32
      %dma_wait3A_1252 = arith.constant 0 : i32
      %dma_wait3A_1253 = tpu.memref_slice %arg2[%dma_wait3A_1251, %dma_wait3A_1252] : memref<1024x100000xf32, #tpu.memory_space<hbm>> -> memref<8x2048xf32, #tpu.memory_space<hbm>>
      %dma_wait3A_1254 = tpu.memref_slice %arg8[%dma_wait3A_1246] : memref<2x!tpu.dma_semaphore, #tpu.memory_space<semaphore_mem>> -> memref<1x!tpu.dma_semaphore, #tpu.memory_space<semaphore_mem>>
      %dma_wait3A_1255 = tpu.memref_squeeze %dma_wait3A_1254 : memref<1x!tpu.dma_semaphore, #tpu.memory_space<semaphore_mem>> -> memref<!tpu.dma_semaphore, #tpu.memory_space<semaphore_mem>>
      %dma_wait3A_1256 = arith.constant 0 : i32
      %dma_wait3A_1257 = arith.constant 0 : i32
      %dma_wait3A_1258 = tpu.memref_slice %arg5[%dma_wait3A_1245, %dma_wait3A_1256, %dma_wait3A_1257] : memref<2x8x2048xf32, #tpu.memory_space<vmem>> -> memref<1x8x2048xf32, #tpu.memory_space<vmem>>
      %dma_wait3A_1259 = tpu.memref_squeeze %dma_wait3A_1258 : memref<1x8x2048xf32, #tpu.memory_space<vmem>> -> memref<8x2048xf32, #tpu.memory_space<vmem>>
      %dma_wait3A_1260 = arith.constant 0 : i32
      %dma_wait3A_1261 = arith.constant 0 : i32
      %dma_wait3A_1262 = tpu.memref_slice %arg2[%dma_wait3A_1260, %dma_wait3A_1261] : memref<1024x100000xf32, #tpu.memory_space<hbm>> -> memref<8x2048xf32, #tpu.memory_space<hbm>>
      tpu.wait_dma2 semaphore(%dma_wait3A_1255 : memref<!tpu.dma_semaphore, #tpu.memory_space<semaphore_mem>>) src(%dma_wait3A_1262 : memref<8x2048xf32, #tpu.memory_space<hbm>>) dst(%dma_wait3A_1259 : memref<8x2048xf32, #tpu.memory_space<vmem>>)
      %scan3A_1263 = arith.constant 0 : i32
      %scan3A_1264 = arith.constant 128 : i32
      %scan3A_1265 = arith.addi %scan3A_1263, %scan3A_1264 : i32
      %scan3A_1266 = arith.constant 1 : i32
      %scan3A_1267:16 = scf.for %scan3A_1276 = %scan3A_1263 to %scan3A_1265 step %scan3A_1266 iter_args(%scan3A_1277 = %scan3A_1235#0, %scan3A_1278 = %scan3A_1235#1, %scan3A_1279 = %scan3A_1235#2, %scan3A_1280 = %scan3A_1235#3, %scan3A_1281 = %scan3A_1235#4, %scan3A_1282 = %scan3A_1235#5, %scan3A_1283 = %scan3A_1235#6, %scan3A_1284 = %scan3A_1235#7, %scan3A_1285 = %scan3A_1235#8, %scan3A_1286 = %scan3A_1235#9, %scan3A_1287 = %scan3A_1235#10, %scan3A_1288 = %scan3A_1235#11, %scan3A_1289 = %scan3A_1235#12, %scan3A_1290 = %scan3A_1235#13, %scan3A_1291 = %scan3A_1235#14, %scan3A_1292 = %scan3A_1235#15) -> (vector<16xf32>, vector<16xf32>, vector<16xf32>, vector<16xf32>, vector<16xf32>, vector<16xf32>, vector<16xf32>, vector<16xf32>, vector<16xi32>, vector<16xi32>, vector<16xi32>, vector<16xi32>, vector<16xi32>, vector<16xi32>, vector<16xi32>, vector<16xi32>)  : i32 {
        %mul3A_1293 = arith.constant 2048 : i32
        %mul3A_1294 = arith.muli %add3A_1244, %mul3A_1293 : i32
        %mul3A_1295 = arith.constant 16 : i32
        %mul3A_1296 = arith.muli %scan3A_1276, %mul3A_1295 : i32
        %add3A_1297 = arith.addi %mul3A_1294, %mul3A_1296 : i32
        %add3A_1298 = vector.broadcast %add3A_1297 : i32 to vector<16xi32>
        %add3A_1299 = arith.addi %iota3A, %add3A_1298 : vector<16xi32>
        %mul3A_1300 = arith.constant 16 : i32
        %mul3A_1301 = arith.muli %scan3A_1276, %mul3A_1300 : i32
        %get3A_1302 = arith.constant 1 : i32
        %get3A_1303 = arith.constant 0 : i32
        %get3A_1304 = arith.index_cast %get3A_1302 : i32 to index
        %get3A_1305 = arith.index_cast %get3A_1303 : i32 to index
        %get3A_1306 = arith.index_cast %mul3A_1301 : i32 to index
        %get3A_1307 = tpu.vector_load %arg5[%get3A_1304, %get3A_1305, %get3A_1306] {strides = array<i32>} : memref<2x8x2048xf32, #tpu.memory_space<vmem>>, vector<16xf32>,
        %gt3A = arith.cmpf ogt, %get3A_1307, %scan3A_1277 : vector<16xf32>
        %select_n3A_1308 = arith.select %gt3A, %get3A_1307, %scan3A_1277 : vector<16xi1>, vector<16xf32>
        %select_n3A_1309 = arith.select %gt3A, %add3A_1299, %scan3A_1285 : vector<16xi1>, vector<16xi32>
        %mul3A_1310 = arith.constant 16 : i32
        %mul3A_1311 = arith.muli %scan3A_1276, %mul3A_1310 : i32
        %get3A_1312 = arith.constant 1 : i32
        %get3A_1313 = arith.constant 1 : i32
        %get3A_1314 = arith.index_cast %get3A_1312 : i32 to index
        %get3A_1315 = arith.index_cast %get3A_1313 : i32 to index
        %get3A_1316 = arith.index_cast %mul3A_1311 : i32 to index
        %get3A_1317 = tpu.vector_load %arg5[%get3A_1314, %get3A_1315, %get3A_1316] {strides = array<i32>} : memref<2x8x2048xf32, #tpu.memory_space<vmem>>, vector<16xf32>,
        %gt3A_1318 = arith.cmpf ogt, %get3A_1317, %scan3A_1278 : vector<16xf32>
        %select_n3A_1319 = arith.select %gt3A_1318, %get3A_1317, %scan3A_1278 : vector<16xi1>, vector<16xf32>
        %select_n3A_1320 = arith.select %gt3A_1318, %add3A_1299, %scan3A_1286 : vector<16xi1>, vector<16xi32>
        %mul3A_1321 = arith.constant 16 : i32
        %mul3A_1322 = arith.muli %scan3A_1276, %mul3A_1321 : i32
        %get3A_1323 = arith.constant 1 : i32
        %get3A_1324 = arith.constant 2 : i32
        %get3A_1325 = arith.index_cast %get3A_1323 : i32 to index
        %get3A_1326 = arith.index_cast %get3A_1324 : i32 to index
        %get3A_1327 = arith.index_cast %mul3A_1322 : i32 to index
        %get3A_1328 = tpu.vector_load %arg5[%get3A_1325, %get3A_1326, %get3A_1327] {strides = array<i32>} : memref<2x8x2048xf32, #tpu.memory_space<vmem>>, vector<16xf32>,
        %gt3A_1329 = arith.cmpf ogt, %get3A_1328, %scan3A_1279 : vector<16xf32>
        %select_n3A_1330 = arith.select %gt3A_1329, %get3A_1328, %scan3A_1279 : vector<16xi1>, vector<16xf32>
        %select_n3A_1331 = arith.select %gt3A_1329, %add3A_1299, %scan3A_1287 : vector<16xi1>, vector<16xi32>
        %mul3A_1332 = arith.constant 16 : i32
        %mul3A_1333 = arith.muli %scan3A_1276, %mul3A_1332 : i32
        %get3A_1334 = arith.constant 1 : i32
        %get3A_1335 = arith.constant 3 : i32
        %get3A_1336 = arith.index_cast %get3A_1334 : i32 to index
        %get3A_1337 = arith.index_cast %get3A_1335 : i32 to index
        %get3A_1338 = arith.index_cast %mul3A_1333 : i32 to index
        %get3A_1339 = tpu.vector_load %arg5[%get3A_1336, %get3A_1337, %get3A_1338] {strides = array<i32>} : memref<2x8x2048xf32, #tpu.memory_space<vmem>>, vector<16xf32>,
        %gt3A_1340 = arith.cmpf ogt, %get3A_1339, %scan3A_1280 : vector<16xf32>
        %select_n3A_1341 = arith.select %gt3A_1340, %get3A_1339, %scan3A_1280 : vector<16xi1>, vector<16xf32>
        %select_n3A_1342 = arith.select %gt3A_1340, %add3A_1299, %scan3A_1288 : vector<16xi1>, vector<16xi32>
        %mul3A_1343 = arith.constant 16 : i32
        %mul3A_1344 = arith.muli %scan3A_1276, %mul3A_1343 : i32
        %get3A_1345 = arith.constant 1 : i32
        %get3A_1346 = arith.constant 4 : i32
        %get3A_1347 = arith.index_cast %get3A_1345 : i32 to index
        %get3A_1348 = arith.index_cast %get3A_1346 : i32 to index
        %get3A_1349 = arith.index_cast %mul3A_1344 : i32 to index
        %get3A_1350 = tpu.vector_load %arg5[%get3A_1347, %get3A_1348, %get3A_1349] {strides = array<i32>} : memref<2x8x2048xf32, #tpu.memory_space<vmem>>, vector<16xf32>,
        %gt3A_1351 = arith.cmpf ogt, %get3A_1350, %scan3A_1281 : vector<16xf32>
        %select_n3A_1352 = arith.select %gt3A_1351, %get3A_1350, %scan3A_1281 : vector<16xi1>, vector<16xf32>
        %select_n3A_1353 = arith.select %gt3A_1351, %add3A_1299, %scan3A_1289 : vector<16xi1>, vector<16xi32>
        %mul3A_1354 = arith.constant 16 : i32
        %mul3A_1355 = arith.muli %scan3A_1276, %mul3A_1354 : i32
        %get3A_1356 = arith.constant 1 : i32
        %get3A_1357 = arith.constant 5 : i32
        %get3A_1358 = arith.index_cast %get3A_1356 : i32 to index
        %get3A_1359 = arith.index_cast %get3A_1357 : i32 to index
        %get3A_1360 = arith.index_cast %mul3A_1355 : i32 to index
        %get3A_1361 = tpu.vector_load %arg5[%get3A_1358, %get3A_1359, %get3A_1360] {strides = array<i32>} : memref<2x8x2048xf32, #tpu.memory_space<vmem>>, vector<16xf32>,
        %gt3A_1362 = arith.cmpf ogt, %get3A_1361, %scan3A_1282 : vector<16xf32>
        %select_n3A_1363 = arith.select %gt3A_1362, %get3A_1361, %scan3A_1282 : vector<16xi1>, vector<16xf32>
        %select_n3A_1364 = arith.select %gt3A_1362, %add3A_1299, %scan3A_1290 : vector<16xi1>, vector<16xi32>
        %mul3A_1365 = arith.constant 16 : i32
        %mul3A_1366 = arith.muli %scan3A_1276, %mul3A_1365 : i32
        %get3A_1367 = arith.constant 1 : i32
        %get3A_1368 = arith.constant 6 : i32
        %get3A_1369 = arith.index_cast %get3A_1367 : i32 to index
        %get3A_1370 = arith.index_cast %get3A_1368 : i32 to index
        %get3A_1371 = arith.index_cast %mul3A_1366 : i32 to index
        %get3A_1372 = tpu.vector_load %arg5[%get3A_1369, %get3A_1370, %get3A_1371] {strides = array<i32>} : memref<2x8x2048xf32, #tpu.memory_space<vmem>>, vector<16xf32>,
        %gt3A_1373 = arith.cmpf ogt, %get3A_1372, %scan3A_1283 : vector<16xf32>
        %select_n3A_1374 = arith.select %gt3A_1373, %get3A_1372, %scan3A_1283 : vector<16xi1>, vector<16xf32>
        %select_n3A_1375 = arith.select %gt3A_1373, %add3A_1299, %scan3A_1291 : vector<16xi1>, vector<16xi32>
        %mul3A_1376 = arith.constant 16 : i32
        %mul3A_1377 = arith.muli %scan3A_1276, %mul3A_1376 : i32
        %get3A_1378 = arith.constant 1 : i32
        %get3A_1379 = arith.constant 7 : i32
        %get3A_1380 = arith.index_cast %get3A_1378 : i32 to index
        %get3A_1381 = arith.index_cast %get3A_1379 : i32 to index
        %get3A_1382 = arith.index_cast %mul3A_1377 : i32 to index
        %get3A_1383 = tpu.vector_load %arg5[%get3A_1380, %get3A_1381, %get3A_1382] {strides = array<i32>} : memref<2x8x2048xf32, #tpu.memory_space<vmem>>, vector<16xf32>,
        %gt3A_1384 = arith.cmpf ogt, %get3A_1383, %scan3A_1284 : vector<16xf32>
        %select_n3A_1385 = arith.select %gt3A_1384, %get3A_1383, %scan3A_1284 : vector<16xi1>, vector<16xf32>
        %select_n3A_1386 = arith.select %gt3A_1384, %add3A_1299, %scan3A_1292 : vector<16xi1>, vector<16xi32>
        scf.yield %select_n3A_1308, %select_n3A_1319, %select_n3A_1330, %select_n3A_1341, %select_n3A_1352, %select_n3A_1363, %select_n3A_1374, %select_n3A_1385, %select_n3A_1309, %select_n3A_1320, %select_n3A_1331, %select_n3A_1342, %select_n3A_1353, %select_n3A_1364, %select_n3A_1375, %select_n3A_1386 : vector<16xf32>, vector<16xf32>, vector<16xf32>, vector<16xf32>, vector<16xf32>, vector<16xf32>, vector<16xf32>, vector<16xf32>, vector<16xi32>, vector<16xi32>, vector<16xi32>, vector<16xi32>, vector<16xi32>, vector<16xi32>, vector<16xi32>, vector<16xi32>
      }
      %scan3A_1268 = arith.constant 128 : i32
      %add3A_1269 = arith.constant 2 : i32
      %add3A_1270 = arith.addi %add3A_1244, %add3A_1269 : i32
      %lt3A_1271 = arith.constant 22 : i32
      %lt3A_1272 = arith.cmpi slt, %add3A_1270, %lt3A_1271 : i32
      %convert_element_type3A_1273 = arith.extui %lt3A_1272 : i1 to i32
      %cond3A_1274 = arith.constant 0 : i32
      %cond3A_1275 = arith.cmpi ne, %convert_element_type3A_1273, %cond3A_1274 : i32
      scf.if %cond3A_1275 {
        %add3A_1276 = arith.constant 2 : i32
        %add3A_1277 = arith.addi %add3A_1244, %add3A_1276 : i32
        %mul3A_1278 = arith.constant 2048 : i32
        %mul3A_1279 = arith.muli %add3A_1277, %mul3A_1278 : i32
        %dma_start3A_1280 = arith.constant 1 : i32
        %dma_start3A_1281 = arith.constant 1 : i32
        %dma_start3A_1282 = arith.constant 0 : i32
        %dma_start3A_1283 = arith.constant 0 : i32
        %dma_start3A_1284 = tpu.memref_slice %arg5[%dma_start3A_1280, %dma_start3A_1282, %dma_start3A_1283] : memref<2x8x2048xf32, #tpu.memory_space<vmem>> -> memref<1x8x2048xf32, #tpu.memory_space<vmem>>
        %dma_start3A_1285 = tpu.memref_squeeze %dma_start3A_1284 : memref<1x8x2048xf32, #tpu.memory_space<vmem>> -> memref<8x2048xf32, #tpu.memory_space<vmem>>
        %dma_start3A_1286 = tpu.memref_slice %arg2[%add3A_294, %mul3A_1279] : memref<1024x100000xf32, #tpu.memory_space<hbm>> -> memref<8x2048xf32, #tpu.memory_space<hbm>>
        %dma_start3A_1287 = tpu.memref_slice %arg8[%dma_start3A_1281] : memref<2x!tpu.dma_semaphore, #tpu.memory_space<semaphore_mem>> -> memref<1x!tpu.dma_semaphore, #tpu.memory_space<semaphore_mem>>
        %dma_start3A_1288 = tpu.memref_squeeze %dma_start3A_1287 : memref<1x!tpu.dma_semaphore, #tpu.memory_space<semaphore_mem>> -> memref<!tpu.dma_semaphore, #tpu.memory_space<semaphore_mem>>
        %dma_start3A_1289 = arith.constant 0 : i32
        %dma_start3A_1290 = arith.constant 0 : i32
        %dma_start3A_1291 = tpu.memref_slice %arg5[%dma_start3A_1280, %dma_start3A_1289, %dma_start3A_1290] : memref<2x8x2048xf32, #tpu.memory_space<vmem>> -> memref<1x8x2048xf32, #tpu.memory_space<vmem>>
        %dma_start3A_1292 = tpu.memref_squeeze %dma_start3A_1291 : memref<1x8x2048xf32, #tpu.memory_space<vmem>> -> memref<8x2048xf32, #tpu.memory_space<vmem>>
        %dma_start3A_1293 = tpu.memref_slice %arg2[%add3A_294, %mul3A_1279] : memref<1024x100000xf32, #tpu.memory_space<hbm>> -> memref<8x2048xf32, #tpu.memory_space<hbm>>
        tpu.enqueue_dma source(%dma_start3A_1293 : memref<8x2048xf32, #tpu.memory_space<hbm>>) target(%dma_start3A_1292 : memref<8x2048xf32, #tpu.memory_space<vmem>>) target_semaphore(%dma_start3A_1288 : memref<!tpu.dma_semaphore, #tpu.memory_space<semaphore_mem>>)
      } else {
      }
      scf.yield %scan3A_1267#0, %scan3A_1267#1, %scan3A_1267#2, %scan3A_1267#3, %scan3A_1267#4, %scan3A_1267#5, %scan3A_1267#6, %scan3A_1267#7, %scan3A_1267#8, %scan3A_1267#9, %scan3A_1267#10, %scan3A_1267#11, %scan3A_1267#12, %scan3A_1267#13, %scan3A_1267#14, %scan3A_1267#15 : vector<16xf32>, vector<16xf32>, vector<16xf32>, vector<16xf32>, vector<16xf32>, vector<16xf32>, vector<16xf32>, vector<16xf32>, vector<16xi32>, vector<16xi32>, vector<16xi32>, vector<16xi32>, vector<16xi32>, vector<16xi32>, vector<16xi32>, vector<16xi32>
    }
    %scan3A_336 = arith.constant 11 : i32
    %reduce_max3A_337 = arith.constant true
    %reduce_max3A_338 = vector.broadcast %reduce_max3A_337 : i1 to vector<16xi1>
    %reduce_max3A_339 = tpu.scan <max>, %scan3A_335#0 masked %reduce_max3A_338 : vector<16xf32>, vector<16xi1> -> vector<16xf32>
    %reduce_max3A_340 = vector.extract %reduce_max3A_339[15] : f32 from vector<16xf32>
    %eq3A_341 = vector.broadcast %reduce_max3A_340 : f32 to vector<16xf32>
    %eq3A_342 = arith.cmpf oeq, %scan3A_335#0, %eq3A_341 : vector<16xf32>
    %jit3A_343 = arith.constant 1000000000 : i32
    %broadcast_in_dim3A_344 = vector.broadcast %jit3A_343 : i32 to vector<16xi32>
    %select_n3A_345 = arith.select %eq3A_342, %scan3A_335#8, %broadcast_in_dim3A_344 : vector<16xi1>, vector<16xi32>
    %reduce_min3A_346 = arith.constant true
    %reduce_min3A_347 = vector.broadcast %reduce_min3A_346 : i1 to vector<16xi1>
    %reduce_min3A_348 = arith.constant -2147483648 : i32
    %reduce_min3A_349 = vector.broadcast %reduce_min3A_348 : i32 to vector<16xi32>
    %reduce_min3A_350 = arith.xori %select_n3A_345, %reduce_min3A_349 : vector<16xi32>
    %reduce_min3A_351 = tpu.scan <min>, %reduce_min3A_350 masked %reduce_min3A_347 : vector<16xi32>, vector<16xi1> -> vector<16xi32>
    %reduce_min3A_352 = arith.xori %reduce_min3A_351, %reduce_min3A_349 : vector<16xi32>
    %reduce_min3A_353 = vector.extract %reduce_min3A_352[15] : i32 from vector<16xi32>
    %eq3A_354 = arith.constant 8 : i32
    %eq3A_355 = vector.broadcast %eq3A_354 : i32 to vector<16xi32>
    %eq3A_356 = arith.cmpi eq, %iota3A, %eq3A_355 : vector<16xi32>
    %get3A_357 = arith.constant 0 : index
    %get3A_358 = tpu.vector_load %arg6[%get3A_357] {strides = array<i32>} : memref<32xf32, #tpu.memory_space<vmem>>, vector<16xf32>,
    %get3A_359 = arith.constant 0 : index
    %get3A_360 = tpu.vector_load %arg7[%get3A_359] {strides = array<i32>} : memref<32xi32, #tpu.memory_space<vmem>>, vector<16xi32>,
    %broadcast_in_dim3A_361 = vector.broadcast %reduce_max3A_340 : f32 to vector<16xf32>
    %select_n3A_362 = arith.select %eq3A_356, %broadcast_in_dim3A_361, %get3A_358 : vector<16xi1>, vector<16xf32>
    %swap3A_363 = arith.constant 0 : index
    %swap3A_364 = tpu.vector_load %arg6[%swap3A_363] {strides = array<i32>} : memref<32xf32, #tpu.memory_space<vmem>>, vector<16xf32>,
    tpu.vector_store %arg6[%swap3A_363], %select_n3A_362 {strides = array<i32>} : memref<32xf32, #tpu.memory_space<vmem>>, vector<16xf32>,
    %broadcast_in_dim3A_365 = vector.broadcast %reduce_min3A_353 : i32 to vector<16xi32>
    %select_n3A_366 = arith.select %eq3A_356, %broadcast_in_dim3A_365, %get3A_360 : vector<16xi1>, vector<16xi32>
    %swap3A_367 = arith.constant 0 : index
    %swap3A_368 = tpu.vector_load %arg7[%swap3A_367] {strides = array<i32>} : memref<32xi32, #tpu.memory_space<vmem>>, vector<16xi32>,
    tpu.vector_store %arg7[%swap3A_367], %select_n3A_366 {strides = array<i32>} : memref<32xi32, #tpu.memory_space<vmem>>, vector<16xi32>,
    %reduce_max3A_369 = arith.constant true
    %reduce_max3A_370 = vector.broadcast %reduce_max3A_369 : i1 to vector<16xi1>
    %reduce_max3A_371 = tpu.scan <max>, %scan3A_335#1 masked %reduce_max3A_370 : vector<16xf32>, vector<16xi1> -> vector<16xf32>
    %reduce_max3A_372 = vector.extract %reduce_max3A_371[15] : f32 from vector<16xf32>
    %eq3A_373 = vector.broadcast %reduce_max3A_372 : f32 to vector<16xf32>
    %eq3A_374 = arith.cmpf oeq, %scan3A_335#1, %eq3A_373 : vector<16xf32>
    %jit3A_375 = arith.constant 1000000000 : i32
    %broadcast_in_dim3A_376 = vector.broadcast %jit3A_375 : i32 to vector<16xi32>
    %select_n3A_377 = arith.select %eq3A_374, %scan3A_335#9, %broadcast_in_dim3A_376 : vector<16xi1>, vector<16xi32>
    %reduce_min3A_378 = arith.constant true
    %reduce_min3A_379 = vector.broadcast %reduce_min3A_378 : i1 to vector<16xi1>
    %reduce_min3A_380 = arith.constant -2147483648 : i32
    %reduce_min3A_381 = vector.broadcast %reduce_min3A_380 : i32 to vector<16xi32>
    %reduce_min3A_382 = arith.xori %select_n3A_377, %reduce_min3A_381 : vector<16xi32>
    %reduce_min3A_383 = tpu.scan <min>, %reduce_min3A_382 masked %reduce_min3A_379 : vector<16xi32>, vector<16xi1> -> vector<16xi32>
    %reduce_min3A_384 = arith.xori %reduce_min3A_383, %reduce_min3A_381 : vector<16xi32>
    %reduce_min3A_385 = vector.extract %reduce_min3A_384[15] : i32 from vector<16xi32>
    %eq3A_386 = arith.constant 9 : i32
    %eq3A_387 = vector.broadcast %eq3A_386 : i32 to vector<16xi32>
    %eq3A_388 = arith.cmpi eq, %iota3A, %eq3A_387 : vector<16xi32>
    %get3A_389 = arith.constant 0 : index
    %get3A_390 = tpu.vector_load %arg6[%get3A_389] {strides = array<i32>} : memref<32xf32, #tpu.memory_space<vmem>>, vector<16xf32>,
    %get3A_391 = arith.constant 0 : index
    %get3A_392 = tpu.vector_load %arg7[%get3A_391] {strides = array<i32>} : memref<32xi32, #tpu.memory_space<vmem>>, vector<16xi32>,
    %broadcast_in_dim3A_393 = vector.broadcast %reduce_max3A_372 : f32 to vector<16xf32>
    %select_n3A_394 = arith.select %eq3A_388, %broadcast_in_dim3A_393, %get3A_390 : vector<16xi1>, vector<16xf32>
    %swap3A_395 = arith.constant 0 : index
    %swap3A_396 = tpu.vector_load %arg6[%swap3A_395] {strides = array<i32>} : memref<32xf32, #tpu.memory_space<vmem>>, vector<16xf32>,
    tpu.vector_store %arg6[%swap3A_395], %select_n3A_394 {strides = array<i32>} : memref<32xf32, #tpu.memory_space<vmem>>, vector<16xf32>,
    %broadcast_in_dim3A_397 = vector.broadcast %reduce_min3A_385 : i32 to vector<16xi32>
    %select_n3A_398 = arith.select %eq3A_388, %broadcast_in_dim3A_397, %get3A_392 : vector<16xi1>, vector<16xi32>
    %swap3A_399 = arith.constant 0 : index
    %swap3A_400 = tpu.vector_load %arg7[%swap3A_399] {strides = array<i32>} : memref<32xi32, #tpu.memory_space<vmem>>, vector<16xi32>,
    tpu.vector_store %arg7[%swap3A_399], %select_n3A_398 {strides = array<i32>} : memref<32xi32, #tpu.memory_space<vmem>>, vector<16xi32>,
    %reduce_max3A_401 = arith.constant true
    %reduce_max3A_402 = vector.broadcast %reduce_max3A_401 : i1 to vector<16xi1>
    %reduce_max3A_403 = tpu.scan <max>, %scan3A_335#2 masked %reduce_max3A_402 : vector<16xf32>, vector<16xi1> -> vector<16xf32>
    %reduce_max3A_404 = vector.extract %reduce_max3A_403[15] : f32 from vector<16xf32>
    %eq3A_405 = vector.broadcast %reduce_max3A_404 : f32 to vector<16xf32>
    %eq3A_406 = arith.cmpf oeq, %scan3A_335#2, %eq3A_405 : vector<16xf32>
    %jit3A_407 = arith.constant 1000000000 : i32
    %broadcast_in_dim3A_408 = vector.broadcast %jit3A_407 : i32 to vector<16xi32>
    %select_n3A_409 = arith.select %eq3A_406, %scan3A_335#10, %broadcast_in_dim3A_408 : vector<16xi1>, vector<16xi32>
    %reduce_min3A_410 = arith.constant true
    %reduce_min3A_411 = vector.broadcast %reduce_min3A_410 : i1 to vector<16xi1>
    %reduce_min3A_412 = arith.constant -2147483648 : i32
    %reduce_min3A_413 = vector.broadcast %reduce_min3A_412 : i32 to vector<16xi32>
    %reduce_min3A_414 = arith.xori %select_n3A_409, %reduce_min3A_413 : vector<16xi32>
    %reduce_min3A_415 = tpu.scan <min>, %reduce_min3A_414 masked %reduce_min3A_411 : vector<16xi32>, vector<16xi1> -> vector<16xi32>
    %reduce_min3A_416 = arith.xori %reduce_min3A_415, %reduce_min3A_413 : vector<16xi32>
    %reduce_min3A_417 = vector.extract %reduce_min3A_416[15] : i32 from vector<16xi32>
    %eq3A_418 = arith.constant 10 : i32
    %eq3A_419 = vector.broadcast %eq3A_418 : i32 to vector<16xi32>
    %eq3A_420 = arith.cmpi eq, %iota3A, %eq3A_419 : vector<16xi32>
    %get3A_421 = arith.constant 0 : index
    %get3A_422 = tpu.vector_load %arg6[%get3A_421] {strides = array<i32>} : memref<32xf32, #tpu.memory_space<vmem>>, vector<16xf32>,
    %get3A_423 = arith.constant 0 : index
    %get3A_424 = tpu.vector_load %arg7[%get3A_423] {strides = array<i32>} : memref<32xi32, #tpu.memory_space<vmem>>, vector<16xi32>,
    %broadcast_in_dim3A_425 = vector.broadcast %reduce_max3A_404 : f32 to vector<16xf32>
    %select_n3A_426 = arith.select %eq3A_420, %broadcast_in_dim3A_425, %get3A_422 : vector<16xi1>, vector<16xf32>
    %swap3A_427 = arith.constant 0 : index
    %swap3A_428 = tpu.vector_load %arg6[%swap3A_427] {strides = array<i32>} : memref<32xf32, #tpu.memory_space<vmem>>, vector<16xf32>,
    tpu.vector_store %arg6[%swap3A_427], %select_n3A_426 {strides = array<i32>} : memref<32xf32, #tpu.memory_space<vmem>>, vector<16xf32>,
    %broadcast_in_dim3A_429 = vector.broadcast %reduce_min3A_417 : i32 to vector<16xi32>
    %select_n3A_430 = arith.select %eq3A_420, %broadcast_in_dim3A_429, %get3A_424 : vector<16xi1>, vector<16xi32>
    %swap3A_431 = arith.constant 0 : index
    %swap3A_432 = tpu.vector_load %arg7[%swap3A_431] {strides = array<i32>} : memref<32xi32, #tpu.memory_space<vmem>>, vector<16xi32>,
    tpu.vector_store %arg7[%swap3A_431], %select_n3A_430 {strides = array<i32>} : memref<32xi32, #tpu.memory_space<vmem>>, vector<16xi32>,
    %reduce_max3A_433 = arith.constant true
    %reduce_max3A_434 = vector.broadcast %reduce_max3A_433 : i1 to vector<16xi1>
    %reduce_max3A_435 = tpu.scan <max>, %scan3A_335#3 masked %reduce_max3A_434 : vector<16xf32>, vector<16xi1> -> vector<16xf32>
    %reduce_max3A_436 = vector.extract %reduce_max3A_435[15] : f32 from vector<16xf32>
    %eq3A_437 = vector.broadcast %reduce_max3A_436 : f32 to vector<16xf32>
    %eq3A_438 = arith.cmpf oeq, %scan3A_335#3, %eq3A_437 : vector<16xf32>
    %jit3A_439 = arith.constant 1000000000 : i32
    %broadcast_in_dim3A_440 = vector.broadcast %jit3A_439 : i32 to vector<16xi32>
    %select_n3A_441 = arith.select %eq3A_438, %scan3A_335#11, %broadcast_in_dim3A_440 : vector<16xi1>, vector<16xi32>
    %reduce_min3A_442 = arith.constant true
    %reduce_min3A_443 = vector.broadcast %reduce_min3A_442 : i1 to vector<16xi1>
    %reduce_min3A_444 = arith.constant -2147483648 : i32
    %reduce_min3A_445 = vector.broadcast %reduce_min3A_444 : i32 to vector<16xi32>
    %reduce_min3A_446 = arith.xori %select_n3A_441, %reduce_min3A_445 : vector<16xi32>
    %reduce_min3A_447 = tpu.scan <min>, %reduce_min3A_446 masked %reduce_min3A_443 : vector<16xi32>, vector<16xi1> -> vector<16xi32>
    %reduce_min3A_448 = arith.xori %reduce_min3A_447, %reduce_min3A_445 : vector<16xi32>
    %reduce_min3A_449 = vector.extract %reduce_min3A_448[15] : i32 from vector<16xi32>
    %eq3A_450 = arith.constant 11 : i32
    %eq3A_451 = vector.broadcast %eq3A_450 : i32 to vector<16xi32>
    %eq3A_452 = arith.cmpi eq, %iota3A, %eq3A_451 : vector<16xi32>
    %get3A_453 = arith.constant 0 : index
    %get3A_454 = tpu.vector_load %arg6[%get3A_453] {strides = array<i32>} : memref<32xf32, #tpu.memory_space<vmem>>, vector<16xf32>,
    %get3A_455 = arith.constant 0 : index
    %get3A_456 = tpu.vector_load %arg7[%get3A_455] {strides = array<i32>} : memref<32xi32, #tpu.memory_space<vmem>>, vector<16xi32>,
    %broadcast_in_dim3A_457 = vector.broadcast %reduce_max3A_436 : f32 to vector<16xf32>
    %select_n3A_458 = arith.select %eq3A_452, %broadcast_in_dim3A_457, %get3A_454 : vector<16xi1>, vector<16xf32>
    %swap3A_459 = arith.constant 0 : index
    %swap3A_460 = tpu.vector_load %arg6[%swap3A_459] {strides = array<i32>} : memref<32xf32, #tpu.memory_space<vmem>>, vector<16xf32>,
    tpu.vector_store %arg6[%swap3A_459], %select_n3A_458 {strides = array<i32>} : memref<32xf32, #tpu.memory_space<vmem>>, vector<16xf32>,
    %broadcast_in_dim3A_461 = vector.broadcast %reduce_min3A_449 : i32 to vector<16xi32>
    %select_n3A_462 = arith.select %eq3A_452, %broadcast_in_dim3A_461, %get3A_456 : vector<16xi1>, vector<16xi32>
    %swap3A_463 = arith.constant 0 : index
    %swap3A_464 = tpu.vector_load %arg7[%swap3A_463] {strides = array<i32>} : memref<32xi32, #tpu.memory_space<vmem>>, vector<16xi32>,
    tpu.vector_store %arg7[%swap3A_463], %select_n3A_462 {strides = array<i32>} : memref<32xi32, #tpu.memory_space<vmem>>, vector<16xi32>,
    %reduce_max3A_465 = arith.constant true
    %reduce_max3A_466 = vector.broadcast %reduce_max3A_465 : i1 to vector<16xi1>
    %reduce_max3A_467 = tpu.scan <max>, %scan3A_335#4 masked %reduce_max3A_466 : vector<16xf32>, vector<16xi1> -> vector<16xf32>
    %reduce_max3A_468 = vector.extract %reduce_max3A_467[15] : f32 from vector<16xf32>
    %eq3A_469 = vector.broadcast %reduce_max3A_468 : f32 to vector<16xf32>
    %eq3A_470 = arith.cmpf oeq, %scan3A_335#4, %eq3A_469 : vector<16xf32>
    %jit3A_471 = arith.constant 1000000000 : i32
    %broadcast_in_dim3A_472 = vector.broadcast %jit3A_471 : i32 to vector<16xi32>
    %select_n3A_473 = arith.select %eq3A_470, %scan3A_335#12, %broadcast_in_dim3A_472 : vector<16xi1>, vector<16xi32>
    %reduce_min3A_474 = arith.constant true
    %reduce_min3A_475 = vector.broadcast %reduce_min3A_474 : i1 to vector<16xi1>
    %reduce_min3A_476 = arith.constant -2147483648 : i32
    %reduce_min3A_477 = vector.broadcast %reduce_min3A_476 : i32 to vector<16xi32>
    %reduce_min3A_478 = arith.xori %select_n3A_473, %reduce_min3A_477 : vector<16xi32>
    %reduce_min3A_479 = tpu.scan <min>, %reduce_min3A_478 masked %reduce_min3A_475 : vector<16xi32>, vector<16xi1> -> vector<16xi32>
    %reduce_min3A_480 = arith.xori %reduce_min3A_479, %reduce_min3A_477 : vector<16xi32>
    %reduce_min3A_481 = vector.extract %reduce_min3A_480[15] : i32 from vector<16xi32>
    %eq3A_482 = arith.constant 12 : i32
    %eq3A_483 = vector.broadcast %eq3A_482 : i32 to vector<16xi32>
    %eq3A_484 = arith.cmpi eq, %iota3A, %eq3A_483 : vector<16xi32>
    %get3A_485 = arith.constant 0 : index
    %get3A_486 = tpu.vector_load %arg6[%get3A_485] {strides = array<i32>} : memref<32xf32, #tpu.memory_space<vmem>>, vector<16xf32>,
    %get3A_487 = arith.constant 0 : index
    %get3A_488 = tpu.vector_load %arg7[%get3A_487] {strides = array<i32>} : memref<32xi32, #tpu.memory_space<vmem>>, vector<16xi32>,
    %broadcast_in_dim3A_489 = vector.broadcast %reduce_max3A_468 : f32 to vector<16xf32>
    %select_n3A_490 = arith.select %eq3A_484, %broadcast_in_dim3A_489, %get3A_486 : vector<16xi1>, vector<16xf32>
    %swap3A_491 = arith.constant 0 : index
    %swap3A_492 = tpu.vector_load %arg6[%swap3A_491] {strides = array<i32>} : memref<32xf32, #tpu.memory_space<vmem>>, vector<16xf32>,
    tpu.vector_store %arg6[%swap3A_491], %select_n3A_490 {strides = array<i32>} : memref<32xf32, #tpu.memory_space<vmem>>, vector<16xf32>,
    %broadcast_in_dim3A_493 = vector.broadcast %reduce_min3A_481 : i32 to vector<16xi32>
    %select_n3A_494 = arith.select %eq3A_484, %broadcast_in_dim3A_493, %get3A_488 : vector<16xi1>, vector<16xi32>
    %swap3A_495 = arith.constant 0 : index
    %swap3A_496 = tpu.vector_load %arg7[%swap3A_495] {strides = array<i32>} : memref<32xi32, #tpu.memory_space<vmem>>, vector<16xi32>,
    tpu.vector_store %arg7[%swap3A_495], %select_n3A_494 {strides = array<i32>} : memref<32xi32, #tpu.memory_space<vmem>>, vector<16xi32>,
    %reduce_max3A_497 = arith.constant true
    %reduce_max3A_498 = vector.broadcast %reduce_max3A_497 : i1 to vector<16xi1>
    %reduce_max3A_499 = tpu.scan <max>, %scan3A_335#5 masked %reduce_max3A_498 : vector<16xf32>, vector<16xi1> -> vector<16xf32>
    %reduce_max3A_500 = vector.extract %reduce_max3A_499[15] : f32 from vector<16xf32>
    %eq3A_501 = vector.broadcast %reduce_max3A_500 : f32 to vector<16xf32>
    %eq3A_502 = arith.cmpf oeq, %scan3A_335#5, %eq3A_501 : vector<16xf32>
    %jit3A_503 = arith.constant 1000000000 : i32
    %broadcast_in_dim3A_504 = vector.broadcast %jit3A_503 : i32 to vector<16xi32>
    %select_n3A_505 = arith.select %eq3A_502, %scan3A_335#13, %broadcast_in_dim3A_504 : vector<16xi1>, vector<16xi32>
    %reduce_min3A_506 = arith.constant true
    %reduce_min3A_507 = vector.broadcast %reduce_min3A_506 : i1 to vector<16xi1>
    %reduce_min3A_508 = arith.constant -2147483648 : i32
    %reduce_min3A_509 = vector.broadcast %reduce_min3A_508 : i32 to vector<16xi32>
    %reduce_min3A_510 = arith.xori %select_n3A_505, %reduce_min3A_509 : vector<16xi32>
    %reduce_min3A_511 = tpu.scan <min>, %reduce_min3A_510 masked %reduce_min3A_507 : vector<16xi32>, vector<16xi1> -> vector<16xi32>
    %reduce_min3A_512 = arith.xori %reduce_min3A_511, %reduce_min3A_509 : vector<16xi32>
    %reduce_min3A_513 = vector.extract %reduce_min3A_512[15] : i32 from vector<16xi32>
    %eq3A_514 = arith.constant 13 : i32
    %eq3A_515 = vector.broadcast %eq3A_514 : i32 to vector<16xi32>
    %eq3A_516 = arith.cmpi eq, %iota3A, %eq3A_515 : vector<16xi32>
    %get3A_517 = arith.constant 0 : index
    %get3A_518 = tpu.vector_load %arg6[%get3A_517] {strides = array<i32>} : memref<32xf32, #tpu.memory_space<vmem>>, vector<16xf32>,
    %get3A_519 = arith.constant 0 : index
    %get3A_520 = tpu.vector_load %arg7[%get3A_519] {strides = array<i32>} : memref<32xi32, #tpu.memory_space<vmem>>, vector<16xi32>,
    %broadcast_in_dim3A_521 = vector.broadcast %reduce_max3A_500 : f32 to vector<16xf32>
    %select_n3A_522 = arith.select %eq3A_516, %broadcast_in_dim3A_521, %get3A_518 : vector<16xi1>, vector<16xf32>
    %swap3A_523 = arith.constant 0 : index
    %swap3A_524 = tpu.vector_load %arg6[%swap3A_523] {strides = array<i32>} : memref<32xf32, #tpu.memory_space<vmem>>, vector<16xf32>,
    tpu.vector_store %arg6[%swap3A_523], %select_n3A_522 {strides = array<i32>} : memref<32xf32, #tpu.memory_space<vmem>>, vector<16xf32>,
    %broadcast_in_dim3A_525 = vector.broadcast %reduce_min3A_513 : i32 to vector<16xi32>
    %select_n3A_526 = arith.select %eq3A_516, %broadcast_in_dim3A_525, %get3A_520 : vector<16xi1>, vector<16xi32>
    %swap3A_527 = arith.constant 0 : index
    %swap3A_528 = tpu.vector_load %arg7[%swap3A_527] {strides = array<i32>} : memref<32xi32, #tpu.memory_space<vmem>>, vector<16xi32>,
    tpu.vector_store %arg7[%swap3A_527], %select_n3A_526 {strides = array<i32>} : memref<32xi32, #tpu.memory_space<vmem>>, vector<16xi32>,
    %reduce_max3A_529 = arith.constant true
    %reduce_max3A_530 = vector.broadcast %reduce_max3A_529 : i1 to vector<16xi1>
    %reduce_max3A_531 = tpu.scan <max>, %scan3A_335#6 masked %reduce_max3A_530 : vector<16xf32>, vector<16xi1> -> vector<16xf32>
    %reduce_max3A_532 = vector.extract %reduce_max3A_531[15] : f32 from vector<16xf32>
    %eq3A_533 = vector.broadcast %reduce_max3A_532 : f32 to vector<16xf32>
    %eq3A_534 = arith.cmpf oeq, %scan3A_335#6, %eq3A_533 : vector<16xf32>
    %jit3A_535 = arith.constant 1000000000 : i32
    %broadcast_in_dim3A_536 = vector.broadcast %jit3A_535 : i32 to vector<16xi32>
    %select_n3A_537 = arith.select %eq3A_534, %scan3A_335#14, %broadcast_in_dim3A_536 : vector<16xi1>, vector<16xi32>
    %reduce_min3A_538 = arith.constant true
    %reduce_min3A_539 = vector.broadcast %reduce_min3A_538 : i1 to vector<16xi1>
    %reduce_min3A_540 = arith.constant -2147483648 : i32
    %reduce_min3A_541 = vector.broadcast %reduce_min3A_540 : i32 to vector<16xi32>
    %reduce_min3A_542 = arith.xori %select_n3A_537, %reduce_min3A_541 : vector<16xi32>
    %reduce_min3A_543 = tpu.scan <min>, %reduce_min3A_542 masked %reduce_min3A_539 : vector<16xi32>, vector<16xi1> -> vector<16xi32>
    %reduce_min3A_544 = arith.xori %reduce_min3A_543, %reduce_min3A_541 : vector<16xi32>
    %reduce_min3A_545 = vector.extract %reduce_min3A_544[15] : i32 from vector<16xi32>
    %eq3A_546 = arith.constant 14 : i32
    %eq3A_547 = vector.broadcast %eq3A_546 : i32 to vector<16xi32>
    %eq3A_548 = arith.cmpi eq, %iota3A, %eq3A_547 : vector<16xi32>
    %get3A_549 = arith.constant 0 : index
    %get3A_550 = tpu.vector_load %arg6[%get3A_549] {strides = array<i32>} : memref<32xf32, #tpu.memory_space<vmem>>, vector<16xf32>,
    %get3A_551 = arith.constant 0 : index
    %get3A_552 = tpu.vector_load %arg7[%get3A_551] {strides = array<i32>} : memref<32xi32, #tpu.memory_space<vmem>>, vector<16xi32>,
    %broadcast_in_dim3A_553 = vector.broadcast %reduce_max3A_532 : f32 to vector<16xf32>
    %select_n3A_554 = arith.select %eq3A_548, %broadcast_in_dim3A_553, %get3A_550 : vector<16xi1>, vector<16xf32>
    %swap3A_555 = arith.constant 0 : index
    %swap3A_556 = tpu.vector_load %arg6[%swap3A_555] {strides = array<i32>} : memref<32xf32, #tpu.memory_space<vmem>>, vector<16xf32>,
    tpu.vector_store %arg6[%swap3A_555], %select_n3A_554 {strides = array<i32>} : memref<32xf32, #tpu.memory_space<vmem>>, vector<16xf32>,
    %broadcast_in_dim3A_557 = vector.broadcast %reduce_min3A_545 : i32 to vector<16xi32>
    %select_n3A_558 = arith.select %eq3A_548, %broadcast_in_dim3A_557, %get3A_552 : vector<16xi1>, vector<16xi32>
    %swap3A_559 = arith.constant 0 : index
    %swap3A_560 = tpu.vector_load %arg7[%swap3A_559] {strides = array<i32>} : memref<32xi32, #tpu.memory_space<vmem>>, vector<16xi32>,
    tpu.vector_store %arg7[%swap3A_559], %select_n3A_558 {strides = array<i32>} : memref<32xi32, #tpu.memory_space<vmem>>, vector<16xi32>,
    %reduce_max3A_561 = arith.constant true
    %reduce_max3A_562 = vector.broadcast %reduce_max3A_561 : i1 to vector<16xi1>
    %reduce_max3A_563 = tpu.scan <max>, %scan3A_335#7 masked %reduce_max3A_562 : vector<16xf32>, vector<16xi1> -> vector<16xf32>
    %reduce_max3A_564 = vector.extract %reduce_max3A_563[15] : f32 from vector<16xf32>
    %eq3A_565 = vector.broadcast %reduce_max3A_564 : f32 to vector<16xf32>
    %eq3A_566 = arith.cmpf oeq, %scan3A_335#7, %eq3A_565 : vector<16xf32>
    %jit3A_567 = arith.constant 1000000000 : i32
    %broadcast_in_dim3A_568 = vector.broadcast %jit3A_567 : i32 to vector<16xi32>
    %select_n3A_569 = arith.select %eq3A_566, %scan3A_335#15, %broadcast_in_dim3A_568 : vector<16xi1>, vector<16xi32>
    %reduce_min3A_570 = arith.constant true
    %reduce_min3A_571 = vector.broadcast %reduce_min3A_570 : i1 to vector<16xi1>
    %reduce_min3A_572 = arith.constant -2147483648 : i32
    %reduce_min3A_573 = vector.broadcast %reduce_min3A_572 : i32 to vector<16xi32>
    %reduce_min3A_574 = arith.xori %select_n3A_569, %reduce_min3A_573 : vector<16xi32>
    %reduce_min3A_575 = tpu.scan <min>, %reduce_min3A_574 masked %reduce_min3A_571 : vector<16xi32>, vector<16xi1> -> vector<16xi32>
    %reduce_min3A_576 = arith.xori %reduce_min3A_575, %reduce_min3A_573 : vector<16xi32>
    %reduce_min3A_577 = vector.extract %reduce_min3A_576[15] : i32 from vector<16xi32>
    %eq3A_578 = arith.constant 15 : i32
    %eq3A_579 = vector.broadcast %eq3A_578 : i32 to vector<16xi32>
    %eq3A_580 = arith.cmpi eq, %iota3A, %eq3A_579 : vector<16xi32>
    %get3A_581 = arith.constant 0 : index
    %get3A_582 = tpu.vector_load %arg6[%get3A_581] {strides = array<i32>} : memref<32xf32, #tpu.memory_space<vmem>>, vector<16xf32>,
    %get3A_583 = arith.constant 0 : index
    %get3A_584 = tpu.vector_load %arg7[%get3A_583] {strides = array<i32>} : memref<32xi32, #tpu.memory_space<vmem>>, vector<16xi32>,
    %broadcast_in_dim3A_585 = vector.broadcast %reduce_max3A_564 : f32 to vector<16xf32>
    %select_n3A_586 = arith.select %eq3A_580, %broadcast_in_dim3A_585, %get3A_582 : vector<16xi1>, vector<16xf32>
    %swap3A_587 = arith.constant 0 : index
    %swap3A_588 = tpu.vector_load %arg6[%swap3A_587] {strides = array<i32>} : memref<32xf32, #tpu.memory_space<vmem>>, vector<16xf32>,
    tpu.vector_store %arg6[%swap3A_587], %select_n3A_586 {strides = array<i32>} : memref<32xf32, #tpu.memory_space<vmem>>, vector<16xf32>,
    %broadcast_in_dim3A_589 = vector.broadcast %reduce_min3A_577 : i32 to vector<16xi32>
    %select_n3A_590 = arith.select %eq3A_580, %broadcast_in_dim3A_589, %get3A_584 : vector<16xi1>, vector<16xi32>
    %swap3A_591 = arith.constant 0 : index
    %swap3A_592 = tpu.vector_load %arg7[%swap3A_591] {strides = array<i32>} : memref<32xi32, #tpu.memory_space<vmem>>, vector<16xi32>,
    tpu.vector_store %arg7[%swap3A_591], %select_n3A_590 {strides = array<i32>} : memref<32xi32, #tpu.memory_space<vmem>>, vector<16xi32>,
    %add3A_593 = arith.constant 16 : i32
    %add3A_594 = arith.addi %mul3A_2, %add3A_593 : i32
    %dma_start3A_595 = arith.constant 0 : i32
    %dma_start3A_596 = arith.constant 0 : i32
    %dma_start3A_597 = arith.constant 0 : i32
    %dma_start3A_598 = arith.constant 0 : i32
    %dma_start3A_599 = tpu.memref_slice %arg5[%dma_start3A_595, %dma_start3A_597, %dma_start3A_598] : memref<2x8x2048xf32, #tpu.memory_space<vmem>> -> memref<1x8x2048xf32, #tpu.memory_space<vmem>>
    %dma_start3A_600 = tpu.memref_squeeze %dma_start3A_599 : memref<1x8x2048xf32, #tpu.memory_space<vmem>> -> memref<8x2048xf32, #tpu.memory_space<vmem>>
    %dma_start3A_601 = arith.constant 0 : i32
    %dma_start3A_602 = tpu.memref_slice %arg2[%add3A_594, %dma_start3A_601] : memref<1024x100000xf32, #tpu.memory_space<hbm>> -> memref<8x2048xf32, #tpu.memory_space<hbm>>
    %dma_start3A_603 = tpu.memref_slice %arg8[%dma_start3A_596] : memref<2x!tpu.dma_semaphore, #tpu.memory_space<semaphore_mem>> -> memref<1x!tpu.dma_semaphore, #tpu.memory_space<semaphore_mem>>
    %dma_start3A_604 = tpu.memref_squeeze %dma_start3A_603 : memref<1x!tpu.dma_semaphore, #tpu.memory_space<semaphore_mem>> -> memref<!tpu.dma_semaphore, #tpu.memory_space<semaphore_mem>>
    %dma_start3A_605 = arith.constant 0 : i32
    %dma_start3A_606 = arith.constant 0 : i32
    %dma_start3A_607 = tpu.memref_slice %arg5[%dma_start3A_595, %dma_start3A_605, %dma_start3A_606] : memref<2x8x2048xf32, #tpu.memory_space<vmem>> -> memref<1x8x2048xf32, #tpu.memory_space<vmem>>
    %dma_start3A_608 = tpu.memref_squeeze %dma_start3A_607 : memref<1x8x2048xf32, #tpu.memory_space<vmem>> -> memref<8x2048xf32, #tpu.memory_space<vmem>>
    %dma_start3A_609 = arith.constant 0 : i32
    %dma_start3A_610 = tpu.memref_slice %arg2[%add3A_594, %dma_start3A_609] : memref<1024x100000xf32, #tpu.memory_space<hbm>> -> memref<8x2048xf32, #tpu.memory_space<hbm>>
    tpu.enqueue_dma source(%dma_start3A_610 : memref<8x2048xf32, #tpu.memory_space<hbm>>) target(%dma_start3A_608 : memref<8x2048xf32, #tpu.memory_space<vmem>>) target_semaphore(%dma_start3A_604 : memref<!tpu.dma_semaphore, #tpu.memory_space<semaphore_mem>>)
    %dma_start3A_611 = arith.constant 1 : i32
    %dma_start3A_612 = arith.constant 1 : i32
    %dma_start3A_613 = arith.constant 0 : i32
    %dma_start3A_614 = arith.constant 0 : i32
    %dma_start3A_615 = tpu.memref_slice %arg5[%dma_start3A_611, %dma_start3A_613, %dma_start3A_614] : memref<2x8x2048xf32, #tpu.memory_space<vmem>> -> memref<1x8x2048xf32, #tpu.memory_space<vmem>>
    %dma_start3A_616 = tpu.memref_squeeze %dma_start3A_615 : memref<1x8x2048xf32, #tpu.memory_space<vmem>> -> memref<8x2048xf32, #tpu.memory_space<vmem>>
    %dma_start3A_617 = arith.constant 2048 : i32
    %dma_start3A_618 = tpu.memref_slice %arg2[%add3A_594, %dma_start3A_617] : memref<1024x100000xf32, #tpu.memory_space<hbm>> -> memref<8x2048xf32, #tpu.memory_space<hbm>>
    %dma_start3A_619 = tpu.memref_slice %arg8[%dma_start3A_612] : memref<2x!tpu.dma_semaphore, #tpu.memory_space<semaphore_mem>> -> memref<1x!tpu.dma_semaphore, #tpu.memory_space<semaphore_mem>>
    %dma_start3A_620 = tpu.memref_squeeze %dma_start3A_619 : memref<1x!tpu.dma_semaphore, #tpu.memory_space<semaphore_mem>> -> memref<!tpu.dma_semaphore, #tpu.memory_space<semaphore_mem>>
    %dma_start3A_621 = arith.constant 0 : i32
    %dma_start3A_622 = arith.constant 0 : i32
    %dma_start3A_623 = tpu.memref_slice %arg5[%dma_start3A_611, %dma_start3A_621, %dma_start3A_622] : memref<2x8x2048xf32, #tpu.memory_space<vmem>> -> memref<1x8x2048xf32, #tpu.memory_space<vmem>>
    %dma_start3A_624 = tpu.memref_squeeze %dma_start3A_623 : memref<1x8x2048xf32, #tpu.memory_space<vmem>> -> memref<8x2048xf32, #tpu.memory_space<vmem>>
    %dma_start3A_625 = arith.constant 2048 : i32
    %dma_start3A_626 = tpu.memref_slice %arg2[%add3A_594, %dma_start3A_625] : memref<1024x100000xf32, #tpu.memory_space<hbm>> -> memref<8x2048xf32, #tpu.memory_space<hbm>>
    tpu.enqueue_dma source(%dma_start3A_626 : memref<8x2048xf32, #tpu.memory_space<hbm>>) target(%dma_start3A_624 : memref<8x2048xf32, #tpu.memory_space<vmem>>) target_semaphore(%dma_start3A_620 : memref<!tpu.dma_semaphore, #tpu.memory_space<semaphore_mem>>)
    %broadcast_in_dim3A_627 = arith.constant 0xFF800000 : f32
    %broadcast_in_dim3A_628 = vector.broadcast %broadcast_in_dim3A_627 : f32 to vector<16xf32>
    %broadcast_in_dim3A_629 = arith.constant 0 : i32
    %broadcast_in_dim3A_630 = vector.broadcast %broadcast_in_dim3A_629 : i32 to vector<16xi32>
    %scan3A_631 = arith.constant 0 : i32
    %scan3A_632 = arith.constant 11 : i32
    %scan3A_633 = arith.addi %scan3A_631, %scan3A_632 : i32
    %scan3A_634 = arith.constant 1 : i32
    %scan3A_635:16 = scf.for %scan3A_1193 = %scan3A_631 to %scan3A_633 step %scan3A_634 iter_args(%scan3A_1194 = %broadcast_in_dim3A_628, %scan3A_1195 = %broadcast_in_dim3A_628, %scan3A_1196 = %broadcast_in_dim3A_628, %scan3A_1197 = %broadcast_in_dim3A_628, %scan3A_1198 = %broadcast_in_dim3A_628, %scan3A_1199 = %broadcast_in_dim3A_628, %scan3A_1200 = %broadcast_in_dim3A_628, %scan3A_1201 = %broadcast_in_dim3A_628, %scan3A_1202 = %broadcast_in_dim3A_630, %scan3A_1203 = %broadcast_in_dim3A_630, %scan3A_1204 = %broadcast_in_dim3A_630, %scan3A_1205 = %broadcast_in_dim3A_630, %scan3A_1206 = %broadcast_in_dim3A_630, %scan3A_1207 = %broadcast_in_dim3A_630, %scan3A_1208 = %broadcast_in_dim3A_630, %scan3A_1209 = %broadcast_in_dim3A_630) -> (vector<16xf32>, vector<16xf32>, vector<16xf32>, vector<16xf32>, vector<16xf32>, vector<16xf32>, vector<16xf32>, vector<16xf32>, vector<16xi32>, vector<16xi32>, vector<16xi32>, vector<16xi32>, vector<16xi32>, vector<16xi32>, vector<16xi32>, vector<16xi32>)  : i32 {
      %mul3A_1210 = arith.constant 2 : i32
      %mul3A_1211 = arith.muli %scan3A_1193, %mul3A_1210 : i32
      %add3A_1212 = arith.constant 0 : i32
      %add3A_1213 = arith.addi %mul3A_1211, %add3A_1212 : i32
      %dma_wait3A = arith.constant 0 : i32
      %dma_wait3A_1214 = arith.constant 0 : i32
      %dma_wait3A_1215 = arith.constant 0 : i32
      %dma_wait3A_1216 = arith.constant 0 : i32
      %dma_wait3A_1217 = tpu.memref_slice %arg5[%dma_wait3A, %dma_wait3A_1215, %dma_wait3A_1216] : memref<2x8x2048xf32, #tpu.memory_space<vmem>> -> memref<1x8x2048xf32, #tpu.memory_space<vmem>>
      %dma_wait3A_1218 = tpu.memref_squeeze %dma_wait3A_1217 : memref<1x8x2048xf32, #tpu.memory_space<vmem>> -> memref<8x2048xf32, #tpu.memory_space<vmem>>
      %dma_wait3A_1219 = arith.constant 0 : i32
      %dma_wait3A_1220 = arith.constant 0 : i32
      %dma_wait3A_1221 = tpu.memref_slice %arg2[%dma_wait3A_1219, %dma_wait3A_1220] : memref<1024x100000xf32, #tpu.memory_space<hbm>> -> memref<8x2048xf32, #tpu.memory_space<hbm>>
      %dma_wait3A_1222 = tpu.memref_slice %arg8[%dma_wait3A_1214] : memref<2x!tpu.dma_semaphore, #tpu.memory_space<semaphore_mem>> -> memref<1x!tpu.dma_semaphore, #tpu.memory_space<semaphore_mem>>
      %dma_wait3A_1223 = tpu.memref_squeeze %dma_wait3A_1222 : memref<1x!tpu.dma_semaphore, #tpu.memory_space<semaphore_mem>> -> memref<!tpu.dma_semaphore, #tpu.memory_space<semaphore_mem>>
      %dma_wait3A_1224 = arith.constant 0 : i32
      %dma_wait3A_1225 = arith.constant 0 : i32
      %dma_wait3A_1226 = tpu.memref_slice %arg5[%dma_wait3A, %dma_wait3A_1224, %dma_wait3A_1225] : memref<2x8x2048xf32, #tpu.memory_space<vmem>> -> memref<1x8x2048xf32, #tpu.memory_space<vmem>>
      %dma_wait3A_1227 = tpu.memref_squeeze %dma_wait3A_1226 : memref<1x8x2048xf32, #tpu.memory_space<vmem>> -> memref<8x2048xf32, #tpu.memory_space<vmem>>
      %dma_wait3A_1228 = arith.constant 0 : i32
      %dma_wait3A_1229 = arith.constant 0 : i32
      %dma_wait3A_1230 = tpu.memref_slice %arg2[%dma_wait3A_1228, %dma_wait3A_1229] : memref<1024x100000xf32, #tpu.memory_space<hbm>> -> memref<8x2048xf32, #tpu.memory_space<hbm>>
      tpu.wait_dma2 semaphore(%dma_wait3A_1223 : memref<!tpu.dma_semaphore, #tpu.memory_space<semaphore_mem>>) src(%dma_wait3A_1230 : memref<8x2048xf32, #tpu.memory_space<hbm>>) dst(%dma_wait3A_1227 : memref<8x2048xf32, #tpu.memory_space<vmem>>)
      %scan3A_1231 = arith.constant 0 : i32
      %scan3A_1232 = arith.constant 128 : i32
      %scan3A_1233 = arith.addi %scan3A_1231, %scan3A_1232 : i32
      %scan3A_1234 = arith.constant 1 : i32
      %scan3A_1235:16 = scf.for %scan3A_1276 = %scan3A_1231 to %scan3A_1233 step %scan3A_1234 iter_args(%scan3A_1277 = %scan3A_1194, %scan3A_1278 = %scan3A_1195, %scan3A_1279 = %scan3A_1196, %scan3A_1280 = %scan3A_1197, %scan3A_1281 = %scan3A_1198, %scan3A_1282 = %scan3A_1199, %scan3A_1283 = %scan3A_1200, %scan3A_1284 = %scan3A_1201, %scan3A_1285 = %scan3A_1202, %scan3A_1286 = %scan3A_1203, %scan3A_1287 = %scan3A_1204, %scan3A_1288 = %scan3A_1205, %scan3A_1289 = %scan3A_1206, %scan3A_1290 = %scan3A_1207, %scan3A_1291 = %scan3A_1208, %scan3A_1292 = %scan3A_1209) -> (vector<16xf32>, vector<16xf32>, vector<16xf32>, vector<16xf32>, vector<16xf32>, vector<16xf32>, vector<16xf32>, vector<16xf32>, vector<16xi32>, vector<16xi32>, vector<16xi32>, vector<16xi32>, vector<16xi32>, vector<16xi32>, vector<16xi32>, vector<16xi32>)  : i32 {
        %mul3A_1293 = arith.constant 2048 : i32
        %mul3A_1294 = arith.muli %add3A_1213, %mul3A_1293 : i32
        %mul3A_1295 = arith.constant 16 : i32
        %mul3A_1296 = arith.muli %scan3A_1276, %mul3A_1295 : i32
        %add3A_1297 = arith.addi %mul3A_1294, %mul3A_1296 : i32
        %add3A_1298 = vector.broadcast %add3A_1297 : i32 to vector<16xi32>
        %add3A_1299 = arith.addi %iota3A, %add3A_1298 : vector<16xi32>
        %mul3A_1300 = arith.constant 16 : i32
        %mul3A_1301 = arith.muli %scan3A_1276, %mul3A_1300 : i32
        %get3A_1302 = arith.constant 0 : i32
        %get3A_1303 = arith.constant 0 : i32
        %get3A_1304 = arith.index_cast %get3A_1302 : i32 to index
        %get3A_1305 = arith.index_cast %get3A_1303 : i32 to index
        %get3A_1306 = arith.index_cast %mul3A_1301 : i32 to index
        %get3A_1307 = tpu.vector_load %arg5[%get3A_1304, %get3A_1305, %get3A_1306] {strides = array<i32>} : memref<2x8x2048xf32, #tpu.memory_space<vmem>>, vector<16xf32>,
        %gt3A = arith.cmpf ogt, %get3A_1307, %scan3A_1277 : vector<16xf32>
        %select_n3A_1308 = arith.select %gt3A, %get3A_1307, %scan3A_1277 : vector<16xi1>, vector<16xf32>
        %select_n3A_1309 = arith.select %gt3A, %add3A_1299, %scan3A_1285 : vector<16xi1>, vector<16xi32>
        %mul3A_1310 = arith.constant 16 : i32
        %mul3A_1311 = arith.muli %scan3A_1276, %mul3A_1310 : i32
        %get3A_1312 = arith.constant 0 : i32
        %get3A_1313 = arith.constant 1 : i32
        %get3A_1314 = arith.index_cast %get3A_1312 : i32 to index
        %get3A_1315 = arith.index_cast %get3A_1313 : i32 to index
        %get3A_1316 = arith.index_cast %mul3A_1311 : i32 to index
        %get3A_1317 = tpu.vector_load %arg5[%get3A_1314, %get3A_1315, %get3A_1316] {strides = array<i32>} : memref<2x8x2048xf32, #tpu.memory_space<vmem>>, vector<16xf32>,
        %gt3A_1318 = arith.cmpf ogt, %get3A_1317, %scan3A_1278 : vector<16xf32>
        %select_n3A_1319 = arith.select %gt3A_1318, %get3A_1317, %scan3A_1278 : vector<16xi1>, vector<16xf32>
        %select_n3A_1320 = arith.select %gt3A_1318, %add3A_1299, %scan3A_1286 : vector<16xi1>, vector<16xi32>
        %mul3A_1321 = arith.constant 16 : i32
        %mul3A_1322 = arith.muli %scan3A_1276, %mul3A_1321 : i32
        %get3A_1323 = arith.constant 0 : i32
        %get3A_1324 = arith.constant 2 : i32
        %get3A_1325 = arith.index_cast %get3A_1323 : i32 to index
        %get3A_1326 = arith.index_cast %get3A_1324 : i32 to index
        %get3A_1327 = arith.index_cast %mul3A_1322 : i32 to index
        %get3A_1328 = tpu.vector_load %arg5[%get3A_1325, %get3A_1326, %get3A_1327] {strides = array<i32>} : memref<2x8x2048xf32, #tpu.memory_space<vmem>>, vector<16xf32>,
        %gt3A_1329 = arith.cmpf ogt, %get3A_1328, %scan3A_1279 : vector<16xf32>
        %select_n3A_1330 = arith.select %gt3A_1329, %get3A_1328, %scan3A_1279 : vector<16xi1>, vector<16xf32>
        %select_n3A_1331 = arith.select %gt3A_1329, %add3A_1299, %scan3A_1287 : vector<16xi1>, vector<16xi32>
        %mul3A_1332 = arith.constant 16 : i32
        %mul3A_1333 = arith.muli %scan3A_1276, %mul3A_1332 : i32
        %get3A_1334 = arith.constant 0 : i32
        %get3A_1335 = arith.constant 3 : i32
        %get3A_1336 = arith.index_cast %get3A_1334 : i32 to index
        %get3A_1337 = arith.index_cast %get3A_1335 : i32 to index
        %get3A_1338 = arith.index_cast %mul3A_1333 : i32 to index
        %get3A_1339 = tpu.vector_load %arg5[%get3A_1336, %get3A_1337, %get3A_1338] {strides = array<i32>} : memref<2x8x2048xf32, #tpu.memory_space<vmem>>, vector<16xf32>,
        %gt3A_1340 = arith.cmpf ogt, %get3A_1339, %scan3A_1280 : vector<16xf32>
        %select_n3A_1341 = arith.select %gt3A_1340, %get3A_1339, %scan3A_1280 : vector<16xi1>, vector<16xf32>
        %select_n3A_1342 = arith.select %gt3A_1340, %add3A_1299, %scan3A_1288 : vector<16xi1>, vector<16xi32>
        %mul3A_1343 = arith.constant 16 : i32
        %mul3A_1344 = arith.muli %scan3A_1276, %mul3A_1343 : i32
        %get3A_1345 = arith.constant 0 : i32
        %get3A_1346 = arith.constant 4 : i32
        %get3A_1347 = arith.index_cast %get3A_1345 : i32 to index
        %get3A_1348 = arith.index_cast %get3A_1346 : i32 to index
        %get3A_1349 = arith.index_cast %mul3A_1344 : i32 to index
        %get3A_1350 = tpu.vector_load %arg5[%get3A_1347, %get3A_1348, %get3A_1349] {strides = array<i32>} : memref<2x8x2048xf32, #tpu.memory_space<vmem>>, vector<16xf32>,
        %gt3A_1351 = arith.cmpf ogt, %get3A_1350, %scan3A_1281 : vector<16xf32>
        %select_n3A_1352 = arith.select %gt3A_1351, %get3A_1350, %scan3A_1281 : vector<16xi1>, vector<16xf32>
        %select_n3A_1353 = arith.select %gt3A_1351, %add3A_1299, %scan3A_1289 : vector<16xi1>, vector<16xi32>
        %mul3A_1354 = arith.constant 16 : i32
        %mul3A_1355 = arith.muli %scan3A_1276, %mul3A_1354 : i32
        %get3A_1356 = arith.constant 0 : i32
        %get3A_1357 = arith.constant 5 : i32
        %get3A_1358 = arith.index_cast %get3A_1356 : i32 to index
        %get3A_1359 = arith.index_cast %get3A_1357 : i32 to index
        %get3A_1360 = arith.index_cast %mul3A_1355 : i32 to index
        %get3A_1361 = tpu.vector_load %arg5[%get3A_1358, %get3A_1359, %get3A_1360] {strides = array<i32>} : memref<2x8x2048xf32, #tpu.memory_space<vmem>>, vector<16xf32>,
        %gt3A_1362 = arith.cmpf ogt, %get3A_1361, %scan3A_1282 : vector<16xf32>
        %select_n3A_1363 = arith.select %gt3A_1362, %get3A_1361, %scan3A_1282 : vector<16xi1>, vector<16xf32>
        %select_n3A_1364 = arith.select %gt3A_1362, %add3A_1299, %scan3A_1290 : vector<16xi1>, vector<16xi32>
        %mul3A_1365 = arith.constant 16 : i32
        %mul3A_1366 = arith.muli %scan3A_1276, %mul3A_1365 : i32
        %get3A_1367 = arith.constant 0 : i32
        %get3A_1368 = arith.constant 6 : i32
        %get3A_1369 = arith.index_cast %get3A_1367 : i32 to index
        %get3A_1370 = arith.index_cast %get3A_1368 : i32 to index
        %get3A_1371 = arith.index_cast %mul3A_1366 : i32 to index
        %get3A_1372 = tpu.vector_load %arg5[%get3A_1369, %get3A_1370, %get3A_1371] {strides = array<i32>} : memref<2x8x2048xf32, #tpu.memory_space<vmem>>, vector<16xf32>,
        %gt3A_1373 = arith.cmpf ogt, %get3A_1372, %scan3A_1283 : vector<16xf32>
        %select_n3A_1374 = arith.select %gt3A_1373, %get3A_1372, %scan3A_1283 : vector<16xi1>, vector<16xf32>
        %select_n3A_1375 = arith.select %gt3A_1373, %add3A_1299, %scan3A_1291 : vector<16xi1>, vector<16xi32>
        %mul3A_1376 = arith.constant 16 : i32
        %mul3A_1377 = arith.muli %scan3A_1276, %mul3A_1376 : i32
        %get3A_1378 = arith.constant 0 : i32
        %get3A_1379 = arith.constant 7 : i32
        %get3A_1380 = arith.index_cast %get3A_1378 : i32 to index
        %get3A_1381 = arith.index_cast %get3A_1379 : i32 to index
        %get3A_1382 = arith.index_cast %mul3A_1377 : i32 to index
        %get3A_1383 = tpu.vector_load %arg5[%get3A_1380, %get3A_1381, %get3A_1382] {strides = array<i32>} : memref<2x8x2048xf32, #tpu.memory_space<vmem>>, vector<16xf32>,
        %gt3A_1384 = arith.cmpf ogt, %get3A_1383, %scan3A_1284 : vector<16xf32>
        %select_n3A_1385 = arith.select %gt3A_1384, %get3A_1383, %scan3A_1284 : vector<16xi1>, vector<16xf32>
        %select_n3A_1386 = arith.select %gt3A_1384, %add3A_1299, %scan3A_1292 : vector<16xi1>, vector<16xi32>
        scf.yield %select_n3A_1308, %select_n3A_1319, %select_n3A_1330, %select_n3A_1341, %select_n3A_1352, %select_n3A_1363, %select_n3A_1374, %select_n3A_1385, %select_n3A_1309, %select_n3A_1320, %select_n3A_1331, %select_n3A_1342, %select_n3A_1353, %select_n3A_1364, %select_n3A_1375, %select_n3A_1386 : vector<16xf32>, vector<16xf32>, vector<16xf32>, vector<16xf32>, vector<16xf32>, vector<16xf32>, vector<16xf32>, vector<16xf32>, vector<16xi32>, vector<16xi32>, vector<16xi32>, vector<16xi32>, vector<16xi32>, vector<16xi32>, vector<16xi32>, vector<16xi32>
      }
      %scan3A_1236 = arith.constant 128 : i32
      %add3A_1237 = arith.constant 2 : i32
      %add3A_1238 = arith.addi %add3A_1213, %add3A_1237 : i32
      %lt3A = arith.constant 22 : i32
      %lt3A_1239 = arith.cmpi slt, %add3A_1238, %lt3A : i32
      %convert_element_type3A = arith.extui %lt3A_1239 : i1 to i32
      %cond3A = arith.constant 0 : i32
      %cond3A_1240 = arith.cmpi ne, %convert_element_type3A, %cond3A : i32
      scf.if %cond3A_1240 {
        %add3A_1276 = arith.constant 2 : i32
        %add3A_1277 = arith.addi %add3A_1213, %add3A_1276 : i32
        %mul3A_1278 = arith.constant 2048 : i32
        %mul3A_1279 = arith.muli %add3A_1277, %mul3A_1278 : i32
        %dma_start3A_1280 = arith.constant 0 : i32
        %dma_start3A_1281 = arith.constant 0 : i32
        %dma_start3A_1282 = arith.constant 0 : i32
        %dma_start3A_1283 = arith.constant 0 : i32
        %dma_start3A_1284 = tpu.memref_slice %arg5[%dma_start3A_1280, %dma_start3A_1282, %dma_start3A_1283] : memref<2x8x2048xf32, #tpu.memory_space<vmem>> -> memref<1x8x2048xf32, #tpu.memory_space<vmem>>
        %dma_start3A_1285 = tpu.memref_squeeze %dma_start3A_1284 : memref<1x8x2048xf32, #tpu.memory_space<vmem>> -> memref<8x2048xf32, #tpu.memory_space<vmem>>
        %dma_start3A_1286 = tpu.memref_slice %arg2[%add3A_594, %mul3A_1279] : memref<1024x100000xf32, #tpu.memory_space<hbm>> -> memref<8x2048xf32, #tpu.memory_space<hbm>>
        %dma_start3A_1287 = tpu.memref_slice %arg8[%dma_start3A_1281] : memref<2x!tpu.dma_semaphore, #tpu.memory_space<semaphore_mem>> -> memref<1x!tpu.dma_semaphore, #tpu.memory_space<semaphore_mem>>
        %dma_start3A_1288 = tpu.memref_squeeze %dma_start3A_1287 : memref<1x!tpu.dma_semaphore, #tpu.memory_space<semaphore_mem>> -> memref<!tpu.dma_semaphore, #tpu.memory_space<semaphore_mem>>
        %dma_start3A_1289 = arith.constant 0 : i32
        %dma_start3A_1290 = arith.constant 0 : i32
        %dma_start3A_1291 = tpu.memref_slice %arg5[%dma_start3A_1280, %dma_start3A_1289, %dma_start3A_1290] : memref<2x8x2048xf32, #tpu.memory_space<vmem>> -> memref<1x8x2048xf32, #tpu.memory_space<vmem>>
        %dma_start3A_1292 = tpu.memref_squeeze %dma_start3A_1291 : memref<1x8x2048xf32, #tpu.memory_space<vmem>> -> memref<8x2048xf32, #tpu.memory_space<vmem>>
        %dma_start3A_1293 = tpu.memref_slice %arg2[%add3A_594, %mul3A_1279] : memref<1024x100000xf32, #tpu.memory_space<hbm>> -> memref<8x2048xf32, #tpu.memory_space<hbm>>
        tpu.enqueue_dma source(%dma_start3A_1293 : memref<8x2048xf32, #tpu.memory_space<hbm>>) target(%dma_start3A_1292 : memref<8x2048xf32, #tpu.memory_space<vmem>>) target_semaphore(%dma_start3A_1288 : memref<!tpu.dma_semaphore, #tpu.memory_space<semaphore_mem>>)
      } else {
      }
      %mul3A_1241 = arith.constant 2 : i32
      %mul3A_1242 = arith.muli %scan3A_1193, %mul3A_1241 : i32
      %add3A_1243 = arith.constant 1 : i32
      %add3A_1244 = arith.addi %mul3A_1242, %add3A_1243 : i32
      %dma_wait3A_1245 = arith.constant 1 : i32
      %dma_wait3A_1246 = arith.constant 1 : i32
      %dma_wait3A_1247 = arith.constant 0 : i32
      %dma_wait3A_1248 = arith.constant 0 : i32
      %dma_wait3A_1249 = tpu.memref_slice %arg5[%dma_wait3A_1245, %dma_wait3A_1247, %dma_wait3A_1248] : memref<2x8x2048xf32, #tpu.memory_space<vmem>> -> memref<1x8x2048xf32, #tpu.memory_space<vmem>>
      %dma_wait3A_1250 = tpu.memref_squeeze %dma_wait3A_1249 : memref<1x8x2048xf32, #tpu.memory_space<vmem>> -> memref<8x2048xf32, #tpu.memory_space<vmem>>
      %dma_wait3A_1251 = arith.constant 0 : i32
      %dma_wait3A_1252 = arith.constant 0 : i32
      %dma_wait3A_1253 = tpu.memref_slice %arg2[%dma_wait3A_1251, %dma_wait3A_1252] : memref<1024x100000xf32, #tpu.memory_space<hbm>> -> memref<8x2048xf32, #tpu.memory_space<hbm>>
      %dma_wait3A_1254 = tpu.memref_slice %arg8[%dma_wait3A_1246] : memref<2x!tpu.dma_semaphore, #tpu.memory_space<semaphore_mem>> -> memref<1x!tpu.dma_semaphore, #tpu.memory_space<semaphore_mem>>
      %dma_wait3A_1255 = tpu.memref_squeeze %dma_wait3A_1254 : memref<1x!tpu.dma_semaphore, #tpu.memory_space<semaphore_mem>> -> memref<!tpu.dma_semaphore, #tpu.memory_space<semaphore_mem>>
      %dma_wait3A_1256 = arith.constant 0 : i32
      %dma_wait3A_1257 = arith.constant 0 : i32
      %dma_wait3A_1258 = tpu.memref_slice %arg5[%dma_wait3A_1245, %dma_wait3A_1256, %dma_wait3A_1257] : memref<2x8x2048xf32, #tpu.memory_space<vmem>> -> memref<1x8x2048xf32, #tpu.memory_space<vmem>>
      %dma_wait3A_1259 = tpu.memref_squeeze %dma_wait3A_1258 : memref<1x8x2048xf32, #tpu.memory_space<vmem>> -> memref<8x2048xf32, #tpu.memory_space<vmem>>
      %dma_wait3A_1260 = arith.constant 0 : i32
      %dma_wait3A_1261 = arith.constant 0 : i32
      %dma_wait3A_1262 = tpu.memref_slice %arg2[%dma_wait3A_1260, %dma_wait3A_1261] : memref<1024x100000xf32, #tpu.memory_space<hbm>> -> memref<8x2048xf32, #tpu.memory_space<hbm>>
      tpu.wait_dma2 semaphore(%dma_wait3A_1255 : memref<!tpu.dma_semaphore, #tpu.memory_space<semaphore_mem>>) src(%dma_wait3A_1262 : memref<8x2048xf32, #tpu.memory_space<hbm>>) dst(%dma_wait3A_1259 : memref<8x2048xf32, #tpu.memory_space<vmem>>)
      %scan3A_1263 = arith.constant 0 : i32
      %scan3A_1264 = arith.constant 128 : i32
      %scan3A_1265 = arith.addi %scan3A_1263, %scan3A_1264 : i32
      %scan3A_1266 = arith.constant 1 : i32
      %scan3A_1267:16 = scf.for %scan3A_1276 = %scan3A_1263 to %scan3A_1265 step %scan3A_1266 iter_args(%scan3A_1277 = %scan3A_1235#0, %scan3A_1278 = %scan3A_1235#1, %scan3A_1279 = %scan3A_1235#2, %scan3A_1280 = %scan3A_1235#3, %scan3A_1281 = %scan3A_1235#4, %scan3A_1282 = %scan3A_1235#5, %scan3A_1283 = %scan3A_1235#6, %scan3A_1284 = %scan3A_1235#7, %scan3A_1285 = %scan3A_1235#8, %scan3A_1286 = %scan3A_1235#9, %scan3A_1287 = %scan3A_1235#10, %scan3A_1288 = %scan3A_1235#11, %scan3A_1289 = %scan3A_1235#12, %scan3A_1290 = %scan3A_1235#13, %scan3A_1291 = %scan3A_1235#14, %scan3A_1292 = %scan3A_1235#15) -> (vector<16xf32>, vector<16xf32>, vector<16xf32>, vector<16xf32>, vector<16xf32>, vector<16xf32>, vector<16xf32>, vector<16xf32>, vector<16xi32>, vector<16xi32>, vector<16xi32>, vector<16xi32>, vector<16xi32>, vector<16xi32>, vector<16xi32>, vector<16xi32>)  : i32 {
        %mul3A_1293 = arith.constant 2048 : i32
        %mul3A_1294 = arith.muli %add3A_1244, %mul3A_1293 : i32
        %mul3A_1295 = arith.constant 16 : i32
        %mul3A_1296 = arith.muli %scan3A_1276, %mul3A_1295 : i32
        %add3A_1297 = arith.addi %mul3A_1294, %mul3A_1296 : i32
        %add3A_1298 = vector.broadcast %add3A_1297 : i32 to vector<16xi32>
        %add3A_1299 = arith.addi %iota3A, %add3A_1298 : vector<16xi32>
        %mul3A_1300 = arith.constant 16 : i32
        %mul3A_1301 = arith.muli %scan3A_1276, %mul3A_1300 : i32
        %get3A_1302 = arith.constant 1 : i32
        %get3A_1303 = arith.constant 0 : i32
        %get3A_1304 = arith.index_cast %get3A_1302 : i32 to index
        %get3A_1305 = arith.index_cast %get3A_1303 : i32 to index
        %get3A_1306 = arith.index_cast %mul3A_1301 : i32 to index
        %get3A_1307 = tpu.vector_load %arg5[%get3A_1304, %get3A_1305, %get3A_1306] {strides = array<i32>} : memref<2x8x2048xf32, #tpu.memory_space<vmem>>, vector<16xf32>,
        %gt3A = arith.cmpf ogt, %get3A_1307, %scan3A_1277 : vector<16xf32>
        %select_n3A_1308 = arith.select %gt3A, %get3A_1307, %scan3A_1277 : vector<16xi1>, vector<16xf32>
        %select_n3A_1309 = arith.select %gt3A, %add3A_1299, %scan3A_1285 : vector<16xi1>, vector<16xi32>
        %mul3A_1310 = arith.constant 16 : i32
        %mul3A_1311 = arith.muli %scan3A_1276, %mul3A_1310 : i32
        %get3A_1312 = arith.constant 1 : i32
        %get3A_1313 = arith.constant 1 : i32
        %get3A_1314 = arith.index_cast %get3A_1312 : i32 to index
        %get3A_1315 = arith.index_cast %get3A_1313 : i32 to index
        %get3A_1316 = arith.index_cast %mul3A_1311 : i32 to index
        %get3A_1317 = tpu.vector_load %arg5[%get3A_1314, %get3A_1315, %get3A_1316] {strides = array<i32>} : memref<2x8x2048xf32, #tpu.memory_space<vmem>>, vector<16xf32>,
        %gt3A_1318 = arith.cmpf ogt, %get3A_1317, %scan3A_1278 : vector<16xf32>
        %select_n3A_1319 = arith.select %gt3A_1318, %get3A_1317, %scan3A_1278 : vector<16xi1>, vector<16xf32>
        %select_n3A_1320 = arith.select %gt3A_1318, %add3A_1299, %scan3A_1286 : vector<16xi1>, vector<16xi32>
        %mul3A_1321 = arith.constant 16 : i32
        %mul3A_1322 = arith.muli %scan3A_1276, %mul3A_1321 : i32
        %get3A_1323 = arith.constant 1 : i32
        %get3A_1324 = arith.constant 2 : i32
        %get3A_1325 = arith.index_cast %get3A_1323 : i32 to index
        %get3A_1326 = arith.index_cast %get3A_1324 : i32 to index
        %get3A_1327 = arith.index_cast %mul3A_1322 : i32 to index
        %get3A_1328 = tpu.vector_load %arg5[%get3A_1325, %get3A_1326, %get3A_1327] {strides = array<i32>} : memref<2x8x2048xf32, #tpu.memory_space<vmem>>, vector<16xf32>,
        %gt3A_1329 = arith.cmpf ogt, %get3A_1328, %scan3A_1279 : vector<16xf32>
        %select_n3A_1330 = arith.select %gt3A_1329, %get3A_1328, %scan3A_1279 : vector<16xi1>, vector<16xf32>
        %select_n3A_1331 = arith.select %gt3A_1329, %add3A_1299, %scan3A_1287 : vector<16xi1>, vector<16xi32>
        %mul3A_1332 = arith.constant 16 : i32
        %mul3A_1333 = arith.muli %scan3A_1276, %mul3A_1332 : i32
        %get3A_1334 = arith.constant 1 : i32
        %get3A_1335 = arith.constant 3 : i32
        %get3A_1336 = arith.index_cast %get3A_1334 : i32 to index
        %get3A_1337 = arith.index_cast %get3A_1335 : i32 to index
        %get3A_1338 = arith.index_cast %mul3A_1333 : i32 to index
        %get3A_1339 = tpu.vector_load %arg5[%get3A_1336, %get3A_1337, %get3A_1338] {strides = array<i32>} : memref<2x8x2048xf32, #tpu.memory_space<vmem>>, vector<16xf32>,
        %gt3A_1340 = arith.cmpf ogt, %get3A_1339, %scan3A_1280 : vector<16xf32>
        %select_n3A_1341 = arith.select %gt3A_1340, %get3A_1339, %scan3A_1280 : vector<16xi1>, vector<16xf32>
        %select_n3A_1342 = arith.select %gt3A_1340, %add3A_1299, %scan3A_1288 : vector<16xi1>, vector<16xi32>
        %mul3A_1343 = arith.constant 16 : i32
        %mul3A_1344 = arith.muli %scan3A_1276, %mul3A_1343 : i32
        %get3A_1345 = arith.constant 1 : i32
        %get3A_1346 = arith.constant 4 : i32
        %get3A_1347 = arith.index_cast %get3A_1345 : i32 to index
        %get3A_1348 = arith.index_cast %get3A_1346 : i32 to index
        %get3A_1349 = arith.index_cast %mul3A_1344 : i32 to index
        %get3A_1350 = tpu.vector_load %arg5[%get3A_1347, %get3A_1348, %get3A_1349] {strides = array<i32>} : memref<2x8x2048xf32, #tpu.memory_space<vmem>>, vector<16xf32>,
        %gt3A_1351 = arith.cmpf ogt, %get3A_1350, %scan3A_1281 : vector<16xf32>
        %select_n3A_1352 = arith.select %gt3A_1351, %get3A_1350, %scan3A_1281 : vector<16xi1>, vector<16xf32>
        %select_n3A_1353 = arith.select %gt3A_1351, %add3A_1299, %scan3A_1289 : vector<16xi1>, vector<16xi32>
        %mul3A_1354 = arith.constant 16 : i32
        %mul3A_1355 = arith.muli %scan3A_1276, %mul3A_1354 : i32
        %get3A_1356 = arith.constant 1 : i32
        %get3A_1357 = arith.constant 5 : i32
        %get3A_1358 = arith.index_cast %get3A_1356 : i32 to index
        %get3A_1359 = arith.index_cast %get3A_1357 : i32 to index
        %get3A_1360 = arith.index_cast %mul3A_1355 : i32 to index
        %get3A_1361 = tpu.vector_load %arg5[%get3A_1358, %get3A_1359, %get3A_1360] {strides = array<i32>} : memref<2x8x2048xf32, #tpu.memory_space<vmem>>, vector<16xf32>,
        %gt3A_1362 = arith.cmpf ogt, %get3A_1361, %scan3A_1282 : vector<16xf32>
        %select_n3A_1363 = arith.select %gt3A_1362, %get3A_1361, %scan3A_1282 : vector<16xi1>, vector<16xf32>
        %select_n3A_1364 = arith.select %gt3A_1362, %add3A_1299, %scan3A_1290 : vector<16xi1>, vector<16xi32>
        %mul3A_1365 = arith.constant 16 : i32
        %mul3A_1366 = arith.muli %scan3A_1276, %mul3A_1365 : i32
        %get3A_1367 = arith.constant 1 : i32
        %get3A_1368 = arith.constant 6 : i32
        %get3A_1369 = arith.index_cast %get3A_1367 : i32 to index
        %get3A_1370 = arith.index_cast %get3A_1368 : i32 to index
        %get3A_1371 = arith.index_cast %mul3A_1366 : i32 to index
        %get3A_1372 = tpu.vector_load %arg5[%get3A_1369, %get3A_1370, %get3A_1371] {strides = array<i32>} : memref<2x8x2048xf32, #tpu.memory_space<vmem>>, vector<16xf32>,
        %gt3A_1373 = arith.cmpf ogt, %get3A_1372, %scan3A_1283 : vector<16xf32>
        %select_n3A_1374 = arith.select %gt3A_1373, %get3A_1372, %scan3A_1283 : vector<16xi1>, vector<16xf32>
        %select_n3A_1375 = arith.select %gt3A_1373, %add3A_1299, %scan3A_1291 : vector<16xi1>, vector<16xi32>
        %mul3A_1376 = arith.constant 16 : i32
        %mul3A_1377 = arith.muli %scan3A_1276, %mul3A_1376 : i32
        %get3A_1378 = arith.constant 1 : i32
        %get3A_1379 = arith.constant 7 : i32
        %get3A_1380 = arith.index_cast %get3A_1378 : i32 to index
        %get3A_1381 = arith.index_cast %get3A_1379 : i32 to index
        %get3A_1382 = arith.index_cast %mul3A_1377 : i32 to index
        %get3A_1383 = tpu.vector_load %arg5[%get3A_1380, %get3A_1381, %get3A_1382] {strides = array<i32>} : memref<2x8x2048xf32, #tpu.memory_space<vmem>>, vector<16xf32>,
        %gt3A_1384 = arith.cmpf ogt, %get3A_1383, %scan3A_1284 : vector<16xf32>
        %select_n3A_1385 = arith.select %gt3A_1384, %get3A_1383, %scan3A_1284 : vector<16xi1>, vector<16xf32>
        %select_n3A_1386 = arith.select %gt3A_1384, %add3A_1299, %scan3A_1292 : vector<16xi1>, vector<16xi32>
        scf.yield %select_n3A_1308, %select_n3A_1319, %select_n3A_1330, %select_n3A_1341, %select_n3A_1352, %select_n3A_1363, %select_n3A_1374, %select_n3A_1385, %select_n3A_1309, %select_n3A_1320, %select_n3A_1331, %select_n3A_1342, %select_n3A_1353, %select_n3A_1364, %select_n3A_1375, %select_n3A_1386 : vector<16xf32>, vector<16xf32>, vector<16xf32>, vector<16xf32>, vector<16xf32>, vector<16xf32>, vector<16xf32>, vector<16xf32>, vector<16xi32>, vector<16xi32>, vector<16xi32>, vector<16xi32>, vector<16xi32>, vector<16xi32>, vector<16xi32>, vector<16xi32>
      }
      %scan3A_1268 = arith.constant 128 : i32
      %add3A_1269 = arith.constant 2 : i32
      %add3A_1270 = arith.addi %add3A_1244, %add3A_1269 : i32
      %lt3A_1271 = arith.constant 22 : i32
      %lt3A_1272 = arith.cmpi slt, %add3A_1270, %lt3A_1271 : i32
      %convert_element_type3A_1273 = arith.extui %lt3A_1272 : i1 to i32
      %cond3A_1274 = arith.constant 0 : i32
      %cond3A_1275 = arith.cmpi ne, %convert_element_type3A_1273, %cond3A_1274 : i32
      scf.if %cond3A_1275 {
        %add3A_1276 = arith.constant 2 : i32
        %add3A_1277 = arith.addi %add3A_1244, %add3A_1276 : i32
        %mul3A_1278 = arith.constant 2048 : i32
        %mul3A_1279 = arith.muli %add3A_1277, %mul3A_1278 : i32
        %dma_start3A_1280 = arith.constant 1 : i32
        %dma_start3A_1281 = arith.constant 1 : i32
        %dma_start3A_1282 = arith.constant 0 : i32
        %dma_start3A_1283 = arith.constant 0 : i32
        %dma_start3A_1284 = tpu.memref_slice %arg5[%dma_start3A_1280, %dma_start3A_1282, %dma_start3A_1283] : memref<2x8x2048xf32, #tpu.memory_space<vmem>> -> memref<1x8x2048xf32, #tpu.memory_space<vmem>>
        %dma_start3A_1285 = tpu.memref_squeeze %dma_start3A_1284 : memref<1x8x2048xf32, #tpu.memory_space<vmem>> -> memref<8x2048xf32, #tpu.memory_space<vmem>>
        %dma_start3A_1286 = tpu.memref_slice %arg2[%add3A_594, %mul3A_1279] : memref<1024x100000xf32, #tpu.memory_space<hbm>> -> memref<8x2048xf32, #tpu.memory_space<hbm>>
        %dma_start3A_1287 = tpu.memref_slice %arg8[%dma_start3A_1281] : memref<2x!tpu.dma_semaphore, #tpu.memory_space<semaphore_mem>> -> memref<1x!tpu.dma_semaphore, #tpu.memory_space<semaphore_mem>>
        %dma_start3A_1288 = tpu.memref_squeeze %dma_start3A_1287 : memref<1x!tpu.dma_semaphore, #tpu.memory_space<semaphore_mem>> -> memref<!tpu.dma_semaphore, #tpu.memory_space<semaphore_mem>>
        %dma_start3A_1289 = arith.constant 0 : i32
        %dma_start3A_1290 = arith.constant 0 : i32
        %dma_start3A_1291 = tpu.memref_slice %arg5[%dma_start3A_1280, %dma_start3A_1289, %dma_start3A_1290] : memref<2x8x2048xf32, #tpu.memory_space<vmem>> -> memref<1x8x2048xf32, #tpu.memory_space<vmem>>
        %dma_start3A_1292 = tpu.memref_squeeze %dma_start3A_1291 : memref<1x8x2048xf32, #tpu.memory_space<vmem>> -> memref<8x2048xf32, #tpu.memory_space<vmem>>
        %dma_start3A_1293 = tpu.memref_slice %arg2[%add3A_594, %mul3A_1279] : memref<1024x100000xf32, #tpu.memory_space<hbm>> -> memref<8x2048xf32, #tpu.memory_space<hbm>>
        tpu.enqueue_dma source(%dma_start3A_1293 : memref<8x2048xf32, #tpu.memory_space<hbm>>) target(%dma_start3A_1292 : memref<8x2048xf32, #tpu.memory_space<vmem>>) target_semaphore(%dma_start3A_1288 : memref<!tpu.dma_semaphore, #tpu.memory_space<semaphore_mem>>)
      } else {
      }
      scf.yield %scan3A_1267#0, %scan3A_1267#1, %scan3A_1267#2, %scan3A_1267#3, %scan3A_1267#4, %scan3A_1267#5, %scan3A_1267#6, %scan3A_1267#7, %scan3A_1267#8, %scan3A_1267#9, %scan3A_1267#10, %scan3A_1267#11, %scan3A_1267#12, %scan3A_1267#13, %scan3A_1267#14, %scan3A_1267#15 : vector<16xf32>, vector<16xf32>, vector<16xf32>, vector<16xf32>, vector<16xf32>, vector<16xf32>, vector<16xf32>, vector<16xf32>, vector<16xi32>, vector<16xi32>, vector<16xi32>, vector<16xi32>, vector<16xi32>, vector<16xi32>, vector<16xi32>, vector<16xi32>
    }
    %scan3A_636 = arith.constant 11 : i32
    %reduce_max3A_637 = arith.constant true
    %reduce_max3A_638 = vector.broadcast %reduce_max3A_637 : i1 to vector<16xi1>
    %reduce_max3A_639 = tpu.scan <max>, %scan3A_635#0 masked %reduce_max3A_638 : vector<16xf32>, vector<16xi1> -> vector<16xf32>
    %reduce_max3A_640 = vector.extract %reduce_max3A_639[15] : f32 from vector<16xf32>
    %eq3A_641 = vector.broadcast %reduce_max3A_640 : f32 to vector<16xf32>
    %eq3A_642 = arith.cmpf oeq, %scan3A_635#0, %eq3A_641 : vector<16xf32>
    %jit3A_643 = arith.constant 1000000000 : i32
    %broadcast_in_dim3A_644 = vector.broadcast %jit3A_643 : i32 to vector<16xi32>
    %select_n3A_645 = arith.select %eq3A_642, %scan3A_635#8, %broadcast_in_dim3A_644 : vector<16xi1>, vector<16xi32>
    %reduce_min3A_646 = arith.constant true
    %reduce_min3A_647 = vector.broadcast %reduce_min3A_646 : i1 to vector<16xi1>
    %reduce_min3A_648 = arith.constant -2147483648 : i32
    %reduce_min3A_649 = vector.broadcast %reduce_min3A_648 : i32 to vector<16xi32>
    %reduce_min3A_650 = arith.xori %select_n3A_645, %reduce_min3A_649 : vector<16xi32>
    %reduce_min3A_651 = tpu.scan <min>, %reduce_min3A_650 masked %reduce_min3A_647 : vector<16xi32>, vector<16xi1> -> vector<16xi32>
    %reduce_min3A_652 = arith.xori %reduce_min3A_651, %reduce_min3A_649 : vector<16xi32>
    %reduce_min3A_653 = vector.extract %reduce_min3A_652[15] : i32 from vector<16xi32>
    %eq3A_654 = arith.constant 0 : i32
    %eq3A_655 = vector.broadcast %eq3A_654 : i32 to vector<16xi32>
    %eq3A_656 = arith.cmpi eq, %iota3A, %eq3A_655 : vector<16xi32>
    %get3A_657 = arith.constant 16 : index
    %get3A_658 = tpu.vector_load %arg6[%get3A_657] {strides = array<i32>} : memref<32xf32, #tpu.memory_space<vmem>>, vector<16xf32>,
    %get3A_659 = arith.constant 16 : index
    %get3A_660 = tpu.vector_load %arg7[%get3A_659] {strides = array<i32>} : memref<32xi32, #tpu.memory_space<vmem>>, vector<16xi32>,
    %broadcast_in_dim3A_661 = vector.broadcast %reduce_max3A_640 : f32 to vector<16xf32>
    %select_n3A_662 = arith.select %eq3A_656, %broadcast_in_dim3A_661, %get3A_658 : vector<16xi1>, vector<16xf32>
    %swap3A_663 = arith.constant 16 : index
    %swap3A_664 = tpu.vector_load %arg6[%swap3A_663] {strides = array<i32>} : memref<32xf32, #tpu.memory_space<vmem>>, vector<16xf32>,
    tpu.vector_store %arg6[%swap3A_663], %select_n3A_662 {strides = array<i32>} : memref<32xf32, #tpu.memory_space<vmem>>, vector<16xf32>,
    %broadcast_in_dim3A_665 = vector.broadcast %reduce_min3A_653 : i32 to vector<16xi32>
    %select_n3A_666 = arith.select %eq3A_656, %broadcast_in_dim3A_665, %get3A_660 : vector<16xi1>, vector<16xi32>
    %swap3A_667 = arith.constant 16 : index
    %swap3A_668 = tpu.vector_load %arg7[%swap3A_667] {strides = array<i32>} : memref<32xi32, #tpu.memory_space<vmem>>, vector<16xi32>,
    tpu.vector_store %arg7[%swap3A_667], %select_n3A_666 {strides = array<i32>} : memref<32xi32, #tpu.memory_space<vmem>>, vector<16xi32>,
    %reduce_max3A_669 = arith.constant true
    %reduce_max3A_670 = vector.broadcast %reduce_max3A_669 : i1 to vector<16xi1>
    %reduce_max3A_671 = tpu.scan <max>, %scan3A_635#1 masked %reduce_max3A_670 : vector<16xf32>, vector<16xi1> -> vector<16xf32>
    %reduce_max3A_672 = vector.extract %reduce_max3A_671[15] : f32 from vector<16xf32>
    %eq3A_673 = vector.broadcast %reduce_max3A_672 : f32 to vector<16xf32>
    %eq3A_674 = arith.cmpf oeq, %scan3A_635#1, %eq3A_673 : vector<16xf32>
    %jit3A_675 = arith.constant 1000000000 : i32
    %broadcast_in_dim3A_676 = vector.broadcast %jit3A_675 : i32 to vector<16xi32>
    %select_n3A_677 = arith.select %eq3A_674, %scan3A_635#9, %broadcast_in_dim3A_676 : vector<16xi1>, vector<16xi32>
    %reduce_min3A_678 = arith.constant true
    %reduce_min3A_679 = vector.broadcast %reduce_min3A_678 : i1 to vector<16xi1>
    %reduce_min3A_680 = arith.constant -2147483648 : i32
    %reduce_min3A_681 = vector.broadcast %reduce_min3A_680 : i32 to vector<16xi32>
    %reduce_min3A_682 = arith.xori %select_n3A_677, %reduce_min3A_681 : vector<16xi32>
    %reduce_min3A_683 = tpu.scan <min>, %reduce_min3A_682 masked %reduce_min3A_679 : vector<16xi32>, vector<16xi1> -> vector<16xi32>
    %reduce_min3A_684 = arith.xori %reduce_min3A_683, %reduce_min3A_681 : vector<16xi32>
    %reduce_min3A_685 = vector.extract %reduce_min3A_684[15] : i32 from vector<16xi32>
    %eq3A_686 = arith.constant 1 : i32
    %eq3A_687 = vector.broadcast %eq3A_686 : i32 to vector<16xi32>
    %eq3A_688 = arith.cmpi eq, %iota3A, %eq3A_687 : vector<16xi32>
    %get3A_689 = arith.constant 16 : index
    %get3A_690 = tpu.vector_load %arg6[%get3A_689] {strides = array<i32>} : memref<32xf32, #tpu.memory_space<vmem>>, vector<16xf32>,
    %get3A_691 = arith.constant 16 : index
    %get3A_692 = tpu.vector_load %arg7[%get3A_691] {strides = array<i32>} : memref<32xi32, #tpu.memory_space<vmem>>, vector<16xi32>,
    %broadcast_in_dim3A_693 = vector.broadcast %reduce_max3A_672 : f32 to vector<16xf32>
    %select_n3A_694 = arith.select %eq3A_688, %broadcast_in_dim3A_693, %get3A_690 : vector<16xi1>, vector<16xf32>
    %swap3A_695 = arith.constant 16 : index
    %swap3A_696 = tpu.vector_load %arg6[%swap3A_695] {strides = array<i32>} : memref<32xf32, #tpu.memory_space<vmem>>, vector<16xf32>,
    tpu.vector_store %arg6[%swap3A_695], %select_n3A_694 {strides = array<i32>} : memref<32xf32, #tpu.memory_space<vmem>>, vector<16xf32>,
    %broadcast_in_dim3A_697 = vector.broadcast %reduce_min3A_685 : i32 to vector<16xi32>
    %select_n3A_698 = arith.select %eq3A_688, %broadcast_in_dim3A_697, %get3A_692 : vector<16xi1>, vector<16xi32>
    %swap3A_699 = arith.constant 16 : index
    %swap3A_700 = tpu.vector_load %arg7[%swap3A_699] {strides = array<i32>} : memref<32xi32, #tpu.memory_space<vmem>>, vector<16xi32>,
    tpu.vector_store %arg7[%swap3A_699], %select_n3A_698 {strides = array<i32>} : memref<32xi32, #tpu.memory_space<vmem>>, vector<16xi32>,
    %reduce_max3A_701 = arith.constant true
    %reduce_max3A_702 = vector.broadcast %reduce_max3A_701 : i1 to vector<16xi1>
    %reduce_max3A_703 = tpu.scan <max>, %scan3A_635#2 masked %reduce_max3A_702 : vector<16xf32>, vector<16xi1> -> vector<16xf32>
    %reduce_max3A_704 = vector.extract %reduce_max3A_703[15] : f32 from vector<16xf32>
    %eq3A_705 = vector.broadcast %reduce_max3A_704 : f32 to vector<16xf32>
    %eq3A_706 = arith.cmpf oeq, %scan3A_635#2, %eq3A_705 : vector<16xf32>
    %jit3A_707 = arith.constant 1000000000 : i32
    %broadcast_in_dim3A_708 = vector.broadcast %jit3A_707 : i32 to vector<16xi32>
    %select_n3A_709 = arith.select %eq3A_706, %scan3A_635#10, %broadcast_in_dim3A_708 : vector<16xi1>, vector<16xi32>
    %reduce_min3A_710 = arith.constant true
    %reduce_min3A_711 = vector.broadcast %reduce_min3A_710 : i1 to vector<16xi1>
    %reduce_min3A_712 = arith.constant -2147483648 : i32
    %reduce_min3A_713 = vector.broadcast %reduce_min3A_712 : i32 to vector<16xi32>
    %reduce_min3A_714 = arith.xori %select_n3A_709, %reduce_min3A_713 : vector<16xi32>
    %reduce_min3A_715 = tpu.scan <min>, %reduce_min3A_714 masked %reduce_min3A_711 : vector<16xi32>, vector<16xi1> -> vector<16xi32>
    %reduce_min3A_716 = arith.xori %reduce_min3A_715, %reduce_min3A_713 : vector<16xi32>
    %reduce_min3A_717 = vector.extract %reduce_min3A_716[15] : i32 from vector<16xi32>
    %eq3A_718 = arith.constant 2 : i32
    %eq3A_719 = vector.broadcast %eq3A_718 : i32 to vector<16xi32>
    %eq3A_720 = arith.cmpi eq, %iota3A, %eq3A_719 : vector<16xi32>
    %get3A_721 = arith.constant 16 : index
    %get3A_722 = tpu.vector_load %arg6[%get3A_721] {strides = array<i32>} : memref<32xf32, #tpu.memory_space<vmem>>, vector<16xf32>,
    %get3A_723 = arith.constant 16 : index
    %get3A_724 = tpu.vector_load %arg7[%get3A_723] {strides = array<i32>} : memref<32xi32, #tpu.memory_space<vmem>>, vector<16xi32>,
    %broadcast_in_dim3A_725 = vector.broadcast %reduce_max3A_704 : f32 to vector<16xf32>
    %select_n3A_726 = arith.select %eq3A_720, %broadcast_in_dim3A_725, %get3A_722 : vector<16xi1>, vector<16xf32>
    %swap3A_727 = arith.constant 16 : index
    %swap3A_728 = tpu.vector_load %arg6[%swap3A_727] {strides = array<i32>} : memref<32xf32, #tpu.memory_space<vmem>>, vector<16xf32>,
    tpu.vector_store %arg6[%swap3A_727], %select_n3A_726 {strides = array<i32>} : memref<32xf32, #tpu.memory_space<vmem>>, vector<16xf32>,
    %broadcast_in_dim3A_729 = vector.broadcast %reduce_min3A_717 : i32 to vector<16xi32>
    %select_n3A_730 = arith.select %eq3A_720, %broadcast_in_dim3A_729, %get3A_724 : vector<16xi1>, vector<16xi32>
    %swap3A_731 = arith.constant 16 : index
    %swap3A_732 = tpu.vector_load %arg7[%swap3A_731] {strides = array<i32>} : memref<32xi32, #tpu.memory_space<vmem>>, vector<16xi32>,
    tpu.vector_store %arg7[%swap3A_731], %select_n3A_730 {strides = array<i32>} : memref<32xi32, #tpu.memory_space<vmem>>, vector<16xi32>,
    %reduce_max3A_733 = arith.constant true
    %reduce_max3A_734 = vector.broadcast %reduce_max3A_733 : i1 to vector<16xi1>
    %reduce_max3A_735 = tpu.scan <max>, %scan3A_635#3 masked %reduce_max3A_734 : vector<16xf32>, vector<16xi1> -> vector<16xf32>
    %reduce_max3A_736 = vector.extract %reduce_max3A_735[15] : f32 from vector<16xf32>
    %eq3A_737 = vector.broadcast %reduce_max3A_736 : f32 to vector<16xf32>
    %eq3A_738 = arith.cmpf oeq, %scan3A_635#3, %eq3A_737 : vector<16xf32>
    %jit3A_739 = arith.constant 1000000000 : i32
    %broadcast_in_dim3A_740 = vector.broadcast %jit3A_739 : i32 to vector<16xi32>
    %select_n3A_741 = arith.select %eq3A_738, %scan3A_635#11, %broadcast_in_dim3A_740 : vector<16xi1>, vector<16xi32>
    %reduce_min3A_742 = arith.constant true
    %reduce_min3A_743 = vector.broadcast %reduce_min3A_742 : i1 to vector<16xi1>
    %reduce_min3A_744 = arith.constant -2147483648 : i32
    %reduce_min3A_745 = vector.broadcast %reduce_min3A_744 : i32 to vector<16xi32>
    %reduce_min3A_746 = arith.xori %select_n3A_741, %reduce_min3A_745 : vector<16xi32>
    %reduce_min3A_747 = tpu.scan <min>, %reduce_min3A_746 masked %reduce_min3A_743 : vector<16xi32>, vector<16xi1> -> vector<16xi32>
    %reduce_min3A_748 = arith.xori %reduce_min3A_747, %reduce_min3A_745 : vector<16xi32>
    %reduce_min3A_749 = vector.extract %reduce_min3A_748[15] : i32 from vector<16xi32>
    %eq3A_750 = arith.constant 3 : i32
    %eq3A_751 = vector.broadcast %eq3A_750 : i32 to vector<16xi32>
    %eq3A_752 = arith.cmpi eq, %iota3A, %eq3A_751 : vector<16xi32>
    %get3A_753 = arith.constant 16 : index
    %get3A_754 = tpu.vector_load %arg6[%get3A_753] {strides = array<i32>} : memref<32xf32, #tpu.memory_space<vmem>>, vector<16xf32>,
    %get3A_755 = arith.constant 16 : index
    %get3A_756 = tpu.vector_load %arg7[%get3A_755] {strides = array<i32>} : memref<32xi32, #tpu.memory_space<vmem>>, vector<16xi32>,
    %broadcast_in_dim3A_757 = vector.broadcast %reduce_max3A_736 : f32 to vector<16xf32>
    %select_n3A_758 = arith.select %eq3A_752, %broadcast_in_dim3A_757, %get3A_754 : vector<16xi1>, vector<16xf32>
    %swap3A_759 = arith.constant 16 : index
    %swap3A_760 = tpu.vector_load %arg6[%swap3A_759] {strides = array<i32>} : memref<32xf32, #tpu.memory_space<vmem>>, vector<16xf32>,
    tpu.vector_store %arg6[%swap3A_759], %select_n3A_758 {strides = array<i32>} : memref<32xf32, #tpu.memory_space<vmem>>, vector<16xf32>,
    %broadcast_in_dim3A_761 = vector.broadcast %reduce_min3A_749 : i32 to vector<16xi32>
    %select_n3A_762 = arith.select %eq3A_752, %broadcast_in_dim3A_761, %get3A_756 : vector<16xi1>, vector<16xi32>
    %swap3A_763 = arith.constant 16 : index
    %swap3A_764 = tpu.vector_load %arg7[%swap3A_763] {strides = array<i32>} : memref<32xi32, #tpu.memory_space<vmem>>, vector<16xi32>,
    tpu.vector_store %arg7[%swap3A_763], %select_n3A_762 {strides = array<i32>} : memref<32xi32, #tpu.memory_space<vmem>>, vector<16xi32>,
    %reduce_max3A_765 = arith.constant true
    %reduce_max3A_766 = vector.broadcast %reduce_max3A_765 : i1 to vector<16xi1>
    %reduce_max3A_767 = tpu.scan <max>, %scan3A_635#4 masked %reduce_max3A_766 : vector<16xf32>, vector<16xi1> -> vector<16xf32>
    %reduce_max3A_768 = vector.extract %reduce_max3A_767[15] : f32 from vector<16xf32>
    %eq3A_769 = vector.broadcast %reduce_max3A_768 : f32 to vector<16xf32>
    %eq3A_770 = arith.cmpf oeq, %scan3A_635#4, %eq3A_769 : vector<16xf32>
    %jit3A_771 = arith.constant 1000000000 : i32
    %broadcast_in_dim3A_772 = vector.broadcast %jit3A_771 : i32 to vector<16xi32>
    %select_n3A_773 = arith.select %eq3A_770, %scan3A_635#12, %broadcast_in_dim3A_772 : vector<16xi1>, vector<16xi32>
    %reduce_min3A_774 = arith.constant true
    %reduce_min3A_775 = vector.broadcast %reduce_min3A_774 : i1 to vector<16xi1>
    %reduce_min3A_776 = arith.constant -2147483648 : i32
    %reduce_min3A_777 = vector.broadcast %reduce_min3A_776 : i32 to vector<16xi32>
    %reduce_min3A_778 = arith.xori %select_n3A_773, %reduce_min3A_777 : vector<16xi32>
    %reduce_min3A_779 = tpu.scan <min>, %reduce_min3A_778 masked %reduce_min3A_775 : vector<16xi32>, vector<16xi1> -> vector<16xi32>
    %reduce_min3A_780 = arith.xori %reduce_min3A_779, %reduce_min3A_777 : vector<16xi32>
    %reduce_min3A_781 = vector.extract %reduce_min3A_780[15] : i32 from vector<16xi32>
    %eq3A_782 = arith.constant 4 : i32
    %eq3A_783 = vector.broadcast %eq3A_782 : i32 to vector<16xi32>
    %eq3A_784 = arith.cmpi eq, %iota3A, %eq3A_783 : vector<16xi32>
    %get3A_785 = arith.constant 16 : index
    %get3A_786 = tpu.vector_load %arg6[%get3A_785] {strides = array<i32>} : memref<32xf32, #tpu.memory_space<vmem>>, vector<16xf32>,
    %get3A_787 = arith.constant 16 : index
    %get3A_788 = tpu.vector_load %arg7[%get3A_787] {strides = array<i32>} : memref<32xi32, #tpu.memory_space<vmem>>, vector<16xi32>,
    %broadcast_in_dim3A_789 = vector.broadcast %reduce_max3A_768 : f32 to vector<16xf32>
    %select_n3A_790 = arith.select %eq3A_784, %broadcast_in_dim3A_789, %get3A_786 : vector<16xi1>, vector<16xf32>
    %swap3A_791 = arith.constant 16 : index
    %swap3A_792 = tpu.vector_load %arg6[%swap3A_791] {strides = array<i32>} : memref<32xf32, #tpu.memory_space<vmem>>, vector<16xf32>,
    tpu.vector_store %arg6[%swap3A_791], %select_n3A_790 {strides = array<i32>} : memref<32xf32, #tpu.memory_space<vmem>>, vector<16xf32>,
    %broadcast_in_dim3A_793 = vector.broadcast %reduce_min3A_781 : i32 to vector<16xi32>
    %select_n3A_794 = arith.select %eq3A_784, %broadcast_in_dim3A_793, %get3A_788 : vector<16xi1>, vector<16xi32>
    %swap3A_795 = arith.constant 16 : index
    %swap3A_796 = tpu.vector_load %arg7[%swap3A_795] {strides = array<i32>} : memref<32xi32, #tpu.memory_space<vmem>>, vector<16xi32>,
    tpu.vector_store %arg7[%swap3A_795], %select_n3A_794 {strides = array<i32>} : memref<32xi32, #tpu.memory_space<vmem>>, vector<16xi32>,
    %reduce_max3A_797 = arith.constant true
    %reduce_max3A_798 = vector.broadcast %reduce_max3A_797 : i1 to vector<16xi1>
    %reduce_max3A_799 = tpu.scan <max>, %scan3A_635#5 masked %reduce_max3A_798 : vector<16xf32>, vector<16xi1> -> vector<16xf32>
    %reduce_max3A_800 = vector.extract %reduce_max3A_799[15] : f32 from vector<16xf32>
    %eq3A_801 = vector.broadcast %reduce_max3A_800 : f32 to vector<16xf32>
    %eq3A_802 = arith.cmpf oeq, %scan3A_635#5, %eq3A_801 : vector<16xf32>
    %jit3A_803 = arith.constant 1000000000 : i32
    %broadcast_in_dim3A_804 = vector.broadcast %jit3A_803 : i32 to vector<16xi32>
    %select_n3A_805 = arith.select %eq3A_802, %scan3A_635#13, %broadcast_in_dim3A_804 : vector<16xi1>, vector<16xi32>
    %reduce_min3A_806 = arith.constant true
    %reduce_min3A_807 = vector.broadcast %reduce_min3A_806 : i1 to vector<16xi1>
    %reduce_min3A_808 = arith.constant -2147483648 : i32
    %reduce_min3A_809 = vector.broadcast %reduce_min3A_808 : i32 to vector<16xi32>
    %reduce_min3A_810 = arith.xori %select_n3A_805, %reduce_min3A_809 : vector<16xi32>
    %reduce_min3A_811 = tpu.scan <min>, %reduce_min3A_810 masked %reduce_min3A_807 : vector<16xi32>, vector<16xi1> -> vector<16xi32>
    %reduce_min3A_812 = arith.xori %reduce_min3A_811, %reduce_min3A_809 : vector<16xi32>
    %reduce_min3A_813 = vector.extract %reduce_min3A_812[15] : i32 from vector<16xi32>
    %eq3A_814 = arith.constant 5 : i32
    %eq3A_815 = vector.broadcast %eq3A_814 : i32 to vector<16xi32>
    %eq3A_816 = arith.cmpi eq, %iota3A, %eq3A_815 : vector<16xi32>
    %get3A_817 = arith.constant 16 : index
    %get3A_818 = tpu.vector_load %arg6[%get3A_817] {strides = array<i32>} : memref<32xf32, #tpu.memory_space<vmem>>, vector<16xf32>,
    %get3A_819 = arith.constant 16 : index
    %get3A_820 = tpu.vector_load %arg7[%get3A_819] {strides = array<i32>} : memref<32xi32, #tpu.memory_space<vmem>>, vector<16xi32>,
    %broadcast_in_dim3A_821 = vector.broadcast %reduce_max3A_800 : f32 to vector<16xf32>
    %select_n3A_822 = arith.select %eq3A_816, %broadcast_in_dim3A_821, %get3A_818 : vector<16xi1>, vector<16xf32>
    %swap3A_823 = arith.constant 16 : index
    %swap3A_824 = tpu.vector_load %arg6[%swap3A_823] {strides = array<i32>} : memref<32xf32, #tpu.memory_space<vmem>>, vector<16xf32>,
    tpu.vector_store %arg6[%swap3A_823], %select_n3A_822 {strides = array<i32>} : memref<32xf32, #tpu.memory_space<vmem>>, vector<16xf32>,
    %broadcast_in_dim3A_825 = vector.broadcast %reduce_min3A_813 : i32 to vector<16xi32>
    %select_n3A_826 = arith.select %eq3A_816, %broadcast_in_dim3A_825, %get3A_820 : vector<16xi1>, vector<16xi32>
    %swap3A_827 = arith.constant 16 : index
    %swap3A_828 = tpu.vector_load %arg7[%swap3A_827] {strides = array<i32>} : memref<32xi32, #tpu.memory_space<vmem>>, vector<16xi32>,
    tpu.vector_store %arg7[%swap3A_827], %select_n3A_826 {strides = array<i32>} : memref<32xi32, #tpu.memory_space<vmem>>, vector<16xi32>,
    %reduce_max3A_829 = arith.constant true
    %reduce_max3A_830 = vector.broadcast %reduce_max3A_829 : i1 to vector<16xi1>
    %reduce_max3A_831 = tpu.scan <max>, %scan3A_635#6 masked %reduce_max3A_830 : vector<16xf32>, vector<16xi1> -> vector<16xf32>
    %reduce_max3A_832 = vector.extract %reduce_max3A_831[15] : f32 from vector<16xf32>
    %eq3A_833 = vector.broadcast %reduce_max3A_832 : f32 to vector<16xf32>
    %eq3A_834 = arith.cmpf oeq, %scan3A_635#6, %eq3A_833 : vector<16xf32>
    %jit3A_835 = arith.constant 1000000000 : i32
    %broadcast_in_dim3A_836 = vector.broadcast %jit3A_835 : i32 to vector<16xi32>
    %select_n3A_837 = arith.select %eq3A_834, %scan3A_635#14, %broadcast_in_dim3A_836 : vector<16xi1>, vector<16xi32>
    %reduce_min3A_838 = arith.constant true
    %reduce_min3A_839 = vector.broadcast %reduce_min3A_838 : i1 to vector<16xi1>
    %reduce_min3A_840 = arith.constant -2147483648 : i32
    %reduce_min3A_841 = vector.broadcast %reduce_min3A_840 : i32 to vector<16xi32>
    %reduce_min3A_842 = arith.xori %select_n3A_837, %reduce_min3A_841 : vector<16xi32>
    %reduce_min3A_843 = tpu.scan <min>, %reduce_min3A_842 masked %reduce_min3A_839 : vector<16xi32>, vector<16xi1> -> vector<16xi32>
    %reduce_min3A_844 = arith.xori %reduce_min3A_843, %reduce_min3A_841 : vector<16xi32>
    %reduce_min3A_845 = vector.extract %reduce_min3A_844[15] : i32 from vector<16xi32>
    %eq3A_846 = arith.constant 6 : i32
    %eq3A_847 = vector.broadcast %eq3A_846 : i32 to vector<16xi32>
    %eq3A_848 = arith.cmpi eq, %iota3A, %eq3A_847 : vector<16xi32>
    %get3A_849 = arith.constant 16 : index
    %get3A_850 = tpu.vector_load %arg6[%get3A_849] {strides = array<i32>} : memref<32xf32, #tpu.memory_space<vmem>>, vector<16xf32>,
    %get3A_851 = arith.constant 16 : index
    %get3A_852 = tpu.vector_load %arg7[%get3A_851] {strides = array<i32>} : memref<32xi32, #tpu.memory_space<vmem>>, vector<16xi32>,
    %broadcast_in_dim3A_853 = vector.broadcast %reduce_max3A_832 : f32 to vector<16xf32>
    %select_n3A_854 = arith.select %eq3A_848, %broadcast_in_dim3A_853, %get3A_850 : vector<16xi1>, vector<16xf32>
    %swap3A_855 = arith.constant 16 : index
    %swap3A_856 = tpu.vector_load %arg6[%swap3A_855] {strides = array<i32>} : memref<32xf32, #tpu.memory_space<vmem>>, vector<16xf32>,
    tpu.vector_store %arg6[%swap3A_855], %select_n3A_854 {strides = array<i32>} : memref<32xf32, #tpu.memory_space<vmem>>, vector<16xf32>,
    %broadcast_in_dim3A_857 = vector.broadcast %reduce_min3A_845 : i32 to vector<16xi32>
    %select_n3A_858 = arith.select %eq3A_848, %broadcast_in_dim3A_857, %get3A_852 : vector<16xi1>, vector<16xi32>
    %swap3A_859 = arith.constant 16 : index
    %swap3A_860 = tpu.vector_load %arg7[%swap3A_859] {strides = array<i32>} : memref<32xi32, #tpu.memory_space<vmem>>, vector<16xi32>,
    tpu.vector_store %arg7[%swap3A_859], %select_n3A_858 {strides = array<i32>} : memref<32xi32, #tpu.memory_space<vmem>>, vector<16xi32>,
    %reduce_max3A_861 = arith.constant true
    %reduce_max3A_862 = vector.broadcast %reduce_max3A_861 : i1 to vector<16xi1>
    %reduce_max3A_863 = tpu.scan <max>, %scan3A_635#7 masked %reduce_max3A_862 : vector<16xf32>, vector<16xi1> -> vector<16xf32>
    %reduce_max3A_864 = vector.extract %reduce_max3A_863[15] : f32 from vector<16xf32>
    %eq3A_865 = vector.broadcast %reduce_max3A_864 : f32 to vector<16xf32>
    %eq3A_866 = arith.cmpf oeq, %scan3A_635#7, %eq3A_865 : vector<16xf32>
    %jit3A_867 = arith.constant 1000000000 : i32
    %broadcast_in_dim3A_868 = vector.broadcast %jit3A_867 : i32 to vector<16xi32>
    %select_n3A_869 = arith.select %eq3A_866, %scan3A_635#15, %broadcast_in_dim3A_868 : vector<16xi1>, vector<16xi32>
    %reduce_min3A_870 = arith.constant true
    %reduce_min3A_871 = vector.broadcast %reduce_min3A_870 : i1 to vector<16xi1>
    %reduce_min3A_872 = arith.constant -2147483648 : i32
    %reduce_min3A_873 = vector.broadcast %reduce_min3A_872 : i32 to vector<16xi32>
    %reduce_min3A_874 = arith.xori %select_n3A_869, %reduce_min3A_873 : vector<16xi32>
    %reduce_min3A_875 = tpu.scan <min>, %reduce_min3A_874 masked %reduce_min3A_871 : vector<16xi32>, vector<16xi1> -> vector<16xi32>
    %reduce_min3A_876 = arith.xori %reduce_min3A_875, %reduce_min3A_873 : vector<16xi32>
    %reduce_min3A_877 = vector.extract %reduce_min3A_876[15] : i32 from vector<16xi32>
    %eq3A_878 = arith.constant 7 : i32
    %eq3A_879 = vector.broadcast %eq3A_878 : i32 to vector<16xi32>
    %eq3A_880 = arith.cmpi eq, %iota3A, %eq3A_879 : vector<16xi32>
    %get3A_881 = arith.constant 16 : index
    %get3A_882 = tpu.vector_load %arg6[%get3A_881] {strides = array<i32>} : memref<32xf32, #tpu.memory_space<vmem>>, vector<16xf32>,
    %get3A_883 = arith.constant 16 : index
    %get3A_884 = tpu.vector_load %arg7[%get3A_883] {strides = array<i32>} : memref<32xi32, #tpu.memory_space<vmem>>, vector<16xi32>,
    %broadcast_in_dim3A_885 = vector.broadcast %reduce_max3A_864 : f32 to vector<16xf32>
    %select_n3A_886 = arith.select %eq3A_880, %broadcast_in_dim3A_885, %get3A_882 : vector<16xi1>, vector<16xf32>
    %swap3A_887 = arith.constant 16 : index
    %swap3A_888 = tpu.vector_load %arg6[%swap3A_887] {strides = array<i32>} : memref<32xf32, #tpu.memory_space<vmem>>, vector<16xf32>,
    tpu.vector_store %arg6[%swap3A_887], %select_n3A_886 {strides = array<i32>} : memref<32xf32, #tpu.memory_space<vmem>>, vector<16xf32>,
    %broadcast_in_dim3A_889 = vector.broadcast %reduce_min3A_877 : i32 to vector<16xi32>
    %select_n3A_890 = arith.select %eq3A_880, %broadcast_in_dim3A_889, %get3A_884 : vector<16xi1>, vector<16xi32>
    %swap3A_891 = arith.constant 16 : index
    %swap3A_892 = tpu.vector_load %arg7[%swap3A_891] {strides = array<i32>} : memref<32xi32, #tpu.memory_space<vmem>>, vector<16xi32>,
    tpu.vector_store %arg7[%swap3A_891], %select_n3A_890 {strides = array<i32>} : memref<32xi32, #tpu.memory_space<vmem>>, vector<16xi32>,
    %add3A_893 = arith.constant 24 : i32
    %add3A_894 = arith.addi %mul3A_2, %add3A_893 : i32
    %dma_start3A_895 = arith.constant 0 : i32
    %dma_start3A_896 = arith.constant 0 : i32
    %dma_start3A_897 = arith.constant 0 : i32
    %dma_start3A_898 = arith.constant 0 : i32
    %dma_start3A_899 = tpu.memref_slice %arg5[%dma_start3A_895, %dma_start3A_897, %dma_start3A_898] : memref<2x8x2048xf32, #tpu.memory_space<vmem>> -> memref<1x8x2048xf32, #tpu.memory_space<vmem>>
    %dma_start3A_900 = tpu.memref_squeeze %dma_start3A_899 : memref<1x8x2048xf32, #tpu.memory_space<vmem>> -> memref<8x2048xf32, #tpu.memory_space<vmem>>
    %dma_start3A_901 = arith.constant 0 : i32
    %dma_start3A_902 = tpu.memref_slice %arg2[%add3A_894, %dma_start3A_901] : memref<1024x100000xf32, #tpu.memory_space<hbm>> -> memref<8x2048xf32, #tpu.memory_space<hbm>>
    %dma_start3A_903 = tpu.memref_slice %arg8[%dma_start3A_896] : memref<2x!tpu.dma_semaphore, #tpu.memory_space<semaphore_mem>> -> memref<1x!tpu.dma_semaphore, #tpu.memory_space<semaphore_mem>>
    %dma_start3A_904 = tpu.memref_squeeze %dma_start3A_903 : memref<1x!tpu.dma_semaphore, #tpu.memory_space<semaphore_mem>> -> memref<!tpu.dma_semaphore, #tpu.memory_space<semaphore_mem>>
    %dma_start3A_905 = arith.constant 0 : i32
    %dma_start3A_906 = arith.constant 0 : i32
    %dma_start3A_907 = tpu.memref_slice %arg5[%dma_start3A_895, %dma_start3A_905, %dma_start3A_906] : memref<2x8x2048xf32, #tpu.memory_space<vmem>> -> memref<1x8x2048xf32, #tpu.memory_space<vmem>>
    %dma_start3A_908 = tpu.memref_squeeze %dma_start3A_907 : memref<1x8x2048xf32, #tpu.memory_space<vmem>> -> memref<8x2048xf32, #tpu.memory_space<vmem>>
    %dma_start3A_909 = arith.constant 0 : i32
    %dma_start3A_910 = tpu.memref_slice %arg2[%add3A_894, %dma_start3A_909] : memref<1024x100000xf32, #tpu.memory_space<hbm>> -> memref<8x2048xf32, #tpu.memory_space<hbm>>
    tpu.enqueue_dma source(%dma_start3A_910 : memref<8x2048xf32, #tpu.memory_space<hbm>>) target(%dma_start3A_908 : memref<8x2048xf32, #tpu.memory_space<vmem>>) target_semaphore(%dma_start3A_904 : memref<!tpu.dma_semaphore, #tpu.memory_space<semaphore_mem>>)
    %dma_start3A_911 = arith.constant 1 : i32
    %dma_start3A_912 = arith.constant 1 : i32
    %dma_start3A_913 = arith.constant 0 : i32
    %dma_start3A_914 = arith.constant 0 : i32
    %dma_start3A_915 = tpu.memref_slice %arg5[%dma_start3A_911, %dma_start3A_913, %dma_start3A_914] : memref<2x8x2048xf32, #tpu.memory_space<vmem>> -> memref<1x8x2048xf32, #tpu.memory_space<vmem>>
    %dma_start3A_916 = tpu.memref_squeeze %dma_start3A_915 : memref<1x8x2048xf32, #tpu.memory_space<vmem>> -> memref<8x2048xf32, #tpu.memory_space<vmem>>
    %dma_start3A_917 = arith.constant 2048 : i32
    %dma_start3A_918 = tpu.memref_slice %arg2[%add3A_894, %dma_start3A_917] : memref<1024x100000xf32, #tpu.memory_space<hbm>> -> memref<8x2048xf32, #tpu.memory_space<hbm>>
    %dma_start3A_919 = tpu.memref_slice %arg8[%dma_start3A_912] : memref<2x!tpu.dma_semaphore, #tpu.memory_space<semaphore_mem>> -> memref<1x!tpu.dma_semaphore, #tpu.memory_space<semaphore_mem>>
    %dma_start3A_920 = tpu.memref_squeeze %dma_start3A_919 : memref<1x!tpu.dma_semaphore, #tpu.memory_space<semaphore_mem>> -> memref<!tpu.dma_semaphore, #tpu.memory_space<semaphore_mem>>
    %dma_start3A_921 = arith.constant 0 : i32
    %dma_start3A_922 = arith.constant 0 : i32
    %dma_start3A_923 = tpu.memref_slice %arg5[%dma_start3A_911, %dma_start3A_921, %dma_start3A_922] : memref<2x8x2048xf32, #tpu.memory_space<vmem>> -> memref<1x8x2048xf32, #tpu.memory_space<vmem>>
    %dma_start3A_924 = tpu.memref_squeeze %dma_start3A_923 : memref<1x8x2048xf32, #tpu.memory_space<vmem>> -> memref<8x2048xf32, #tpu.memory_space<vmem>>
    %dma_start3A_925 = arith.constant 2048 : i32
    %dma_start3A_926 = tpu.memref_slice %arg2[%add3A_894, %dma_start3A_925] : memref<1024x100000xf32, #tpu.memory_space<hbm>> -> memref<8x2048xf32, #tpu.memory_space<hbm>>
    tpu.enqueue_dma source(%dma_start3A_926 : memref<8x2048xf32, #tpu.memory_space<hbm>>) target(%dma_start3A_924 : memref<8x2048xf32, #tpu.memory_space<vmem>>) target_semaphore(%dma_start3A_920 : memref<!tpu.dma_semaphore, #tpu.memory_space<semaphore_mem>>)
    %broadcast_in_dim3A_927 = arith.constant 0xFF800000 : f32
    %broadcast_in_dim3A_928 = vector.broadcast %broadcast_in_dim3A_927 : f32 to vector<16xf32>
    %broadcast_in_dim3A_929 = arith.constant 0 : i32
    %broadcast_in_dim3A_930 = vector.broadcast %broadcast_in_dim3A_929 : i32 to vector<16xi32>
    %scan3A_931 = arith.constant 0 : i32
    %scan3A_932 = arith.constant 11 : i32
    %scan3A_933 = arith.addi %scan3A_931, %scan3A_932 : i32
    %scan3A_934 = arith.constant 1 : i32
    %scan3A_935:16 = scf.for %scan3A_1193 = %scan3A_931 to %scan3A_933 step %scan3A_934 iter_args(%scan3A_1194 = %broadcast_in_dim3A_928, %scan3A_1195 = %broadcast_in_dim3A_928, %scan3A_1196 = %broadcast_in_dim3A_928, %scan3A_1197 = %broadcast_in_dim3A_928, %scan3A_1198 = %broadcast_in_dim3A_928, %scan3A_1199 = %broadcast_in_dim3A_928, %scan3A_1200 = %broadcast_in_dim3A_928, %scan3A_1201 = %broadcast_in_dim3A_928, %scan3A_1202 = %broadcast_in_dim3A_930, %scan3A_1203 = %broadcast_in_dim3A_930, %scan3A_1204 = %broadcast_in_dim3A_930, %scan3A_1205 = %broadcast_in_dim3A_930, %scan3A_1206 = %broadcast_in_dim3A_930, %scan3A_1207 = %broadcast_in_dim3A_930, %scan3A_1208 = %broadcast_in_dim3A_930, %scan3A_1209 = %broadcast_in_dim3A_930) -> (vector<16xf32>, vector<16xf32>, vector<16xf32>, vector<16xf32>, vector<16xf32>, vector<16xf32>, vector<16xf32>, vector<16xf32>, vector<16xi32>, vector<16xi32>, vector<16xi32>, vector<16xi32>, vector<16xi32>, vector<16xi32>, vector<16xi32>, vector<16xi32>)  : i32 {
      %mul3A_1210 = arith.constant 2 : i32
      %mul3A_1211 = arith.muli %scan3A_1193, %mul3A_1210 : i32
      %add3A_1212 = arith.constant 0 : i32
      %add3A_1213 = arith.addi %mul3A_1211, %add3A_1212 : i32
      %dma_wait3A = arith.constant 0 : i32
      %dma_wait3A_1214 = arith.constant 0 : i32
      %dma_wait3A_1215 = arith.constant 0 : i32
      %dma_wait3A_1216 = arith.constant 0 : i32
      %dma_wait3A_1217 = tpu.memref_slice %arg5[%dma_wait3A, %dma_wait3A_1215, %dma_wait3A_1216] : memref<2x8x2048xf32, #tpu.memory_space<vmem>> -> memref<1x8x2048xf32, #tpu.memory_space<vmem>>
      %dma_wait3A_1218 = tpu.memref_squeeze %dma_wait3A_1217 : memref<1x8x2048xf32, #tpu.memory_space<vmem>> -> memref<8x2048xf32, #tpu.memory_space<vmem>>
      %dma_wait3A_1219 = arith.constant 0 : i32
      %dma_wait3A_1220 = arith.constant 0 : i32
      %dma_wait3A_1221 = tpu.memref_slice %arg2[%dma_wait3A_1219, %dma_wait3A_1220] : memref<1024x100000xf32, #tpu.memory_space<hbm>> -> memref<8x2048xf32, #tpu.memory_space<hbm>>
      %dma_wait3A_1222 = tpu.memref_slice %arg8[%dma_wait3A_1214] : memref<2x!tpu.dma_semaphore, #tpu.memory_space<semaphore_mem>> -> memref<1x!tpu.dma_semaphore, #tpu.memory_space<semaphore_mem>>
      %dma_wait3A_1223 = tpu.memref_squeeze %dma_wait3A_1222 : memref<1x!tpu.dma_semaphore, #tpu.memory_space<semaphore_mem>> -> memref<!tpu.dma_semaphore, #tpu.memory_space<semaphore_mem>>
      %dma_wait3A_1224 = arith.constant 0 : i32
      %dma_wait3A_1225 = arith.constant 0 : i32
      %dma_wait3A_1226 = tpu.memref_slice %arg5[%dma_wait3A, %dma_wait3A_1224, %dma_wait3A_1225] : memref<2x8x2048xf32, #tpu.memory_space<vmem>> -> memref<1x8x2048xf32, #tpu.memory_space<vmem>>
      %dma_wait3A_1227 = tpu.memref_squeeze %dma_wait3A_1226 : memref<1x8x2048xf32, #tpu.memory_space<vmem>> -> memref<8x2048xf32, #tpu.memory_space<vmem>>
      %dma_wait3A_1228 = arith.constant 0 : i32
      %dma_wait3A_1229 = arith.constant 0 : i32
      %dma_wait3A_1230 = tpu.memref_slice %arg2[%dma_wait3A_1228, %dma_wait3A_1229] : memref<1024x100000xf32, #tpu.memory_space<hbm>> -> memref<8x2048xf32, #tpu.memory_space<hbm>>
      tpu.wait_dma2 semaphore(%dma_wait3A_1223 : memref<!tpu.dma_semaphore, #tpu.memory_space<semaphore_mem>>) src(%dma_wait3A_1230 : memref<8x2048xf32, #tpu.memory_space<hbm>>) dst(%dma_wait3A_1227 : memref<8x2048xf32, #tpu.memory_space<vmem>>)
      %scan3A_1231 = arith.constant 0 : i32
      %scan3A_1232 = arith.constant 128 : i32
      %scan3A_1233 = arith.addi %scan3A_1231, %scan3A_1232 : i32
      %scan3A_1234 = arith.constant 1 : i32
      %scan3A_1235:16 = scf.for %scan3A_1276 = %scan3A_1231 to %scan3A_1233 step %scan3A_1234 iter_args(%scan3A_1277 = %scan3A_1194, %scan3A_1278 = %scan3A_1195, %scan3A_1279 = %scan3A_1196, %scan3A_1280 = %scan3A_1197, %scan3A_1281 = %scan3A_1198, %scan3A_1282 = %scan3A_1199, %scan3A_1283 = %scan3A_1200, %scan3A_1284 = %scan3A_1201, %scan3A_1285 = %scan3A_1202, %scan3A_1286 = %scan3A_1203, %scan3A_1287 = %scan3A_1204, %scan3A_1288 = %scan3A_1205, %scan3A_1289 = %scan3A_1206, %scan3A_1290 = %scan3A_1207, %scan3A_1291 = %scan3A_1208, %scan3A_1292 = %scan3A_1209) -> (vector<16xf32>, vector<16xf32>, vector<16xf32>, vector<16xf32>, vector<16xf32>, vector<16xf32>, vector<16xf32>, vector<16xf32>, vector<16xi32>, vector<16xi32>, vector<16xi32>, vector<16xi32>, vector<16xi32>, vector<16xi32>, vector<16xi32>, vector<16xi32>)  : i32 {
        %mul3A_1293 = arith.constant 2048 : i32
        %mul3A_1294 = arith.muli %add3A_1213, %mul3A_1293 : i32
        %mul3A_1295 = arith.constant 16 : i32
        %mul3A_1296 = arith.muli %scan3A_1276, %mul3A_1295 : i32
        %add3A_1297 = arith.addi %mul3A_1294, %mul3A_1296 : i32
        %add3A_1298 = vector.broadcast %add3A_1297 : i32 to vector<16xi32>
        %add3A_1299 = arith.addi %iota3A, %add3A_1298 : vector<16xi32>
        %mul3A_1300 = arith.constant 16 : i32
        %mul3A_1301 = arith.muli %scan3A_1276, %mul3A_1300 : i32
        %get3A_1302 = arith.constant 0 : i32
        %get3A_1303 = arith.constant 0 : i32
        %get3A_1304 = arith.index_cast %get3A_1302 : i32 to index
        %get3A_1305 = arith.index_cast %get3A_1303 : i32 to index
        %get3A_1306 = arith.index_cast %mul3A_1301 : i32 to index
        %get3A_1307 = tpu.vector_load %arg5[%get3A_1304, %get3A_1305, %get3A_1306] {strides = array<i32>} : memref<2x8x2048xf32, #tpu.memory_space<vmem>>, vector<16xf32>,
        %gt3A = arith.cmpf ogt, %get3A_1307, %scan3A_1277 : vector<16xf32>
        %select_n3A_1308 = arith.select %gt3A, %get3A_1307, %scan3A_1277 : vector<16xi1>, vector<16xf32>
        %select_n3A_1309 = arith.select %gt3A, %add3A_1299, %scan3A_1285 : vector<16xi1>, vector<16xi32>
        %mul3A_1310 = arith.constant 16 : i32
        %mul3A_1311 = arith.muli %scan3A_1276, %mul3A_1310 : i32
        %get3A_1312 = arith.constant 0 : i32
        %get3A_1313 = arith.constant 1 : i32
        %get3A_1314 = arith.index_cast %get3A_1312 : i32 to index
        %get3A_1315 = arith.index_cast %get3A_1313 : i32 to index
        %get3A_1316 = arith.index_cast %mul3A_1311 : i32 to index
        %get3A_1317 = tpu.vector_load %arg5[%get3A_1314, %get3A_1315, %get3A_1316] {strides = array<i32>} : memref<2x8x2048xf32, #tpu.memory_space<vmem>>, vector<16xf32>,
        %gt3A_1318 = arith.cmpf ogt, %get3A_1317, %scan3A_1278 : vector<16xf32>
        %select_n3A_1319 = arith.select %gt3A_1318, %get3A_1317, %scan3A_1278 : vector<16xi1>, vector<16xf32>
        %select_n3A_1320 = arith.select %gt3A_1318, %add3A_1299, %scan3A_1286 : vector<16xi1>, vector<16xi32>
        %mul3A_1321 = arith.constant 16 : i32
        %mul3A_1322 = arith.muli %scan3A_1276, %mul3A_1321 : i32
        %get3A_1323 = arith.constant 0 : i32
        %get3A_1324 = arith.constant 2 : i32
        %get3A_1325 = arith.index_cast %get3A_1323 : i32 to index
        %get3A_1326 = arith.index_cast %get3A_1324 : i32 to index
        %get3A_1327 = arith.index_cast %mul3A_1322 : i32 to index
        %get3A_1328 = tpu.vector_load %arg5[%get3A_1325, %get3A_1326, %get3A_1327] {strides = array<i32>} : memref<2x8x2048xf32, #tpu.memory_space<vmem>>, vector<16xf32>,
        %gt3A_1329 = arith.cmpf ogt, %get3A_1328, %scan3A_1279 : vector<16xf32>
        %select_n3A_1330 = arith.select %gt3A_1329, %get3A_1328, %scan3A_1279 : vector<16xi1>, vector<16xf32>
        %select_n3A_1331 = arith.select %gt3A_1329, %add3A_1299, %scan3A_1287 : vector<16xi1>, vector<16xi32>
        %mul3A_1332 = arith.constant 16 : i32
        %mul3A_1333 = arith.muli %scan3A_1276, %mul3A_1332 : i32
        %get3A_1334 = arith.constant 0 : i32
        %get3A_1335 = arith.constant 3 : i32
        %get3A_1336 = arith.index_cast %get3A_1334 : i32 to index
        %get3A_1337 = arith.index_cast %get3A_1335 : i32 to index
        %get3A_1338 = arith.index_cast %mul3A_1333 : i32 to index
        %get3A_1339 = tpu.vector_load %arg5[%get3A_1336, %get3A_1337, %get3A_1338] {strides = array<i32>} : memref<2x8x2048xf32, #tpu.memory_space<vmem>>, vector<16xf32>,
        %gt3A_1340 = arith.cmpf ogt, %get3A_1339, %scan3A_1280 : vector<16xf32>
        %select_n3A_1341 = arith.select %gt3A_1340, %get3A_1339, %scan3A_1280 : vector<16xi1>, vector<16xf32>
        %select_n3A_1342 = arith.select %gt3A_1340, %add3A_1299, %scan3A_1288 : vector<16xi1>, vector<16xi32>
        %mul3A_1343 = arith.constant 16 : i32
        %mul3A_1344 = arith.muli %scan3A_1276, %mul3A_1343 : i32
        %get3A_1345 = arith.constant 0 : i32
        %get3A_1346 = arith.constant 4 : i32
        %get3A_1347 = arith.index_cast %get3A_1345 : i32 to index
        %get3A_1348 = arith.index_cast %get3A_1346 : i32 to index
        %get3A_1349 = arith.index_cast %mul3A_1344 : i32 to index
        %get3A_1350 = tpu.vector_load %arg5[%get3A_1347, %get3A_1348, %get3A_1349] {strides = array<i32>} : memref<2x8x2048xf32, #tpu.memory_space<vmem>>, vector<16xf32>,
        %gt3A_1351 = arith.cmpf ogt, %get3A_1350, %scan3A_1281 : vector<16xf32>
        %select_n3A_1352 = arith.select %gt3A_1351, %get3A_1350, %scan3A_1281 : vector<16xi1>, vector<16xf32>
        %select_n3A_1353 = arith.select %gt3A_1351, %add3A_1299, %scan3A_1289 : vector<16xi1>, vector<16xi32>
        %mul3A_1354 = arith.constant 16 : i32
        %mul3A_1355 = arith.muli %scan3A_1276, %mul3A_1354 : i32
        %get3A_1356 = arith.constant 0 : i32
        %get3A_1357 = arith.constant 5 : i32
        %get3A_1358 = arith.index_cast %get3A_1356 : i32 to index
        %get3A_1359 = arith.index_cast %get3A_1357 : i32 to index
        %get3A_1360 = arith.index_cast %mul3A_1355 : i32 to index
        %get3A_1361 = tpu.vector_load %arg5[%get3A_1358, %get3A_1359, %get3A_1360] {strides = array<i32>} : memref<2x8x2048xf32, #tpu.memory_space<vmem>>, vector<16xf32>,
        %gt3A_1362 = arith.cmpf ogt, %get3A_1361, %scan3A_1282 : vector<16xf32>
        %select_n3A_1363 = arith.select %gt3A_1362, %get3A_1361, %scan3A_1282 : vector<16xi1>, vector<16xf32>
        %select_n3A_1364 = arith.select %gt3A_1362, %add3A_1299, %scan3A_1290 : vector<16xi1>, vector<16xi32>
        %mul3A_1365 = arith.constant 16 : i32
        %mul3A_1366 = arith.muli %scan3A_1276, %mul3A_1365 : i32
        %get3A_1367 = arith.constant 0 : i32
        %get3A_1368 = arith.constant 6 : i32
        %get3A_1369 = arith.index_cast %get3A_1367 : i32 to index
        %get3A_1370 = arith.index_cast %get3A_1368 : i32 to index
        %get3A_1371 = arith.index_cast %mul3A_1366 : i32 to index
        %get3A_1372 = tpu.vector_load %arg5[%get3A_1369, %get3A_1370, %get3A_1371] {strides = array<i32>} : memref<2x8x2048xf32, #tpu.memory_space<vmem>>, vector<16xf32>,
        %gt3A_1373 = arith.cmpf ogt, %get3A_1372, %scan3A_1283 : vector<16xf32>
        %select_n3A_1374 = arith.select %gt3A_1373, %get3A_1372, %scan3A_1283 : vector<16xi1>, vector<16xf32>
        %select_n3A_1375 = arith.select %gt3A_1373, %add3A_1299, %scan3A_1291 : vector<16xi1>, vector<16xi32>
        %mul3A_1376 = arith.constant 16 : i32
        %mul3A_1377 = arith.muli %scan3A_1276, %mul3A_1376 : i32
        %get3A_1378 = arith.constant 0 : i32
        %get3A_1379 = arith.constant 7 : i32
        %get3A_1380 = arith.index_cast %get3A_1378 : i32 to index
        %get3A_1381 = arith.index_cast %get3A_1379 : i32 to index
        %get3A_1382 = arith.index_cast %mul3A_1377 : i32 to index
        %get3A_1383 = tpu.vector_load %arg5[%get3A_1380, %get3A_1381, %get3A_1382] {strides = array<i32>} : memref<2x8x2048xf32, #tpu.memory_space<vmem>>, vector<16xf32>,
        %gt3A_1384 = arith.cmpf ogt, %get3A_1383, %scan3A_1284 : vector<16xf32>
        %select_n3A_1385 = arith.select %gt3A_1384, %get3A_1383, %scan3A_1284 : vector<16xi1>, vector<16xf32>
        %select_n3A_1386 = arith.select %gt3A_1384, %add3A_1299, %scan3A_1292 : vector<16xi1>, vector<16xi32>
        scf.yield %select_n3A_1308, %select_n3A_1319, %select_n3A_1330, %select_n3A_1341, %select_n3A_1352, %select_n3A_1363, %select_n3A_1374, %select_n3A_1385, %select_n3A_1309, %select_n3A_1320, %select_n3A_1331, %select_n3A_1342, %select_n3A_1353, %select_n3A_1364, %select_n3A_1375, %select_n3A_1386 : vector<16xf32>, vector<16xf32>, vector<16xf32>, vector<16xf32>, vector<16xf32>, vector<16xf32>, vector<16xf32>, vector<16xf32>, vector<16xi32>, vector<16xi32>, vector<16xi32>, vector<16xi32>, vector<16xi32>, vector<16xi32>, vector<16xi32>, vector<16xi32>
      }
      %scan3A_1236 = arith.constant 128 : i32
      %add3A_1237 = arith.constant 2 : i32
      %add3A_1238 = arith.addi %add3A_1213, %add3A_1237 : i32
      %lt3A = arith.constant 22 : i32
      %lt3A_1239 = arith.cmpi slt, %add3A_1238, %lt3A : i32
      %convert_element_type3A = arith.extui %lt3A_1239 : i1 to i32
      %cond3A = arith.constant 0 : i32
      %cond3A_1240 = arith.cmpi ne, %convert_element_type3A, %cond3A : i32
      scf.if %cond3A_1240 {
        %add3A_1276 = arith.constant 2 : i32
        %add3A_1277 = arith.addi %add3A_1213, %add3A_1276 : i32
        %mul3A_1278 = arith.constant 2048 : i32
        %mul3A_1279 = arith.muli %add3A_1277, %mul3A_1278 : i32
        %dma_start3A_1280 = arith.constant 0 : i32
        %dma_start3A_1281 = arith.constant 0 : i32
        %dma_start3A_1282 = arith.constant 0 : i32
        %dma_start3A_1283 = arith.constant 0 : i32
        %dma_start3A_1284 = tpu.memref_slice %arg5[%dma_start3A_1280, %dma_start3A_1282, %dma_start3A_1283] : memref<2x8x2048xf32, #tpu.memory_space<vmem>> -> memref<1x8x2048xf32, #tpu.memory_space<vmem>>
        %dma_start3A_1285 = tpu.memref_squeeze %dma_start3A_1284 : memref<1x8x2048xf32, #tpu.memory_space<vmem>> -> memref<8x2048xf32, #tpu.memory_space<vmem>>
        %dma_start3A_1286 = tpu.memref_slice %arg2[%add3A_894, %mul3A_1279] : memref<1024x100000xf32, #tpu.memory_space<hbm>> -> memref<8x2048xf32, #tpu.memory_space<hbm>>
        %dma_start3A_1287 = tpu.memref_slice %arg8[%dma_start3A_1281] : memref<2x!tpu.dma_semaphore, #tpu.memory_space<semaphore_mem>> -> memref<1x!tpu.dma_semaphore, #tpu.memory_space<semaphore_mem>>
        %dma_start3A_1288 = tpu.memref_squeeze %dma_start3A_1287 : memref<1x!tpu.dma_semaphore, #tpu.memory_space<semaphore_mem>> -> memref<!tpu.dma_semaphore, #tpu.memory_space<semaphore_mem>>
        %dma_start3A_1289 = arith.constant 0 : i32
        %dma_start3A_1290 = arith.constant 0 : i32
        %dma_start3A_1291 = tpu.memref_slice %arg5[%dma_start3A_1280, %dma_start3A_1289, %dma_start3A_1290] : memref<2x8x2048xf32, #tpu.memory_space<vmem>> -> memref<1x8x2048xf32, #tpu.memory_space<vmem>>
        %dma_start3A_1292 = tpu.memref_squeeze %dma_start3A_1291 : memref<1x8x2048xf32, #tpu.memory_space<vmem>> -> memref<8x2048xf32, #tpu.memory_space<vmem>>
        %dma_start3A_1293 = tpu.memref_slice %arg2[%add3A_894, %mul3A_1279] : memref<1024x100000xf32, #tpu.memory_space<hbm>> -> memref<8x2048xf32, #tpu.memory_space<hbm>>
        tpu.enqueue_dma source(%dma_start3A_1293 : memref<8x2048xf32, #tpu.memory_space<hbm>>) target(%dma_start3A_1292 : memref<8x2048xf32, #tpu.memory_space<vmem>>) target_semaphore(%dma_start3A_1288 : memref<!tpu.dma_semaphore, #tpu.memory_space<semaphore_mem>>)
      } else {
      }
      %mul3A_1241 = arith.constant 2 : i32
      %mul3A_1242 = arith.muli %scan3A_1193, %mul3A_1241 : i32
      %add3A_1243 = arith.constant 1 : i32
      %add3A_1244 = arith.addi %mul3A_1242, %add3A_1243 : i32
      %dma_wait3A_1245 = arith.constant 1 : i32
      %dma_wait3A_1246 = arith.constant 1 : i32
      %dma_wait3A_1247 = arith.constant 0 : i32
      %dma_wait3A_1248 = arith.constant 0 : i32
      %dma_wait3A_1249 = tpu.memref_slice %arg5[%dma_wait3A_1245, %dma_wait3A_1247, %dma_wait3A_1248] : memref<2x8x2048xf32, #tpu.memory_space<vmem>> -> memref<1x8x2048xf32, #tpu.memory_space<vmem>>
      %dma_wait3A_1250 = tpu.memref_squeeze %dma_wait3A_1249 : memref<1x8x2048xf32, #tpu.memory_space<vmem>> -> memref<8x2048xf32, #tpu.memory_space<vmem>>
      %dma_wait3A_1251 = arith.constant 0 : i32
      %dma_wait3A_1252 = arith.constant 0 : i32
      %dma_wait3A_1253 = tpu.memref_slice %arg2[%dma_wait3A_1251, %dma_wait3A_1252] : memref<1024x100000xf32, #tpu.memory_space<hbm>> -> memref<8x2048xf32, #tpu.memory_space<hbm>>
      %dma_wait3A_1254 = tpu.memref_slice %arg8[%dma_wait3A_1246] : memref<2x!tpu.dma_semaphore, #tpu.memory_space<semaphore_mem>> -> memref<1x!tpu.dma_semaphore, #tpu.memory_space<semaphore_mem>>
      %dma_wait3A_1255 = tpu.memref_squeeze %dma_wait3A_1254 : memref<1x!tpu.dma_semaphore, #tpu.memory_space<semaphore_mem>> -> memref<!tpu.dma_semaphore, #tpu.memory_space<semaphore_mem>>
      %dma_wait3A_1256 = arith.constant 0 : i32
      %dma_wait3A_1257 = arith.constant 0 : i32
      %dma_wait3A_1258 = tpu.memref_slice %arg5[%dma_wait3A_1245, %dma_wait3A_1256, %dma_wait3A_1257] : memref<2x8x2048xf32, #tpu.memory_space<vmem>> -> memref<1x8x2048xf32, #tpu.memory_space<vmem>>
      %dma_wait3A_1259 = tpu.memref_squeeze %dma_wait3A_1258 : memref<1x8x2048xf32, #tpu.memory_space<vmem>> -> memref<8x2048xf32, #tpu.memory_space<vmem>>
      %dma_wait3A_1260 = arith.constant 0 : i32
      %dma_wait3A_1261 = arith.constant 0 : i32
      %dma_wait3A_1262 = tpu.memref_slice %arg2[%dma_wait3A_1260, %dma_wait3A_1261] : memref<1024x100000xf32, #tpu.memory_space<hbm>> -> memref<8x2048xf32, #tpu.memory_space<hbm>>
      tpu.wait_dma2 semaphore(%dma_wait3A_1255 : memref<!tpu.dma_semaphore, #tpu.memory_space<semaphore_mem>>) src(%dma_wait3A_1262 : memref<8x2048xf32, #tpu.memory_space<hbm>>) dst(%dma_wait3A_1259 : memref<8x2048xf32, #tpu.memory_space<vmem>>)
      %scan3A_1263 = arith.constant 0 : i32
      %scan3A_1264 = arith.constant 128 : i32
      %scan3A_1265 = arith.addi %scan3A_1263, %scan3A_1264 : i32
      %scan3A_1266 = arith.constant 1 : i32
      %scan3A_1267:16 = scf.for %scan3A_1276 = %scan3A_1263 to %scan3A_1265 step %scan3A_1266 iter_args(%scan3A_1277 = %scan3A_1235#0, %scan3A_1278 = %scan3A_1235#1, %scan3A_1279 = %scan3A_1235#2, %scan3A_1280 = %scan3A_1235#3, %scan3A_1281 = %scan3A_1235#4, %scan3A_1282 = %scan3A_1235#5, %scan3A_1283 = %scan3A_1235#6, %scan3A_1284 = %scan3A_1235#7, %scan3A_1285 = %scan3A_1235#8, %scan3A_1286 = %scan3A_1235#9, %scan3A_1287 = %scan3A_1235#10, %scan3A_1288 = %scan3A_1235#11, %scan3A_1289 = %scan3A_1235#12, %scan3A_1290 = %scan3A_1235#13, %scan3A_1291 = %scan3A_1235#14, %scan3A_1292 = %scan3A_1235#15) -> (vector<16xf32>, vector<16xf32>, vector<16xf32>, vector<16xf32>, vector<16xf32>, vector<16xf32>, vector<16xf32>, vector<16xf32>, vector<16xi32>, vector<16xi32>, vector<16xi32>, vector<16xi32>, vector<16xi32>, vector<16xi32>, vector<16xi32>, vector<16xi32>)  : i32 {
        %mul3A_1293 = arith.constant 2048 : i32
        %mul3A_1294 = arith.muli %add3A_1244, %mul3A_1293 : i32
        %mul3A_1295 = arith.constant 16 : i32
        %mul3A_1296 = arith.muli %scan3A_1276, %mul3A_1295 : i32
        %add3A_1297 = arith.addi %mul3A_1294, %mul3A_1296 : i32
        %add3A_1298 = vector.broadcast %add3A_1297 : i32 to vector<16xi32>
        %add3A_1299 = arith.addi %iota3A, %add3A_1298 : vector<16xi32>
        %mul3A_1300 = arith.constant 16 : i32
        %mul3A_1301 = arith.muli %scan3A_1276, %mul3A_1300 : i32
        %get3A_1302 = arith.constant 1 : i32
        %get3A_1303 = arith.constant 0 : i32
        %get3A_1304 = arith.index_cast %get3A_1302 : i32 to index
        %get3A_1305 = arith.index_cast %get3A_1303 : i32 to index
        %get3A_1306 = arith.index_cast %mul3A_1301 : i32 to index
        %get3A_1307 = tpu.vector_load %arg5[%get3A_1304, %get3A_1305, %get3A_1306] {strides = array<i32>} : memref<2x8x2048xf32, #tpu.memory_space<vmem>>, vector<16xf32>,
        %gt3A = arith.cmpf ogt, %get3A_1307, %scan3A_1277 : vector<16xf32>
        %select_n3A_1308 = arith.select %gt3A, %get3A_1307, %scan3A_1277 : vector<16xi1>, vector<16xf32>
        %select_n3A_1309 = arith.select %gt3A, %add3A_1299, %scan3A_1285 : vector<16xi1>, vector<16xi32>
        %mul3A_1310 = arith.constant 16 : i32
        %mul3A_1311 = arith.muli %scan3A_1276, %mul3A_1310 : i32
        %get3A_1312 = arith.constant 1 : i32
        %get3A_1313 = arith.constant 1 : i32
        %get3A_1314 = arith.index_cast %get3A_1312 : i32 to index
        %get3A_1315 = arith.index_cast %get3A_1313 : i32 to index
        %get3A_1316 = arith.index_cast %mul3A_1311 : i32 to index
        %get3A_1317 = tpu.vector_load %arg5[%get3A_1314, %get3A_1315, %get3A_1316] {strides = array<i32>} : memref<2x8x2048xf32, #tpu.memory_space<vmem>>, vector<16xf32>,
        %gt3A_1318 = arith.cmpf ogt, %get3A_1317, %scan3A_1278 : vector<16xf32>
        %select_n3A_1319 = arith.select %gt3A_1318, %get3A_1317, %scan3A_1278 : vector<16xi1>, vector<16xf32>
        %select_n3A_1320 = arith.select %gt3A_1318, %add3A_1299, %scan3A_1286 : vector<16xi1>, vector<16xi32>
        %mul3A_1321 = arith.constant 16 : i32
        %mul3A_1322 = arith.muli %scan3A_1276, %mul3A_1321 : i32
        %get3A_1323 = arith.constant 1 : i32
        %get3A_1324 = arith.constant 2 : i32
        %get3A_1325 = arith.index_cast %get3A_1323 : i32 to index
        %get3A_1326 = arith.index_cast %get3A_1324 : i32 to index
        %get3A_1327 = arith.index_cast %mul3A_1322 : i32 to index
        %get3A_1328 = tpu.vector_load %arg5[%get3A_1325, %get3A_1326, %get3A_1327] {strides = array<i32>} : memref<2x8x2048xf32, #tpu.memory_space<vmem>>, vector<16xf32>,
        %gt3A_1329 = arith.cmpf ogt, %get3A_1328, %scan3A_1279 : vector<16xf32>
        %select_n3A_1330 = arith.select %gt3A_1329, %get3A_1328, %scan3A_1279 : vector<16xi1>, vector<16xf32>
        %select_n3A_1331 = arith.select %gt3A_1329, %add3A_1299, %scan3A_1287 : vector<16xi1>, vector<16xi32>
        %mul3A_1332 = arith.constant 16 : i32
        %mul3A_1333 = arith.muli %scan3A_1276, %mul3A_1332 : i32
        %get3A_1334 = arith.constant 1 : i32
        %get3A_1335 = arith.constant 3 : i32
        %get3A_1336 = arith.index_cast %get3A_1334 : i32 to index
        %get3A_1337 = arith.index_cast %get3A_1335 : i32 to index
        %get3A_1338 = arith.index_cast %mul3A_1333 : i32 to index
        %get3A_1339 = tpu.vector_load %arg5[%get3A_1336, %get3A_1337, %get3A_1338] {strides = array<i32>} : memref<2x8x2048xf32, #tpu.memory_space<vmem>>, vector<16xf32>,
        %gt3A_1340 = arith.cmpf ogt, %get3A_1339, %scan3A_1280 : vector<16xf32>
        %select_n3A_1341 = arith.select %gt3A_1340, %get3A_1339, %scan3A_1280 : vector<16xi1>, vector<16xf32>
        %select_n3A_1342 = arith.select %gt3A_1340, %add3A_1299, %scan3A_1288 : vector<16xi1>, vector<16xi32>
        %mul3A_1343 = arith.constant 16 : i32
        %mul3A_1344 = arith.muli %scan3A_1276, %mul3A_1343 : i32
        %get3A_1345 = arith.constant 1 : i32
        %get3A_1346 = arith.constant 4 : i32
        %get3A_1347 = arith.index_cast %get3A_1345 : i32 to index
        %get3A_1348 = arith.index_cast %get3A_1346 : i32 to index
        %get3A_1349 = arith.index_cast %mul3A_1344 : i32 to index
        %get3A_1350 = tpu.vector_load %arg5[%get3A_1347, %get3A_1348, %get3A_1349] {strides = array<i32>} : memref<2x8x2048xf32, #tpu.memory_space<vmem>>, vector<16xf32>,
        %gt3A_1351 = arith.cmpf ogt, %get3A_1350, %scan3A_1281 : vector<16xf32>
        %select_n3A_1352 = arith.select %gt3A_1351, %get3A_1350, %scan3A_1281 : vector<16xi1>, vector<16xf32>
        %select_n3A_1353 = arith.select %gt3A_1351, %add3A_1299, %scan3A_1289 : vector<16xi1>, vector<16xi32>
        %mul3A_1354 = arith.constant 16 : i32
        %mul3A_1355 = arith.muli %scan3A_1276, %mul3A_1354 : i32
        %get3A_1356 = arith.constant 1 : i32
        %get3A_1357 = arith.constant 5 : i32
        %get3A_1358 = arith.index_cast %get3A_1356 : i32 to index
        %get3A_1359 = arith.index_cast %get3A_1357 : i32 to index
        %get3A_1360 = arith.index_cast %mul3A_1355 : i32 to index
        %get3A_1361 = tpu.vector_load %arg5[%get3A_1358, %get3A_1359, %get3A_1360] {strides = array<i32>} : memref<2x8x2048xf32, #tpu.memory_space<vmem>>, vector<16xf32>,
        %gt3A_1362 = arith.cmpf ogt, %get3A_1361, %scan3A_1282 : vector<16xf32>
        %select_n3A_1363 = arith.select %gt3A_1362, %get3A_1361, %scan3A_1282 : vector<16xi1>, vector<16xf32>
        %select_n3A_1364 = arith.select %gt3A_1362, %add3A_1299, %scan3A_1290 : vector<16xi1>, vector<16xi32>
        %mul3A_1365 = arith.constant 16 : i32
        %mul3A_1366 = arith.muli %scan3A_1276, %mul3A_1365 : i32
        %get3A_1367 = arith.constant 1 : i32
        %get3A_1368 = arith.constant 6 : i32
        %get3A_1369 = arith.index_cast %get3A_1367 : i32 to index
        %get3A_1370 = arith.index_cast %get3A_1368 : i32 to index
        %get3A_1371 = arith.index_cast %mul3A_1366 : i32 to index
        %get3A_1372 = tpu.vector_load %arg5[%get3A_1369, %get3A_1370, %get3A_1371] {strides = array<i32>} : memref<2x8x2048xf32, #tpu.memory_space<vmem>>, vector<16xf32>,
        %gt3A_1373 = arith.cmpf ogt, %get3A_1372, %scan3A_1283 : vector<16xf32>
        %select_n3A_1374 = arith.select %gt3A_1373, %get3A_1372, %scan3A_1283 : vector<16xi1>, vector<16xf32>
        %select_n3A_1375 = arith.select %gt3A_1373, %add3A_1299, %scan3A_1291 : vector<16xi1>, vector<16xi32>
        %mul3A_1376 = arith.constant 16 : i32
        %mul3A_1377 = arith.muli %scan3A_1276, %mul3A_1376 : i32
        %get3A_1378 = arith.constant 1 : i32
        %get3A_1379 = arith.constant 7 : i32
        %get3A_1380 = arith.index_cast %get3A_1378 : i32 to index
        %get3A_1381 = arith.index_cast %get3A_1379 : i32 to index
        %get3A_1382 = arith.index_cast %mul3A_1377 : i32 to index
        %get3A_1383 = tpu.vector_load %arg5[%get3A_1380, %get3A_1381, %get3A_1382] {strides = array<i32>} : memref<2x8x2048xf32, #tpu.memory_space<vmem>>, vector<16xf32>,
        %gt3A_1384 = arith.cmpf ogt, %get3A_1383, %scan3A_1284 : vector<16xf32>
        %select_n3A_1385 = arith.select %gt3A_1384, %get3A_1383, %scan3A_1284 : vector<16xi1>, vector<16xf32>
        %select_n3A_1386 = arith.select %gt3A_1384, %add3A_1299, %scan3A_1292 : vector<16xi1>, vector<16xi32>
        scf.yield %select_n3A_1308, %select_n3A_1319, %select_n3A_1330, %select_n3A_1341, %select_n3A_1352, %select_n3A_1363, %select_n3A_1374, %select_n3A_1385, %select_n3A_1309, %select_n3A_1320, %select_n3A_1331, %select_n3A_1342, %select_n3A_1353, %select_n3A_1364, %select_n3A_1375, %select_n3A_1386 : vector<16xf32>, vector<16xf32>, vector<16xf32>, vector<16xf32>, vector<16xf32>, vector<16xf32>, vector<16xf32>, vector<16xf32>, vector<16xi32>, vector<16xi32>, vector<16xi32>, vector<16xi32>, vector<16xi32>, vector<16xi32>, vector<16xi32>, vector<16xi32>
      }
      %scan3A_1268 = arith.constant 128 : i32
      %add3A_1269 = arith.constant 2 : i32
      %add3A_1270 = arith.addi %add3A_1244, %add3A_1269 : i32
      %lt3A_1271 = arith.constant 22 : i32
      %lt3A_1272 = arith.cmpi slt, %add3A_1270, %lt3A_1271 : i32
      %convert_element_type3A_1273 = arith.extui %lt3A_1272 : i1 to i32
      %cond3A_1274 = arith.constant 0 : i32
      %cond3A_1275 = arith.cmpi ne, %convert_element_type3A_1273, %cond3A_1274 : i32
      scf.if %cond3A_1275 {
        %add3A_1276 = arith.constant 2 : i32
        %add3A_1277 = arith.addi %add3A_1244, %add3A_1276 : i32
        %mul3A_1278 = arith.constant 2048 : i32
        %mul3A_1279 = arith.muli %add3A_1277, %mul3A_1278 : i32
        %dma_start3A_1280 = arith.constant 1 : i32
        %dma_start3A_1281 = arith.constant 1 : i32
        %dma_start3A_1282 = arith.constant 0 : i32
        %dma_start3A_1283 = arith.constant 0 : i32
        %dma_start3A_1284 = tpu.memref_slice %arg5[%dma_start3A_1280, %dma_start3A_1282, %dma_start3A_1283] : memref<2x8x2048xf32, #tpu.memory_space<vmem>> -> memref<1x8x2048xf32, #tpu.memory_space<vmem>>
        %dma_start3A_1285 = tpu.memref_squeeze %dma_start3A_1284 : memref<1x8x2048xf32, #tpu.memory_space<vmem>> -> memref<8x2048xf32, #tpu.memory_space<vmem>>
        %dma_start3A_1286 = tpu.memref_slice %arg2[%add3A_894, %mul3A_1279] : memref<1024x100000xf32, #tpu.memory_space<hbm>> -> memref<8x2048xf32, #tpu.memory_space<hbm>>
        %dma_start3A_1287 = tpu.memref_slice %arg8[%dma_start3A_1281] : memref<2x!tpu.dma_semaphore, #tpu.memory_space<semaphore_mem>> -> memref<1x!tpu.dma_semaphore, #tpu.memory_space<semaphore_mem>>
        %dma_start3A_1288 = tpu.memref_squeeze %dma_start3A_1287 : memref<1x!tpu.dma_semaphore, #tpu.memory_space<semaphore_mem>> -> memref<!tpu.dma_semaphore, #tpu.memory_space<semaphore_mem>>
        %dma_start3A_1289 = arith.constant 0 : i32
        %dma_start3A_1290 = arith.constant 0 : i32
        %dma_start3A_1291 = tpu.memref_slice %arg5[%dma_start3A_1280, %dma_start3A_1289, %dma_start3A_1290] : memref<2x8x2048xf32, #tpu.memory_space<vmem>> -> memref<1x8x2048xf32, #tpu.memory_space<vmem>>
        %dma_start3A_1292 = tpu.memref_squeeze %dma_start3A_1291 : memref<1x8x2048xf32, #tpu.memory_space<vmem>> -> memref<8x2048xf32, #tpu.memory_space<vmem>>
        %dma_start3A_1293 = tpu.memref_slice %arg2[%add3A_894, %mul3A_1279] : memref<1024x100000xf32, #tpu.memory_space<hbm>> -> memref<8x2048xf32, #tpu.memory_space<hbm>>
        tpu.enqueue_dma source(%dma_start3A_1293 : memref<8x2048xf32, #tpu.memory_space<hbm>>) target(%dma_start3A_1292 : memref<8x2048xf32, #tpu.memory_space<vmem>>) target_semaphore(%dma_start3A_1288 : memref<!tpu.dma_semaphore, #tpu.memory_space<semaphore_mem>>)
      } else {
      }
      scf.yield %scan3A_1267#0, %scan3A_1267#1, %scan3A_1267#2, %scan3A_1267#3, %scan3A_1267#4, %scan3A_1267#5, %scan3A_1267#6, %scan3A_1267#7, %scan3A_1267#8, %scan3A_1267#9, %scan3A_1267#10, %scan3A_1267#11, %scan3A_1267#12, %scan3A_1267#13, %scan3A_1267#14, %scan3A_1267#15 : vector<16xf32>, vector<16xf32>, vector<16xf32>, vector<16xf32>, vector<16xf32>, vector<16xf32>, vector<16xf32>, vector<16xf32>, vector<16xi32>, vector<16xi32>, vector<16xi32>, vector<16xi32>, vector<16xi32>, vector<16xi32>, vector<16xi32>, vector<16xi32>
    }
    %scan3A_936 = arith.constant 11 : i32
    %reduce_max3A_937 = arith.constant true
    %reduce_max3A_938 = vector.broadcast %reduce_max3A_937 : i1 to vector<16xi1>
    %reduce_max3A_939 = tpu.scan <max>, %scan3A_935#0 masked %reduce_max3A_938 : vector<16xf32>, vector<16xi1> -> vector<16xf32>
    %reduce_max3A_940 = vector.extract %reduce_max3A_939[15] : f32 from vector<16xf32>
    %eq3A_941 = vector.broadcast %reduce_max3A_940 : f32 to vector<16xf32>
    %eq3A_942 = arith.cmpf oeq, %scan3A_935#0, %eq3A_941 : vector<16xf32>
    %jit3A_943 = arith.constant 1000000000 : i32
    %broadcast_in_dim3A_944 = vector.broadcast %jit3A_943 : i32 to vector<16xi32>
    %select_n3A_945 = arith.select %eq3A_942, %scan3A_935#8, %broadcast_in_dim3A_944 : vector<16xi1>, vector<16xi32>
    %reduce_min3A_946 = arith.constant true
    %reduce_min3A_947 = vector.broadcast %reduce_min3A_946 : i1 to vector<16xi1>
    %reduce_min3A_948 = arith.constant -2147483648 : i32
    %reduce_min3A_949 = vector.broadcast %reduce_min3A_948 : i32 to vector<16xi32>
    %reduce_min3A_950 = arith.xori %select_n3A_945, %reduce_min3A_949 : vector<16xi32>
    %reduce_min3A_951 = tpu.scan <min>, %reduce_min3A_950 masked %reduce_min3A_947 : vector<16xi32>, vector<16xi1> -> vector<16xi32>
    %reduce_min3A_952 = arith.xori %reduce_min3A_951, %reduce_min3A_949 : vector<16xi32>
    %reduce_min3A_953 = vector.extract %reduce_min3A_952[15] : i32 from vector<16xi32>
    %eq3A_954 = arith.constant 8 : i32
    %eq3A_955 = vector.broadcast %eq3A_954 : i32 to vector<16xi32>
    %eq3A_956 = arith.cmpi eq, %iota3A, %eq3A_955 : vector<16xi32>
    %get3A_957 = arith.constant 16 : index
    %get3A_958 = tpu.vector_load %arg6[%get3A_957] {strides = array<i32>} : memref<32xf32, #tpu.memory_space<vmem>>, vector<16xf32>,
    %get3A_959 = arith.constant 16 : index
    %get3A_960 = tpu.vector_load %arg7[%get3A_959] {strides = array<i32>} : memref<32xi32, #tpu.memory_space<vmem>>, vector<16xi32>,
    %broadcast_in_dim3A_961 = vector.broadcast %reduce_max3A_940 : f32 to vector<16xf32>
    %select_n3A_962 = arith.select %eq3A_956, %broadcast_in_dim3A_961, %get3A_958 : vector<16xi1>, vector<16xf32>
    %swap3A_963 = arith.constant 16 : index
    %swap3A_964 = tpu.vector_load %arg6[%swap3A_963] {strides = array<i32>} : memref<32xf32, #tpu.memory_space<vmem>>, vector<16xf32>,
    tpu.vector_store %arg6[%swap3A_963], %select_n3A_962 {strides = array<i32>} : memref<32xf32, #tpu.memory_space<vmem>>, vector<16xf32>,
    %broadcast_in_dim3A_965 = vector.broadcast %reduce_min3A_953 : i32 to vector<16xi32>
    %select_n3A_966 = arith.select %eq3A_956, %broadcast_in_dim3A_965, %get3A_960 : vector<16xi1>, vector<16xi32>
    %swap3A_967 = arith.constant 16 : index
    %swap3A_968 = tpu.vector_load %arg7[%swap3A_967] {strides = array<i32>} : memref<32xi32, #tpu.memory_space<vmem>>, vector<16xi32>,
    tpu.vector_store %arg7[%swap3A_967], %select_n3A_966 {strides = array<i32>} : memref<32xi32, #tpu.memory_space<vmem>>, vector<16xi32>,
    %reduce_max3A_969 = arith.constant true
    %reduce_max3A_970 = vector.broadcast %reduce_max3A_969 : i1 to vector<16xi1>
    %reduce_max3A_971 = tpu.scan <max>, %scan3A_935#1 masked %reduce_max3A_970 : vector<16xf32>, vector<16xi1> -> vector<16xf32>
    %reduce_max3A_972 = vector.extract %reduce_max3A_971[15] : f32 from vector<16xf32>
    %eq3A_973 = vector.broadcast %reduce_max3A_972 : f32 to vector<16xf32>
    %eq3A_974 = arith.cmpf oeq, %scan3A_935#1, %eq3A_973 : vector<16xf32>
    %jit3A_975 = arith.constant 1000000000 : i32
    %broadcast_in_dim3A_976 = vector.broadcast %jit3A_975 : i32 to vector<16xi32>
    %select_n3A_977 = arith.select %eq3A_974, %scan3A_935#9, %broadcast_in_dim3A_976 : vector<16xi1>, vector<16xi32>
    %reduce_min3A_978 = arith.constant true
    %reduce_min3A_979 = vector.broadcast %reduce_min3A_978 : i1 to vector<16xi1>
    %reduce_min3A_980 = arith.constant -2147483648 : i32
    %reduce_min3A_981 = vector.broadcast %reduce_min3A_980 : i32 to vector<16xi32>
    %reduce_min3A_982 = arith.xori %select_n3A_977, %reduce_min3A_981 : vector<16xi32>
    %reduce_min3A_983 = tpu.scan <min>, %reduce_min3A_982 masked %reduce_min3A_979 : vector<16xi32>, vector<16xi1> -> vector<16xi32>
    %reduce_min3A_984 = arith.xori %reduce_min3A_983, %reduce_min3A_981 : vector<16xi32>
    %reduce_min3A_985 = vector.extract %reduce_min3A_984[15] : i32 from vector<16xi32>
    %eq3A_986 = arith.constant 9 : i32
    %eq3A_987 = vector.broadcast %eq3A_986 : i32 to vector<16xi32>
    %eq3A_988 = arith.cmpi eq, %iota3A, %eq3A_987 : vector<16xi32>
    %get3A_989 = arith.constant 16 : index
    %get3A_990 = tpu.vector_load %arg6[%get3A_989] {strides = array<i32>} : memref<32xf32, #tpu.memory_space<vmem>>, vector<16xf32>,
    %get3A_991 = arith.constant 16 : index
    %get3A_992 = tpu.vector_load %arg7[%get3A_991] {strides = array<i32>} : memref<32xi32, #tpu.memory_space<vmem>>, vector<16xi32>,
    %broadcast_in_dim3A_993 = vector.broadcast %reduce_max3A_972 : f32 to vector<16xf32>
    %select_n3A_994 = arith.select %eq3A_988, %broadcast_in_dim3A_993, %get3A_990 : vector<16xi1>, vector<16xf32>
    %swap3A_995 = arith.constant 16 : index
    %swap3A_996 = tpu.vector_load %arg6[%swap3A_995] {strides = array<i32>} : memref<32xf32, #tpu.memory_space<vmem>>, vector<16xf32>,
    tpu.vector_store %arg6[%swap3A_995], %select_n3A_994 {strides = array<i32>} : memref<32xf32, #tpu.memory_space<vmem>>, vector<16xf32>,
    %broadcast_in_dim3A_997 = vector.broadcast %reduce_min3A_985 : i32 to vector<16xi32>
    %select_n3A_998 = arith.select %eq3A_988, %broadcast_in_dim3A_997, %get3A_992 : vector<16xi1>, vector<16xi32>
    %swap3A_999 = arith.constant 16 : index
    %swap3A_1000 = tpu.vector_load %arg7[%swap3A_999] {strides = array<i32>} : memref<32xi32, #tpu.memory_space<vmem>>, vector<16xi32>,
    tpu.vector_store %arg7[%swap3A_999], %select_n3A_998 {strides = array<i32>} : memref<32xi32, #tpu.memory_space<vmem>>, vector<16xi32>,
    %reduce_max3A_1001 = arith.constant true
    %reduce_max3A_1002 = vector.broadcast %reduce_max3A_1001 : i1 to vector<16xi1>
    %reduce_max3A_1003 = tpu.scan <max>, %scan3A_935#2 masked %reduce_max3A_1002 : vector<16xf32>, vector<16xi1> -> vector<16xf32>
    %reduce_max3A_1004 = vector.extract %reduce_max3A_1003[15] : f32 from vector<16xf32>
    %eq3A_1005 = vector.broadcast %reduce_max3A_1004 : f32 to vector<16xf32>
    %eq3A_1006 = arith.cmpf oeq, %scan3A_935#2, %eq3A_1005 : vector<16xf32>
    %jit3A_1007 = arith.constant 1000000000 : i32
    %broadcast_in_dim3A_1008 = vector.broadcast %jit3A_1007 : i32 to vector<16xi32>
    %select_n3A_1009 = arith.select %eq3A_1006, %scan3A_935#10, %broadcast_in_dim3A_1008 : vector<16xi1>, vector<16xi32>
    %reduce_min3A_1010 = arith.constant true
    %reduce_min3A_1011 = vector.broadcast %reduce_min3A_1010 : i1 to vector<16xi1>
    %reduce_min3A_1012 = arith.constant -2147483648 : i32
    %reduce_min3A_1013 = vector.broadcast %reduce_min3A_1012 : i32 to vector<16xi32>
    %reduce_min3A_1014 = arith.xori %select_n3A_1009, %reduce_min3A_1013 : vector<16xi32>
    %reduce_min3A_1015 = tpu.scan <min>, %reduce_min3A_1014 masked %reduce_min3A_1011 : vector<16xi32>, vector<16xi1> -> vector<16xi32>
    %reduce_min3A_1016 = arith.xori %reduce_min3A_1015, %reduce_min3A_1013 : vector<16xi32>
    %reduce_min3A_1017 = vector.extract %reduce_min3A_1016[15] : i32 from vector<16xi32>
    %eq3A_1018 = arith.constant 10 : i32
    %eq3A_1019 = vector.broadcast %eq3A_1018 : i32 to vector<16xi32>
    %eq3A_1020 = arith.cmpi eq, %iota3A, %eq3A_1019 : vector<16xi32>
    %get3A_1021 = arith.constant 16 : index
    %get3A_1022 = tpu.vector_load %arg6[%get3A_1021] {strides = array<i32>} : memref<32xf32, #tpu.memory_space<vmem>>, vector<16xf32>,
    %get3A_1023 = arith.constant 16 : index
    %get3A_1024 = tpu.vector_load %arg7[%get3A_1023] {strides = array<i32>} : memref<32xi32, #tpu.memory_space<vmem>>, vector<16xi32>,
    %broadcast_in_dim3A_1025 = vector.broadcast %reduce_max3A_1004 : f32 to vector<16xf32>
    %select_n3A_1026 = arith.select %eq3A_1020, %broadcast_in_dim3A_1025, %get3A_1022 : vector<16xi1>, vector<16xf32>
    %swap3A_1027 = arith.constant 16 : index
    %swap3A_1028 = tpu.vector_load %arg6[%swap3A_1027] {strides = array<i32>} : memref<32xf32, #tpu.memory_space<vmem>>, vector<16xf32>,
    tpu.vector_store %arg6[%swap3A_1027], %select_n3A_1026 {strides = array<i32>} : memref<32xf32, #tpu.memory_space<vmem>>, vector<16xf32>,
    %broadcast_in_dim3A_1029 = vector.broadcast %reduce_min3A_1017 : i32 to vector<16xi32>
    %select_n3A_1030 = arith.select %eq3A_1020, %broadcast_in_dim3A_1029, %get3A_1024 : vector<16xi1>, vector<16xi32>
    %swap3A_1031 = arith.constant 16 : index
    %swap3A_1032 = tpu.vector_load %arg7[%swap3A_1031] {strides = array<i32>} : memref<32xi32, #tpu.memory_space<vmem>>, vector<16xi32>,
    tpu.vector_store %arg7[%swap3A_1031], %select_n3A_1030 {strides = array<i32>} : memref<32xi32, #tpu.memory_space<vmem>>, vector<16xi32>,
    %reduce_max3A_1033 = arith.constant true
    %reduce_max3A_1034 = vector.broadcast %reduce_max3A_1033 : i1 to vector<16xi1>
    %reduce_max3A_1035 = tpu.scan <max>, %scan3A_935#3 masked %reduce_max3A_1034 : vector<16xf32>, vector<16xi1> -> vector<16xf32>
    %reduce_max3A_1036 = vector.extract %reduce_max3A_1035[15] : f32 from vector<16xf32>
    %eq3A_1037 = vector.broadcast %reduce_max3A_1036 : f32 to vector<16xf32>
    %eq3A_1038 = arith.cmpf oeq, %scan3A_935#3, %eq3A_1037 : vector<16xf32>
    %jit3A_1039 = arith.constant 1000000000 : i32
    %broadcast_in_dim3A_1040 = vector.broadcast %jit3A_1039 : i32 to vector<16xi32>
    %select_n3A_1041 = arith.select %eq3A_1038, %scan3A_935#11, %broadcast_in_dim3A_1040 : vector<16xi1>, vector<16xi32>
    %reduce_min3A_1042 = arith.constant true
    %reduce_min3A_1043 = vector.broadcast %reduce_min3A_1042 : i1 to vector<16xi1>
    %reduce_min3A_1044 = arith.constant -2147483648 : i32
    %reduce_min3A_1045 = vector.broadcast %reduce_min3A_1044 : i32 to vector<16xi32>
    %reduce_min3A_1046 = arith.xori %select_n3A_1041, %reduce_min3A_1045 : vector<16xi32>
    %reduce_min3A_1047 = tpu.scan <min>, %reduce_min3A_1046 masked %reduce_min3A_1043 : vector<16xi32>, vector<16xi1> -> vector<16xi32>
    %reduce_min3A_1048 = arith.xori %reduce_min3A_1047, %reduce_min3A_1045 : vector<16xi32>
    %reduce_min3A_1049 = vector.extract %reduce_min3A_1048[15] : i32 from vector<16xi32>
    %eq3A_1050 = arith.constant 11 : i32
    %eq3A_1051 = vector.broadcast %eq3A_1050 : i32 to vector<16xi32>
    %eq3A_1052 = arith.cmpi eq, %iota3A, %eq3A_1051 : vector<16xi32>
    %get3A_1053 = arith.constant 16 : index
    %get3A_1054 = tpu.vector_load %arg6[%get3A_1053] {strides = array<i32>} : memref<32xf32, #tpu.memory_space<vmem>>, vector<16xf32>,
    %get3A_1055 = arith.constant 16 : index
    %get3A_1056 = tpu.vector_load %arg7[%get3A_1055] {strides = array<i32>} : memref<32xi32, #tpu.memory_space<vmem>>, vector<16xi32>,
    %broadcast_in_dim3A_1057 = vector.broadcast %reduce_max3A_1036 : f32 to vector<16xf32>
    %select_n3A_1058 = arith.select %eq3A_1052, %broadcast_in_dim3A_1057, %get3A_1054 : vector<16xi1>, vector<16xf32>
    %swap3A_1059 = arith.constant 16 : index
    %swap3A_1060 = tpu.vector_load %arg6[%swap3A_1059] {strides = array<i32>} : memref<32xf32, #tpu.memory_space<vmem>>, vector<16xf32>,
    tpu.vector_store %arg6[%swap3A_1059], %select_n3A_1058 {strides = array<i32>} : memref<32xf32, #tpu.memory_space<vmem>>, vector<16xf32>,
    %broadcast_in_dim3A_1061 = vector.broadcast %reduce_min3A_1049 : i32 to vector<16xi32>
    %select_n3A_1062 = arith.select %eq3A_1052, %broadcast_in_dim3A_1061, %get3A_1056 : vector<16xi1>, vector<16xi32>
    %swap3A_1063 = arith.constant 16 : index
    %swap3A_1064 = tpu.vector_load %arg7[%swap3A_1063] {strides = array<i32>} : memref<32xi32, #tpu.memory_space<vmem>>, vector<16xi32>,
    tpu.vector_store %arg7[%swap3A_1063], %select_n3A_1062 {strides = array<i32>} : memref<32xi32, #tpu.memory_space<vmem>>, vector<16xi32>,
    %reduce_max3A_1065 = arith.constant true
    %reduce_max3A_1066 = vector.broadcast %reduce_max3A_1065 : i1 to vector<16xi1>
    %reduce_max3A_1067 = tpu.scan <max>, %scan3A_935#4 masked %reduce_max3A_1066 : vector<16xf32>, vector<16xi1> -> vector<16xf32>
    %reduce_max3A_1068 = vector.extract %reduce_max3A_1067[15] : f32 from vector<16xf32>
    %eq3A_1069 = vector.broadcast %reduce_max3A_1068 : f32 to vector<16xf32>
    %eq3A_1070 = arith.cmpf oeq, %scan3A_935#4, %eq3A_1069 : vector<16xf32>
    %jit3A_1071 = arith.constant 1000000000 : i32
    %broadcast_in_dim3A_1072 = vector.broadcast %jit3A_1071 : i32 to vector<16xi32>
    %select_n3A_1073 = arith.select %eq3A_1070, %scan3A_935#12, %broadcast_in_dim3A_1072 : vector<16xi1>, vector<16xi32>
    %reduce_min3A_1074 = arith.constant true
    %reduce_min3A_1075 = vector.broadcast %reduce_min3A_1074 : i1 to vector<16xi1>
    %reduce_min3A_1076 = arith.constant -2147483648 : i32
    %reduce_min3A_1077 = vector.broadcast %reduce_min3A_1076 : i32 to vector<16xi32>
    %reduce_min3A_1078 = arith.xori %select_n3A_1073, %reduce_min3A_1077 : vector<16xi32>
    %reduce_min3A_1079 = tpu.scan <min>, %reduce_min3A_1078 masked %reduce_min3A_1075 : vector<16xi32>, vector<16xi1> -> vector<16xi32>
    %reduce_min3A_1080 = arith.xori %reduce_min3A_1079, %reduce_min3A_1077 : vector<16xi32>
    %reduce_min3A_1081 = vector.extract %reduce_min3A_1080[15] : i32 from vector<16xi32>
    %eq3A_1082 = arith.constant 12 : i32
    %eq3A_1083 = vector.broadcast %eq3A_1082 : i32 to vector<16xi32>
    %eq3A_1084 = arith.cmpi eq, %iota3A, %eq3A_1083 : vector<16xi32>
    %get3A_1085 = arith.constant 16 : index
    %get3A_1086 = tpu.vector_load %arg6[%get3A_1085] {strides = array<i32>} : memref<32xf32, #tpu.memory_space<vmem>>, vector<16xf32>,
    %get3A_1087 = arith.constant 16 : index
    %get3A_1088 = tpu.vector_load %arg7[%get3A_1087] {strides = array<i32>} : memref<32xi32, #tpu.memory_space<vmem>>, vector<16xi32>,
    %broadcast_in_dim3A_1089 = vector.broadcast %reduce_max3A_1068 : f32 to vector<16xf32>
    %select_n3A_1090 = arith.select %eq3A_1084, %broadcast_in_dim3A_1089, %get3A_1086 : vector<16xi1>, vector<16xf32>
    %swap3A_1091 = arith.constant 16 : index
    %swap3A_1092 = tpu.vector_load %arg6[%swap3A_1091] {strides = array<i32>} : memref<32xf32, #tpu.memory_space<vmem>>, vector<16xf32>,
    tpu.vector_store %arg6[%swap3A_1091], %select_n3A_1090 {strides = array<i32>} : memref<32xf32, #tpu.memory_space<vmem>>, vector<16xf32>,
    %broadcast_in_dim3A_1093 = vector.broadcast %reduce_min3A_1081 : i32 to vector<16xi32>
    %select_n3A_1094 = arith.select %eq3A_1084, %broadcast_in_dim3A_1093, %get3A_1088 : vector<16xi1>, vector<16xi32>
    %swap3A_1095 = arith.constant 16 : index
    %swap3A_1096 = tpu.vector_load %arg7[%swap3A_1095] {strides = array<i32>} : memref<32xi32, #tpu.memory_space<vmem>>, vector<16xi32>,
    tpu.vector_store %arg7[%swap3A_1095], %select_n3A_1094 {strides = array<i32>} : memref<32xi32, #tpu.memory_space<vmem>>, vector<16xi32>,
    %reduce_max3A_1097 = arith.constant true
    %reduce_max3A_1098 = vector.broadcast %reduce_max3A_1097 : i1 to vector<16xi1>
    %reduce_max3A_1099 = tpu.scan <max>, %scan3A_935#5 masked %reduce_max3A_1098 : vector<16xf32>, vector<16xi1> -> vector<16xf32>
    %reduce_max3A_1100 = vector.extract %reduce_max3A_1099[15] : f32 from vector<16xf32>
    %eq3A_1101 = vector.broadcast %reduce_max3A_1100 : f32 to vector<16xf32>
    %eq3A_1102 = arith.cmpf oeq, %scan3A_935#5, %eq3A_1101 : vector<16xf32>
    %jit3A_1103 = arith.constant 1000000000 : i32
    %broadcast_in_dim3A_1104 = vector.broadcast %jit3A_1103 : i32 to vector<16xi32>
    %select_n3A_1105 = arith.select %eq3A_1102, %scan3A_935#13, %broadcast_in_dim3A_1104 : vector<16xi1>, vector<16xi32>
    %reduce_min3A_1106 = arith.constant true
    %reduce_min3A_1107 = vector.broadcast %reduce_min3A_1106 : i1 to vector<16xi1>
    %reduce_min3A_1108 = arith.constant -2147483648 : i32
    %reduce_min3A_1109 = vector.broadcast %reduce_min3A_1108 : i32 to vector<16xi32>
    %reduce_min3A_1110 = arith.xori %select_n3A_1105, %reduce_min3A_1109 : vector<16xi32>
    %reduce_min3A_1111 = tpu.scan <min>, %reduce_min3A_1110 masked %reduce_min3A_1107 : vector<16xi32>, vector<16xi1> -> vector<16xi32>
    %reduce_min3A_1112 = arith.xori %reduce_min3A_1111, %reduce_min3A_1109 : vector<16xi32>
    %reduce_min3A_1113 = vector.extract %reduce_min3A_1112[15] : i32 from vector<16xi32>
    %eq3A_1114 = arith.constant 13 : i32
    %eq3A_1115 = vector.broadcast %eq3A_1114 : i32 to vector<16xi32>
    %eq3A_1116 = arith.cmpi eq, %iota3A, %eq3A_1115 : vector<16xi32>
    %get3A_1117 = arith.constant 16 : index
    %get3A_1118 = tpu.vector_load %arg6[%get3A_1117] {strides = array<i32>} : memref<32xf32, #tpu.memory_space<vmem>>, vector<16xf32>,
    %get3A_1119 = arith.constant 16 : index
    %get3A_1120 = tpu.vector_load %arg7[%get3A_1119] {strides = array<i32>} : memref<32xi32, #tpu.memory_space<vmem>>, vector<16xi32>,
    %broadcast_in_dim3A_1121 = vector.broadcast %reduce_max3A_1100 : f32 to vector<16xf32>
    %select_n3A_1122 = arith.select %eq3A_1116, %broadcast_in_dim3A_1121, %get3A_1118 : vector<16xi1>, vector<16xf32>
    %swap3A_1123 = arith.constant 16 : index
    %swap3A_1124 = tpu.vector_load %arg6[%swap3A_1123] {strides = array<i32>} : memref<32xf32, #tpu.memory_space<vmem>>, vector<16xf32>,
    tpu.vector_store %arg6[%swap3A_1123], %select_n3A_1122 {strides = array<i32>} : memref<32xf32, #tpu.memory_space<vmem>>, vector<16xf32>,
    %broadcast_in_dim3A_1125 = vector.broadcast %reduce_min3A_1113 : i32 to vector<16xi32>
    %select_n3A_1126 = arith.select %eq3A_1116, %broadcast_in_dim3A_1125, %get3A_1120 : vector<16xi1>, vector<16xi32>
    %swap3A_1127 = arith.constant 16 : index
    %swap3A_1128 = tpu.vector_load %arg7[%swap3A_1127] {strides = array<i32>} : memref<32xi32, #tpu.memory_space<vmem>>, vector<16xi32>,
    tpu.vector_store %arg7[%swap3A_1127], %select_n3A_1126 {strides = array<i32>} : memref<32xi32, #tpu.memory_space<vmem>>, vector<16xi32>,
    %reduce_max3A_1129 = arith.constant true
    %reduce_max3A_1130 = vector.broadcast %reduce_max3A_1129 : i1 to vector<16xi1>
    %reduce_max3A_1131 = tpu.scan <max>, %scan3A_935#6 masked %reduce_max3A_1130 : vector<16xf32>, vector<16xi1> -> vector<16xf32>
    %reduce_max3A_1132 = vector.extract %reduce_max3A_1131[15] : f32 from vector<16xf32>
    %eq3A_1133 = vector.broadcast %reduce_max3A_1132 : f32 to vector<16xf32>
    %eq3A_1134 = arith.cmpf oeq, %scan3A_935#6, %eq3A_1133 : vector<16xf32>
    %jit3A_1135 = arith.constant 1000000000 : i32
    %broadcast_in_dim3A_1136 = vector.broadcast %jit3A_1135 : i32 to vector<16xi32>
    %select_n3A_1137 = arith.select %eq3A_1134, %scan3A_935#14, %broadcast_in_dim3A_1136 : vector<16xi1>, vector<16xi32>
    %reduce_min3A_1138 = arith.constant true
    %reduce_min3A_1139 = vector.broadcast %reduce_min3A_1138 : i1 to vector<16xi1>
    %reduce_min3A_1140 = arith.constant -2147483648 : i32
    %reduce_min3A_1141 = vector.broadcast %reduce_min3A_1140 : i32 to vector<16xi32>
    %reduce_min3A_1142 = arith.xori %select_n3A_1137, %reduce_min3A_1141 : vector<16xi32>
    %reduce_min3A_1143 = tpu.scan <min>, %reduce_min3A_1142 masked %reduce_min3A_1139 : vector<16xi32>, vector<16xi1> -> vector<16xi32>
    %reduce_min3A_1144 = arith.xori %reduce_min3A_1143, %reduce_min3A_1141 : vector<16xi32>
    %reduce_min3A_1145 = vector.extract %reduce_min3A_1144[15] : i32 from vector<16xi32>
    %eq3A_1146 = arith.constant 14 : i32
    %eq3A_1147 = vector.broadcast %eq3A_1146 : i32 to vector<16xi32>
    %eq3A_1148 = arith.cmpi eq, %iota3A, %eq3A_1147 : vector<16xi32>
    %get3A_1149 = arith.constant 16 : index
    %get3A_1150 = tpu.vector_load %arg6[%get3A_1149] {strides = array<i32>} : memref<32xf32, #tpu.memory_space<vmem>>, vector<16xf32>,
    %get3A_1151 = arith.constant 16 : index
    %get3A_1152 = tpu.vector_load %arg7[%get3A_1151] {strides = array<i32>} : memref<32xi32, #tpu.memory_space<vmem>>, vector<16xi32>,
    %broadcast_in_dim3A_1153 = vector.broadcast %reduce_max3A_1132 : f32 to vector<16xf32>
    %select_n3A_1154 = arith.select %eq3A_1148, %broadcast_in_dim3A_1153, %get3A_1150 : vector<16xi1>, vector<16xf32>
    %swap3A_1155 = arith.constant 16 : index
    %swap3A_1156 = tpu.vector_load %arg6[%swap3A_1155] {strides = array<i32>} : memref<32xf32, #tpu.memory_space<vmem>>, vector<16xf32>,
    tpu.vector_store %arg6[%swap3A_1155], %select_n3A_1154 {strides = array<i32>} : memref<32xf32, #tpu.memory_space<vmem>>, vector<16xf32>,
    %broadcast_in_dim3A_1157 = vector.broadcast %reduce_min3A_1145 : i32 to vector<16xi32>
    %select_n3A_1158 = arith.select %eq3A_1148, %broadcast_in_dim3A_1157, %get3A_1152 : vector<16xi1>, vector<16xi32>
    %swap3A_1159 = arith.constant 16 : index
    %swap3A_1160 = tpu.vector_load %arg7[%swap3A_1159] {strides = array<i32>} : memref<32xi32, #tpu.memory_space<vmem>>, vector<16xi32>,
    tpu.vector_store %arg7[%swap3A_1159], %select_n3A_1158 {strides = array<i32>} : memref<32xi32, #tpu.memory_space<vmem>>, vector<16xi32>,
    %reduce_max3A_1161 = arith.constant true
    %reduce_max3A_1162 = vector.broadcast %reduce_max3A_1161 : i1 to vector<16xi1>
    %reduce_max3A_1163 = tpu.scan <max>, %scan3A_935#7 masked %reduce_max3A_1162 : vector<16xf32>, vector<16xi1> -> vector<16xf32>
    %reduce_max3A_1164 = vector.extract %reduce_max3A_1163[15] : f32 from vector<16xf32>
    %eq3A_1165 = vector.broadcast %reduce_max3A_1164 : f32 to vector<16xf32>
    %eq3A_1166 = arith.cmpf oeq, %scan3A_935#7, %eq3A_1165 : vector<16xf32>
    %jit3A_1167 = arith.constant 1000000000 : i32
    %broadcast_in_dim3A_1168 = vector.broadcast %jit3A_1167 : i32 to vector<16xi32>
    %select_n3A_1169 = arith.select %eq3A_1166, %scan3A_935#15, %broadcast_in_dim3A_1168 : vector<16xi1>, vector<16xi32>
    %reduce_min3A_1170 = arith.constant true
    %reduce_min3A_1171 = vector.broadcast %reduce_min3A_1170 : i1 to vector<16xi1>
    %reduce_min3A_1172 = arith.constant -2147483648 : i32
    %reduce_min3A_1173 = vector.broadcast %reduce_min3A_1172 : i32 to vector<16xi32>
    %reduce_min3A_1174 = arith.xori %select_n3A_1169, %reduce_min3A_1173 : vector<16xi32>
    %reduce_min3A_1175 = tpu.scan <min>, %reduce_min3A_1174 masked %reduce_min3A_1171 : vector<16xi32>, vector<16xi1> -> vector<16xi32>
    %reduce_min3A_1176 = arith.xori %reduce_min3A_1175, %reduce_min3A_1173 : vector<16xi32>
    %reduce_min3A_1177 = vector.extract %reduce_min3A_1176[15] : i32 from vector<16xi32>
    %eq3A_1178 = arith.constant 15 : i32
    %eq3A_1179 = vector.broadcast %eq3A_1178 : i32 to vector<16xi32>
    %eq3A_1180 = arith.cmpi eq, %iota3A, %eq3A_1179 : vector<16xi32>
    %get3A_1181 = arith.constant 16 : index
    %get3A_1182 = tpu.vector_load %arg6[%get3A_1181] {strides = array<i32>} : memref<32xf32, #tpu.memory_space<vmem>>, vector<16xf32>,
    %get3A_1183 = arith.constant 16 : index
    %get3A_1184 = tpu.vector_load %arg7[%get3A_1183] {strides = array<i32>} : memref<32xi32, #tpu.memory_space<vmem>>, vector<16xi32>,
    %broadcast_in_dim3A_1185 = vector.broadcast %reduce_max3A_1164 : f32 to vector<16xf32>
    %select_n3A_1186 = arith.select %eq3A_1180, %broadcast_in_dim3A_1185, %get3A_1182 : vector<16xi1>, vector<16xf32>
    %swap3A_1187 = arith.constant 16 : index
    %swap3A_1188 = tpu.vector_load %arg6[%swap3A_1187] {strides = array<i32>} : memref<32xf32, #tpu.memory_space<vmem>>, vector<16xf32>,
    tpu.vector_store %arg6[%swap3A_1187], %select_n3A_1186 {strides = array<i32>} : memref<32xf32, #tpu.memory_space<vmem>>, vector<16xf32>,
    %broadcast_in_dim3A_1189 = vector.broadcast %reduce_min3A_1177 : i32 to vector<16xi32>
    %select_n3A_1190 = arith.select %eq3A_1180, %broadcast_in_dim3A_1189, %get3A_1184 : vector<16xi1>, vector<16xi32>
    %swap3A_1191 = arith.constant 16 : index
    %swap3A_1192 = tpu.vector_load %arg7[%swap3A_1191] {strides = array<i32>} : memref<32xi32, #tpu.memory_space<vmem>>, vector<16xi32>,
    tpu.vector_store %arg7[%swap3A_1191], %select_n3A_1190 {strides = array<i32>} : memref<32xi32, #tpu.memory_space<vmem>>, vector<16xi32>,
    "tpu.region"() ({
      %run_scoped3A = tpu.sem_alloc : memref<!tpu.dma_semaphore, #tpu.memory_space<semaphore_mem>>
      %dma_start3A_1193 = tpu.memref_slice %arg3[%mul3A_2] : memref<1024xf32, #tpu.memory_space<hbm>> -> memref<32xf32, #tpu.memory_space<hbm>>
      %dma_start3A_1194 = tpu.memref_slice %arg3[%mul3A_2] : memref<1024xf32, #tpu.memory_space<hbm>> -> memref<32xf32, #tpu.memory_space<hbm>>
      tpu.enqueue_dma source(%arg6 : memref<32xf32, #tpu.memory_space<vmem>>) target(%dma_start3A_1194 : memref<32xf32, #tpu.memory_space<hbm>>) target_semaphore(%run_scoped3A : memref<!tpu.dma_semaphore, #tpu.memory_space<semaphore_mem>>)
      %dma_wait3A = tpu.memref_slice %arg3[%mul3A_2] : memref<1024xf32, #tpu.memory_space<hbm>> -> memref<32xf32, #tpu.memory_space<hbm>>
      %dma_wait3A_1195 = tpu.memref_slice %arg3[%mul3A_2] : memref<1024xf32, #tpu.memory_space<hbm>> -> memref<32xf32, #tpu.memory_space<hbm>>
      tpu.wait_dma2 semaphore(%run_scoped3A : memref<!tpu.dma_semaphore, #tpu.memory_space<semaphore_mem>>) src(%arg6 : memref<32xf32, #tpu.memory_space<vmem>>) dst(%dma_wait3A_1195 : memref<32xf32, #tpu.memory_space<hbm>>)
      tpu.yield
    }) : () -> ()
    "tpu.region"() ({
      %run_scoped3A = tpu.sem_alloc : memref<!tpu.dma_semaphore, #tpu.memory_space<semaphore_mem>>
      %dma_start3A_1193 = tpu.memref_slice %arg4[%mul3A_2] : memref<1024xi32, #tpu.memory_space<hbm>> -> memref<32xi32, #tpu.memory_space<hbm>>
      %dma_start3A_1194 = tpu.memref_slice %arg4[%mul3A_2] : memref<1024xi32, #tpu.memory_space<hbm>> -> memref<32xi32, #tpu.memory_space<hbm>>
      tpu.enqueue_dma source(%arg7 : memref<32xi32, #tpu.memory_space<vmem>>) target(%dma_start3A_1194 : memref<32xi32, #tpu.memory_space<hbm>>) target_semaphore(%run_scoped3A : memref<!tpu.dma_semaphore, #tpu.memory_space<semaphore_mem>>)
      %dma_wait3A = tpu.memref_slice %arg4[%mul3A_2] : memref<1024xi32, #tpu.memory_space<hbm>> -> memref<32xi32, #tpu.memory_space<hbm>>
      %dma_wait3A_1195 = tpu.memref_slice %arg4[%mul3A_2] : memref<1024xi32, #tpu.memory_space<hbm>> -> memref<32xi32, #tpu.memory_space<hbm>>
      tpu.wait_dma2 semaphore(%run_scoped3A : memref<!tpu.dma_semaphore, #tpu.memory_space<semaphore_mem>>) src(%arg7 : memref<32xi32, #tpu.memory_space<vmem>>) dst(%dma_wait3A_1195 : memref<32xi32, #tpu.memory_space<hbm>>)
      tpu.yield
    }) : () -> ()
    return
  }
}

#map = affine_map<(d0, d1) -> (0, 0)>
#map1 = affine_map<(d0, d1) -> (0)>
module attributes {stable_mosaic.version = 14 : i64} {
  func.func @gather_kernel(%arg0: i32, %arg1: i32, %arg2: memref<100000x64xf32, #tpu.memory_space<hbm>>, %arg3: memref<1024xf32, #tpu.memory_space<hbm>>, %arg4: memref<1024xi32, #tpu.memory_space<hbm>>, %arg5: memref<1024xf32, #tpu.memory_space<hbm>>, %arg6: memref<1024xi32, #tpu.memory_space<hbm>>, %arg7: memref<1024x64xf32, #tpu.memory_space<hbm>>, %arg8: memref<32xf32, #tpu.memory_space<vmem>>, %arg9: memref<32xi32, #tpu.memory_space<vmem>>, %arg10: memref<32xf32, #tpu.memory_space<vmem>>, %arg11: memref<32xi32, #tpu.memory_space<vmem>>, %arg12: memref<32xi32, #tpu.memory_space<vmem>>, %arg13: memref<32x64xf32, #tpu.memory_space<vmem>>, %arg14: memref<!tpu.dma_semaphore, #tpu.memory_space<semaphore_mem>>) attributes {dimension_semantics = [#tpu.dimension_semantics<core_parallel>, #tpu.dimension_semantics<subcore_parallel>], iteration_bounds = array<i64: 2, 16>, scalar_prefetch = 0 : i64, scratch_operands = 7 : i64, tpu.core_type = #tpu.core_type<sc_vector_subcore>, window_params = [{transform_indices = #map}, {transform_indices = #map1}, {transform_indices = #map1}, {transform_indices = #map1}, {transform_indices = #map1}, {transform_indices = #map}]} {
    %mul3A = arith.constant 2 : i32
    %mul3A_0 = arith.muli %arg1, %mul3A : i32
    %add3A = arith.addi %mul3A_0, %arg0 : i32
    %mul3A_1 = arith.constant 32 : i32
    %mul3A_2 = arith.muli %add3A, %mul3A_1 : i32
    "tpu.region"() ({
      %run_scoped3A = tpu.sem_alloc : memref<!tpu.dma_semaphore, #tpu.memory_space<semaphore_mem>>
      %dma_start3A_27 = tpu.memref_slice %arg3[%mul3A_2] : memref<1024xf32, #tpu.memory_space<hbm>> -> memref<32xf32, #tpu.memory_space<hbm>>
      %dma_start3A_28 = tpu.memref_slice %arg3[%mul3A_2] : memref<1024xf32, #tpu.memory_space<hbm>> -> memref<32xf32, #tpu.memory_space<hbm>>
      tpu.enqueue_dma source(%dma_start3A_28 : memref<32xf32, #tpu.memory_space<hbm>>) target(%arg8 : memref<32xf32, #tpu.memory_space<vmem>>) target_semaphore(%run_scoped3A : memref<!tpu.dma_semaphore, #tpu.memory_space<semaphore_mem>>)
      %dma_wait3A_29 = tpu.memref_slice %arg3[%mul3A_2] : memref<1024xf32, #tpu.memory_space<hbm>> -> memref<32xf32, #tpu.memory_space<hbm>>
      %dma_wait3A_30 = tpu.memref_slice %arg3[%mul3A_2] : memref<1024xf32, #tpu.memory_space<hbm>> -> memref<32xf32, #tpu.memory_space<hbm>>
      tpu.wait_dma2 semaphore(%run_scoped3A : memref<!tpu.dma_semaphore, #tpu.memory_space<semaphore_mem>>) src(%dma_wait3A_30 : memref<32xf32, #tpu.memory_space<hbm>>) dst(%arg8 : memref<32xf32, #tpu.memory_space<vmem>>)
      tpu.yield
    }) : () -> ()
    "tpu.region"() ({
      %run_scoped3A = tpu.sem_alloc : memref<!tpu.dma_semaphore, #tpu.memory_space<semaphore_mem>>
      %dma_start3A_27 = tpu.memref_slice %arg4[%mul3A_2] : memref<1024xi32, #tpu.memory_space<hbm>> -> memref<32xi32, #tpu.memory_space<hbm>>
      %dma_start3A_28 = tpu.memref_slice %arg4[%mul3A_2] : memref<1024xi32, #tpu.memory_space<hbm>> -> memref<32xi32, #tpu.memory_space<hbm>>
      tpu.enqueue_dma source(%dma_start3A_28 : memref<32xi32, #tpu.memory_space<hbm>>) target(%arg9 : memref<32xi32, #tpu.memory_space<vmem>>) target_semaphore(%run_scoped3A : memref<!tpu.dma_semaphore, #tpu.memory_space<semaphore_mem>>)
      %dma_wait3A_29 = tpu.memref_slice %arg4[%mul3A_2] : memref<1024xi32, #tpu.memory_space<hbm>> -> memref<32xi32, #tpu.memory_space<hbm>>
      %dma_wait3A_30 = tpu.memref_slice %arg4[%mul3A_2] : memref<1024xi32, #tpu.memory_space<hbm>> -> memref<32xi32, #tpu.memory_space<hbm>>
      tpu.wait_dma2 semaphore(%run_scoped3A : memref<!tpu.dma_semaphore, #tpu.memory_space<semaphore_mem>>) src(%dma_wait3A_30 : memref<32xi32, #tpu.memory_space<hbm>>) dst(%arg9 : memref<32xi32, #tpu.memory_space<vmem>>)
      tpu.yield
    }) : () -> ()
    "tpu.region"() ({
      %run_scoped3A = tpu.sem_alloc : memref<!tpu.dma_semaphore, #tpu.memory_space<semaphore_mem>>
      %dma_start3A_27 = tpu.memref_slice %arg5[%mul3A_2] : memref<1024xf32, #tpu.memory_space<hbm>> -> memref<32xf32, #tpu.memory_space<hbm>>
      %dma_start3A_28 = tpu.memref_slice %arg5[%mul3A_2] : memref<1024xf32, #tpu.memory_space<hbm>> -> memref<32xf32, #tpu.memory_space<hbm>>
      tpu.enqueue_dma source(%dma_start3A_28 : memref<32xf32, #tpu.memory_space<hbm>>) target(%arg10 : memref<32xf32, #tpu.memory_space<vmem>>) target_semaphore(%run_scoped3A : memref<!tpu.dma_semaphore, #tpu.memory_space<semaphore_mem>>)
      %dma_wait3A_29 = tpu.memref_slice %arg5[%mul3A_2] : memref<1024xf32, #tpu.memory_space<hbm>> -> memref<32xf32, #tpu.memory_space<hbm>>
      %dma_wait3A_30 = tpu.memref_slice %arg5[%mul3A_2] : memref<1024xf32, #tpu.memory_space<hbm>> -> memref<32xf32, #tpu.memory_space<hbm>>
      tpu.wait_dma2 semaphore(%run_scoped3A : memref<!tpu.dma_semaphore, #tpu.memory_space<semaphore_mem>>) src(%dma_wait3A_30 : memref<32xf32, #tpu.memory_space<hbm>>) dst(%arg10 : memref<32xf32, #tpu.memory_space<vmem>>)
      tpu.yield
    }) : () -> ()
    "tpu.region"() ({
      %run_scoped3A = tpu.sem_alloc : memref<!tpu.dma_semaphore, #tpu.memory_space<semaphore_mem>>
      %dma_start3A_27 = tpu.memref_slice %arg6[%mul3A_2] : memref<1024xi32, #tpu.memory_space<hbm>> -> memref<32xi32, #tpu.memory_space<hbm>>
      %dma_start3A_28 = tpu.memref_slice %arg6[%mul3A_2] : memref<1024xi32, #tpu.memory_space<hbm>> -> memref<32xi32, #tpu.memory_space<hbm>>
      tpu.enqueue_dma source(%dma_start3A_28 : memref<32xi32, #tpu.memory_space<hbm>>) target(%arg11 : memref<32xi32, #tpu.memory_space<vmem>>) target_semaphore(%run_scoped3A : memref<!tpu.dma_semaphore, #tpu.memory_space<semaphore_mem>>)
      %dma_wait3A_29 = tpu.memref_slice %arg6[%mul3A_2] : memref<1024xi32, #tpu.memory_space<hbm>> -> memref<32xi32, #tpu.memory_space<hbm>>
      %dma_wait3A_30 = tpu.memref_slice %arg6[%mul3A_2] : memref<1024xi32, #tpu.memory_space<hbm>> -> memref<32xi32, #tpu.memory_space<hbm>>
      tpu.wait_dma2 semaphore(%run_scoped3A : memref<!tpu.dma_semaphore, #tpu.memory_space<semaphore_mem>>) src(%dma_wait3A_30 : memref<32xi32, #tpu.memory_space<hbm>>) dst(%arg11 : memref<32xi32, #tpu.memory_space<vmem>>)
      tpu.yield
    }) : () -> ()
    %get3A = arith.constant 0 : index
    %get3A_3 = tpu.vector_load %arg8[%get3A] {strides = array<i32>} : memref<32xf32, #tpu.memory_space<vmem>>, vector<16xf32>,
    %get3A_4 = arith.constant 0 : index
    %get3A_5 = tpu.vector_load %arg9[%get3A_4] {strides = array<i32>} : memref<32xi32, #tpu.memory_space<vmem>>, vector<16xi32>,
    %get3A_6 = arith.constant 0 : index
    %get3A_7 = tpu.vector_load %arg10[%get3A_6] {strides = array<i32>} : memref<32xf32, #tpu.memory_space<vmem>>, vector<16xf32>,
    %get3A_8 = arith.constant 0 : index
    %get3A_9 = tpu.vector_load %arg11[%get3A_8] {strides = array<i32>} : memref<32xi32, #tpu.memory_space<vmem>>, vector<16xi32>,
    %gt3A = arith.cmpf ogt, %get3A_3, %get3A_7 : vector<16xf32>
    %select_n3A = arith.select %gt3A, %get3A_5, %get3A_9 : vector<16xi1>, vector<16xi32>
    %swap3A = arith.constant 0 : index
    %swap3A_10 = tpu.vector_load %arg12[%swap3A] {strides = array<i32>} : memref<32xi32, #tpu.memory_space<vmem>>, vector<16xi32>,
    tpu.vector_store %arg12[%swap3A], %select_n3A {strides = array<i32>} : memref<32xi32, #tpu.memory_space<vmem>>, vector<16xi32>,
    %get3A_11 = arith.constant 16 : index
    %get3A_12 = tpu.vector_load %arg8[%get3A_11] {strides = array<i32>} : memref<32xf32, #tpu.memory_space<vmem>>, vector<16xf32>,
    %get3A_13 = arith.constant 16 : index
    %get3A_14 = tpu.vector_load %arg9[%get3A_13] {strides = array<i32>} : memref<32xi32, #tpu.memory_space<vmem>>, vector<16xi32>,
    %get3A_15 = arith.constant 16 : index
    %get3A_16 = tpu.vector_load %arg10[%get3A_15] {strides = array<i32>} : memref<32xf32, #tpu.memory_space<vmem>>, vector<16xf32>,
    %get3A_17 = arith.constant 16 : index
    %get3A_18 = tpu.vector_load %arg11[%get3A_17] {strides = array<i32>} : memref<32xi32, #tpu.memory_space<vmem>>, vector<16xi32>,
    %gt3A_19 = arith.cmpf ogt, %get3A_12, %get3A_16 : vector<16xf32>
    %select_n3A_20 = arith.select %gt3A_19, %get3A_14, %get3A_18 : vector<16xi1>, vector<16xi32>
    %swap3A_21 = arith.constant 16 : index
    %swap3A_22 = tpu.vector_load %arg12[%swap3A_21] {strides = array<i32>} : memref<32xi32, #tpu.memory_space<vmem>>, vector<16xi32>,
    tpu.vector_store %arg12[%swap3A_21], %select_n3A_20 {strides = array<i32>} : memref<32xi32, #tpu.memory_space<vmem>>, vector<16xi32>,
    %dma_start3A = arith.constant 0 : i32
    %dma_start3A_23 = arith.constant 0 : i32
    %dma_start3A_24 = tpu.memref_slice %arg2[%dma_start3A, %dma_start3A_23] : memref<100000x64xf32, #tpu.memory_space<hbm>> -> memref<100000x64xf32, #tpu.memory_space<hbm>>
    tpu.enqueue_indirect_dma source(%dma_start3A_24 : memref<100000x64xf32, #tpu.memory_space<hbm>>) target(%arg13 : memref<32x64xf32, #tpu.memory_space<vmem>>) offsets(%arg12 : memref<32xi32, #tpu.memory_space<vmem>>) semaphore(%arg14 : memref<!tpu.dma_semaphore, #tpu.memory_space<semaphore_mem>>)
    %dma_wait3A = arith.constant 0 : i32
    %dma_wait3A_25 = arith.constant 0 : i32
    %dma_wait3A_26 = tpu.memref_slice %arg2[%dma_wait3A, %dma_wait3A_25] : memref<100000x64xf32, #tpu.memory_space<hbm>> -> memref<100000x64xf32, #tpu.memory_space<hbm>>
    tpu.wait_indirect_dma semaphore(%arg14 : memref<!tpu.dma_semaphore, #tpu.memory_space<semaphore_mem>>) src(%dma_wait3A_26 : memref<100000x64xf32, #tpu.memory_space<hbm>>) dst(%arg13 : memref<32x64xf32, #tpu.memory_space<vmem>>)
    "tpu.region"() ({
      %run_scoped3A = tpu.sem_alloc : memref<!tpu.dma_semaphore, #tpu.memory_space<semaphore_mem>>
      %dma_start3A_27 = arith.constant 0 : i32
      %dma_start3A_28 = tpu.memref_slice %arg7[%mul3A_2, %dma_start3A_27] : memref<1024x64xf32, #tpu.memory_space<hbm>> -> memref<32x64xf32, #tpu.memory_space<hbm>>
      %dma_start3A_29 = arith.constant 0 : i32
      %dma_start3A_30 = tpu.memref_slice %arg7[%mul3A_2, %dma_start3A_29] : memref<1024x64xf32, #tpu.memory_space<hbm>> -> memref<32x64xf32, #tpu.memory_space<hbm>>
      tpu.enqueue_dma source(%arg13 : memref<32x64xf32, #tpu.memory_space<vmem>>) target(%dma_start3A_30 : memref<32x64xf32, #tpu.memory_space<hbm>>) target_semaphore(%run_scoped3A : memref<!tpu.dma_semaphore, #tpu.memory_space<semaphore_mem>>)
      %dma_wait3A_31 = arith.constant 0 : i32
      %dma_wait3A_32 = tpu.memref_slice %arg7[%mul3A_2, %dma_wait3A_31] : memref<1024x64xf32, #tpu.memory_space<hbm>> -> memref<32x64xf32, #tpu.memory_space<hbm>>
      %dma_wait3A_33 = arith.constant 0 : i32
      %dma_wait3A_34 = tpu.memref_slice %arg7[%mul3A_2, %dma_wait3A_33] : memref<1024x64xf32, #tpu.memory_space<hbm>> -> memref<32x64xf32, #tpu.memory_space<hbm>>
      tpu.wait_dma2 semaphore(%run_scoped3A : memref<!tpu.dma_semaphore, #tpu.memory_space<semaphore_mem>>) src(%arg13 : memref<32x64xf32, #tpu.memory_space<vmem>>) dst(%dma_wait3A_34 : memref<32x64xf32, #tpu.memory_space<hbm>>)
      tpu.yield
    }) : () -> ()
    return
  }
}

module attributes {stable_mosaic.version = 14 : i64} {
  func.func @body(%arg0: i32, %arg1: memref<1024x4096xf32, #tpu.memory_space<vmem>>, %arg2: memref<1024x1xf32, #tpu.memory_space<vmem>>, %arg3: memref<1024x1xi32, #tpu.memory_space<vmem>>, %arg4: memref<1024x128xf32, #tpu.memory_space<vmem>>, %arg5: memref<1024x128xi32, #tpu.memory_space<vmem>>) attributes {dimension_semantics = [#tpu.dimension_semantics<arbitrary>], iteration_bounds = array<i64: 14>, scalar_prefetch = 0 : i64, scratch_operands = 2 : i64, tpu.core_type = #tpu.core_type<tc>, window_params = [{transform_indices = @transform_0, window_bounds = array<i64: 1024, 4096>}, {pipeline_mode = #tpu.pipeline_mode<synchronous>, transform_indices = @transform_1, window_bounds = array<i64: 1024, 1>}, {pipeline_mode = #tpu.pipeline_mode<synchronous>, transform_indices = @transform_2, window_bounds = array<i64: 1024, 1>}]} {
    %iota3A = tpu.iota {dimensions = array<i32: 1>} : vector<1024x128xi32>
    %eq3A = arith.constant 0 : i32
    %eq3A_0 = arith.cmpi eq, %arg0, %eq3A : i32
    %convert_element_type3A = arith.extui %eq3A_0 : i1 to i32
    %cond3A = arith.constant 0 : i32
    %cond3A_1 = arith.cmpi ne, %convert_element_type3A, %cond3A : i32
    scf.if %cond3A_1 {
      %broadcast_in_dim3A = arith.constant 0xFF800000 : f32
      %broadcast_in_dim3A_463 = vector.broadcast %broadcast_in_dim3A : f32 to vector<1024x128xf32>
      %swap3A_464 = arith.constant 0 : index
      %swap3A_465 = arith.constant 0 : index
      %swap3A_466 = vector.load %arg4[%swap3A_464, %swap3A_465] : memref<1024x128xf32, #tpu.memory_space<vmem>>, vector<1024x128xf32>
      tpu.vector_store %arg4[%swap3A_464, %swap3A_465], %broadcast_in_dim3A_463 {strides = array<i32>} : memref<1024x128xf32, #tpu.memory_space<vmem>>, vector<1024x128xf32>,
      %broadcast_in_dim3A_467 = arith.constant 0 : i32
      %broadcast_in_dim3A_468 = vector.broadcast %broadcast_in_dim3A_467 : i32 to vector<1024x128xi32>
      %swap3A_469 = arith.constant 0 : index
      %swap3A_470 = arith.constant 0 : index
      %swap3A_471 = vector.load %arg5[%swap3A_469, %swap3A_470] : memref<1024x128xi32, #tpu.memory_space<vmem>>, vector<1024x128xi32>
      tpu.vector_store %arg5[%swap3A_469, %swap3A_470], %broadcast_in_dim3A_468 {strides = array<i32>} : memref<1024x128xi32, #tpu.memory_space<vmem>>, vector<1024x128xi32>,
    } else {
    }
    %get3A = arith.constant 0 : index
    %get3A_2 = arith.constant 0 : index
    %get3A_3 = vector.load %arg4[%get3A, %get3A_2] : memref<1024x128xf32, #tpu.memory_space<vmem>>, vector<1024x128xf32>
    %get3A_4 = arith.constant 0 : index
    %get3A_5 = arith.constant 0 : index
    %get3A_6 = vector.load %arg5[%get3A_4, %get3A_5] : memref<1024x128xi32, #tpu.memory_space<vmem>>, vector<1024x128xi32>
    %mul3A = arith.constant 4096 : i32
    %mul3A_7 = arith.muli %arg0, %mul3A : i32
    %add3A = arith.constant 45056 : i32
    %add3A_8 = arith.addi %add3A, %mul3A_7 : i32
    %get3A_9 = arith.constant 0 : index
    %get3A_10 = arith.constant 0 : index
    %get3A_11 = vector.load %arg1[%get3A_9, %get3A_10] : memref<1024x4096xf32, #tpu.memory_space<vmem>>, vector<1024x128xf32>
    %add3A_12 = arith.constant 0 : i32
    %add3A_13 = arith.addi %add3A_8, %add3A_12 : i32
    %add3A_14 = vector.broadcast %add3A_13 : i32 to vector<1024x128xi32>
    %add3A_15 = arith.addi %iota3A, %add3A_14 : vector<1024x128xi32>
    %gt3A = arith.cmpf ogt, %get3A_11, %get3A_3 : vector<1024x128xf32>
    %lt3A = arith.constant 100000 : i32
    %lt3A_16 = vector.broadcast %lt3A : i32 to vector<1024x128xi32>
    %lt3A_17 = arith.cmpi slt, %add3A_15, %lt3A_16 : vector<1024x128xi32>
    %and3A = arith.andi %gt3A, %lt3A_17 : vector<1024x128xi1>
    %select_n3A = arith.select %and3A, %get3A_11, %get3A_3 : vector<1024x128xi1>, vector<1024x128xf32>
    %select_n3A_18 = arith.select %and3A, %add3A_15, %get3A_6 : vector<1024x128xi1>, vector<1024x128xi32>
    %get3A_19 = arith.constant 0 : index
    %get3A_20 = arith.constant 128 : index
    %get3A_21 = vector.load %arg1[%get3A_19, %get3A_20] : memref<1024x4096xf32, #tpu.memory_space<vmem>>, vector<1024x128xf32>
    %add3A_22 = arith.constant 128 : i32
    %add3A_23 = arith.addi %add3A_8, %add3A_22 : i32
    %add3A_24 = vector.broadcast %add3A_23 : i32 to vector<1024x128xi32>
    %add3A_25 = arith.addi %iota3A, %add3A_24 : vector<1024x128xi32>
    %gt3A_26 = arith.cmpf ogt, %get3A_21, %select_n3A : vector<1024x128xf32>
    %lt3A_27 = arith.constant 100000 : i32
    %lt3A_28 = vector.broadcast %lt3A_27 : i32 to vector<1024x128xi32>
    %lt3A_29 = arith.cmpi slt, %add3A_25, %lt3A_28 : vector<1024x128xi32>
    %and3A_30 = arith.andi %gt3A_26, %lt3A_29 : vector<1024x128xi1>
    %select_n3A_31 = arith.select %and3A_30, %get3A_21, %select_n3A : vector<1024x128xi1>, vector<1024x128xf32>
    %select_n3A_32 = arith.select %and3A_30, %add3A_25, %select_n3A_18 : vector<1024x128xi1>, vector<1024x128xi32>
    %get3A_33 = arith.constant 0 : index
    %get3A_34 = arith.constant 256 : index
    %get3A_35 = vector.load %arg1[%get3A_33, %get3A_34] : memref<1024x4096xf32, #tpu.memory_space<vmem>>, vector<1024x128xf32>
    %add3A_36 = arith.constant 256 : i32
    %add3A_37 = arith.addi %add3A_8, %add3A_36 : i32
    %add3A_38 = vector.broadcast %add3A_37 : i32 to vector<1024x128xi32>
    %add3A_39 = arith.addi %iota3A, %add3A_38 : vector<1024x128xi32>
    %gt3A_40 = arith.cmpf ogt, %get3A_35, %select_n3A_31 : vector<1024x128xf32>
    %lt3A_41 = arith.constant 100000 : i32
    %lt3A_42 = vector.broadcast %lt3A_41 : i32 to vector<1024x128xi32>
    %lt3A_43 = arith.cmpi slt, %add3A_39, %lt3A_42 : vector<1024x128xi32>
    %and3A_44 = arith.andi %gt3A_40, %lt3A_43 : vector<1024x128xi1>
    %select_n3A_45 = arith.select %and3A_44, %get3A_35, %select_n3A_31 : vector<1024x128xi1>, vector<1024x128xf32>
    %select_n3A_46 = arith.select %and3A_44, %add3A_39, %select_n3A_32 : vector<1024x128xi1>, vector<1024x128xi32>
    %get3A_47 = arith.constant 0 : index
    %get3A_48 = arith.constant 384 : index
    %get3A_49 = vector.load %arg1[%get3A_47, %get3A_48] : memref<1024x4096xf32, #tpu.memory_space<vmem>>, vector<1024x128xf32>
    %add3A_50 = arith.constant 384 : i32
    %add3A_51 = arith.addi %add3A_8, %add3A_50 : i32
    %add3A_52 = vector.broadcast %add3A_51 : i32 to vector<1024x128xi32>
    %add3A_53 = arith.addi %iota3A, %add3A_52 : vector<1024x128xi32>
    %gt3A_54 = arith.cmpf ogt, %get3A_49, %select_n3A_45 : vector<1024x128xf32>
    %lt3A_55 = arith.constant 100000 : i32
    %lt3A_56 = vector.broadcast %lt3A_55 : i32 to vector<1024x128xi32>
    %lt3A_57 = arith.cmpi slt, %add3A_53, %lt3A_56 : vector<1024x128xi32>
    %and3A_58 = arith.andi %gt3A_54, %lt3A_57 : vector<1024x128xi1>
    %select_n3A_59 = arith.select %and3A_58, %get3A_49, %select_n3A_45 : vector<1024x128xi1>, vector<1024x128xf32>
    %select_n3A_60 = arith.select %and3A_58, %add3A_53, %select_n3A_46 : vector<1024x128xi1>, vector<1024x128xi32>
    %get3A_61 = arith.constant 0 : index
    %get3A_62 = arith.constant 512 : index
    %get3A_63 = vector.load %arg1[%get3A_61, %get3A_62] : memref<1024x4096xf32, #tpu.memory_space<vmem>>, vector<1024x128xf32>
    %add3A_64 = arith.constant 512 : i32
    %add3A_65 = arith.addi %add3A_8, %add3A_64 : i32
    %add3A_66 = vector.broadcast %add3A_65 : i32 to vector<1024x128xi32>
    %add3A_67 = arith.addi %iota3A, %add3A_66 : vector<1024x128xi32>
    %gt3A_68 = arith.cmpf ogt, %get3A_63, %select_n3A_59 : vector<1024x128xf32>
    %lt3A_69 = arith.constant 100000 : i32
    %lt3A_70 = vector.broadcast %lt3A_69 : i32 to vector<1024x128xi32>
    %lt3A_71 = arith.cmpi slt, %add3A_67, %lt3A_70 : vector<1024x128xi32>
    %and3A_72 = arith.andi %gt3A_68, %lt3A_71 : vector<1024x128xi1>
    %select_n3A_73 = arith.select %and3A_72, %get3A_63, %select_n3A_59 : vector<1024x128xi1>, vector<1024x128xf32>
    %select_n3A_74 = arith.select %and3A_72, %add3A_67, %select_n3A_60 : vector<1024x128xi1>, vector<1024x128xi32>
    %get3A_75 = arith.constant 0 : index
    %get3A_76 = arith.constant 640 : index
    %get3A_77 = vector.load %arg1[%get3A_75, %get3A_76] : memref<1024x4096xf32, #tpu.memory_space<vmem>>, vector<1024x128xf32>
    %add3A_78 = arith.constant 640 : i32
    %add3A_79 = arith.addi %add3A_8, %add3A_78 : i32
    %add3A_80 = vector.broadcast %add3A_79 : i32 to vector<1024x128xi32>
    %add3A_81 = arith.addi %iota3A, %add3A_80 : vector<1024x128xi32>
    %gt3A_82 = arith.cmpf ogt, %get3A_77, %select_n3A_73 : vector<1024x128xf32>
    %lt3A_83 = arith.constant 100000 : i32
    %lt3A_84 = vector.broadcast %lt3A_83 : i32 to vector<1024x128xi32>
    %lt3A_85 = arith.cmpi slt, %add3A_81, %lt3A_84 : vector<1024x128xi32>
    %and3A_86 = arith.andi %gt3A_82, %lt3A_85 : vector<1024x128xi1>
    %select_n3A_87 = arith.select %and3A_86, %get3A_77, %select_n3A_73 : vector<1024x128xi1>, vector<1024x128xf32>
    %select_n3A_88 = arith.select %and3A_86, %add3A_81, %select_n3A_74 : vector<1024x128xi1>, vector<1024x128xi32>
    %get3A_89 = arith.constant 0 : index
    %get3A_90 = arith.constant 768 : index
    %get3A_91 = vector.load %arg1[%get3A_89, %get3A_90] : memref<1024x4096xf32, #tpu.memory_space<vmem>>, vector<1024x128xf32>
    %add3A_92 = arith.constant 768 : i32
    %add3A_93 = arith.addi %add3A_8, %add3A_92 : i32
    %add3A_94 = vector.broadcast %add3A_93 : i32 to vector<1024x128xi32>
    %add3A_95 = arith.addi %iota3A, %add3A_94 : vector<1024x128xi32>
    %gt3A_96 = arith.cmpf ogt, %get3A_91, %select_n3A_87 : vector<1024x128xf32>
    %lt3A_97 = arith.constant 100000 : i32
    %lt3A_98 = vector.broadcast %lt3A_97 : i32 to vector<1024x128xi32>
    %lt3A_99 = arith.cmpi slt, %add3A_95, %lt3A_98 : vector<1024x128xi32>
    %and3A_100 = arith.andi %gt3A_96, %lt3A_99 : vector<1024x128xi1>
    %select_n3A_101 = arith.select %and3A_100, %get3A_91, %select_n3A_87 : vector<1024x128xi1>, vector<1024x128xf32>
    %select_n3A_102 = arith.select %and3A_100, %add3A_95, %select_n3A_88 : vector<1024x128xi1>, vector<1024x128xi32>
    %get3A_103 = arith.constant 0 : index
    %get3A_104 = arith.constant 896 : index
    %get3A_105 = vector.load %arg1[%get3A_103, %get3A_104] : memref<1024x4096xf32, #tpu.memory_space<vmem>>, vector<1024x128xf32>
    %add3A_106 = arith.constant 896 : i32
    %add3A_107 = arith.addi %add3A_8, %add3A_106 : i32
    %add3A_108 = vector.broadcast %add3A_107 : i32 to vector<1024x128xi32>
    %add3A_109 = arith.addi %iota3A, %add3A_108 : vector<1024x128xi32>
    %gt3A_110 = arith.cmpf ogt, %get3A_105, %select_n3A_101 : vector<1024x128xf32>
    %lt3A_111 = arith.constant 100000 : i32
    %lt3A_112 = vector.broadcast %lt3A_111 : i32 to vector<1024x128xi32>
    %lt3A_113 = arith.cmpi slt, %add3A_109, %lt3A_112 : vector<1024x128xi32>
    %and3A_114 = arith.andi %gt3A_110, %lt3A_113 : vector<1024x128xi1>
    %select_n3A_115 = arith.select %and3A_114, %get3A_105, %select_n3A_101 : vector<1024x128xi1>, vector<1024x128xf32>
    %select_n3A_116 = arith.select %and3A_114, %add3A_109, %select_n3A_102 : vector<1024x128xi1>, vector<1024x128xi32>
    %get3A_117 = arith.constant 0 : index
    %get3A_118 = arith.constant 1024 : index
    %get3A_119 = vector.load %arg1[%get3A_117, %get3A_118] : memref<1024x4096xf32, #tpu.memory_space<vmem>>, vector<1024x128xf32>
    %add3A_120 = arith.constant 1024 : i32
    %add3A_121 = arith.addi %add3A_8, %add3A_120 : i32
    %add3A_122 = vector.broadcast %add3A_121 : i32 to vector<1024x128xi32>
    %add3A_123 = arith.addi %iota3A, %add3A_122 : vector<1024x128xi32>
    %gt3A_124 = arith.cmpf ogt, %get3A_119, %select_n3A_115 : vector<1024x128xf32>
    %lt3A_125 = arith.constant 100000 : i32
    %lt3A_126 = vector.broadcast %lt3A_125 : i32 to vector<1024x128xi32>
    %lt3A_127 = arith.cmpi slt, %add3A_123, %lt3A_126 : vector<1024x128xi32>
    %and3A_128 = arith.andi %gt3A_124, %lt3A_127 : vector<1024x128xi1>
    %select_n3A_129 = arith.select %and3A_128, %get3A_119, %select_n3A_115 : vector<1024x128xi1>, vector<1024x128xf32>
    %select_n3A_130 = arith.select %and3A_128, %add3A_123, %select_n3A_116 : vector<1024x128xi1>, vector<1024x128xi32>
    %get3A_131 = arith.constant 0 : index
    %get3A_132 = arith.constant 1152 : index
    %get3A_133 = vector.load %arg1[%get3A_131, %get3A_132] : memref<1024x4096xf32, #tpu.memory_space<vmem>>, vector<1024x128xf32>
    %add3A_134 = arith.constant 1152 : i32
    %add3A_135 = arith.addi %add3A_8, %add3A_134 : i32
    %add3A_136 = vector.broadcast %add3A_135 : i32 to vector<1024x128xi32>
    %add3A_137 = arith.addi %iota3A, %add3A_136 : vector<1024x128xi32>
    %gt3A_138 = arith.cmpf ogt, %get3A_133, %select_n3A_129 : vector<1024x128xf32>
    %lt3A_139 = arith.constant 100000 : i32
    %lt3A_140 = vector.broadcast %lt3A_139 : i32 to vector<1024x128xi32>
    %lt3A_141 = arith.cmpi slt, %add3A_137, %lt3A_140 : vector<1024x128xi32>
    %and3A_142 = arith.andi %gt3A_138, %lt3A_141 : vector<1024x128xi1>
    %select_n3A_143 = arith.select %and3A_142, %get3A_133, %select_n3A_129 : vector<1024x128xi1>, vector<1024x128xf32>
    %select_n3A_144 = arith.select %and3A_142, %add3A_137, %select_n3A_130 : vector<1024x128xi1>, vector<1024x128xi32>
    %get3A_145 = arith.constant 0 : index
    %get3A_146 = arith.constant 1280 : index
    %get3A_147 = vector.load %arg1[%get3A_145, %get3A_146] : memref<1024x4096xf32, #tpu.memory_space<vmem>>, vector<1024x128xf32>
    %add3A_148 = arith.constant 1280 : i32
    %add3A_149 = arith.addi %add3A_8, %add3A_148 : i32
    %add3A_150 = vector.broadcast %add3A_149 : i32 to vector<1024x128xi32>
    %add3A_151 = arith.addi %iota3A, %add3A_150 : vector<1024x128xi32>
    %gt3A_152 = arith.cmpf ogt, %get3A_147, %select_n3A_143 : vector<1024x128xf32>
    %lt3A_153 = arith.constant 100000 : i32
    %lt3A_154 = vector.broadcast %lt3A_153 : i32 to vector<1024x128xi32>
    %lt3A_155 = arith.cmpi slt, %add3A_151, %lt3A_154 : vector<1024x128xi32>
    %and3A_156 = arith.andi %gt3A_152, %lt3A_155 : vector<1024x128xi1>
    %select_n3A_157 = arith.select %and3A_156, %get3A_147, %select_n3A_143 : vector<1024x128xi1>, vector<1024x128xf32>
    %select_n3A_158 = arith.select %and3A_156, %add3A_151, %select_n3A_144 : vector<1024x128xi1>, vector<1024x128xi32>
    %get3A_159 = arith.constant 0 : index
    %get3A_160 = arith.constant 1408 : index
    %get3A_161 = vector.load %arg1[%get3A_159, %get3A_160] : memref<1024x4096xf32, #tpu.memory_space<vmem>>, vector<1024x128xf32>
    %add3A_162 = arith.constant 1408 : i32
    %add3A_163 = arith.addi %add3A_8, %add3A_162 : i32
    %add3A_164 = vector.broadcast %add3A_163 : i32 to vector<1024x128xi32>
    %add3A_165 = arith.addi %iota3A, %add3A_164 : vector<1024x128xi32>
    %gt3A_166 = arith.cmpf ogt, %get3A_161, %select_n3A_157 : vector<1024x128xf32>
    %lt3A_167 = arith.constant 100000 : i32
    %lt3A_168 = vector.broadcast %lt3A_167 : i32 to vector<1024x128xi32>
    %lt3A_169 = arith.cmpi slt, %add3A_165, %lt3A_168 : vector<1024x128xi32>
    %and3A_170 = arith.andi %gt3A_166, %lt3A_169 : vector<1024x128xi1>
    %select_n3A_171 = arith.select %and3A_170, %get3A_161, %select_n3A_157 : vector<1024x128xi1>, vector<1024x128xf32>
    %select_n3A_172 = arith.select %and3A_170, %add3A_165, %select_n3A_158 : vector<1024x128xi1>, vector<1024x128xi32>
    %get3A_173 = arith.constant 0 : index
    %get3A_174 = arith.constant 1536 : index
    %get3A_175 = vector.load %arg1[%get3A_173, %get3A_174] : memref<1024x4096xf32, #tpu.memory_space<vmem>>, vector<1024x128xf32>
    %add3A_176 = arith.constant 1536 : i32
    %add3A_177 = arith.addi %add3A_8, %add3A_176 : i32
    %add3A_178 = vector.broadcast %add3A_177 : i32 to vector<1024x128xi32>
    %add3A_179 = arith.addi %iota3A, %add3A_178 : vector<1024x128xi32>
    %gt3A_180 = arith.cmpf ogt, %get3A_175, %select_n3A_171 : vector<1024x128xf32>
    %lt3A_181 = arith.constant 100000 : i32
    %lt3A_182 = vector.broadcast %lt3A_181 : i32 to vector<1024x128xi32>
    %lt3A_183 = arith.cmpi slt, %add3A_179, %lt3A_182 : vector<1024x128xi32>
    %and3A_184 = arith.andi %gt3A_180, %lt3A_183 : vector<1024x128xi1>
    %select_n3A_185 = arith.select %and3A_184, %get3A_175, %select_n3A_171 : vector<1024x128xi1>, vector<1024x128xf32>
    %select_n3A_186 = arith.select %and3A_184, %add3A_179, %select_n3A_172 : vector<1024x128xi1>, vector<1024x128xi32>
    %get3A_187 = arith.constant 0 : index
    %get3A_188 = arith.constant 1664 : index
    %get3A_189 = vector.load %arg1[%get3A_187, %get3A_188] : memref<1024x4096xf32, #tpu.memory_space<vmem>>, vector<1024x128xf32>
    %add3A_190 = arith.constant 1664 : i32
    %add3A_191 = arith.addi %add3A_8, %add3A_190 : i32
    %add3A_192 = vector.broadcast %add3A_191 : i32 to vector<1024x128xi32>
    %add3A_193 = arith.addi %iota3A, %add3A_192 : vector<1024x128xi32>
    %gt3A_194 = arith.cmpf ogt, %get3A_189, %select_n3A_185 : vector<1024x128xf32>
    %lt3A_195 = arith.constant 100000 : i32
    %lt3A_196 = vector.broadcast %lt3A_195 : i32 to vector<1024x128xi32>
    %lt3A_197 = arith.cmpi slt, %add3A_193, %lt3A_196 : vector<1024x128xi32>
    %and3A_198 = arith.andi %gt3A_194, %lt3A_197 : vector<1024x128xi1>
    %select_n3A_199 = arith.select %and3A_198, %get3A_189, %select_n3A_185 : vector<1024x128xi1>, vector<1024x128xf32>
    %select_n3A_200 = arith.select %and3A_198, %add3A_193, %select_n3A_186 : vector<1024x128xi1>, vector<1024x128xi32>
    %get3A_201 = arith.constant 0 : index
    %get3A_202 = arith.constant 1792 : index
    %get3A_203 = vector.load %arg1[%get3A_201, %get3A_202] : memref<1024x4096xf32, #tpu.memory_space<vmem>>, vector<1024x128xf32>
    %add3A_204 = arith.constant 1792 : i32
    %add3A_205 = arith.addi %add3A_8, %add3A_204 : i32
    %add3A_206 = vector.broadcast %add3A_205 : i32 to vector<1024x128xi32>
    %add3A_207 = arith.addi %iota3A, %add3A_206 : vector<1024x128xi32>
    %gt3A_208 = arith.cmpf ogt, %get3A_203, %select_n3A_199 : vector<1024x128xf32>
    %lt3A_209 = arith.constant 100000 : i32
    %lt3A_210 = vector.broadcast %lt3A_209 : i32 to vector<1024x128xi32>
    %lt3A_211 = arith.cmpi slt, %add3A_207, %lt3A_210 : vector<1024x128xi32>
    %and3A_212 = arith.andi %gt3A_208, %lt3A_211 : vector<1024x128xi1>
    %select_n3A_213 = arith.select %and3A_212, %get3A_203, %select_n3A_199 : vector<1024x128xi1>, vector<1024x128xf32>
    %select_n3A_214 = arith.select %and3A_212, %add3A_207, %select_n3A_200 : vector<1024x128xi1>, vector<1024x128xi32>
    %get3A_215 = arith.constant 0 : index
    %get3A_216 = arith.constant 1920 : index
    %get3A_217 = vector.load %arg1[%get3A_215, %get3A_216] : memref<1024x4096xf32, #tpu.memory_space<vmem>>, vector<1024x128xf32>
    %add3A_218 = arith.constant 1920 : i32
    %add3A_219 = arith.addi %add3A_8, %add3A_218 : i32
    %add3A_220 = vector.broadcast %add3A_219 : i32 to vector<1024x128xi32>
    %add3A_221 = arith.addi %iota3A, %add3A_220 : vector<1024x128xi32>
    %gt3A_222 = arith.cmpf ogt, %get3A_217, %select_n3A_213 : vector<1024x128xf32>
    %lt3A_223 = arith.constant 100000 : i32
    %lt3A_224 = vector.broadcast %lt3A_223 : i32 to vector<1024x128xi32>
    %lt3A_225 = arith.cmpi slt, %add3A_221, %lt3A_224 : vector<1024x128xi32>
    %and3A_226 = arith.andi %gt3A_222, %lt3A_225 : vector<1024x128xi1>
    %select_n3A_227 = arith.select %and3A_226, %get3A_217, %select_n3A_213 : vector<1024x128xi1>, vector<1024x128xf32>
    %select_n3A_228 = arith.select %and3A_226, %add3A_221, %select_n3A_214 : vector<1024x128xi1>, vector<1024x128xi32>
    %get3A_229 = arith.constant 0 : index
    %get3A_230 = arith.constant 2048 : index
    %get3A_231 = vector.load %arg1[%get3A_229, %get3A_230] : memref<1024x4096xf32, #tpu.memory_space<vmem>>, vector<1024x128xf32>
    %add3A_232 = arith.constant 2048 : i32
    %add3A_233 = arith.addi %add3A_8, %add3A_232 : i32
    %add3A_234 = vector.broadcast %add3A_233 : i32 to vector<1024x128xi32>
    %add3A_235 = arith.addi %iota3A, %add3A_234 : vector<1024x128xi32>
    %gt3A_236 = arith.cmpf ogt, %get3A_231, %select_n3A_227 : vector<1024x128xf32>
    %lt3A_237 = arith.constant 100000 : i32
    %lt3A_238 = vector.broadcast %lt3A_237 : i32 to vector<1024x128xi32>
    %lt3A_239 = arith.cmpi slt, %add3A_235, %lt3A_238 : vector<1024x128xi32>
    %and3A_240 = arith.andi %gt3A_236, %lt3A_239 : vector<1024x128xi1>
    %select_n3A_241 = arith.select %and3A_240, %get3A_231, %select_n3A_227 : vector<1024x128xi1>, vector<1024x128xf32>
    %select_n3A_242 = arith.select %and3A_240, %add3A_235, %select_n3A_228 : vector<1024x128xi1>, vector<1024x128xi32>
    %get3A_243 = arith.constant 0 : index
    %get3A_244 = arith.constant 2176 : index
    %get3A_245 = vector.load %arg1[%get3A_243, %get3A_244] : memref<1024x4096xf32, #tpu.memory_space<vmem>>, vector<1024x128xf32>
    %add3A_246 = arith.constant 2176 : i32
    %add3A_247 = arith.addi %add3A_8, %add3A_246 : i32
    %add3A_248 = vector.broadcast %add3A_247 : i32 to vector<1024x128xi32>
    %add3A_249 = arith.addi %iota3A, %add3A_248 : vector<1024x128xi32>
    %gt3A_250 = arith.cmpf ogt, %get3A_245, %select_n3A_241 : vector<1024x128xf32>
    %lt3A_251 = arith.constant 100000 : i32
    %lt3A_252 = vector.broadcast %lt3A_251 : i32 to vector<1024x128xi32>
    %lt3A_253 = arith.cmpi slt, %add3A_249, %lt3A_252 : vector<1024x128xi32>
    %and3A_254 = arith.andi %gt3A_250, %lt3A_253 : vector<1024x128xi1>
    %select_n3A_255 = arith.select %and3A_254, %get3A_245, %select_n3A_241 : vector<1024x128xi1>, vector<1024x128xf32>
    %select_n3A_256 = arith.select %and3A_254, %add3A_249, %select_n3A_242 : vector<1024x128xi1>, vector<1024x128xi32>
    %get3A_257 = arith.constant 0 : index
    %get3A_258 = arith.constant 2304 : index
    %get3A_259 = vector.load %arg1[%get3A_257, %get3A_258] : memref<1024x4096xf32, #tpu.memory_space<vmem>>, vector<1024x128xf32>
    %add3A_260 = arith.constant 2304 : i32
    %add3A_261 = arith.addi %add3A_8, %add3A_260 : i32
    %add3A_262 = vector.broadcast %add3A_261 : i32 to vector<1024x128xi32>
    %add3A_263 = arith.addi %iota3A, %add3A_262 : vector<1024x128xi32>
    %gt3A_264 = arith.cmpf ogt, %get3A_259, %select_n3A_255 : vector<1024x128xf32>
    %lt3A_265 = arith.constant 100000 : i32
    %lt3A_266 = vector.broadcast %lt3A_265 : i32 to vector<1024x128xi32>
    %lt3A_267 = arith.cmpi slt, %add3A_263, %lt3A_266 : vector<1024x128xi32>
    %and3A_268 = arith.andi %gt3A_264, %lt3A_267 : vector<1024x128xi1>
    %select_n3A_269 = arith.select %and3A_268, %get3A_259, %select_n3A_255 : vector<1024x128xi1>, vector<1024x128xf32>
    %select_n3A_270 = arith.select %and3A_268, %add3A_263, %select_n3A_256 : vector<1024x128xi1>, vector<1024x128xi32>
    %get3A_271 = arith.constant 0 : index
    %get3A_272 = arith.constant 2432 : index
    %get3A_273 = vector.load %arg1[%get3A_271, %get3A_272] : memref<1024x4096xf32, #tpu.memory_space<vmem>>, vector<1024x128xf32>
    %add3A_274 = arith.constant 2432 : i32
    %add3A_275 = arith.addi %add3A_8, %add3A_274 : i32
    %add3A_276 = vector.broadcast %add3A_275 : i32 to vector<1024x128xi32>
    %add3A_277 = arith.addi %iota3A, %add3A_276 : vector<1024x128xi32>
    %gt3A_278 = arith.cmpf ogt, %get3A_273, %select_n3A_269 : vector<1024x128xf32>
    %lt3A_279 = arith.constant 100000 : i32
    %lt3A_280 = vector.broadcast %lt3A_279 : i32 to vector<1024x128xi32>
    %lt3A_281 = arith.cmpi slt, %add3A_277, %lt3A_280 : vector<1024x128xi32>
    %and3A_282 = arith.andi %gt3A_278, %lt3A_281 : vector<1024x128xi1>
    %select_n3A_283 = arith.select %and3A_282, %get3A_273, %select_n3A_269 : vector<1024x128xi1>, vector<1024x128xf32>
    %select_n3A_284 = arith.select %and3A_282, %add3A_277, %select_n3A_270 : vector<1024x128xi1>, vector<1024x128xi32>
    %get3A_285 = arith.constant 0 : index
    %get3A_286 = arith.constant 2560 : index
    %get3A_287 = vector.load %arg1[%get3A_285, %get3A_286] : memref<1024x4096xf32, #tpu.memory_space<vmem>>, vector<1024x128xf32>
    %add3A_288 = arith.constant 2560 : i32
    %add3A_289 = arith.addi %add3A_8, %add3A_288 : i32
    %add3A_290 = vector.broadcast %add3A_289 : i32 to vector<1024x128xi32>
    %add3A_291 = arith.addi %iota3A, %add3A_290 : vector<1024x128xi32>
    %gt3A_292 = arith.cmpf ogt, %get3A_287, %select_n3A_283 : vector<1024x128xf32>
    %lt3A_293 = arith.constant 100000 : i32
    %lt3A_294 = vector.broadcast %lt3A_293 : i32 to vector<1024x128xi32>
    %lt3A_295 = arith.cmpi slt, %add3A_291, %lt3A_294 : vector<1024x128xi32>
    %and3A_296 = arith.andi %gt3A_292, %lt3A_295 : vector<1024x128xi1>
    %select_n3A_297 = arith.select %and3A_296, %get3A_287, %select_n3A_283 : vector<1024x128xi1>, vector<1024x128xf32>
    %select_n3A_298 = arith.select %and3A_296, %add3A_291, %select_n3A_284 : vector<1024x128xi1>, vector<1024x128xi32>
    %get3A_299 = arith.constant 0 : index
    %get3A_300 = arith.constant 2688 : index
    %get3A_301 = vector.load %arg1[%get3A_299, %get3A_300] : memref<1024x4096xf32, #tpu.memory_space<vmem>>, vector<1024x128xf32>
    %add3A_302 = arith.constant 2688 : i32
    %add3A_303 = arith.addi %add3A_8, %add3A_302 : i32
    %add3A_304 = vector.broadcast %add3A_303 : i32 to vector<1024x128xi32>
    %add3A_305 = arith.addi %iota3A, %add3A_304 : vector<1024x128xi32>
    %gt3A_306 = arith.cmpf ogt, %get3A_301, %select_n3A_297 : vector<1024x128xf32>
    %lt3A_307 = arith.constant 100000 : i32
    %lt3A_308 = vector.broadcast %lt3A_307 : i32 to vector<1024x128xi32>
    %lt3A_309 = arith.cmpi slt, %add3A_305, %lt3A_308 : vector<1024x128xi32>
    %and3A_310 = arith.andi %gt3A_306, %lt3A_309 : vector<1024x128xi1>
    %select_n3A_311 = arith.select %and3A_310, %get3A_301, %select_n3A_297 : vector<1024x128xi1>, vector<1024x128xf32>
    %select_n3A_312 = arith.select %and3A_310, %add3A_305, %select_n3A_298 : vector<1024x128xi1>, vector<1024x128xi32>
    %get3A_313 = arith.constant 0 : index
    %get3A_314 = arith.constant 2816 : index
    %get3A_315 = vector.load %arg1[%get3A_313, %get3A_314] : memref<1024x4096xf32, #tpu.memory_space<vmem>>, vector<1024x128xf32>
    %add3A_316 = arith.constant 2816 : i32
    %add3A_317 = arith.addi %add3A_8, %add3A_316 : i32
    %add3A_318 = vector.broadcast %add3A_317 : i32 to vector<1024x128xi32>
    %add3A_319 = arith.addi %iota3A, %add3A_318 : vector<1024x128xi32>
    %gt3A_320 = arith.cmpf ogt, %get3A_315, %select_n3A_311 : vector<1024x128xf32>
    %lt3A_321 = arith.constant 100000 : i32
    %lt3A_322 = vector.broadcast %lt3A_321 : i32 to vector<1024x128xi32>
    %lt3A_323 = arith.cmpi slt, %add3A_319, %lt3A_322 : vector<1024x128xi32>
    %and3A_324 = arith.andi %gt3A_320, %lt3A_323 : vector<1024x128xi1>
    %select_n3A_325 = arith.select %and3A_324, %get3A_315, %select_n3A_311 : vector<1024x128xi1>, vector<1024x128xf32>
    %select_n3A_326 = arith.select %and3A_324, %add3A_319, %select_n3A_312 : vector<1024x128xi1>, vector<1024x128xi32>
    %get3A_327 = arith.constant 0 : index
    %get3A_328 = arith.constant 2944 : index
    %get3A_329 = vector.load %arg1[%get3A_327, %get3A_328] : memref<1024x4096xf32, #tpu.memory_space<vmem>>, vector<1024x128xf32>
    %add3A_330 = arith.constant 2944 : i32
    %add3A_331 = arith.addi %add3A_8, %add3A_330 : i32
    %add3A_332 = vector.broadcast %add3A_331 : i32 to vector<1024x128xi32>
    %add3A_333 = arith.addi %iota3A, %add3A_332 : vector<1024x128xi32>
    %gt3A_334 = arith.cmpf ogt, %get3A_329, %select_n3A_325 : vector<1024x128xf32>
    %lt3A_335 = arith.constant 100000 : i32
    %lt3A_336 = vector.broadcast %lt3A_335 : i32 to vector<1024x128xi32>
    %lt3A_337 = arith.cmpi slt, %add3A_333, %lt3A_336 : vector<1024x128xi32>
    %and3A_338 = arith.andi %gt3A_334, %lt3A_337 : vector<1024x128xi1>
    %select_n3A_339 = arith.select %and3A_338, %get3A_329, %select_n3A_325 : vector<1024x128xi1>, vector<1024x128xf32>
    %select_n3A_340 = arith.select %and3A_338, %add3A_333, %select_n3A_326 : vector<1024x128xi1>, vector<1024x128xi32>
    %get3A_341 = arith.constant 0 : index
    %get3A_342 = arith.constant 3072 : index
    %get3A_343 = vector.load %arg1[%get3A_341, %get3A_342] : memref<1024x4096xf32, #tpu.memory_space<vmem>>, vector<1024x128xf32>
    %add3A_344 = arith.constant 3072 : i32
    %add3A_345 = arith.addi %add3A_8, %add3A_344 : i32
    %add3A_346 = vector.broadcast %add3A_345 : i32 to vector<1024x128xi32>
    %add3A_347 = arith.addi %iota3A, %add3A_346 : vector<1024x128xi32>
    %gt3A_348 = arith.cmpf ogt, %get3A_343, %select_n3A_339 : vector<1024x128xf32>
    %lt3A_349 = arith.constant 100000 : i32
    %lt3A_350 = vector.broadcast %lt3A_349 : i32 to vector<1024x128xi32>
    %lt3A_351 = arith.cmpi slt, %add3A_347, %lt3A_350 : vector<1024x128xi32>
    %and3A_352 = arith.andi %gt3A_348, %lt3A_351 : vector<1024x128xi1>
    %select_n3A_353 = arith.select %and3A_352, %get3A_343, %select_n3A_339 : vector<1024x128xi1>, vector<1024x128xf32>
    %select_n3A_354 = arith.select %and3A_352, %add3A_347, %select_n3A_340 : vector<1024x128xi1>, vector<1024x128xi32>
    %get3A_355 = arith.constant 0 : index
    %get3A_356 = arith.constant 3200 : index
    %get3A_357 = vector.load %arg1[%get3A_355, %get3A_356] : memref<1024x4096xf32, #tpu.memory_space<vmem>>, vector<1024x128xf32>
    %add3A_358 = arith.constant 3200 : i32
    %add3A_359 = arith.addi %add3A_8, %add3A_358 : i32
    %add3A_360 = vector.broadcast %add3A_359 : i32 to vector<1024x128xi32>
    %add3A_361 = arith.addi %iota3A, %add3A_360 : vector<1024x128xi32>
    %gt3A_362 = arith.cmpf ogt, %get3A_357, %select_n3A_353 : vector<1024x128xf32>
    %lt3A_363 = arith.constant 100000 : i32
    %lt3A_364 = vector.broadcast %lt3A_363 : i32 to vector<1024x128xi32>
    %lt3A_365 = arith.cmpi slt, %add3A_361, %lt3A_364 : vector<1024x128xi32>
    %and3A_366 = arith.andi %gt3A_362, %lt3A_365 : vector<1024x128xi1>
    %select_n3A_367 = arith.select %and3A_366, %get3A_357, %select_n3A_353 : vector<1024x128xi1>, vector<1024x128xf32>
    %select_n3A_368 = arith.select %and3A_366, %add3A_361, %select_n3A_354 : vector<1024x128xi1>, vector<1024x128xi32>
    %get3A_369 = arith.constant 0 : index
    %get3A_370 = arith.constant 3328 : index
    %get3A_371 = vector.load %arg1[%get3A_369, %get3A_370] : memref<1024x4096xf32, #tpu.memory_space<vmem>>, vector<1024x128xf32>
    %add3A_372 = arith.constant 3328 : i32
    %add3A_373 = arith.addi %add3A_8, %add3A_372 : i32
    %add3A_374 = vector.broadcast %add3A_373 : i32 to vector<1024x128xi32>
    %add3A_375 = arith.addi %iota3A, %add3A_374 : vector<1024x128xi32>
    %gt3A_376 = arith.cmpf ogt, %get3A_371, %select_n3A_367 : vector<1024x128xf32>
    %lt3A_377 = arith.constant 100000 : i32
    %lt3A_378 = vector.broadcast %lt3A_377 : i32 to vector<1024x128xi32>
    %lt3A_379 = arith.cmpi slt, %add3A_375, %lt3A_378 : vector<1024x128xi32>
    %and3A_380 = arith.andi %gt3A_376, %lt3A_379 : vector<1024x128xi1>
    %select_n3A_381 = arith.select %and3A_380, %get3A_371, %select_n3A_367 : vector<1024x128xi1>, vector<1024x128xf32>
    %select_n3A_382 = arith.select %and3A_380, %add3A_375, %select_n3A_368 : vector<1024x128xi1>, vector<1024x128xi32>
    %get3A_383 = arith.constant 0 : index
    %get3A_384 = arith.constant 3456 : index
    %get3A_385 = vector.load %arg1[%get3A_383, %get3A_384] : memref<1024x4096xf32, #tpu.memory_space<vmem>>, vector<1024x128xf32>
    %add3A_386 = arith.constant 3456 : i32
    %add3A_387 = arith.addi %add3A_8, %add3A_386 : i32
    %add3A_388 = vector.broadcast %add3A_387 : i32 to vector<1024x128xi32>
    %add3A_389 = arith.addi %iota3A, %add3A_388 : vector<1024x128xi32>
    %gt3A_390 = arith.cmpf ogt, %get3A_385, %select_n3A_381 : vector<1024x128xf32>
    %lt3A_391 = arith.constant 100000 : i32
    %lt3A_392 = vector.broadcast %lt3A_391 : i32 to vector<1024x128xi32>
    %lt3A_393 = arith.cmpi slt, %add3A_389, %lt3A_392 : vector<1024x128xi32>
    %and3A_394 = arith.andi %gt3A_390, %lt3A_393 : vector<1024x128xi1>
    %select_n3A_395 = arith.select %and3A_394, %get3A_385, %select_n3A_381 : vector<1024x128xi1>, vector<1024x128xf32>
    %select_n3A_396 = arith.select %and3A_394, %add3A_389, %select_n3A_382 : vector<1024x128xi1>, vector<1024x128xi32>
    %get3A_397 = arith.constant 0 : index
    %get3A_398 = arith.constant 3584 : index
    %get3A_399 = vector.load %arg1[%get3A_397, %get3A_398] : memref<1024x4096xf32, #tpu.memory_space<vmem>>, vector<1024x128xf32>
    %add3A_400 = arith.constant 3584 : i32
    %add3A_401 = arith.addi %add3A_8, %add3A_400 : i32
    %add3A_402 = vector.broadcast %add3A_401 : i32 to vector<1024x128xi32>
    %add3A_403 = arith.addi %iota3A, %add3A_402 : vector<1024x128xi32>
    %gt3A_404 = arith.cmpf ogt, %get3A_399, %select_n3A_395 : vector<1024x128xf32>
    %lt3A_405 = arith.constant 100000 : i32
    %lt3A_406 = vector.broadcast %lt3A_405 : i32 to vector<1024x128xi32>
    %lt3A_407 = arith.cmpi slt, %add3A_403, %lt3A_406 : vector<1024x128xi32>
    %and3A_408 = arith.andi %gt3A_404, %lt3A_407 : vector<1024x128xi1>
    %select_n3A_409 = arith.select %and3A_408, %get3A_399, %select_n3A_395 : vector<1024x128xi1>, vector<1024x128xf32>
    %select_n3A_410 = arith.select %and3A_408, %add3A_403, %select_n3A_396 : vector<1024x128xi1>, vector<1024x128xi32>
    %get3A_411 = arith.constant 0 : index
    %get3A_412 = arith.constant 3712 : index
    %get3A_413 = vector.load %arg1[%get3A_411, %get3A_412] : memref<1024x4096xf32, #tpu.memory_space<vmem>>, vector<1024x128xf32>
    %add3A_414 = arith.constant 3712 : i32
    %add3A_415 = arith.addi %add3A_8, %add3A_414 : i32
    %add3A_416 = vector.broadcast %add3A_415 : i32 to vector<1024x128xi32>
    %add3A_417 = arith.addi %iota3A, %add3A_416 : vector<1024x128xi32>
    %gt3A_418 = arith.cmpf ogt, %get3A_413, %select_n3A_409 : vector<1024x128xf32>
    %lt3A_419 = arith.constant 100000 : i32
    %lt3A_420 = vector.broadcast %lt3A_419 : i32 to vector<1024x128xi32>
    %lt3A_421 = arith.cmpi slt, %add3A_417, %lt3A_420 : vector<1024x128xi32>
    %and3A_422 = arith.andi %gt3A_418, %lt3A_421 : vector<1024x128xi1>
    %select_n3A_423 = arith.select %and3A_422, %get3A_413, %select_n3A_409 : vector<1024x128xi1>, vector<1024x128xf32>
    %select_n3A_424 = arith.select %and3A_422, %add3A_417, %select_n3A_410 : vector<1024x128xi1>, vector<1024x128xi32>
    %get3A_425 = arith.constant 0 : index
    %get3A_426 = arith.constant 3840 : index
    %get3A_427 = vector.load %arg1[%get3A_425, %get3A_426] : memref<1024x4096xf32, #tpu.memory_space<vmem>>, vector<1024x128xf32>
    %add3A_428 = arith.constant 3840 : i32
    %add3A_429 = arith.addi %add3A_8, %add3A_428 : i32
    %add3A_430 = vector.broadcast %add3A_429 : i32 to vector<1024x128xi32>
    %add3A_431 = arith.addi %iota3A, %add3A_430 : vector<1024x128xi32>
    %gt3A_432 = arith.cmpf ogt, %get3A_427, %select_n3A_423 : vector<1024x128xf32>
    %lt3A_433 = arith.constant 100000 : i32
    %lt3A_434 = vector.broadcast %lt3A_433 : i32 to vector<1024x128xi32>
    %lt3A_435 = arith.cmpi slt, %add3A_431, %lt3A_434 : vector<1024x128xi32>
    %and3A_436 = arith.andi %gt3A_432, %lt3A_435 : vector<1024x128xi1>
    %select_n3A_437 = arith.select %and3A_436, %get3A_427, %select_n3A_423 : vector<1024x128xi1>, vector<1024x128xf32>
    %select_n3A_438 = arith.select %and3A_436, %add3A_431, %select_n3A_424 : vector<1024x128xi1>, vector<1024x128xi32>
    %get3A_439 = arith.constant 0 : index
    %get3A_440 = arith.constant 3968 : index
    %get3A_441 = vector.load %arg1[%get3A_439, %get3A_440] : memref<1024x4096xf32, #tpu.memory_space<vmem>>, vector<1024x128xf32>
    %add3A_442 = arith.constant 3968 : i32
    %add3A_443 = arith.addi %add3A_8, %add3A_442 : i32
    %add3A_444 = vector.broadcast %add3A_443 : i32 to vector<1024x128xi32>
    %add3A_445 = arith.addi %iota3A, %add3A_444 : vector<1024x128xi32>
    %gt3A_446 = arith.cmpf ogt, %get3A_441, %select_n3A_437 : vector<1024x128xf32>
    %lt3A_447 = arith.constant 100000 : i32
    %lt3A_448 = vector.broadcast %lt3A_447 : i32 to vector<1024x128xi32>
    %lt3A_449 = arith.cmpi slt, %add3A_445, %lt3A_448 : vector<1024x128xi32>
    %and3A_450 = arith.andi %gt3A_446, %lt3A_449 : vector<1024x128xi1>
    %select_n3A_451 = arith.select %and3A_450, %get3A_441, %select_n3A_437 : vector<1024x128xi1>, vector<1024x128xf32>
    %select_n3A_452 = arith.select %and3A_450, %add3A_445, %select_n3A_438 : vector<1024x128xi1>, vector<1024x128xi32>
    %swap3A = arith.constant 0 : index
    %swap3A_453 = arith.constant 0 : index
    %swap3A_454 = vector.load %arg4[%swap3A, %swap3A_453] : memref<1024x128xf32, #tpu.memory_space<vmem>>, vector<1024x128xf32>
    tpu.vector_store %arg4[%swap3A, %swap3A_453], %select_n3A_451 {strides = array<i32>} : memref<1024x128xf32, #tpu.memory_space<vmem>>, vector<1024x128xf32>,
    %swap3A_455 = arith.constant 0 : index
    %swap3A_456 = arith.constant 0 : index
    %swap3A_457 = vector.load %arg5[%swap3A_455, %swap3A_456] : memref<1024x128xi32, #tpu.memory_space<vmem>>, vector<1024x128xi32>
    tpu.vector_store %arg5[%swap3A_455, %swap3A_456], %select_n3A_452 {strides = array<i32>} : memref<1024x128xi32, #tpu.memory_space<vmem>>, vector<1024x128xi32>,
    %eq3A_458 = arith.constant 13 : i32
    %eq3A_459 = arith.cmpi eq, %arg0, %eq3A_458 : i32
    %convert_element_type3A_460 = arith.extui %eq3A_459 : i1 to i32
    %cond3A_461 = arith.constant 0 : i32
    %cond3A_462 = arith.cmpi ne, %convert_element_type3A_460, %cond3A_461 : i32
    scf.if %cond3A_462 {
      %reduce_max3A = arith.constant dense<0xFF800000> : vector<1024xf32>
      %reduce_max3A_463 = vector.multi_reduction <maximumf>, %select_n3A_451, %reduce_max3A [1] : vector<1024x128xf32> to vector<1024xf32>
      %broadcast_in_dim3A = vector.shape_cast %reduce_max3A_463 : vector<1024xf32> to vector<1024x1xf32>
      %eq3A_464 = vector.broadcast %broadcast_in_dim3A : vector<1024x1xf32> to vector<1024x128xf32>
      %eq3A_465 = arith.cmpf oeq, %select_n3A_451, %eq3A_464 : vector<1024x128xf32>
      %jit3A = arith.constant 1000000000 : i32
      %broadcast_in_dim3A_466 = vector.broadcast %jit3A : i32 to vector<1024x128xi32>
      %select_n3A_467 = arith.select %eq3A_465, %select_n3A_452, %broadcast_in_dim3A_466 : vector<1024x128xi1>, vector<1024x128xi32>
      %reduce_min3A = arith.constant dense<2147483647> : vector<1024xi32>
      %reduce_min3A_468 = vector.multi_reduction <minsi>, %select_n3A_467, %reduce_min3A [1] : vector<1024x128xi32> to vector<1024xi32>
      %broadcast_in_dim3A_469 = vector.shape_cast %reduce_min3A_468 : vector<1024xi32> to vector<1024x1xi32>
      %swap3A_470 = arith.constant 0 : index
      %swap3A_471 = arith.constant 0 : index
      %swap3A_472 = vector.load %arg3[%swap3A_470, %swap3A_471] : memref<1024x1xi32, #tpu.memory_space<vmem>>, vector<1024x1xi32>
      tpu.vector_store %arg3[%swap3A_470, %swap3A_471], %broadcast_in_dim3A_469 {strides = array<i32>} : memref<1024x1xi32, #tpu.memory_space<vmem>>, vector<1024x1xi32>,
      %swap3A_473 = arith.constant 0 : index
      %swap3A_474 = arith.constant 0 : index
      %swap3A_475 = vector.load %arg2[%swap3A_473, %swap3A_474] : memref<1024x1xf32, #tpu.memory_space<vmem>>, vector<1024x1xf32>
      tpu.vector_store %arg2[%swap3A_473, %swap3A_474], %broadcast_in_dim3A {strides = array<i32>} : memref<1024x1xf32, #tpu.memory_space<vmem>>, vector<1024x1xf32>,
    } else {
    }
    return
  }
  func.func @transform_0(%arg0: i32) -> (i32, i32) {
    %add3A = arith.constant 11 : i32
    %add3A_0 = arith.addi %arg0, %add3A : i32
    %c0_i32 = arith.constant 0 : i32
    %c0_i32_1 = arith.constant 0 : i32
    return %c0_i32, %add3A_0 : i32, i32
  }
  func.func @transform_1(%arg0: i32) -> (i32, i32) {
    %c0_i32 = arith.constant 0 : i32
    %c0_i32_0 = arith.constant 0 : i32
    %c0_i32_1 = arith.constant 0 : i32
    return %c0_i32, %c0_i32_0 : i32, i32
  }
  func.func @transform_2(%arg0: i32) -> (i32, i32) {
    %c0_i32 = arith.constant 0 : i32
    %c0_i32_0 = arith.constant 0 : i32
    %c0_i32_1 = arith.constant 0 : i32
    return %c0_i32, %c0_i32_0 : i32, i32
  }
}

</mosaic_0001>

<sc_bundles>
// kernel: kernel.5.cloned.1.call-start
scs
__scs_entry_jumppad:
0x0: {  	(pc) =	sbr.rel $0x88, $3  }
0x1: {  	(tag) =	ssettag $0x0;
	lr =	simm.s32 $0x1  }
0x2: {  	[smem:$0x3F9F] =	sst lr;
	_ =	strace $0xD0000000  }
0x3: {  	_ = 	snop  }
0x4: {  	_ = 	snop  }
0x5: {  	_ = 	snop  }
0x6: {  	_ = 	snop  }
0x7: {  	_ = 	snop  }
__scs_overlays_trampoline_lowered:
0x8: {  	[smem:$0x3FAE] =	sst s0  }
0x9: {  	[smem:$0x3FAF] =	sst s1  }
0xa: {  	[smem:$0x3FB0] =	sst s2  }
0xb: {  	[smem:$0x3FB1] =	sst s3  }
0xc: {  	[smem:$0x3FB2] =	sst s4  }
0xd: {  	[smem:$0x3FB3] =	sst s5  }
0xe: {  	[smem:$0x3FB4] =	sst s6  }
0xf: {  	[smem:$0x3FB5] =	sst s7  }
0x10: {  	[smem:$0x3FB6] =	sst s8  }
0x11: {  	[smem:$0x3FB7] =	sst s9;
	s0 =	simm.s32 @!p0 $0x0  }
0x12: {  	s1 =	sld [smem:$0x3F9D];
	s0 =	simm.s32 @p0 $0x1  }
0x13: {  	[smem:$0x3FB8] =	sst s0;
	s0 =	simm.s32 @!p1 $0x0  }
0x14: {  	s2 =	sld [smem:$0x3F9C];
	s0 =	simm.s32 @p1 $0x1  }
0x15: {  	[smem:$0x3FB9] =	sst s0;
	s0 =	simm.s32 @!p2 $0x0  }
0x16: {  	s3 =	sld [smem:$0x3FDB];
	s0 =	simm.s32 @p2 $0x1  }
0x17: {  	s4 =	simm.s32 $0x1BF5;
	[smem:$0x3FBB] =	sst s0  }
0x18: {  	s0 =	sld [smem:$0x3F9E];
	_ =	swait.ge [sflag:s4], $0x0  }
0x19: {  	s7 =	sld [smem:$0x3F9F]  }
0x1a: {  	s8 =	sadd.s32 $0xFFFFE003, lr  }
0x1b: {  	s9 =	sadd.s32 $0xFFFFFEF7, lr;
	s5 =	simm.s32 $0xFFFFFFFF;
	p2 =	slt.u32 s8, $0xFFFFF086  }
0x1c: {  	p1 =	slt.u32 s9, $0xF7A;
	s5 =	simm.s32 @!p2 $0x0  }
0x1d: {  	s5 =	simm.s32 @p1 $0x1;
	p0 =	seq.s32 s7, s2  }
0x1e: {  	s7 =	smul.u32 @!p0 $0xF7A, s2;
	p2 =	seq.s32 @!p0 s5, $0x0  }
0x1f: {  	s9 =	smul.u32 $0xF7A, s1;
	s8 =	simm.s32 @!p0 $0x1BF5;
	p2 =	por !p2, p0  }
0x20: {  	[sflag:s8] =	ssyncset.s32 @!p0 $0xFFFFF086;
	s6 =	sadd.s32 @!p0 s3, s7;
	s7 =	simm.s32 @!p0 $0x108  }
0x21: {  	s3 =	sadd.s32 s3, s9;
	s6 =	sadd.s32 @!p0 $0x88, s6;
	s7 =	simm.s32 @p2 $0x1082  }
0x22: {  	[simem:s7], [sflag:s8] =	dma.local @!p0 [hbm:s6], $0xF7A  }
0x23: {  	s9 =	sor.u32 $0xD0000000, s2;
	s6 =	simm.s32 $0x108;
	_ =	swait.ge @!p0 [sflag:s8], $0x0  }
0x24: {  	s3 =	sadd.s32 $0x88, s3;
	s6 =	simm.s32 @!p1 $0x1082;
	[sflag:s4] =	ssyncset.s32 $0xFFFFF086  }
0x25: {  	[simem:s6], [sflag:s4] =	dma.local [hbm:s3], $0xF7A  }
0x26: {  	[smem:$0x3F9F] =	sst s1;
	(tag) =	ssettag s2;
	_ =	strace s9  }
0x27: {  	s1 =	sld [smem:$0x3FAF]  }
0x28: {  	s2 =	sld [smem:$0x3FB0]  }
0x29: {  	s4 =	sld [smem:$0x3FB2]  }
0x2a: {  	p0 =	seq.s32 s5, $0x0;
	s5 =	sld [smem:$0x3FB3]  }
0x2b: {  	s6 =	sld [smem:$0x3FB4]  }
0x2c: {  	s7 =	sld [smem:$0x3FB5]  }
0x2d: {  	s3 =	simm.s32 $0x108;
	s8 =	sld [smem:$0x3FB6]  }
0x2e: {  	s3 =	simm.s32 @!p0 $0x1082;
	s9 =	sld [smem:$0x3FB7]  }
0x2f: {  	lr =	sadd.s32 s0, s3;
	s0 =	sld [smem:$0x3FAE]  }
0x30: {  	s3 =	sld [smem:$0x3FB1]  }
0x31: {  	[smem:$0x3FBA] =	sst s10  }
0x32: {  	s10 =	sld [smem:$0x3FB8];
	_ =	sdelay $0x3  }
0x33: {  	p0 =	seq.s32 s10, $0x1;
	s10 =	sld [smem:$0x3FBA];
	_ =	sdelay $0x3  }
0x34: {  	[smem:$0x3FBA] =	sst s10  }
0x35: {  	s10 =	sld [smem:$0x3FB9];
	_ =	sdelay $0x3  }
0x36: {  	p1 =	seq.s32 s10, $0x1;
	s10 =	sld [smem:$0x3FBA];
	_ =	sdelay $0x3  }
0x37: {  	[smem:$0x3FBA] =	sst s10  }
0x38: {  	s10 =	sld [smem:$0x3FBB]  }
0x39: {  	_ = 	snop;
	(pc) =	sbr.ind lr, $3  }
0x3a: {  	_ = 	snop  }
0x3b: {  	_ = 	snop  }
0x3c: {  	p2 =	seq.s32 s10, $0x1;
	s10 =	sld [smem:$0x3FBA]  }
0x3d: {  	_ =	shalt  }
0x3e: {  	_ =	shalt  }
0x3f: {  	_ =	shalt  }
0x40: {  	_ =	shalt  }
0x41: {  	_ =	shalt  }
0x42: {  	_ =	shalt  }
0x43: {  	_ =	shalt  }
0x44: {  	_ =	shalt  }
0x45: {  	_ =	shalt  }
0x46: {  	_ =	shalt  }
0x47: {  	_ =	shalt  }
0x48: {  	_ =	shalt  }
0x49: {  	_ =	shalt  }
0x4a: {  	_ =	shalt  }
0x4b: {  	_ =	shalt  }
0x4c: {  	_ =	shalt  }
0x4d: {  	_ =	shalt  }
0x4e: {  	_ =	shalt  }
0x4f: {  	_ =	shalt  }
0x50: {  	_ =	shalt  }
0x51: {  	_ =	shalt  }
0x52: {  	_ =	shalt  }
0x53: {  	_ =	shalt  }
0x54: {  	_ =	shalt  }
0x55: {  	_ =	shalt  }
0x56: {  	_ =	shalt  }
0x57: {  	_ =	shalt  }
0x58: {  	_ =	shalt  }
0x59: {  	_ =	shalt  }
0x5a: {  	_ =	shalt  }
0x5b: {  	_ =	shalt  }
0x5c: {  	_ =	shalt  }
0x5d: {  	_ =	shalt  }
0x5e: {  	_ =	shalt  }
0x5f: {  	_ =	shalt  }
0x60: {  	_ =	shalt  }
0x61: {  	_ =	shalt  }
0x62: {  	_ =	shalt  }
0x63: {  	_ =	shalt  }
0x64: {  	_ =	shalt  }
0x65: {  	_ =	shalt  }
0x66: {  	_ =	shalt  }
0x67: {  	_ =	shalt  }
0x68: {  	_ =	shalt  }
0x69: {  	_ =	shalt  }
0x6a: {  	_ =	shalt  }
0x6b: {  	_ =	shalt  }
0x6c: {  	_ =	shalt  }
0x6d: {  	_ =	shalt  }
0x6e: {  	_ =	shalt  }
0x6f: {  	_ =	shalt  }
0x70: {  	_ =	shalt  }
0x71: {  	_ =	shalt  }
0x72: {  	_ =	shalt  }
0x73: {  	_ =	shalt  }
0x74: {  	_ =	shalt  }
0x75: {  	_ =	shalt  }
0x76: {  	_ =	shalt  }
0x77: {  	_ =	shalt  }
0x78: {  	_ =	shalt  }
0x79: {  	_ =	shalt  }
0x7a: {  	_ =	shalt  }
0x7b: {  	_ =	shalt  }
0x7c: {  	_ =	shalt  }
0x7d: {  	_ =	shalt  }
0x7e: {  	_ =	shalt  }
0x7f: {  	_ =	shalt  }
0x80: {  	_ =	shalt  }
0x81: {  	_ =	shalt  }
0x82: {  	_ =	shalt  }
0x83: {  	_ =	shalt  }
0x84: {  	_ =	shalt  }
0x85: {  	_ =	shalt  }
0x86: {  	_ =	shalt  }
0x87: {  	_ =	shalt  }
.Lfunc_end0:
.L_simem_size_0:
called_computation_lowered:
.L_overlay_start_0:
0x88: {  	s2 =	sld [smem:$0x3FD9]  }
0x89: {  	s3 =	sld [smem:$0x3FFE];
	_ =	sdelay $0x1  }
0x8a: {  	s1 =	srdreg.scid  }
0x8b: {  	s0 =	sand.u32 $0x1, s1  }
0x8c: {  	s16 =	sshll.u32 s0, $0xA;
	s2 =	sadd.s32 s3, s2  }
0x8d: {  	s2 =	sadd.s32 s2, s16  }
0x8e: {  	[smem:$0x3FC6] =	sst s2  }
0x8f: {  	_ = 	snop  }
0x90: {  	(tm) =	ssettm $0x1  }
0x91: {  	s17 =	sld [smem:$0x3FFB];
	_ =	sdelay $0x3  }
0x92: {  	_ =	strace s17  }
0x93: {  	s2 =	sld [smem:$0x3FFC];
	_ =	sdelay $0x3  }
0x94: {  	_ =	strace s2  }
0x95: {  	s2 =	sld [smem:$0x3FFD];
	_ =	sdelay $0x3  }
0x96: {  	_ =	strace s2  }
0x97: {  	_ =	strace $0x8FFFFFFF  }
0x98: {  	s18 =	sld [smem:$0x3FDB];
	_ =	sdelay $0x1  }
0x99: {  	s19 =	simm.s32 $_scs_section_size  }
0x9a: {  	s4 =	simm.s32 $_size__tile_overlayer_lowered;
	s5 =	simm.s32 $_tile_overlayer_lowered  }
0x9b: {  	s22 =	simm.s32 $0x1BFF;
	s21 =	sshll.u32 s5, $0x1;
	s2 =	sadd.s32 s19, s18  }
0x9c: {  	s6 =	simm.s32 $0x0;
	s20 =	sshll.u32 s4, $0x1;
	s4 =	sadd.s32 s21, s2  }
0x9d: {  	[timem:s6], [sflag:s22] =	dma.local [hbm:s4], s20  }
0x9e: {  	_ =	swait.ge [sflag:s22], s20  }
0x9f: {  	s3 =	ssub.s32 $0x0, s20;
	[sflag:s22] =	ssyncset.done $0x0  }
0xa0: {  	[sflag:s22] =	ssyncadd.s32 s3;
	_ =	sdelay $0x1  }
0xa1: {  	s23 =	simm.s32 $0x1B8B  }
0xa2: {  	_ =	swait.ge [sflag:s23], $0x1  }
0xa3: {  	[sflag:s23] =	ssyncset.done $0x0  }
0xa4: {  	s25 =	simm.s32 $0x1B8E;
	s24 =	sld [smem:$0x3FFE];
	[sflag:s23] =	ssyncadd.s32 $0xFFFFFFFF  }
0xa5: {  	s26 =	simm.s32 $execute0_lowered;
	[smem:$0x3FD2] =	sst s25  }
0xa6: {  	s4 =	sshll.u32 s26, $0x1;
	_ =	strace $0x80000046;
	[dreg:$0x1] =	wrdreg $0xFFFFFFFF  }
0xa7: {  	s28 =	simm.s32 $_size_execute0_lowered;
	s2 =	sadd.s32 s2, s4;
	[dreg:$0x0] =	wrdreg $0x0  }
0xa8: {  	s4 =	sshll.u32 s28, $0x1;
	[dreg:$0x2] =	wrdreg s2  }
0xa9: {  	[dreg:$0x3] =	wrdreg s4  }
0xaa: {  	[dreg:$0x4] =	wrdreg $0xC0  }
0xab: {  	_ =	task [dreg:s6], $0x5FFFF  }
0xac: {  	[dreg:$0x1] =	wrdreg $0xFFFFFFFF  }
0xad: {  	[dreg:$0x0] =	wrdreg $0x60  }
0xae: {  	[dreg:$0x2] =	wrdreg s24  }
0xaf: {  	[dreg:$0x3] =	wrdreg $0x9  }
0xb0: {  	_ =	task.clear_ibuf [dreg:s6], $0x4FFFF;
	_ =	strace $0x90000046  }
0xb1: {  	s29 =	simm.s32 $0x9;
	_ =	strace $0x80000048  }
0xb2: {  	_ =	swait.ge [sflag:s29], $0x1  }
0xb3: {  	[sflag:s29] =	ssyncadd.s32 $0xFFFFFFFF  }
0xb4: {  	_ =	strace $0x90000048  }
0xb5: {  	_ =	sfence  }
0xb6: {  	s30 =	sld [smem:$0x0];
	_ =	sdelay $0x2  }
0xb7: {  	s31 =	sshll.u32 s1, $0xD;
	s1 =	sshrl.u32 s1, $0x2  }
0xb8: {  	s3 =	sand.u32 $0x4000, s31;
	s1 =	sadd.s32 s1, s30  }
0xb9: {  	s0 =	sor.u32 s3, s0;
	s1 =	sshll.u32 s1, $0x11  }
0xba: {  	s0 =	sor.u32 s1, s0  }
0xbb: {  	s0 =	sadd.s32 $0x8F2B, s0  }
0xbc: {  	[sflag:s0] =	ssyncadd.remote.s32 $0x1  }
0xbd: {  	_ =	sfence.sel $0xFFFF  }
0xbe: {  	[dreg:$0x0] =	wrdreg $0xFFFFFFFF;
	(pc) =	sbr.abs _section_cstart, $3  }
0xbf: {  	[dreg:$0x1] =	wrdreg $0xFFFFFFFF  }
0xc0: {  	_ =	task.clear_ibuf [dreg:s6], $0x2FFFF;
	_ =	strace $0x9FFFFFFF  }
0xc1: {  	(tm) =	ssettm $0x7FFFFFFF  }
tec
execute0_lowered:
.L_overlay_start_1:
0x0: {  	(tag) =	ssettag $0x1  }
0x1: {  	s0 =	srdreg.scid  }
0x2: {  	s1 =	stileid.u32;
	s4 =	rddreg [dreg:$0x0]  }
0x3: {  	s23 =	simm.s32 $0x4000;
	s28 =	simm.s32 $0x3;
	s0 =	sand.u32 $0x1, s0  }
0x4: {  	s30 =	simm.s32 $0x0;
	s1 =	sshll.u32 s1, $0x3;
	s2 =	sshll.u32 s0, $0x2  }
0x5: {  	s0 =	ssub.s32 $0x2, s0;
	s1 =	sor.u32 s2, s1;
	s2 =	simm.s32 $0x0  }
0x6: {  	s3 =	sadd.s32 $0x800, s4;
	s31 =	sshrl.u32 s0, $0x1;
	[smem:$0x7FF] =	sst s2  }
0x7: {  	s5 =	smul.u32 $0xC3800, s1;
	s1 =	sadd.s32 s1, s4;
	_ =	strace $0x80000047  }
0x8: {  	s0 =	ssub.s32 s0, s31;
	s20 =	sadd.s32 $0xC38800, s1;
	s21 =	sadd.s32 $0xC38A00, s1  }
0x9: {  	s22 =	smax.u32 s0, $0x1;
	s6 =	sshrl.u32 s5, $0x3;
	s7 =	sadd.s32 $0xC000, s5  }
0xa: {  	s10 =	sadd.s32 $0xCB800, s5;
	s11 =	sadd.s32 $0xCF800, s5;
	s4 =	sadd.s32 s3, s6  }
0xb: {  	s14 =	sadd.s32 $0x18F000, s5;
	s15 =	sadd.s32 $0x193000, s5;
	s6 =	sadd.s32 $0x800, s4  }
0xc: {  	s17 =	sadd.s32 $0x252800, s5;
	s8 =	sadd.s32 $0x18700, s4;
	[dreg:$0x2] =	wrdreg s6  }
.Ltmp0:
0xd: {  	s24 =	sadd.s32 $0x18F00, s4;
	[dreg:$0x3] =	wrdreg s8;
	(pc) =	sbr.rel .LBB2_1-.Ltmp0, $4  }
0xe: {  	s18 =	sadd.s32 $0x256800, s5;
	s25 =	sadd.s32 $0x30E00, s4;
	[dreg:$0x4] =	wrdreg s24  }
0xf: {  	v0 =	vlaneseq.u32;
	vm7 =	vcmask $0x2320;
	s26 =	sadd.s32 $0x31600, s4;
	s29 =	sadd.s32 $0x49500, s4;
	[dreg:$0x5] =	wrdreg s25  }
0x10: {  	vm8 =	vcmask $0x2724;
	vm9 =	vcmask $0x2B28;
	vm10 =	vcmask $0x2F2C;
	s19 =	sadd.s32 $0x49D00, s4;
	s6 =	sadd.s32 $0x8000, s5;
	[dreg:$0x6] =	wrdreg s26  }
0x11: {  	vm11 =	vcmask $0x3330;
	vm12 =	vcmask $0x3734;
	vm13 =	vcmask $0x3B38;
	[dreg:$0x7] =	wrdreg s29;
	s24 =	simm.s32 $0x1;
	s25 =	simm.s32 $0x2  }
.LBB2_29:
0x12: {  	(xrf0) =	vmax.scan.msk.f32 $0xffff, v27;
	_ =	sdelay $0x5  }
0x13: {  	v11, _, _ =	vpop (xrf0)  }
0x14: {  	v11 =	vbroadcast v11, $0xF;
	_ =	sdelay $0x1  }
0x15: {  	v12 =	vxor.u32 $0x80000000, v25;
	vm0 =	veq.f32 v27, v11  }
0x16: {  	v12 =	vnsel vm0, $0xBB9ACA00, v12  }
0x17: {  	(xrf0) =	vmin.scan.msk.u32 $0xffff, v12  }
0x18: {  	(xrf0) =	vmax.scan.msk.f32 $0xffff, v26;
	_ =	sdelay $0x4  }
0x19: {  	v12, _, _ =	vpop (xrf0)  }
0x1a: {  	v15, _, _ =	vpop (xrf0)  }
0x1b: {  	v15 =	vbroadcast v15, $0xF;
	_ =	sdelay $0x1  }
0x1c: {  	v10 =	vxor.u32 $0x80000000, v10;
	vm0 =	veq.f32 v26, v15  }
0x1d: {  	v10 =	vnsel vm0, $0xBB9ACA00, v10  }
0x1e: {  	(xrf0) =	vmin.scan.msk.u32 $0xffff, v10  }
0x1f: {  	(xrf0) =	vmax.scan.msk.f32 $0xffff, v18;
	_ =	sdelay $0x4  }
0x20: {  	v10, _, _ =	vpop (xrf0)  }
0x21: {  	v16, _, _ =	vpop (xrf0)  }
0x22: {  	v16 =	vbroadcast v16, $0xF;
	_ =	sdelay $0x1  }
0x23: {  	v9 =	vxor.u32 $0x80000000, v9;
	vm0 =	veq.f32 v18, v16  }
0x24: {  	v9 =	vnsel vm0, $0xBB9ACA00, v9  }
0x25: {  	(xrf0) =	vmin.scan.msk.u32 $0xffff, v9  }
0x26: {  	(xrf0) =	vmax.scan.msk.f32 $0xffff, v13;
	_ =	sdelay $0x4  }
0x27: {  	v9, _, _ =	vpop (xrf0)  }
0x28: {  	v17, _, _ =	vpop (xrf0)  }
0x29: {  	v17 =	vbroadcast v17, $0xF;
	_ =	sdelay $0x1  }
0x2a: {  	v8 =	vxor.u32 $0x80000000, v8;
	vm0 =	veq.f32 v13, v17  }
0x2b: {  	v8 =	vnsel vm0, $0xBB9ACA00, v8  }
0x2c: {  	(xrf0) =	vmin.scan.msk.u32 $0xffff, v8  }
0x2d: {  	(xrf0) =	vmax.scan.msk.f32 $0xffff, v14;
	_ =	sdelay $0x4  }
0x2e: {  	v8, _, _ =	vpop (xrf0)  }
0x2f: {  	v52, _, _ =	vpop (xrf0)  }
0x30: {  	v13 =	vbroadcast v52, $0xF;
	_ =	sdelay $0x1  }
0x31: {  	v6 =	vxor.u32 $0x80000000, v6;
	vm0 =	veq.f32 v14, v13  }
0x32: {  	v6 =	vnsel vm0, $0xBB9ACA00, v6  }
0x33: {  	(xrf0) =	vmin.scan.msk.u32 $0xffff, v6  }
0x34: {  	(xrf0) =	vmax.scan.msk.f32 $0xffff, v7;
	_ =	sdelay $0x3  }
0x35: {  	v53 =	vld [tilespmem:$0x8010]  }
0x36: {  	v54, _, _ =	vpop (xrf0)  }
0x37: {  	v55, _, _ =	vpop (xrf0)  }
0x38: {  	v18 =	vbroadcast v55, $0xF;
	_ =	sdelay $0x1  }
0x39: {  	v4 =	vxor.u32 $0x80000000, v4;
	v6 =	vsel vm7, v11, v53;
	vm0 =	veq.f32 v7, v18  }
0x3a: {  	[tilespmem:$0x8010] =	vst v6;
	v4 =	vnsel vm0, $0xBB9ACA00, v4  }
0x3b: {  	v6 =	vld [tilespmem:$0x8010];
	(xrf0) =	vmin.scan.msk.u32 $0xffff, v4  }
0x3c: {  	(xrf0) =	vmax.scan.msk.f32 $0xffff, v5;
	_ =	sdelay $0x3  }
0x3d: {  	v56 =	vsel vm8, v15, v6  }
0x3e: {  	[tilespmem:$0x8010] =	vst v56;
	v57, _, _ =	vpop (xrf0)  }
0x3f: {  	v58 =	vld [tilespmem:$0x8010];
	v59, _, _ =	vpop (xrf0)  }
0x40: {  	v7 =	vbroadcast v59, $0xF;
	_ =	sdelay $0x1  }
0x41: {  	v3 =	vxor.u32 $0x80000000, v3;
	vm0 =	veq.f32 v5, v7  }
0x42: {  	v3 =	vnsel vm0, $0xBB9ACA00, v3  }
0x43: {  	v60 =	vsel vm9, v16, v58;
	(xrf0) =	vmin.scan.msk.u32 $0xffff, v3  }
0x44: {  	[tilespmem:$0x8010] =	vst v60;
	(xrf0) =	vmax.scan.msk.f32 $0xffff, v1  }
0x45: {  	v3 =	vld [tilespmem:$0x8010];
	_ =	sdelay $0x3  }
0x46: {  	v61, _, _ =	vpop (xrf0)  }
0x47: {  	v3 =	vsel vm10, v17, v3;
	v62, _, _ =	vpop (xrf0)  }
0x48: {  	[tilespmem:$0x8010] =	vst v3;
	v3 =	vbroadcast v62, $0xF  }
0x49: {  	v63 =	vld [tilespmem:$0x8010]  }
0x4a: {  	(v2sf) =	vpush v12, $0xF;
	vm0 =	veq.f32 v1, v3;
	v1 =	vxor.u32 $0x80000000, v2  }
0x4b: {  	v1 =	vnsel vm0, $0xBB9ACA00, v1  }
0x4c: {  	(v2sf) =	vpush v10, $0xF;
	(xrf0) =	vmin.scan.msk.u32 $0xffff, v1  }
0x4d: {  	(v2sf) =	vpush v9, $0xF  }
0x4e: {  	(v2sf) =	vpush v8, $0xF;
	v1 =	vsel vm11, v13, v63  }
0x4f: {  	(v2sf) =	vpush v54, $0xF;
	[tilespmem:$0x8010] =	vst v1  }
0x50: {  	(v2sf) =	vpush v57, $0xF;
	v1 =	vld [tilespmem:$0x8010]  }
0x51: {  	(v2sf) =	vpush v61, $0xF  }
0x52: {  	v2, _, _ =	vpop (xrf0)  }
0x53: {  	(v2sf) =	vpush v2, $0xF;
	_ =	sdelay $0x1  }
0x54: {  	v1 =	vsel vm12, v18, v1  }
0x55: {  	v2 =	vld [tilespmem:$0x8090];
	[tilespmem:$0x8010] =	vst v1  }
0x56: {  	v1 =	vld [tilespmem:$0x8010];
	_ =	sdelay $0x1  }
0x57: {  	s0 =	spop (v2sf)  }
0x58: {  	s0 =	sxor.u32 $0x80000000, s0;
	vm0 =	veq.s32 v0, $0x8  }
0x59: {  	s1 =	spop (v2sf);
	v2 =	vsel vm0, s0, v2  }
0x5a: {  	s1 =	sxor.u32 $0x80000000, s1;
	s8 =	spop (v2sf);
	vm0 =	veq.s32 v0, $0x9;
	[tilespmem:$0x8090] =	vst v2;
	v1 =	vsel vm13, v7, v1  }
0x5b: {  	s9 =	spop (v2sf);
	s0 =	sxor.u32 $0x80000000, s8;
	v2 =	vsel vm0, s1, v2;
	vm0 =	veq.s32 v0, $0xA;
	[tilespmem:$0x8010] =	vst v1  }
0x5c: {  	s12 =	spop (v2sf);
	s1 =	sxor.u32 $0x80000000, s9;
	[tilespmem:$0x8090] =	vst v2;
	v1 =	vsel vm0, s0, v2;
	vm0 =	veq.s32 v0, $0xB;
	v2 =	vld [tilespmem:$0x8010]  }
0x5d: {  	s13 =	spop (v2sf);
	s0 =	sxor.u32 $0x80000000, s12;
	v3 =	vsel vm0, s1, v1;
	[tilespmem:$0x8090] =	vst v1;
	vm0 =	veq.s32 v0, $0xC  }
0x5e: {  	s16 =	spop (v2sf);
	s1 =	sxor.u32 $0x80000000, s13;
	v1 =	vsel vm0, s0, v3;
	[tilespmem:$0x8090] =	vst v3;
	vm0 =	veq.s32 v0, $0xD  }
0x5f: {  	s0 =	sxor.u32 $0x80000000, s16;
	v3 =	vsel vm0, s1, v1;
	[tilespmem:$0x8090] =	vst v1;
	vm0 =	veq.s32 v0, $0xE  }
0x60: {  	[tilespmem:$0x8090] =	vst v3;
	v1 =	vsel vm0, s0, v3;
	s26 =	spop (v2sf)  }
0x61: {  	vm0 =	veq.s32 v0, $0xF;
	[tilespmem:$0x8090] =	vst v1;
	v2 =	vsel vm14, v2, v62;
	s0 =	sxor.u32 $0x80000000, s26  }
0x62: {  	[tilespmem:$0x8010] =	vst v2;
	v1 =	vsel vm0, s0, v1  }
0x63: {  	s29 =	simm.s32 $0x8000;
	[tilespmem:$0x8090] =	vst v1  }
0x64: {  	[hbm4b:s20+s2] =	stream.linear.scatter [tilespmem:s29], [sflag:$0x3], $0x20, $0x38;
	[tilespmem:$0x8100] =	vst v63  }
0x65: {  	s30 =	sadd.s32 $0x1, s30;
	_ =	swait.ge [sflag:s28], $0x20  }
0x66: {  	p0 =	sne.s32 s30, s22;
	[sflag:s28] =	ssyncset.done $0x0  }
.Ltmp1:
0x67: {  	s31 =	simm.s32 $0x8080;
	[sflag:s28] =	ssyncadd.s32 $0xFFFFFFE0;
	(pc) =	sbr.rel @!p0 .LBB2_30-.Ltmp1, $4  }
0x68: {  	[hbm4b:s21+s2] =	stream.linear.scatter [tilespmem:s31], [sflag:$0x3], $0x20, $0x38;
	[tilespmem:$0x8100] =	vst v63  }
0x69: {  	_ =	swait.ge [sflag:s28], $0x20  }
0x6a: {  	[sflag:s28] =	ssyncset.done $0x0  }
0x6b: {  	[sflag:s28] =	ssyncadd.s32 $0xFFFFFFE0  }
.LBB2_1:
0x6c: {  	v1 =	vimm.f32 $-Inf  }
0x6d: {  	v2 =	vimm.s32 $0x0;
	v3 =	vimm.s32 $0x0;
	v4 =	vimm.s32 $0x0  }
0x6e: {  	[tilespmem:s2], [sflag:$0x1] =	stream.linear.gather [hbm4b:s4+s2], $0x4000, $0x38;
	v6 =	vimm.s32 $0x0;
	v8 =	vimm.s32 $0x0;
	v9 =	vimm.s32 $0x0;
	[tilespmem:$0x8100] =	vst v63  }
0x6f: {  	s0 =	rddreg [dreg:$0x2];
	v10 =	vimm.s32 $0x0;
	v25 =	vimm.s32 $0x0;
	v5 =	vimm.f32 $-Inf  }
0x70: {  	v7 =	vimm.f32 $-Inf;
	v14 =	vimm.f32 $-Inf;
	v13 =	vimm.f32 $-Inf;
	[tilespmem:s23], [sflag:$0x2] =	stream.linear.gather [hbm4b:s0+s2], $0x4000, $0x38;
	[tilespmem:$0x8100] =	vst v63  }
0x71: {  	s31 =	simm.s32 $0x800;
	s1 =	simm.s32 $0x0;
	v18 =	vimm.f32 $-Inf;
	v26 =	vimm.f32 $-Inf;
	v27 =	vimm.f32 $-Inf;
	s0 =	simm.s32 $0x0  }
.LBB2_2:
0x72: {  	_ =	swait.ge [sflag:s24], $0x4000;
	s5 =	simm.s32 $0x0  }
0x73: {  	[sflag:s24] =	ssyncset.done $0x0;
	s8 =	sand.u32 $0x70, s5;
	s9 =	sand.u32 $0x3C00, s5  }
0x74: {  	[sflag:s24] =	ssyncadd.s32 $0xFFFFC000;
	s8 =	sor.u32 s8, s9  }
0x75: {  	v11 =	vld [tilespmem:s8+$0x0]  }
0x76: {  	v17 =	vld [tilespmem:s8+$0x80]  }
0x77: {  	v21 =	vld [tilespmem:s8+$0x100]  }
0x78: {  	s5 =	sand.u32 $0x7, s5;
	v29 =	vld [tilespmem:s8+$0x200]  }
0x79: {  	s5 =	sshll.u32 s5, $0x4;
	v22 =	vld [tilespmem:s8+$0x280]  }
0x7a: {  	s5 =	sadd.s32 $0x0, s5;
	v23 =	vld [tilespmem:s8+$0x300]  }
0x7b: {  	s29 =	simm.s32 $0x10;
	v28 =	vld [tilespmem:s8+$0x180];
	s16 =	sor.u32 $0x380, s5;
	s5 =	simm.s32 $0x80  }
0x7c: {  	s13 =	sadd.s32 $0x0, s1;
	s26 =	sand.u32 $0x70, s29;
	s12 =	sand.u32 $0x3C00, s5;
	v24 =	vld [tilespmem:s16+$0x0]  }
0x7d: {  	v20 =	vor.u32 s13, v0;
	s8 =	sor.u32 s26, s12;
	vm0 =	vgt.f32 v11, v27;
	vm14 =	vgt.f32 v17, v26  }
0x7e: {  	v15 =	vld [tilespmem:s8+$0x0];
	vm1 =	vgt.f32 v21, v18;
	vm15 =	vgt.f32 v29, v14;
	vm3 =	vgt.f32 v22, v7  }
0x7f: {  	v19 =	vld [tilespmem:s8+$0x80];
	vm2 =	vgt.f32 v23, v5;
	v16 =	vsel vm0, v11, v27;
	v12 =	vsel vm0, v20, v25  }
0x80: {  	s9 =	simm.s32 $0x1;
	v11 =	vsel vm14, v17, v26;
	vm0 =	vgt.f32 v28, v13;
	v17 =	vld [tilespmem:s8+$0x100];
	v18 =	vsel vm1, v21, v18  }
0x81: {  	s12 =	sand.u32 $0x7, s9;
	s26 =	simm.s32 $0x20;
	v14 =	vsel vm15, v29, v14;
	v21 =	vld [tilespmem:s8+$0x180];
	v13 =	vsel vm0, v28, v13;
	vm4 =	vgt.f32 v24, v1  }
.LBB2_3:
0x82: {  	p0 =	sne.s32 s26, $0x7F0;
	s12 =	sshll.u32 s12, $0x4;
	v25 =	vld [tilespmem:s8+$0x200];
	v7 =	vsel vm3, v22, v7;
	v5 =	vsel vm2, v23, v5;
	v1 =	vsel vm4, v24, v1  }
0x83: {  	v10 =	vsel vm14, v20, v10;
	v9 =	vsel vm1, v20, v9;
	v2 =	vsel vm4, v20, v2;
	s12 =	sadd.s32 s12, s5;
	v22 =	vld [tilespmem:s8+$0x280]  }
0x84: {  	v8 =	vsel vm0, v20, v8;
	v6 =	vsel vm15, v20, v6;
	v4 =	vsel vm3, v20, v4;
	s5 =	sadd.s32 $0x80, s5;
	v23 =	vld [tilespmem:s8+$0x300];
	s8 =	sor.u32 $0x380, s12  }
0x85: {  	s29 =	sadd.s32 s29, s1;
	v3 =	vsel vm2, v20, v3;
	s12 =	sand.u32 $0x70, s26;
	s13 =	sand.u32 $0x3C00, s5;
	v24 =	vld [tilespmem:s8+$0x0]  }
.Ltmp2:
0x86: {  	v20 =	vor.u32 s29, v0;
	vm0 =	vgt.f32 v15, v16;
	s29 =	smov.u32 s26;
	vm14 =	vgt.f32 v19, v11;
	s8 =	sor.u32 s12, s13;
	(pc) =	sbr.rel @p0 .LBB2_3-.Ltmp2, $4  }
0x87: {  	v16 =	vsel vm0, v15, v16;
	v12 =	vsel vm0, v20, v12;
	v11 =	vsel vm14, v19, v11;
	v15 =	vld [tilespmem:s8+$0x0]  }
0x88: {  	vm1 =	vgt.f32 v17, v18;
	vm0 =	vgt.f32 v21, v13;
	vm15 =	vgt.f32 v25, v14;
	v19 =	vld [tilespmem:s8+$0x80]  }
0x89: {  	s9 =	sadd.s32 $0x1, s9;
	v18 =	vsel vm1, v17, v18;
	v13 =	vsel vm0, v21, v13;
	v14 =	vsel vm15, v25, v14;
	v17 =	vld [tilespmem:s8+$0x100]  }
0x8a: {  	s26 =	sadd.s32 $0x10, s26;
	s12 =	sand.u32 $0x7, s9;
	vm3 =	vgt.f32 v22, v7;
	vm2 =	vgt.f32 v23, v5;
	v21 =	vld [tilespmem:s8+$0x180];
	vm4 =	vgt.f32 v24, v1  }
0x8b: {  	s9 =	sshll.u32 s12, $0x4;
	v25 =	vld [tilespmem:s8+$0x200];
	s26 =	sshll.u32 s0, $0xF;
	p0 =	seq.s32 s0, $0xA  }
0x8c: {  	v26 =	vld [tilespmem:s8+$0x280];
	s5 =	sadd.s32 s9, s5;
	s9 =	sadd.s32 @!p0 s26, s6  }
0x8d: {  	v27 =	vld [tilespmem:s8+$0x300];
	s5 =	sor.u32 $0x380, s5;
	s8 =	sshrl.u32 @!p0 s9, $0x3  }
0x8e: {  	v28 =	vld [tilespmem:s5+$0x0];
	s5 =	sadd.s32 @!p0 s3, s8;
	s8 =	simm.s32 @!p0 $0x0  }
0x8f: {  	[tilespmem:s8], [sflag:$0x1] =	stream.linear.gather @!p0 [hbm4b:s5+s8], $0x4000, $0x38;
	[tilespmem:$0x8100] =	vst v63  }
0x90: {  	v7 =	vsel vm3, v22, v7;
	v5 =	vsel vm2, v23, v5;
	s12 =	simm.s32 $0x0;
	_ =	swait.ge [sflag:s25], $0x4000  }
0x91: {  	v1 =	vsel vm4, v24, v1;
	v10 =	vsel vm14, v20, v10;
	v9 =	vsel vm1, v20, v9;
	s13 =	sand.u32 $0x70, s12;
	s5 =	sand.u32 $0x3C00, s12;
	[sflag:s25] =	ssyncset.done $0x0  }
0x92: {  	v2 =	vsel vm4, v20, v2;
	v8 =	vsel vm0, v20, v8;
	s16 =	sadd.s32 s29, s1;
	vm0 =	vgt.f32 v15, v16;
	s12 =	sor.u32 s13, s5;
	[sflag:s25] =	ssyncadd.s32 $0xFFFFC000  }
0x93: {  	v22 =	vor.u32 s16, v0;
	vm1 =	vgt.f32 v19, v11;
	v15 =	vsel vm0, v15, v16;
	v16 =	vld [tilespmem:s12+$0x4000]  }
0x94: {  	v12 =	vsel vm0, v22, v12;
	v11 =	vsel vm1, v19, v11;
	vm0 =	vgt.f32 v17, v18;
	v19 =	vld [tilespmem:s12+$0x4080]  }
0x95: {  	v6 =	vsel vm15, v20, v6;
	v4 =	vsel vm3, v20, v4;
	v17 =	vsel vm0, v17, v18;
	v18 =	vld [tilespmem:s12+$0x4100]  }
0x96: {  	v20 =	vsel vm2, v20, v3;
	v29 =	vsel vm1, v22, v10;
	vm2 =	vgt.f32 v21, v13;
	v24 =	vld [tilespmem:s12+$0x4180]  }
0x97: {  	v31 =	vsel vm0, v22, v9;
	vm3 =	vgt.f32 v25, v14;
	v21 =	vsel vm2, v21, v13;
	v30 =	vld [tilespmem:s12+$0x4280]  }
0x98: {  	s16 =	sadd.s32 $0x0, s31;
	vm4 =	vgt.f32 v26, v7;
	vm5 =	vgt.f32 v27, v5;
	v32 =	vsel vm2, v22, v8;
	v33 =	vld [tilespmem:s12+$0x4300]  }
0x99: {  	v13 =	vor.u32 s16, v0;
	v3 =	vsel vm4, v22, v4;
	v4 =	vsel vm5, v22, v20;
	v20 =	vld [tilespmem:s12+$0x4380]  }
0x9a: {  	s8 =	simm.s32 $0x10;
	s5 =	simm.s32 $0x80;
	v23 =	vsel vm3, v25, v14;
	v25 =	vsel vm4, v26, v7;
	vm6 =	vgt.f32 v28, v1;
	v26 =	vld [tilespmem:s12+$0x4200]  }
0x9b: {  	s9 =	sand.u32 $0x70, s8;
	v27 =	vsel vm5, v27, v5;
	s13 =	sand.u32 $0x3C00, s5;
	v28 =	vsel vm6, v28, v1;
	v1 =	vsel vm6, v22, v2  }
0x9c: {  	s29 =	sor.u32 s9, s13;
	v2 =	vsel vm3, v22, v6;
	vm0 =	vgt.f32 v16, v15;
	vm4 =	vgt.f32 v19, v11  }
0x9d: {  	v5 =	vld [tilespmem:s29+$0x4000];
	vm5 =	vgt.f32 v18, v17;
	vm6 =	vgt.f32 v24, v21;
	vm2 =	vgt.f32 v30, v25  }
0x9e: {  	v14 =	vld [tilespmem:s29+$0x4080];
	vm3 =	vgt.f32 v33, v27;
	vm1 =	vgt.f32 v20, v28;
	v6 =	vsel vm0, v16, v15  }
0x9f: {  	v9 =	vld [tilespmem:s29+$0x4100];
	v8 =	vsel vm0, v13, v12;
	v7 =	vsel vm4, v19, v11;
	vm0 =	vgt.f32 v26, v23  }
0xa0: {  	v22 =	vld [tilespmem:s29+$0x4180];
	v10 =	vsel vm5, v18, v17;
	v11 =	vsel vm6, v24, v21;
	v15 =	vsel vm2, v30, v25  }
0xa1: {  	v24 =	vld [tilespmem:s29+$0x4200];
	v16 =	vsel vm3, v33, v27;
	v17 =	vsel vm1, v20, v28;
	v19 =	vsel vm4, v13, v29  }
0xa2: {  	s9 =	simm.s32 $0x20;
	v20 =	vsel vm5, v13, v31;
	v21 =	vsel vm6, v13, v32;
	v12 =	vsel vm0, v26, v23;
	v23 =	vld [tilespmem:s29+$0x4280]  }
.LBB2_5:
0xa3: {  	p1 =	sne.s32 s9, $0x7F0;
	v18 =	vld [tilespmem:s29+$0x4300];
	s5 =	sadd.s32 $0x80, s5;
	v2 =	vsel vm0, v13, v2;
	v3 =	vsel vm2, v13, v3;
	v4 =	vsel vm3, v13, v4  }
0xa4: {  	s12 =	sand.u32 $0x70, s9;
	s8 =	sadd.s32 s8, s31;
	v1 =	vsel vm1, v13, v1;
	s13 =	sand.u32 $0x3C00, s5;
	v25 =	vld [tilespmem:s29+$0x4380]  }
0xa5: {  	vm0 =	vgt.f32 v5, v6;
	vm4 =	vgt.f32 v14, v7;
	v13 =	vor.u32 s8, v0;
	s8 =	smov.u32 s9;
	s29 =	sor.u32 s12, s13  }
0xa6: {  	v6 =	vsel vm0, v5, v6;
	v7 =	vsel vm4, v14, v7;
	v8 =	vsel vm0, v13, v8;
	v5 =	vld [tilespmem:s29+$0x4000]  }
.Ltmp3:
0xa7: {  	vm5 =	vgt.f32 v9, v10;
	vm6 =	vgt.f32 v22, v11;
	vm0 =	vgt.f32 v24, v12;
	v14 =	vld [tilespmem:s29+$0x4080];
	(pc) =	sbr.rel @p1 .LBB2_5-.Ltmp3, $4  }
0xa8: {  	v10 =	vsel vm5, v9, v10;
	v11 =	vsel vm6, v22, v11;
	v12 =	vsel vm0, v24, v12;
	v9 =	vld [tilespmem:s29+$0x4100]  }
0xa9: {  	vm2 =	vgt.f32 v23, v15;
	vm3 =	vgt.f32 v18, v16;
	v22 =	vld [tilespmem:s29+$0x4180];
	vm1 =	vgt.f32 v25, v17  }
0xaa: {  	v15 =	vsel vm2, v23, v15;
	v16 =	vsel vm3, v18, v16;
	v24 =	vld [tilespmem:s29+$0x4200];
	v17 =	vsel vm1, v25, v17  }
0xab: {  	s9 =	sadd.s32 $0x10, s9;
	v19 =	vsel vm4, v13, v19;
	v20 =	vsel vm5, v13, v20;
	v21 =	vsel vm6, v13, v21;
	v23 =	vld [tilespmem:s29+$0x4280]  }
0xac: {  	v2 =	vsel vm0, v13, v2;
	v3 =	vsel vm2, v13, v3  }
0xad: {  	v28 =	vld [tilespmem:s29+$0x4300];
	v29 =	vsel vm3, v13, v4;
	s5 =	sadd.s32 s8, s31;
	v30 =	vsel vm1, v13, v1;
	vm0 =	vgt.f32 v5, v6  }
0xae: {  	v4 =	vld [tilespmem:s29+$0x4380];
	vm1 =	vgt.f32 v14, v7;
	v31 =	vor.u32 s5, v0;
	v27 =	vsel vm0, v5, v6  }
0xaf: {  	v26 =	vsel vm1, v14, v7;
	v25 =	vsel vm0, v31, v8;
	vm0 =	vgt.f32 v9, v10  }
0xb0: {  	vm2 =	vgt.f32 v22, v11;
	vm3 =	vgt.f32 v24, v12;
	v18 =	vsel vm0, v9, v10  }
.Ltmp4:
0xb1: {  	v13 =	vsel vm2, v22, v11;
	v10 =	vsel vm1, v31, v19;
	v9 =	vsel vm0, v31, v20;
	(pc) =	sbr.rel @p0 .LBB2_8-.Ltmp4, $4  }
0xb2: {  	v8 =	vsel vm2, v31, v21;
	v14 =	vsel vm3, v24, v12;
	vm4 =	vgt.f32 v23, v15  }
0xb3: {  	v6 =	vsel vm3, v31, v2;
	vm5 =	vgt.f32 v28, v16;
	vm6 =	vgt.f32 v4, v17  }
0xb4: {  	v7 =	vsel vm4, v23, v15;
	v5 =	vsel vm5, v28, v16;
	v1 =	vsel vm6, v4, v17  }
0xb5: {  	v4 =	vsel vm4, v31, v3;
	v3 =	vsel vm5, v31, v29;
	v2 =	vsel vm6, v31, v30  }
.Ltmp5:
0xb6: {  	(pc) =	sbr.rel .LBB2_2-.Ltmp5, $4  }
0xb7: {  	s5 =	sadd.s32 s26, s7  }
0xb8: {  	s0 =	sadd.s32 $0x1, s0;
	s5 =	sshrl.u32 s5, $0x3  }
0xb9: {  	s1 =	sadd.s32 $0x1000, s1;
	s31 =	sadd.s32 $0x1000, s31;
	s5 =	sadd.s32 s3, s5  }
0xba: {  	[tilespmem:s23], [sflag:$0x2] =	stream.linear.gather [hbm4b:s5+s2], $0x4000, $0x38;
	[tilespmem:$0x8100] =	vst v63  }
.LBB2_8:
0xbb: {  	(xrf0) =	vmax.scan.msk.f32 $0xffff, v27;
	_ =	sdelay $0x5  }
0xbc: {  	v11, _, _ =	vpop (xrf0)  }
0xbd: {  	v11 =	vbroadcast v11, $0xF;
	_ =	sdelay $0x1  }
0xbe: {  	v12 =	vxor.u32 $0x80000000, v25;
	vm0 =	veq.f32 v27, v11  }
0xbf: {  	v12 =	vnsel vm0, $0xBB9ACA00, v12  }
0xc0: {  	(xrf0) =	vmin.scan.msk.u32 $0xffff, v12  }
0xc1: {  	(xrf0) =	vmax.scan.msk.f32 $0xffff, v26;
	_ =	sdelay $0x4  }
0xc2: {  	v12, _, _ =	vpop (xrf0)  }
0xc3: {  	v15, _, _ =	vpop (xrf0)  }
0xc4: {  	v15 =	vbroadcast v15, $0xF;
	_ =	sdelay $0x1  }
0xc5: {  	v10 =	vxor.u32 $0x80000000, v10;
	vm0 =	veq.f32 v26, v15  }
0xc6: {  	v10 =	vnsel vm0, $0xBB9ACA00, v10  }
0xc7: {  	(xrf0) =	vmin.scan.msk.u32 $0xffff, v10  }
0xc8: {  	(xrf0) =	vmax.scan.msk.f32 $0xffff, v18;
	_ =	sdelay $0x4  }
0xc9: {  	v10, _, _ =	vpop (xrf0)  }
0xca: {  	v16, _, _ =	vpop (xrf0)  }
0xcb: {  	v16 =	vbroadcast v16, $0xF;
	_ =	sdelay $0x1  }
0xcc: {  	v9 =	vxor.u32 $0x80000000, v9;
	vm0 =	veq.f32 v18, v16  }
0xcd: {  	v9 =	vnsel vm0, $0xBB9ACA00, v9  }
0xce: {  	(xrf0) =	vmin.scan.msk.u32 $0xffff, v9  }
0xcf: {  	(xrf0) =	vmax.scan.msk.f32 $0xffff, v13;
	_ =	sdelay $0x4  }
0xd0: {  	v9, _, _ =	vpop (xrf0)  }
0xd1: {  	v17, _, _ =	vpop (xrf0)  }
0xd2: {  	v17 =	vbroadcast v17, $0xF;
	_ =	sdelay $0x1  }
0xd3: {  	v8 =	vxor.u32 $0x80000000, v8;
	vm0 =	veq.f32 v13, v17  }
0xd4: {  	v8 =	vnsel vm0, $0xBB9ACA00, v8  }
0xd5: {  	(xrf0) =	vmin.scan.msk.u32 $0xffff, v8  }
0xd6: {  	(xrf0) =	vmax.scan.msk.f32 $0xffff, v14;
	_ =	sdelay $0x4  }
0xd7: {  	v8, _, _ =	vpop (xrf0)  }
0xd8: {  	v13, _, _ =	vpop (xrf0)  }
0xd9: {  	v13 =	vbroadcast v13, $0xF;
	_ =	sdelay $0x1  }
0xda: {  	v6 =	vxor.u32 $0x80000000, v6;
	vm0 =	veq.f32 v14, v13  }
0xdb: {  	v6 =	vnsel vm0, $0xBB9ACA00, v6  }
0xdc: {  	(xrf0) =	vmin.scan.msk.u32 $0xffff, v6  }
0xdd: {  	(xrf0) =	vmax.scan.msk.f32 $0xffff, v7;
	_ =	sdelay $0x1  }
0xde: {  	v6 =	vld [tilespmem:$0x8000];
	_ =	sdelay $0x2  }
0xdf: {  	v14, _, _ =	vpop (xrf0)  }
0xe0: {  	vm15 =	vmmov $0x1;
	v18, _, _ =	vpop (xrf0)  }
0xe1: {  	v6 =	vsel vm15, v11, v6;
	v18 =	vbroadcast v18, $0xF  }
0xe2: {  	[tilespmem:$0x8000] =	vst v6  }
0xe3: {  	v4 =	vxor.u32 $0x80000000, v4;
	v6 =	vld [tilespmem:$0x8000];
	vm0 =	veq.f32 v7, v18  }
0xe4: {  	v4 =	vnsel vm0, $0xBB9ACA00, v4  }
0xe5: {  	(xrf0) =	vmin.scan.msk.u32 $0xffff, v4  }
0xe6: {  	(xrf0) =	vmax.scan.msk.f32 $0xffff, v5  }
0xe7: {  	vm0 =	vcmask $0x704  }
0xe8: {  	v4 =	vsel vm0, v15, v6;
	_ =	sdelay $0x2  }
0xe9: {  	[tilespmem:$0x8000] =	vst v4;
	v4, _, _ =	vpop (xrf0)  }
0xea: {  	v6 =	vld [tilespmem:$0x8000];
	v7, _, _ =	vpop (xrf0)  }
0xeb: {  	v7 =	vbroadcast v7, $0xF;
	_ =	sdelay $0x1  }
0xec: {  	v3 =	vxor.u32 $0x80000000, v3;
	vm0 =	veq.f32 v5, v7  }
0xed: {  	v3 =	vnsel vm0, $0xBB9ACA00, v3;
	vm0 =	vcmask $0xB08  }
0xee: {  	v5 =	vsel vm0, v16, v6;
	(xrf0) =	vmin.scan.msk.u32 $0xffff, v3  }
0xef: {  	[tilespmem:$0x8000] =	vst v5;
	(xrf0) =	vmax.scan.msk.f32 $0xffff, v1  }
0xf0: {  	v3 =	vld [tilespmem:$0x8000];
	_ =	sdelay $0x3  }
0xf1: {  	vm0 =	vcmask $0xF0C;
	v5, _, _ =	vpop (xrf0)  }
0xf2: {  	v3 =	vsel vm0, v17, v3;
	v6, _, _ =	vpop (xrf0)  }
0xf3: {  	[tilespmem:$0x8000] =	vst v3;
	v3 =	vbroadcast v6, $0xF  }
0xf4: {  	v6 =	vld [tilespmem:$0x8000]  }
0xf5: {  	(v2sf) =	vpush v12, $0xF;
	vm0 =	veq.f32 v1, v3;
	v1 =	vxor.u32 $0x80000000, v2  }
0xf6: {  	v1 =	vnsel vm0, $0xBB9ACA00, v1  }
0xf7: {  	(v2sf) =	vpush v10, $0xF;
	(xrf0) =	vmin.scan.msk.u32 $0xffff, v1  }
0xf8: {  	(v2sf) =	vpush v9, $0xF;
	vm0 =	vcmask $0x1310  }
0xf9: {  	(v2sf) =	vpush v8, $0xF;
	v1 =	vsel vm0, v13, v6  }
0xfa: {  	(v2sf) =	vpush v14, $0xF;
	[tilespmem:$0x8000] =	vst v1  }
0xfb: {  	(v2sf) =	vpush v4, $0xF;
	v1 =	vld [tilespmem:$0x8000]  }
0xfc: {  	(v2sf) =	vpush v5, $0xF  }
0xfd: {  	v2, _, _ =	vpop (xrf0)  }
0xfe: {  	(v2sf) =	vpush v2, $0xF  }
0xff: {  	vm0 =	vcmask $0x1714  }
0x100: {  	v1 =	vsel vm0, v18, v1  }
0x101: {  	v2 =	vld [tilespmem:$0x8080];
	[tilespmem:$0x8000] =	vst v1  }
0x102: {  	v1 =	vld [tilespmem:$0x8000];
	_ =	sdelay $0x1  }
0x103: {  	s0 =	spop (v2sf)  }
0x104: {  	s0 =	sxor.u32 $0x80000000, s0;
	vm0 =	veq.s32 v0, $0x0  }
0x105: {  	vm1 =	vcmask $0x1B18;
	s1 =	spop (v2sf);
	v2 =	vsel vm0, s0, v2  }
0x106: {  	s1 =	sxor.u32 $0x80000000, s1;
	s13 =	spop (v2sf);
	vm0 =	veq.s32 v0, $0x1;
	[tilespmem:$0x8080] =	vst v2;
	v1 =	vsel vm1, v7, v1  }
0x107: {  	s5 =	spop (v2sf);
	s0 =	sxor.u32 $0x80000000, s13;
	v2 =	vsel vm0, s1, v2;
	vm0 =	veq.s32 v0, $0x2;
	[tilespmem:$0x8000] =	vst v1  }
0x108: {  	s26 =	sxor.u32 $0x80000000, s5;
	s16 =	spop (v2sf);
	[tilespmem:$0x8080] =	vst v2;
	v1 =	vsel vm0, s0, v2;
	vm0 =	veq.s32 v0, $0x3;
	v2 =	vld [tilespmem:$0x8000]  }
0x109: {  	s8 =	sxor.u32 $0x80000000, s16;
	s29 =	spop (v2sf);
	[tilespmem:$0x8080] =	vst v1;
	v1 =	vsel vm0, s26, v1;
	vm0 =	veq.s32 v0, $0x4  }
0x10a: {  	s12 =	sxor.u32 $0x80000000, s29;
	s9 =	spop (v2sf);
	[tilespmem:$0x8080] =	vst v1;
	v1 =	vsel vm0, s8, v1;
	vm0 =	veq.s32 v0, $0x5  }
0x10b: {  	s13 =	sxor.u32 $0x80000000, s9;
	[tilespmem:$0x8080] =	vst v1;
	v1 =	vsel vm0, s12, v1;
	vm0 =	veq.s32 v0, $0x6  }
0x10c: {  	v25 =	vimm.s32 $0x0;
	[tilespmem:$0x8080] =	vst v1;
	v1 =	vsel vm0, s13, v1;
	vm0 =	vcmask $0x1F1C;
	s16 =	spop (v2sf)  }
0x10d: {  	v27 =	vimm.f32 $-Inf;
	[tilespmem:$0x8080] =	vst v1;
	s0 =	sxor.u32 $0x80000000, s16;
	v2 =	vsel vm0, v3, v2;
	vm0 =	veq.s32 v0, $0x7  }
0x10e: {  	v26 =	vimm.f32 $-Inf;
	v10 =	vimm.s32 $0x0;
	s29 =	rddreg [dreg:$0x4];
	[tilespmem:$0x8000] =	vst v2;
	v1 =	vsel vm0, s0, v1  }
0x10f: {  	s31 =	simm.s32 $0x0;
	v9 =	vimm.s32 $0x0;
	v8 =	vimm.s32 $0x0;
	v14 =	vimm.f32 $-Inf;
	s26 =	rddreg [dreg:$0x3];
	[tilespmem:$0x8080] =	vst v1  }
0x110: {  	v4 =	vimm.s32 $0x0;
	v5 =	vimm.f32 $-Inf;
	v6 =	vimm.s32 $0x0;
	[tilespmem:s31], [sflag:$0x1] =	stream.linear.gather [hbm4b:s26+s31], $0x4000, $0x38;
	[tilespmem:$0x8100] =	vst v63  }
0x111: {  	v13 =	vimm.f32 $-Inf;
	v18 =	vimm.f32 $-Inf;
	s1 =	simm.s32 $0x800;
	v7 =	vimm.f32 $-Inf;
	s0 =	simm.s32 $0x0;
	s26 =	simm.s32 $0x0  }
0x112: {  	v3 =	vimm.s32 $0x0;
	v2 =	vimm.s32 $0x0;
	v1 =	vimm.f32 $-Inf;
	[tilespmem:s23], [sflag:$0x2] =	stream.linear.gather [hbm4b:s29+s31], $0x4000, $0x38;
	[tilespmem:$0x8100] =	vst v63  }
.LBB2_9:
0x113: {  	_ =	swait.ge [sflag:s24], $0x4000  }
0x114: {  	s5 =	sand.u32 $0x70, s31;
	s8 =	sand.u32 $0x3C00, s31;
	[sflag:s24] =	ssyncset.done $0x0  }
0x115: {  	s8 =	sor.u32 s5, s8;
	[sflag:s24] =	ssyncadd.s32 $0xFFFFC000  }
0x116: {  	v11 =	vld [tilespmem:s8+$0x0]  }
0x117: {  	v17 =	vld [tilespmem:s8+$0x80]  }
0x118: {  	v21 =	vld [tilespmem:s8+$0x100]  }
0x119: {  	s16 =	sand.u32 $0x7, s31;
	v29 =	vld [tilespmem:s8+$0x200]  }
0x11a: {  	s5 =	sshll.u32 s16, $0x4;
	v22 =	vld [tilespmem:s8+$0x280]  }
0x11b: {  	s9 =	sadd.s32 $0x0, s5;
	v23 =	vld [tilespmem:s8+$0x300]  }
0x11c: {  	s5 =	simm.s32 $0x10;
	v28 =	vld [tilespmem:s8+$0x180];
	s9 =	sor.u32 $0x380, s9;
	s8 =	simm.s32 $0x80  }
0x11d: {  	s16 =	sadd.s32 $0x0, s0;
	s12 =	sand.u32 $0x70, s5;
	s13 =	sand.u32 $0x3C00, s8;
	v24 =	vld [tilespmem:s9+$0x0]  }
0x11e: {  	v20 =	vor.u32 s16, v0;
	s9 =	sor.u32 s12, s13;
	vm0 =	vgt.f32 v11, v27;
	vm14 =	vgt.f32 v17, v26  }
0x11f: {  	v15 =	vld [tilespmem:s9+$0x0];
	vm2 =	vgt.f32 v21, v18;
	vm1 =	vgt.f32 v29, v14;
	vm4 =	vgt.f32 v22, v7  }
0x120: {  	v19 =	vld [tilespmem:s9+$0x80];
	vm3 =	vgt.f32 v23, v5;
	v16 =	vsel vm0, v11, v27;
	v12 =	vsel vm0, v20, v25  }
0x121: {  	s29 =	simm.s32 $0x1;
	v11 =	vsel vm14, v17, v26;
	vm0 =	vgt.f32 v28, v13;
	v17 =	vld [tilespmem:s9+$0x100];
	v18 =	vsel vm2, v21, v18  }
0x122: {  	s13 =	sand.u32 $0x7, s29;
	s12 =	simm.s32 $0x20;
	v14 =	vsel vm1, v29, v14;
	v21 =	vld [tilespmem:s9+$0x180];
	vm5 =	vgt.f32 v24, v1;
	v13 =	vsel vm0, v28, v13  }
.LBB2_10:
0x123: {  	p0 =	sne.s32 s12, $0x7F0;
	s13 =	sshll.u32 s13, $0x4;
	v25 =	vld [tilespmem:s9+$0x200];
	v7 =	vsel vm4, v22, v7;
	v5 =	vsel vm3, v23, v5;
	v1 =	vsel vm5, v24, v1  }
0x124: {  	v10 =	vsel vm14, v20, v10;
	v9 =	vsel vm2, v20, v9;
	v2 =	vsel vm5, v20, v2;
	s13 =	sadd.s32 s13, s8;
	v22 =	vld [tilespmem:s9+$0x280]  }
0x125: {  	v8 =	vsel vm0, v20, v8;
	v6 =	vsel vm1, v20, v6;
	v4 =	vsel vm4, v20, v4;
	s8 =	sadd.s32 $0x80, s8;
	v23 =	vld [tilespmem:s9+$0x300];
	s9 =	sor.u32 $0x380, s13  }
0x126: {  	s5 =	sadd.s32 s5, s0;
	v3 =	vsel vm3, v20, v3;
	s13 =	sand.u32 $0x70, s12;
	s16 =	sand.u32 $0x3C00, s8;
	v24 =	vld [tilespmem:s9+$0x0]  }
.Ltmp6:
0x127: {  	v20 =	vor.u32 s5, v0;
	vm0 =	vgt.f32 v15, v16;
	s5 =	smov.u32 s12;
	vm14 =	vgt.f32 v19, v11;
	s9 =	sor.u32 s13, s16;
	(pc) =	sbr.rel @p0 .LBB2_10-.Ltmp6, $4  }
0x128: {  	v16 =	vsel vm0, v15, v16;
	v12 =	vsel vm0, v20, v12;
	v11 =	vsel vm14, v19, v11;
	v15 =	vld [tilespmem:s9+$0x0]  }
0x129: {  	vm2 =	vgt.f32 v17, v18;
	vm0 =	vgt.f32 v21, v13;
	vm1 =	vgt.f32 v25, v14;
	v19 =	vld [tilespmem:s9+$0x80]  }
0x12a: {  	s29 =	sadd.s32 $0x1, s29;
	v18 =	vsel vm2, v17, v18;
	v13 =	vsel vm0, v21, v13;
	v14 =	vsel vm1, v25, v14;
	v17 =	vld [tilespmem:s9+$0x100]  }
0x12b: {  	s12 =	sadd.s32 $0x10, s12;
	s13 =	sand.u32 $0x7, s29;
	vm4 =	vgt.f32 v22, v7;
	vm3 =	vgt.f32 v23, v5;
	v21 =	vld [tilespmem:s9+$0x180];
	vm5 =	vgt.f32 v24, v1  }
0x12c: {  	s12 =	sshll.u32 s13, $0x4;
	v25 =	vld [tilespmem:s9+$0x200];
	s29 =	sshll.u32 s26, $0xF;
	p0 =	seq.s32 s26, $0xA  }
0x12d: {  	v26 =	vld [tilespmem:s9+$0x280];
	s8 =	sadd.s32 s12, s8;
	s12 =	sadd.s32 @!p0 s29, s10  }
0x12e: {  	v27 =	vld [tilespmem:s9+$0x300];
	s8 =	sor.u32 $0x380, s8;
	s9 =	sshrl.u32 @!p0 s12, $0x3  }
0x12f: {  	v28 =	vld [tilespmem:s8+$0x0];
	s8 =	sadd.s32 @!p0 s3, s9;
	s9 =	simm.s32 @!p0 $0x0  }
0x130: {  	[tilespmem:s9], [sflag:$0x1] =	stream.linear.gather @!p0 [hbm4b:s8+s9], $0x4000, $0x38;
	[tilespmem:$0x8100] =	vst v63  }
0x131: {  	v7 =	vsel vm4, v22, v7;
	v5 =	vsel vm3, v23, v5;
	s13 =	simm.s32 $0x0;
	_ =	swait.ge [sflag:s25], $0x4000  }
0x132: {  	v1 =	vsel vm5, v24, v1;
	v10 =	vsel vm14, v20, v10;
	v9 =	vsel vm2, v20, v9;
	s16 =	sand.u32 $0x70, s13;
	s8 =	sand.u32 $0x3C00, s13;
	[sflag:s25] =	ssyncset.done $0x0  }
0x133: {  	v8 =	vsel vm0, v20, v8;
	v6 =	vsel vm1, v20, v6;
	s5 =	sadd.s32 s5, s0;
	vm0 =	vgt.f32 v15, v16;
	s9 =	sor.u32 s16, s8;
	[sflag:s25] =	ssyncadd.s32 $0xFFFFC000  }
0x134: {  	v22 =	vor.u32 s5, v0;
	vm1 =	vgt.f32 v19, v11;
	v15 =	vsel vm0, v15, v16;
	v16 =	vld [tilespmem:s9+$0x4000]  }
0x135: {  	v12 =	vsel vm0, v22, v12;
	v11 =	vsel vm1, v19, v11;
	vm0 =	vgt.f32 v17, v18;
	v19 =	vld [tilespmem:s9+$0x4080]  }
0x136: {  	v2 =	vsel vm5, v20, v2;
	v4 =	vsel vm4, v20, v4;
	v17 =	vsel vm0, v17, v18;
	v18 =	vld [tilespmem:s9+$0x4100]  }
0x137: {  	v20 =	vsel vm3, v20, v3;
	v29 =	vsel vm1, v22, v10;
	vm2 =	vgt.f32 v21, v13;
	v24 =	vld [tilespmem:s9+$0x4180]  }
0x138: {  	v31 =	vsel vm0, v22, v9;
	vm3 =	vgt.f32 v25, v14;
	v21 =	vsel vm2, v21, v13;
	v30 =	vld [tilespmem:s9+$0x4280]  }
0x139: {  	vm4 =	vgt.f32 v26, v7;
	vm5 =	vgt.f32 v27, v5;
	v32 =	vsel vm2, v22, v8;
	v33 =	vld [tilespmem:s9+$0x4300]  }
0x13a: {  	v23 =	vsel vm3, v25, v14;
	v3 =	vsel vm4, v22, v4;
	v4 =	vsel vm5, v22, v20;
	v20 =	vld [tilespmem:s9+$0x4380]  }
0x13b: {  	s5 =	simm.s32 $0x80;
	s8 =	simm.s32 $0x10;
	s16 =	sadd.s32 $0x0, s1;
	v25 =	vsel vm4, v26, v7;
	v27 =	vsel vm5, v27, v5;
	vm6 =	vgt.f32 v28, v1;
	v26 =	vld [tilespmem:s9+$0x4200]  }
0x13c: {  	s13 =	sand.u32 $0x3C00, s5;
	s12 =	sand.u32 $0x70, s8;
	v13 =	vor.u32 s16, v0;
	v28 =	vsel vm6, v28, v1;
	v1 =	vsel vm6, v22, v2  }
0x13d: {  	s9 =	sor.u32 s12, s13;
	v2 =	vsel vm3, v22, v6;
	vm0 =	vgt.f32 v16, v15;
	vm4 =	vgt.f32 v19, v11  }
0x13e: {  	v5 =	vld [tilespmem:s9+$0x4000];
	vm5 =	vgt.f32 v18, v17;
	vm6 =	vgt.f32 v24, v21;
	vm2 =	vgt.f32 v30, v25  }
0x13f: {  	v14 =	vld [tilespmem:s9+$0x4080];
	vm3 =	vgt.f32 v33, v27;
	vm1 =	vgt.f32 v20, v28;
	v6 =	vsel vm0, v16, v15  }
0x140: {  	v9 =	vld [tilespmem:s9+$0x4100];
	v8 =	vsel vm0, v13, v12;
	v7 =	vsel vm4, v19, v11;
	vm0 =	vgt.f32 v26, v23  }
0x141: {  	v22 =	vld [tilespmem:s9+$0x4180];
	v10 =	vsel vm5, v18, v17;
	v11 =	vsel vm6, v24, v21;
	v15 =	vsel vm2, v30, v25  }
0x142: {  	v24 =	vld [tilespmem:s9+$0x4200];
	v16 =	vsel vm3, v33, v27;
	v17 =	vsel vm1, v20, v28;
	v19 =	vsel vm4, v13, v29  }
0x143: {  	s12 =	simm.s32 $0x20;
	v20 =	vsel vm5, v13, v31;
	v21 =	vsel vm6, v13, v32;
	v12 =	vsel vm0, v26, v23;
	v23 =	vld [tilespmem:s9+$0x4280]  }
.LBB2_12:
0x144: {  	p1 =	sne.s32 s12, $0x7F0;
	v18 =	vld [tilespmem:s9+$0x4300];
	s5 =	sadd.s32 $0x80, s5;
	v2 =	vsel vm0, v13, v2;
	v3 =	vsel vm2, v13, v3;
	v4 =	vsel vm3, v13, v4  }
0x145: {  	s13 =	sand.u32 $0x70, s12;
	s8 =	sadd.s32 s8, s1;
	v1 =	vsel vm1, v13, v1;
	s16 =	sand.u32 $0x3C00, s5;
	v25 =	vld [tilespmem:s9+$0x4380]  }
0x146: {  	vm0 =	vgt.f32 v5, v6;
	vm4 =	vgt.f32 v14, v7;
	v13 =	vor.u32 s8, v0;
	s8 =	smov.u32 s12;
	s9 =	sor.u32 s13, s16  }
0x147: {  	v6 =	vsel vm0, v5, v6;
	v7 =	vsel vm4, v14, v7;
	v8 =	vsel vm0, v13, v8;
	v5 =	vld [tilespmem:s9+$0x4000]  }
.Ltmp7:
0x148: {  	vm5 =	vgt.f32 v9, v10;
	vm6 =	vgt.f32 v22, v11;
	vm0 =	vgt.f32 v24, v12;
	v14 =	vld [tilespmem:s9+$0x4080];
	(pc) =	sbr.rel @p1 .LBB2_12-.Ltmp7, $4  }
0x149: {  	v10 =	vsel vm5, v9, v10;
	v11 =	vsel vm6, v22, v11;
	v12 =	vsel vm0, v24, v12;
	v9 =	vld [tilespmem:s9+$0x4100]  }
0x14a: {  	vm2 =	vgt.f32 v23, v15;
	vm3 =	vgt.f32 v18, v16;
	v22 =	vld [tilespmem:s9+$0x4180];
	vm1 =	vgt.f32 v25, v17  }
0x14b: {  	v15 =	vsel vm2, v23, v15;
	v16 =	vsel vm3, v18, v16;
	v24 =	vld [tilespmem:s9+$0x4200];
	v17 =	vsel vm1, v25, v17  }
0x14c: {  	s12 =	sadd.s32 $0x10, s12;
	v19 =	vsel vm4, v13, v19;
	v20 =	vsel vm5, v13, v20;
	v21 =	vsel vm6, v13, v21;
	v23 =	vld [tilespmem:s9+$0x4280]  }
0x14d: {  	v2 =	vsel vm0, v13, v2;
	v3 =	vsel vm2, v13, v3  }
0x14e: {  	v28 =	vld [tilespmem:s9+$0x4300];
	v29 =	vsel vm3, v13, v4;
	s5 =	sadd.s32 s8, s1;
	v30 =	vsel vm1, v13, v1;
	vm0 =	vgt.f32 v5, v6  }
0x14f: {  	v4 =	vld [tilespmem:s9+$0x4380];
	vm1 =	vgt.f32 v14, v7;
	v31 =	vor.u32 s5, v0;
	v27 =	vsel vm0, v5, v6  }
0x150: {  	v26 =	vsel vm1, v14, v7;
	v25 =	vsel vm0, v31, v8;
	vm0 =	vgt.f32 v9, v10  }
0x151: {  	vm2 =	vgt.f32 v22, v11;
	vm3 =	vgt.f32 v24, v12;
	v18 =	vsel vm0, v9, v10  }
.Ltmp8:
0x152: {  	v13 =	vsel vm2, v22, v11;
	v10 =	vsel vm1, v31, v19;
	v9 =	vsel vm0, v31, v20;
	(pc) =	sbr.rel @p0 .LBB2_15-.Ltmp8, $4  }
0x153: {  	v8 =	vsel vm2, v31, v21;
	v14 =	vsel vm3, v24, v12;
	vm4 =	vgt.f32 v23, v15  }
0x154: {  	v6 =	vsel vm3, v31, v2;
	vm5 =	vgt.f32 v28, v16;
	vm6 =	vgt.f32 v4, v17  }
0x155: {  	v7 =	vsel vm4, v23, v15;
	v5 =	vsel vm5, v28, v16;
	v1 =	vsel vm6, v4, v17  }
0x156: {  	v4 =	vsel vm4, v31, v3;
	v3 =	vsel vm5, v31, v29;
	v2 =	vsel vm6, v31, v30  }
.Ltmp9:
0x157: {  	(pc) =	sbr.rel .LBB2_9-.Ltmp9, $4  }
0x158: {  	s5 =	sadd.s32 s29, s11  }
0x159: {  	s26 =	sadd.s32 $0x1, s26;
	s5 =	sshrl.u32 s5, $0x3  }
0x15a: {  	s0 =	sadd.s32 $0x1000, s0;
	s1 =	sadd.s32 $0x1000, s1;
	s5 =	sadd.s32 s3, s5  }
0x15b: {  	[tilespmem:s23], [sflag:$0x2] =	stream.linear.gather [hbm4b:s5+s2], $0x4000, $0x38;
	[tilespmem:$0x8100] =	vst v63  }
.LBB2_15:
0x15c: {  	(xrf0) =	vmax.scan.msk.f32 $0xffff, v27;
	_ =	sdelay $0x5  }
0x15d: {  	v11, _, _ =	vpop (xrf0)  }
0x15e: {  	v11 =	vbroadcast v11, $0xF;
	_ =	sdelay $0x1  }
0x15f: {  	v12 =	vxor.u32 $0x80000000, v25;
	vm0 =	veq.f32 v27, v11  }
0x160: {  	v12 =	vnsel vm0, $0xBB9ACA00, v12  }
0x161: {  	(xrf0) =	vmin.scan.msk.u32 $0xffff, v12  }
0x162: {  	(xrf0) =	vmax.scan.msk.f32 $0xffff, v26;
	_ =	sdelay $0x4  }
0x163: {  	v12, _, _ =	vpop (xrf0)  }
0x164: {  	v15, _, _ =	vpop (xrf0)  }
0x165: {  	v15 =	vbroadcast v15, $0xF;
	_ =	sdelay $0x1  }
0x166: {  	v10 =	vxor.u32 $0x80000000, v10;
	vm0 =	veq.f32 v26, v15  }
0x167: {  	v10 =	vnsel vm0, $0xBB9ACA00, v10  }
0x168: {  	(xrf0) =	vmin.scan.msk.u32 $0xffff, v10  }
0x169: {  	(xrf0) =	vmax.scan.msk.f32 $0xffff, v18;
	_ =	sdelay $0x4  }
0x16a: {  	v10, _, _ =	vpop (xrf0)  }
0x16b: {  	v16, _, _ =	vpop (xrf0)  }
0x16c: {  	v16 =	vbroadcast v16, $0xF;
	_ =	sdelay $0x1  }
0x16d: {  	v9 =	vxor.u32 $0x80000000, v9;
	vm0 =	veq.f32 v18, v16  }
0x16e: {  	v9 =	vnsel vm0, $0xBB9ACA00, v9  }
0x16f: {  	(xrf0) =	vmin.scan.msk.u32 $0xffff, v9  }
0x170: {  	(xrf0) =	vmax.scan.msk.f32 $0xffff, v13;
	_ =	sdelay $0x4  }
0x171: {  	v9, _, _ =	vpop (xrf0)  }
0x172: {  	v17, _, _ =	vpop (xrf0)  }
0x173: {  	v17 =	vbroadcast v17, $0xF;
	_ =	sdelay $0x1  }
0x174: {  	v8 =	vxor.u32 $0x80000000, v8;
	vm0 =	veq.f32 v13, v17  }
0x175: {  	v8 =	vnsel vm0, $0xBB9ACA00, v8  }
0x176: {  	(xrf0) =	vmin.scan.msk.u32 $0xffff, v8  }
0x177: {  	(xrf0) =	vmax.scan.msk.f32 $0xffff, v14;
	_ =	sdelay $0x4  }
0x178: {  	v8, _, _ =	vpop (xrf0)  }
0x179: {  	v13, _, _ =	vpop (xrf0)  }
0x17a: {  	v13 =	vbroadcast v13, $0xF;
	_ =	sdelay $0x1  }
0x17b: {  	v6 =	vxor.u32 $0x80000000, v6;
	vm0 =	veq.f32 v14, v13  }
0x17c: {  	v6 =	vnsel vm0, $0xBB9ACA00, v6  }
0x17d: {  	(xrf0) =	vmin.scan.msk.u32 $0xffff, v6  }
0x17e: {  	(xrf0) =	vmax.scan.msk.f32 $0xffff, v7;
	_ =	sdelay $0x1  }
0x17f: {  	v6 =	vld [tilespmem:$0x8000];
	_ =	sdelay $0x2  }
0x180: {  	v14, _, _ =	vpop (xrf0)  }
0x181: {  	v18, _, _ =	vpop (xrf0)  }
0x182: {  	v6 =	vsel vm7, v11, v6;
	v18 =	vbroadcast v18, $0xF  }
0x183: {  	[tilespmem:$0x8000] =	vst v6  }
0x184: {  	v4 =	vxor.u32 $0x80000000, v4;
	v6 =	vld [tilespmem:$0x8000];
	vm0 =	veq.f32 v7, v18  }
0x185: {  	v4 =	vnsel vm0, $0xBB9ACA00, v4  }
0x186: {  	(xrf0) =	vmin.scan.msk.u32 $0xffff, v4  }
0x187: {  	(xrf0) =	vmax.scan.msk.f32 $0xffff, v5;
	_ =	sdelay $0x1  }
0x188: {  	v4 =	vsel vm8, v15, v6;
	_ =	sdelay $0x2  }
0x189: {  	[tilespmem:$0x8000] =	vst v4;
	v4, _, _ =	vpop (xrf0)  }
0x18a: {  	v6 =	vld [tilespmem:$0x8000];
	v7, _, _ =	vpop (xrf0)  }
0x18b: {  	v7 =	vbroadcast v7, $0xF;
	_ =	sdelay $0x1  }
0x18c: {  	v3 =	vxor.u32 $0x80000000, v3;
	vm0 =	veq.f32 v5, v7  }
0x18d: {  	v3 =	vnsel vm0, $0xBB9ACA00, v3  }
0x18e: {  	v5 =	vsel vm9, v16, v6;
	(xrf0) =	vmin.scan.msk.u32 $0xffff, v3  }
0x18f: {  	[tilespmem:$0x8000] =	vst v5;
	(xrf0) =	vmax.scan.msk.f32 $0xffff, v1  }
0x190: {  	v3 =	vld [tilespmem:$0x8000];
	_ =	sdelay $0x3  }
0x191: {  	v5, _, _ =	vpop (xrf0)  }
0x192: {  	v3 =	vsel vm10, v17, v3;
	v6, _, _ =	vpop (xrf0)  }
0x193: {  	[tilespmem:$0x8000] =	vst v3;
	v3 =	vbroadcast v6, $0xF  }
0x194: {  	v11 =	vld [tilespmem:$0x8000]  }
0x195: {  	(v2sf) =	vpush v12, $0xF;
	vm0 =	veq.f32 v1, v3;
	v1 =	vxor.u32 $0x80000000, v2  }
0x196: {  	v1 =	vnsel vm0, $0xBB9ACA00, v1  }
0x197: {  	(v2sf) =	vpush v10, $0xF;
	(xrf0) =	vmin.scan.msk.u32 $0xffff, v1  }
0x198: {  	(v2sf) =	vpush v9, $0xF  }
0x199: {  	(v2sf) =	vpush v8, $0xF;
	v1 =	vsel vm11, v13, v11  }
0x19a: {  	(v2sf) =	vpush v14, $0xF;
	[tilespmem:$0x8000] =	vst v1  }
0x19b: {  	(v2sf) =	vpush v4, $0xF;
	v1 =	vld [tilespmem:$0x8000]  }
0x19c: {  	(v2sf) =	vpush v5, $0xF  }
0x19d: {  	v2, _, _ =	vpop (xrf0)  }
0x19e: {  	(v2sf) =	vpush v2, $0xF;
	_ =	sdelay $0x1  }
0x19f: {  	v1 =	vsel vm12, v18, v1  }
0x1a0: {  	v2 =	vld [tilespmem:$0x8080];
	[tilespmem:$0x8000] =	vst v1  }
0x1a1: {  	v1 =	vld [tilespmem:$0x8000];
	_ =	sdelay $0x1  }
0x1a2: {  	s0 =	spop (v2sf)  }
0x1a3: {  	s0 =	sxor.u32 $0x80000000, s0;
	vm0 =	veq.s32 v0, $0x8  }
0x1a4: {  	s1 =	spop (v2sf);
	v2 =	vsel vm0, s0, v2  }
0x1a5: {  	s1 =	sxor.u32 $0x80000000, s1;
	s13 =	spop (v2sf);
	vm0 =	veq.s32 v0, $0x9;
	[tilespmem:$0x8080] =	vst v2;
	v1 =	vsel vm13, v7, v1  }
0x1a6: {  	s5 =	spop (v2sf);
	s0 =	sxor.u32 $0x80000000, s13;
	v2 =	vsel vm0, s1, v2;
	vm0 =	veq.s32 v0, $0xA;
	[tilespmem:$0x8000] =	vst v1  }
0x1a7: {  	s26 =	sxor.u32 $0x80000000, s5;
	s16 =	spop (v2sf);
	[tilespmem:$0x8080] =	vst v2;
	v1 =	vsel vm0, s0, v2;
	vm0 =	veq.s32 v0, $0xB;
	v2 =	vld [tilespmem:$0x8000]  }
0x1a8: {  	s8 =	sxor.u32 $0x80000000, s16;
	s29 =	spop (v2sf);
	[tilespmem:$0x8080] =	vst v1;
	v1 =	vsel vm0, s26, v1;
	vm0 =	veq.s32 v0, $0xC  }
0x1a9: {  	s12 =	sxor.u32 $0x80000000, s29;
	s9 =	spop (v2sf);
	[tilespmem:$0x8080] =	vst v1;
	v1 =	vsel vm0, s8, v1;
	vm0 =	veq.s32 v0, $0xD  }
0x1aa: {  	s13 =	sxor.u32 $0x80000000, s9;
	[tilespmem:$0x8080] =	vst v1;
	v1 =	vsel vm0, s12, v1;
	vm0 =	veq.s32 v0, $0xE  }
0x1ab: {  	vm14 =	vmmov $0x7fff;
	v25 =	vimm.s32 $0x0;
	[tilespmem:$0x8080] =	vst v1;
	v1 =	vsel vm0, s13, v1;
	s16 =	spop (v2sf)  }
0x1ac: {  	v27 =	vimm.f32 $-Inf;
	vm0 =	veq.s32 v0, $0xF;
	[tilespmem:$0x8080] =	vst v1;
	v2 =	vsel vm14, v2, v6;
	s0 =	sxor.u32 $0x80000000, s16  }
0x1ad: {  	v26 =	vimm.f32 $-Inf;
	v10 =	vimm.s32 $0x0;
	s29 =	rddreg [dreg:$0x6];
	[tilespmem:$0x8000] =	vst v2;
	v1 =	vsel vm0, s0, v1  }
0x1ae: {  	s31 =	simm.s32 $0x0;
	v9 =	vimm.s32 $0x0;
	v8 =	vimm.s32 $0x0;
	v14 =	vimm.f32 $-Inf;
	s26 =	rddreg [dreg:$0x5];
	[tilespmem:$0x8080] =	vst v1  }
0x1af: {  	v4 =	vimm.s32 $0x0;
	v5 =	vimm.f32 $-Inf;
	v3 =	vimm.s32 $0x0;
	[tilespmem:s31], [sflag:$0x1] =	stream.linear.gather [hbm4b:s26+s31], $0x4000, $0x38;
	[tilespmem:$0x8100] =	vst v63  }
0x1b0: {  	v13 =	vimm.f32 $-Inf;
	v18 =	vimm.f32 $-Inf;
	s1 =	simm.s32 $0x800;
	v7 =	vimm.f32 $-Inf;
	s0 =	simm.s32 $0x0;
	s26 =	simm.s32 $0x0  }
0x1b1: {  	v6 =	vimm.s32 $0x0;
	v2 =	vimm.s32 $0x0;
	v1 =	vimm.f32 $-Inf;
	[tilespmem:s23], [sflag:$0x2] =	stream.linear.gather [hbm4b:s29+s31], $0x4000, $0x38;
	[tilespmem:$0x8100] =	vst v63  }
.LBB2_16:
0x1b2: {  	_ =	swait.ge [sflag:s24], $0x4000  }
0x1b3: {  	s5 =	sand.u32 $0x70, s31;
	s8 =	sand.u32 $0x3C00, s31;
	[sflag:s24] =	ssyncset.done $0x0  }
0x1b4: {  	s8 =	sor.u32 s5, s8;
	[sflag:s24] =	ssyncadd.s32 $0xFFFFC000  }
0x1b5: {  	v11 =	vld [tilespmem:s8+$0x0]  }
0x1b6: {  	v17 =	vld [tilespmem:s8+$0x80]  }
0x1b7: {  	v21 =	vld [tilespmem:s8+$0x100]  }
0x1b8: {  	s16 =	sand.u32 $0x7, s31;
	v29 =	vld [tilespmem:s8+$0x200]  }
0x1b9: {  	s5 =	sshll.u32 s16, $0x4;
	v22 =	vld [tilespmem:s8+$0x280]  }
0x1ba: {  	s9 =	sadd.s32 $0x0, s5;
	v23 =	vld [tilespmem:s8+$0x300]  }
0x1bb: {  	s5 =	simm.s32 $0x10;
	v28 =	vld [tilespmem:s8+$0x180];
	s9 =	sor.u32 $0x380, s9;
	s8 =	simm.s32 $0x80  }
0x1bc: {  	s16 =	sadd.s32 $0x0, s0;
	s12 =	sand.u32 $0x70, s5;
	s13 =	sand.u32 $0x3C00, s8;
	v24 =	vld [tilespmem:s9+$0x0]  }
0x1bd: {  	v20 =	vor.u32 s16, v0;
	s9 =	sor.u32 s12, s13;
	vm1 =	vgt.f32 v11, v27;
	vm0 =	vgt.f32 v17, v26  }
0x1be: {  	v15 =	vld [tilespmem:s9+$0x0];
	vm3 =	vgt.f32 v21, v18;
	vm2 =	vgt.f32 v29, v14;
	vm5 =	vgt.f32 v22, v7  }
0x1bf: {  	v19 =	vld [tilespmem:s9+$0x80];
	vm4 =	vgt.f32 v23, v5;
	v16 =	vsel vm1, v11, v27;
	v12 =	vsel vm1, v20, v25  }
0x1c0: {  	s29 =	simm.s32 $0x1;
	v11 =	vsel vm0, v17, v26;
	vm1 =	vgt.f32 v28, v13;
	v17 =	vld [tilespmem:s9+$0x100];
	v18 =	vsel vm3, v21, v18  }
0x1c1: {  	s13 =	sand.u32 $0x7, s29;
	s12 =	simm.s32 $0x20;
	v14 =	vsel vm2, v29, v14;
	v21 =	vld [tilespmem:s9+$0x180];
	vm6 =	vgt.f32 v24, v1;
	v13 =	vsel vm1, v28, v13  }
.LBB2_17:
0x1c2: {  	p0 =	sne.s32 s12, $0x7F0;
	s13 =	sshll.u32 s13, $0x4;
	v25 =	vld [tilespmem:s9+$0x200];
	v7 =	vsel vm5, v22, v7;
	v5 =	vsel vm4, v23, v5;
	v1 =	vsel vm6, v24, v1  }
0x1c3: {  	v10 =	vsel vm0, v20, v10;
	v9 =	vsel vm3, v20, v9;
	v2 =	vsel vm6, v20, v2;
	s13 =	sadd.s32 s13, s8;
	v22 =	vld [tilespmem:s9+$0x280]  }
0x1c4: {  	v8 =	vsel vm1, v20, v8;
	v6 =	vsel vm2, v20, v6;
	v4 =	vsel vm5, v20, v4;
	s8 =	sadd.s32 $0x80, s8;
	v23 =	vld [tilespmem:s9+$0x300];
	s9 =	sor.u32 $0x380, s13  }
0x1c5: {  	s5 =	sadd.s32 s5, s0;
	v3 =	vsel vm4, v20, v3;
	s13 =	sand.u32 $0x70, s12;
	s16 =	sand.u32 $0x3C00, s8;
	v24 =	vld [tilespmem:s9+$0x0]  }
.Ltmp10:
0x1c6: {  	v20 =	vor.u32 s5, v0;
	vm1 =	vgt.f32 v15, v16;
	s5 =	smov.u32 s12;
	vm0 =	vgt.f32 v19, v11;
	s9 =	sor.u32 s13, s16;
	(pc) =	sbr.rel @p0 .LBB2_17-.Ltmp10, $4  }
0x1c7: {  	v16 =	vsel vm1, v15, v16;
	v12 =	vsel vm1, v20, v12;
	v11 =	vsel vm0, v19, v11;
	v15 =	vld [tilespmem:s9+$0x0]  }
0x1c8: {  	vm3 =	vgt.f32 v17, v18;
	vm1 =	vgt.f32 v21, v13;
	vm2 =	vgt.f32 v25, v14;
	v19 =	vld [tilespmem:s9+$0x80]  }
0x1c9: {  	s29 =	sadd.s32 $0x1, s29;
	v18 =	vsel vm3, v17, v18;
	v13 =	vsel vm1, v21, v13;
	v14 =	vsel vm2, v25, v14;
	v17 =	vld [tilespmem:s9+$0x100]  }
0x1ca: {  	s12 =	sadd.s32 $0x10, s12;
	s13 =	sand.u32 $0x7, s29;
	vm5 =	vgt.f32 v22, v7;
	vm4 =	vgt.f32 v23, v5;
	v21 =	vld [tilespmem:s9+$0x180];
	vm6 =	vgt.f32 v24, v1  }
0x1cb: {  	s12 =	sshll.u32 s13, $0x4;
	v25 =	vld [tilespmem:s9+$0x200];
	s29 =	sshll.u32 s26, $0xF;
	p0 =	seq.s32 s26, $0xA  }
0x1cc: {  	v26 =	vld [tilespmem:s9+$0x280];
	s8 =	sadd.s32 s12, s8;
	s12 =	sadd.s32 @!p0 s29, s14  }
0x1cd: {  	v27 =	vld [tilespmem:s9+$0x300];
	s8 =	sor.u32 $0x380, s8;
	s9 =	sshrl.u32 @!p0 s12, $0x3  }
0x1ce: {  	v28 =	vld [tilespmem:s8+$0x0];
	s8 =	sadd.s32 @!p0 s3, s9;
	s9 =	simm.s32 @!p0 $0x0  }
0x1cf: {  	[tilespmem:s9], [sflag:$0x1] =	stream.linear.gather @!p0 [hbm4b:s8+s9], $0x4000, $0x38;
	[tilespmem:$0x8100] =	vst v63  }
0x1d0: {  	v7 =	vsel vm5, v22, v7;
	v5 =	vsel vm4, v23, v5;
	s13 =	simm.s32 $0x0;
	_ =	swait.ge [sflag:s25], $0x4000  }
0x1d1: {  	v1 =	vsel vm6, v24, v1;
	v10 =	vsel vm0, v20, v10;
	v9 =	vsel vm3, v20, v9;
	s16 =	sand.u32 $0x70, s13;
	s8 =	sand.u32 $0x3C00, s13;
	[sflag:s25] =	ssyncset.done $0x0  }
0x1d2: {  	v2 =	vsel vm6, v20, v2;
	v8 =	vsel vm1, v20, v8;
	s5 =	sadd.s32 s5, s0;
	vm0 =	vgt.f32 v15, v16;
	s9 =	sor.u32 s16, s8;
	[sflag:s25] =	ssyncadd.s32 $0xFFFFC000  }
0x1d3: {  	v22 =	vor.u32 s5, v0;
	vm1 =	vgt.f32 v19, v11;
	v15 =	vsel vm0, v15, v16;
	v16 =	vld [tilespmem:s9+$0x4000]  }
0x1d4: {  	v12 =	vsel vm0, v22, v12;
	v11 =	vsel vm1, v19, v11;
	vm0 =	vgt.f32 v17, v18;
	v19 =	vld [tilespmem:s9+$0x4080]  }
0x1d5: {  	v6 =	vsel vm2, v20, v6;
	v4 =	vsel vm5, v20, v4;
	v17 =	vsel vm0, v17, v18;
	v18 =	vld [tilespmem:s9+$0x4100]  }
0x1d6: {  	v20 =	vsel vm4, v20, v3;
	v29 =	vsel vm1, v22, v10;
	vm2 =	vgt.f32 v21, v13;
	v24 =	vld [tilespmem:s9+$0x4180]  }
0x1d7: {  	v31 =	vsel vm0, v22, v9;
	vm3 =	vgt.f32 v25, v14;
	v21 =	vsel vm2, v21, v13;
	v30 =	vld [tilespmem:s9+$0x4280]  }
0x1d8: {  	vm4 =	vgt.f32 v26, v7;
	vm5 =	vgt.f32 v27, v5;
	v32 =	vsel vm2, v22, v8;
	v33 =	vld [tilespmem:s9+$0x4300]  }
0x1d9: {  	v23 =	vsel vm3, v25, v14;
	v3 =	vsel vm4, v22, v4;
	v4 =	vsel vm5, v22, v20;
	v20 =	vld [tilespmem:s9+$0x4380]  }
0x1da: {  	s5 =	simm.s32 $0x80;
	s8 =	simm.s32 $0x10;
	s16 =	sadd.s32 $0x0, s1;
	v25 =	vsel vm4, v26, v7;
	v27 =	vsel vm5, v27, v5;
	vm6 =	vgt.f32 v28, v1;
	v26 =	vld [tilespmem:s9+$0x4200]  }
0x1db: {  	s13 =	sand.u32 $0x3C00, s5;
	s12 =	sand.u32 $0x70, s8;
	v13 =	vor.u32 s16, v0;
	v28 =	vsel vm6, v28, v1;
	v1 =	vsel vm6, v22, v2  }
0x1dc: {  	s9 =	sor.u32 s12, s13;
	v2 =	vsel vm3, v22, v6;
	vm0 =	vgt.f32 v16, v15;
	vm4 =	vgt.f32 v19, v11  }
0x1dd: {  	v5 =	vld [tilespmem:s9+$0x4000];
	vm5 =	vgt.f32 v18, v17;
	vm6 =	vgt.f32 v24, v21;
	vm2 =	vgt.f32 v30, v25  }
0x1de: {  	v14 =	vld [tilespmem:s9+$0x4080];
	vm3 =	vgt.f32 v33, v27;
	vm1 =	vgt.f32 v20, v28;
	v6 =	vsel vm0, v16, v15  }
0x1df: {  	v9 =	vld [tilespmem:s9+$0x4100];
	v8 =	vsel vm0, v13, v12;
	v7 =	vsel vm4, v19, v11;
	vm0 =	vgt.f32 v26, v23  }
0x1e0: {  	v22 =	vld [tilespmem:s9+$0x4180];
	v10 =	vsel vm5, v18, v17;
	v11 =	vsel vm6, v24, v21;
	v15 =	vsel vm2, v30, v25  }
0x1e1: {  	v24 =	vld [tilespmem:s9+$0x4200];
	v16 =	vsel vm3, v33, v27;
	v17 =	vsel vm1, v20, v28;
	v19 =	vsel vm4, v13, v29  }
0x1e2: {  	s12 =	simm.s32 $0x20;
	v20 =	vsel vm5, v13, v31;
	v21 =	vsel vm6, v13, v32;
	v12 =	vsel vm0, v26, v23;
	v23 =	vld [tilespmem:s9+$0x4280]  }
.LBB2_19:
0x1e3: {  	p1 =	sne.s32 s12, $0x7F0;
	v18 =	vld [tilespmem:s9+$0x4300];
	s5 =	sadd.s32 $0x80, s5;
	v2 =	vsel vm0, v13, v2;
	v3 =	vsel vm2, v13, v3;
	v4 =	vsel vm3, v13, v4  }
0x1e4: {  	s13 =	sand.u32 $0x70, s12;
	s8 =	sadd.s32 s8, s1;
	v1 =	vsel vm1, v13, v1;
	s16 =	sand.u32 $0x3C00, s5;
	v25 =	vld [tilespmem:s9+$0x4380]  }
0x1e5: {  	vm0 =	vgt.f32 v5, v6;
	vm4 =	vgt.f32 v14, v7;
	v13 =	vor.u32 s8, v0;
	s8 =	smov.u32 s12;
	s9 =	sor.u32 s13, s16  }
0x1e6: {  	v6 =	vsel vm0, v5, v6;
	v7 =	vsel vm4, v14, v7;
	v8 =	vsel vm0, v13, v8;
	v5 =	vld [tilespmem:s9+$0x4000]  }
.Ltmp11:
0x1e7: {  	vm5 =	vgt.f32 v9, v10;
	vm6 =	vgt.f32 v22, v11;
	vm0 =	vgt.f32 v24, v12;
	v14 =	vld [tilespmem:s9+$0x4080];
	(pc) =	sbr.rel @p1 .LBB2_19-.Ltmp11, $4  }
0x1e8: {  	v10 =	vsel vm5, v9, v10;
	v11 =	vsel vm6, v22, v11;
	v12 =	vsel vm0, v24, v12;
	v9 =	vld [tilespmem:s9+$0x4100]  }
0x1e9: {  	vm2 =	vgt.f32 v23, v15;
	vm3 =	vgt.f32 v18, v16;
	v22 =	vld [tilespmem:s9+$0x4180];
	vm1 =	vgt.f32 v25, v17  }
0x1ea: {  	v15 =	vsel vm2, v23, v15;
	v16 =	vsel vm3, v18, v16;
	v24 =	vld [tilespmem:s9+$0x4200];
	v17 =	vsel vm1, v25, v17  }
0x1eb: {  	s12 =	sadd.s32 $0x10, s12;
	v19 =	vsel vm4, v13, v19;
	v20 =	vsel vm5, v13, v20;
	v21 =	vsel vm6, v13, v21;
	v23 =	vld [tilespmem:s9+$0x4280]  }
0x1ec: {  	v2 =	vsel vm0, v13, v2;
	v3 =	vsel vm2, v13, v3  }
0x1ed: {  	v28 =	vld [tilespmem:s9+$0x4300];
	v29 =	vsel vm3, v13, v4;
	s5 =	sadd.s32 s8, s1;
	v30 =	vsel vm1, v13, v1;
	vm0 =	vgt.f32 v5, v6  }
0x1ee: {  	v4 =	vld [tilespmem:s9+$0x4380];
	vm1 =	vgt.f32 v14, v7;
	v31 =	vor.u32 s5, v0;
	v27 =	vsel vm0, v5, v6  }
0x1ef: {  	v26 =	vsel vm1, v14, v7;
	v25 =	vsel vm0, v31, v8;
	vm0 =	vgt.f32 v9, v10  }
0x1f0: {  	vm2 =	vgt.f32 v22, v11;
	vm3 =	vgt.f32 v24, v12;
	v18 =	vsel vm0, v9, v10  }
.Ltmp12:
0x1f1: {  	v13 =	vsel vm2, v22, v11;
	v10 =	vsel vm1, v31, v19;
	v9 =	vsel vm0, v31, v20;
	(pc) =	sbr.rel @p0 .LBB2_22-.Ltmp12, $4  }
0x1f2: {  	v8 =	vsel vm2, v31, v21;
	v14 =	vsel vm3, v24, v12;
	vm4 =	vgt.f32 v23, v15  }
0x1f3: {  	v6 =	vsel vm3, v31, v2;
	vm5 =	vgt.f32 v28, v16;
	vm6 =	vgt.f32 v4, v17  }
0x1f4: {  	v7 =	vsel vm4, v23, v15;
	v5 =	vsel vm5, v28, v16;
	v1 =	vsel vm6, v4, v17  }
0x1f5: {  	v4 =	vsel vm4, v31, v3;
	v3 =	vsel vm5, v31, v29;
	v2 =	vsel vm6, v31, v30  }
.Ltmp13:
0x1f6: {  	(pc) =	sbr.rel .LBB2_16-.Ltmp13, $4  }
0x1f7: {  	s5 =	sadd.s32 s29, s15  }
0x1f8: {  	s26 =	sadd.s32 $0x1, s26;
	s5 =	sshrl.u32 s5, $0x3  }
0x1f9: {  	s0 =	sadd.s32 $0x1000, s0;
	s1 =	sadd.s32 $0x1000, s1;
	s5 =	sadd.s32 s3, s5  }
0x1fa: {  	[tilespmem:s23], [sflag:$0x2] =	stream.linear.gather [hbm4b:s5+s2], $0x4000, $0x38;
	[tilespmem:$0x8100] =	vst v63  }
.LBB2_22:
0x1fb: {  	(xrf0) =	vmax.scan.msk.f32 $0xffff, v27;
	_ =	sdelay $0x5  }
0x1fc: {  	v11, _, _ =	vpop (xrf0)  }
0x1fd: {  	v11 =	vbroadcast v11, $0xF;
	_ =	sdelay $0x1  }
0x1fe: {  	v12 =	vxor.u32 $0x80000000, v25;
	vm0 =	veq.f32 v27, v11  }
0x1ff: {  	v12 =	vnsel vm0, $0xBB9ACA00, v12  }
0x200: {  	(xrf0) =	vmin.scan.msk.u32 $0xffff, v12  }
0x201: {  	(xrf0) =	vmax.scan.msk.f32 $0xffff, v26;
	_ =	sdelay $0x4  }
0x202: {  	v12, _, _ =	vpop (xrf0)  }
0x203: {  	v15, _, _ =	vpop (xrf0)  }
0x204: {  	v15 =	vbroadcast v15, $0xF;
	_ =	sdelay $0x1  }
0x205: {  	v10 =	vxor.u32 $0x80000000, v10;
	vm0 =	veq.f32 v26, v15  }
0x206: {  	v10 =	vnsel vm0, $0xBB9ACA00, v10  }
0x207: {  	(xrf0) =	vmin.scan.msk.u32 $0xffff, v10  }
0x208: {  	(xrf0) =	vmax.scan.msk.f32 $0xffff, v18;
	_ =	sdelay $0x4  }
0x209: {  	v10, _, _ =	vpop (xrf0)  }
0x20a: {  	v16, _, _ =	vpop (xrf0)  }
0x20b: {  	v16 =	vbroadcast v16, $0xF;
	_ =	sdelay $0x1  }
0x20c: {  	v9 =	vxor.u32 $0x80000000, v9;
	vm0 =	veq.f32 v18, v16  }
0x20d: {  	v9 =	vnsel vm0, $0xBB9ACA00, v9  }
0x20e: {  	(xrf0) =	vmin.scan.msk.u32 $0xffff, v9  }
0x20f: {  	(xrf0) =	vmax.scan.msk.f32 $0xffff, v13;
	_ =	sdelay $0x4  }
0x210: {  	v9, _, _ =	vpop (xrf0)  }
0x211: {  	v17, _, _ =	vpop (xrf0)  }
0x212: {  	v17 =	vbroadcast v17, $0xF;
	_ =	sdelay $0x1  }
0x213: {  	v8 =	vxor.u32 $0x80000000, v8;
	vm0 =	veq.f32 v13, v17  }
0x214: {  	v8 =	vnsel vm0, $0xBB9ACA00, v8  }
0x215: {  	(xrf0) =	vmin.scan.msk.u32 $0xffff, v8  }
0x216: {  	(xrf0) =	vmax.scan.msk.f32 $0xffff, v14;
	_ =	sdelay $0x4  }
0x217: {  	v8, _, _ =	vpop (xrf0)  }
0x218: {  	v13, _, _ =	vpop (xrf0)  }
0x219: {  	v13 =	vbroadcast v13, $0xF;
	_ =	sdelay $0x1  }
0x21a: {  	v6 =	vxor.u32 $0x80000000, v6;
	vm0 =	veq.f32 v14, v13  }
0x21b: {  	v6 =	vnsel vm0, $0xBB9ACA00, v6  }
0x21c: {  	(xrf0) =	vmin.scan.msk.u32 $0xffff, v6  }
0x21d: {  	(xrf0) =	vmax.scan.msk.f32 $0xffff, v7;
	_ =	sdelay $0x1  }
0x21e: {  	v6 =	vld [tilespmem:$0x8010];
	_ =	sdelay $0x2  }
0x21f: {  	v14, _, _ =	vpop (xrf0)  }
0x220: {  	v18, _, _ =	vpop (xrf0)  }
0x221: {  	v6 =	vsel vm15, v11, v6;
	v18 =	vbroadcast v18, $0xF  }
0x222: {  	[tilespmem:$0x8010] =	vst v6  }
0x223: {  	v4 =	vxor.u32 $0x80000000, v4;
	v6 =	vld [tilespmem:$0x8010];
	vm0 =	veq.f32 v7, v18  }
0x224: {  	v4 =	vnsel vm0, $0xBB9ACA00, v4  }
0x225: {  	(xrf0) =	vmin.scan.msk.u32 $0xffff, v4  }
0x226: {  	(xrf0) =	vmax.scan.msk.f32 $0xffff, v5  }
0x227: {  	vm0 =	vcmask $0x704  }
0x228: {  	v4 =	vsel vm0, v15, v6;
	_ =	sdelay $0x2  }
0x229: {  	[tilespmem:$0x8010] =	vst v4;
	v4, _, _ =	vpop (xrf0)  }
0x22a: {  	v6 =	vld [tilespmem:$0x8010];
	v7, _, _ =	vpop (xrf0)  }
0x22b: {  	v7 =	vbroadcast v7, $0xF;
	_ =	sdelay $0x1  }
0x22c: {  	v3 =	vxor.u32 $0x80000000, v3;
	vm0 =	veq.f32 v5, v7  }
0x22d: {  	v3 =	vnsel vm0, $0xBB9ACA00, v3;
	vm0 =	vcmask $0xB08  }
0x22e: {  	v5 =	vsel vm0, v16, v6;
	(xrf0) =	vmin.scan.msk.u32 $0xffff, v3  }
0x22f: {  	[tilespmem:$0x8010] =	vst v5;
	(xrf0) =	vmax.scan.msk.f32 $0xffff, v1  }
0x230: {  	v3 =	vld [tilespmem:$0x8010];
	_ =	sdelay $0x3  }
0x231: {  	vm0 =	vcmask $0xF0C;
	v5, _, _ =	vpop (xrf0)  }
0x232: {  	v3 =	vsel vm0, v17, v3;
	v6, _, _ =	vpop (xrf0)  }
0x233: {  	[tilespmem:$0x8010] =	vst v3;
	v3 =	vbroadcast v6, $0xF  }
0x234: {  	v6 =	vld [tilespmem:$0x8010]  }
0x235: {  	(v2sf) =	vpush v12, $0xF;
	vm0 =	veq.f32 v1, v3;
	v1 =	vxor.u32 $0x80000000, v2  }
0x236: {  	v1 =	vnsel vm0, $0xBB9ACA00, v1  }
0x237: {  	(v2sf) =	vpush v10, $0xF;
	(xrf0) =	vmin.scan.msk.u32 $0xffff, v1  }
0x238: {  	(v2sf) =	vpush v9, $0xF;
	vm0 =	vcmask $0x1310  }
0x239: {  	(v2sf) =	vpush v8, $0xF;
	v1 =	vsel vm0, v13, v6  }
0x23a: {  	(v2sf) =	vpush v14, $0xF;
	[tilespmem:$0x8010] =	vst v1  }
0x23b: {  	(v2sf) =	vpush v4, $0xF;
	v1 =	vld [tilespmem:$0x8010]  }
0x23c: {  	(v2sf) =	vpush v5, $0xF  }
0x23d: {  	v2, _, _ =	vpop (xrf0)  }
0x23e: {  	(v2sf) =	vpush v2, $0xF  }
0x23f: {  	vm0 =	vcmask $0x1714  }
0x240: {  	v1 =	vsel vm0, v18, v1  }
0x241: {  	v2 =	vld [tilespmem:$0x8090];
	[tilespmem:$0x8010] =	vst v1  }
0x242: {  	v1 =	vld [tilespmem:$0x8010];
	_ =	sdelay $0x1  }
0x243: {  	s0 =	spop (v2sf)  }
0x244: {  	s0 =	sxor.u32 $0x80000000, s0;
	vm0 =	veq.s32 v0, $0x0  }
0x245: {  	vm1 =	vcmask $0x1B18;
	s1 =	spop (v2sf);
	v2 =	vsel vm0, s0, v2  }
0x246: {  	s1 =	sxor.u32 $0x80000000, s1;
	s26 =	spop (v2sf);
	vm0 =	veq.s32 v0, $0x1;
	[tilespmem:$0x8090] =	vst v2;
	v1 =	vsel vm1, v7, v1  }
0x247: {  	s5 =	spop (v2sf);
	s0 =	sxor.u32 $0x80000000, s26;
	v2 =	vsel vm0, s1, v2;
	vm0 =	veq.s32 v0, $0x2;
	[tilespmem:$0x8010] =	vst v1  }
0x248: {  	s5 =	sxor.u32 $0x80000000, s5;
	s29 =	spop (v2sf);
	[tilespmem:$0x8090] =	vst v2;
	v1 =	vsel vm0, s0, v2;
	vm0 =	veq.s32 v0, $0x3;
	v2 =	vld [tilespmem:$0x8010]  }
0x249: {  	s9 =	sxor.u32 $0x80000000, s29;
	s8 =	spop (v2sf);
	[tilespmem:$0x8090] =	vst v1;
	v1 =	vsel vm0, s5, v1;
	vm0 =	veq.s32 v0, $0x4  }
0x24a: {  	s13 =	sxor.u32 $0x80000000, s8;
	s12 =	spop (v2sf);
	[tilespmem:$0x8090] =	vst v1;
	v1 =	vsel vm0, s9, v1;
	vm0 =	veq.s32 v0, $0x5  }
0x24b: {  	s16 =	sxor.u32 $0x80000000, s12;
	[tilespmem:$0x8090] =	vst v1;
	v1 =	vsel vm0, s13, v1;
	vm0 =	veq.s32 v0, $0x6  }
0x24c: {  	v25 =	vimm.s32 $0x0;
	[tilespmem:$0x8090] =	vst v1;
	v1 =	vsel vm0, s16, v1;
	vm0 =	vcmask $0x1F1C;
	s26 =	spop (v2sf)  }
0x24d: {  	v27 =	vimm.f32 $-Inf;
	[tilespmem:$0x8090] =	vst v1;
	s0 =	sxor.u32 $0x80000000, s26;
	v2 =	vsel vm0, v3, v2;
	vm0 =	veq.s32 v0, $0x7  }
0x24e: {  	v26 =	vimm.f32 $-Inf;
	v10 =	vimm.s32 $0x0;
	[tilespmem:$0x8010] =	vst v2;
	v1 =	vsel vm0, s0, v1  }
0x24f: {  	s31 =	simm.s32 $0x0;
	v9 =	vimm.s32 $0x0;
	v8 =	vimm.s32 $0x0;
	v14 =	vimm.f32 $-Inf;
	s29 =	rddreg [dreg:$0x7];
	[tilespmem:$0x8090] =	vst v1  }
0x250: {  	v4 =	vimm.s32 $0x0;
	v5 =	vimm.f32 $-Inf;
	v6 =	vimm.s32 $0x0;
	[tilespmem:s31], [sflag:$0x1] =	stream.linear.gather [hbm4b:s29+s31], $0x4000, $0x38;
	[tilespmem:$0x8100] =	vst v63  }
0x251: {  	v13 =	vimm.f32 $-Inf;
	v18 =	vimm.f32 $-Inf;
	s1 =	simm.s32 $0x800;
	v7 =	vimm.f32 $-Inf;
	s26 =	simm.s32 $0x0;
	s0 =	simm.s32 $0x0  }
0x252: {  	v3 =	vimm.s32 $0x0;
	v2 =	vimm.s32 $0x0;
	v1 =	vimm.f32 $-Inf;
	[tilespmem:s23], [sflag:$0x2] =	stream.linear.gather [hbm4b:s19+s31], $0x4000, $0x38;
	[tilespmem:$0x8100] =	vst v63  }
.LBB2_23:
0x253: {  	_ =	swait.ge [sflag:s24], $0x4000  }
0x254: {  	s5 =	sand.u32 $0x70, s31;
	s8 =	sand.u32 $0x3C00, s31;
	[sflag:s24] =	ssyncset.done $0x0  }
0x255: {  	s8 =	sor.u32 s5, s8;
	[sflag:s24] =	ssyncadd.s32 $0xFFFFC000  }
0x256: {  	v11 =	vld [tilespmem:s8+$0x0]  }
0x257: {  	v17 =	vld [tilespmem:s8+$0x80]  }
0x258: {  	v21 =	vld [tilespmem:s8+$0x100]  }
0x259: {  	s16 =	sand.u32 $0x7, s31;
	v29 =	vld [tilespmem:s8+$0x200]  }
0x25a: {  	s5 =	sshll.u32 s16, $0x4;
	v22 =	vld [tilespmem:s8+$0x280]  }
0x25b: {  	s9 =	sadd.s32 $0x0, s5;
	v23 =	vld [tilespmem:s8+$0x300]  }
0x25c: {  	s5 =	simm.s32 $0x10;
	v28 =	vld [tilespmem:s8+$0x180];
	s9 =	sor.u32 $0x380, s9;
	s8 =	simm.s32 $0x80  }
0x25d: {  	s16 =	sadd.s32 $0x0, s0;
	s12 =	sand.u32 $0x70, s5;
	s13 =	sand.u32 $0x3C00, s8;
	v24 =	vld [tilespmem:s9+$0x0]  }
0x25e: {  	v20 =	vor.u32 s16, v0;
	s9 =	sor.u32 s12, s13;
	vm1 =	vgt.f32 v11, v27;
	vm0 =	vgt.f32 v17, v26  }
0x25f: {  	v15 =	vld [tilespmem:s9+$0x0];
	vm3 =	vgt.f32 v21, v18;
	vm2 =	vgt.f32 v29, v14;
	vm5 =	vgt.f32 v22, v7  }
0x260: {  	v19 =	vld [tilespmem:s9+$0x80];
	vm4 =	vgt.f32 v23, v5;
	v16 =	vsel vm1, v11, v27;
	v12 =	vsel vm1, v20, v25  }
0x261: {  	s29 =	simm.s32 $0x1;
	v11 =	vsel vm0, v17, v26;
	vm1 =	vgt.f32 v28, v13;
	v17 =	vld [tilespmem:s9+$0x100];
	v18 =	vsel vm3, v21, v18  }
0x262: {  	s13 =	sand.u32 $0x7, s29;
	s12 =	simm.s32 $0x20;
	v14 =	vsel vm2, v29, v14;
	v21 =	vld [tilespmem:s9+$0x180];
	vm6 =	vgt.f32 v24, v1;
	v13 =	vsel vm1, v28, v13  }
.LBB2_24:
0x263: {  	p0 =	sne.s32 s12, $0x7F0;
	s13 =	sshll.u32 s13, $0x4;
	v25 =	vld [tilespmem:s9+$0x200];
	v7 =	vsel vm5, v22, v7;
	v5 =	vsel vm4, v23, v5;
	v1 =	vsel vm6, v24, v1  }
0x264: {  	v10 =	vsel vm0, v20, v10;
	v9 =	vsel vm3, v20, v9;
	v2 =	vsel vm6, v20, v2;
	s13 =	sadd.s32 s13, s8;
	v22 =	vld [tilespmem:s9+$0x280]  }
0x265: {  	v8 =	vsel vm1, v20, v8;
	v6 =	vsel vm2, v20, v6;
	v4 =	vsel vm5, v20, v4;
	s8 =	sadd.s32 $0x80, s8;
	v23 =	vld [tilespmem:s9+$0x300];
	s9 =	sor.u32 $0x380, s13  }
0x266: {  	s5 =	sadd.s32 s5, s0;
	v3 =	vsel vm4, v20, v3;
	s13 =	sand.u32 $0x70, s12;
	s16 =	sand.u32 $0x3C00, s8;
	v24 =	vld [tilespmem:s9+$0x0]  }
.Ltmp14:
0x267: {  	v20 =	vor.u32 s5, v0;
	vm1 =	vgt.f32 v15, v16;
	s5 =	smov.u32 s12;
	vm0 =	vgt.f32 v19, v11;
	s9 =	sor.u32 s13, s16;
	(pc) =	sbr.rel @p0 .LBB2_24-.Ltmp14, $4  }
0x268: {  	v16 =	vsel vm1, v15, v16;
	v12 =	vsel vm1, v20, v12;
	v11 =	vsel vm0, v19, v11;
	v15 =	vld [tilespmem:s9+$0x0]  }
0x269: {  	vm3 =	vgt.f32 v17, v18;
	vm1 =	vgt.f32 v21, v13;
	vm2 =	vgt.f32 v25, v14;
	v19 =	vld [tilespmem:s9+$0x80]  }
0x26a: {  	s29 =	sadd.s32 $0x1, s29;
	v18 =	vsel vm3, v17, v18;
	v13 =	vsel vm1, v21, v13;
	v14 =	vsel vm2, v25, v14;
	v17 =	vld [tilespmem:s9+$0x100]  }
0x26b: {  	s12 =	sadd.s32 $0x10, s12;
	s13 =	sand.u32 $0x7, s29;
	vm5 =	vgt.f32 v22, v7;
	vm4 =	vgt.f32 v23, v5;
	v21 =	vld [tilespmem:s9+$0x180];
	vm6 =	vgt.f32 v24, v1  }
0x26c: {  	s12 =	sshll.u32 s13, $0x4;
	v25 =	vld [tilespmem:s9+$0x200];
	s29 =	sshll.u32 s26, $0xF;
	p0 =	seq.s32 s26, $0xA  }
0x26d: {  	v26 =	vld [tilespmem:s9+$0x280];
	s8 =	sadd.s32 s12, s8;
	s12 =	sadd.s32 @!p0 s29, s17  }
0x26e: {  	v27 =	vld [tilespmem:s9+$0x300];
	s8 =	sor.u32 $0x380, s8;
	s9 =	sshrl.u32 @!p0 s12, $0x3  }
0x26f: {  	v28 =	vld [tilespmem:s8+$0x0];
	s8 =	sadd.s32 @!p0 s3, s9;
	s9 =	simm.s32 @!p0 $0x0  }
0x270: {  	[tilespmem:s9], [sflag:$0x1] =	stream.linear.gather @!p0 [hbm4b:s8+s9], $0x4000, $0x38;
	[tilespmem:$0x8100] =	vst v63  }
0x271: {  	v7 =	vsel vm5, v22, v7;
	v5 =	vsel vm4, v23, v5;
	s13 =	simm.s32 $0x0;
	_ =	swait.ge [sflag:s25], $0x4000  }
0x272: {  	v1 =	vsel vm6, v24, v1;
	v10 =	vsel vm0, v20, v10;
	v9 =	vsel vm3, v20, v9;
	s16 =	sand.u32 $0x70, s13;
	s8 =	sand.u32 $0x3C00, s13;
	[sflag:s25] =	ssyncset.done $0x0  }
0x273: {  	v2 =	vsel vm6, v20, v2;
	v8 =	vsel vm1, v20, v8;
	s5 =	sadd.s32 s5, s0;
	vm0 =	vgt.f32 v15, v16;
	s9 =	sor.u32 s16, s8;
	[sflag:s25] =	ssyncadd.s32 $0xFFFFC000  }
0x274: {  	v22 =	vor.u32 s5, v0;
	vm1 =	vgt.f32 v19, v11;
	v15 =	vsel vm0, v15, v16;
	v16 =	vld [tilespmem:s9+$0x4000]  }
0x275: {  	v12 =	vsel vm0, v22, v12;
	v11 =	vsel vm1, v19, v11;
	vm0 =	vgt.f32 v17, v18;
	v19 =	vld [tilespmem:s9+$0x4080]  }
0x276: {  	v6 =	vsel vm2, v20, v6;
	v4 =	vsel vm5, v20, v4;
	v17 =	vsel vm0, v17, v18;
	v18 =	vld [tilespmem:s9+$0x4100]  }
0x277: {  	v20 =	vsel vm4, v20, v3;
	v29 =	vsel vm1, v22, v10;
	vm2 =	vgt.f32 v21, v13;
	v24 =	vld [tilespmem:s9+$0x4180]  }
0x278: {  	v31 =	vsel vm0, v22, v9;
	vm3 =	vgt.f32 v25, v14;
	v21 =	vsel vm2, v21, v13;
	v30 =	vld [tilespmem:s9+$0x4280]  }
0x279: {  	vm4 =	vgt.f32 v26, v7;
	vm5 =	vgt.f32 v27, v5;
	v32 =	vsel vm2, v22, v8;
	v33 =	vld [tilespmem:s9+$0x4300]  }
0x27a: {  	v23 =	vsel vm3, v25, v14;
	v3 =	vsel vm4, v22, v4;
	v4 =	vsel vm5, v22, v20;
	v20 =	vld [tilespmem:s9+$0x4380]  }
0x27b: {  	s5 =	simm.s32 $0x80;
	s8 =	simm.s32 $0x10;
	s16 =	sadd.s32 $0x0, s1;
	v25 =	vsel vm4, v26, v7;
	v27 =	vsel vm5, v27, v5;
	vm6 =	vgt.f32 v28, v1;
	v26 =	vld [tilespmem:s9+$0x4200]  }
0x27c: {  	s13 =	sand.u32 $0x3C00, s5;
	s12 =	sand.u32 $0x70, s8;
	v13 =	vor.u32 s16, v0;
	v28 =	vsel vm6, v28, v1;
	v1 =	vsel vm6, v22, v2  }
0x27d: {  	s9 =	sor.u32 s12, s13;
	v2 =	vsel vm3, v22, v6;
	vm0 =	vgt.f32 v16, v15;
	vm4 =	vgt.f32 v19, v11  }
0x27e: {  	v5 =	vld [tilespmem:s9+$0x4000];
	vm5 =	vgt.f32 v18, v17;
	vm6 =	vgt.f32 v24, v21;
	vm2 =	vgt.f32 v30, v25  }
0x27f: {  	v14 =	vld [tilespmem:s9+$0x4080];
	vm3 =	vgt.f32 v33, v27;
	vm1 =	vgt.f32 v20, v28;
	v6 =	vsel vm0, v16, v15  }
0x280: {  	v9 =	vld [tilespmem:s9+$0x4100];
	v8 =	vsel vm0, v13, v12;
	v7 =	vsel vm4, v19, v11;
	vm0 =	vgt.f32 v26, v23  }
0x281: {  	v22 =	vld [tilespmem:s9+$0x4180];
	v10 =	vsel vm5, v18, v17;
	v11 =	vsel vm6, v24, v21;
	v15 =	vsel vm2, v30, v25  }
0x282: {  	v24 =	vld [tilespmem:s9+$0x4200];
	v16 =	vsel vm3, v33, v27;
	v17 =	vsel vm1, v20, v28;
	v19 =	vsel vm4, v13, v29  }
0x283: {  	s12 =	simm.s32 $0x20;
	v20 =	vsel vm5, v13, v31;
	v21 =	vsel vm6, v13, v32;
	v12 =	vsel vm0, v26, v23;
	v23 =	vld [tilespmem:s9+$0x4280]  }
.LBB2_26:
0x284: {  	p1 =	sne.s32 s12, $0x7F0;
	v18 =	vld [tilespmem:s9+$0x4300];
	s5 =	sadd.s32 $0x80, s5;
	v2 =	vsel vm0, v13, v2;
	v3 =	vsel vm2, v13, v3;
	v4 =	vsel vm3, v13, v4  }
0x285: {  	s13 =	sand.u32 $0x70, s12;
	s8 =	sadd.s32 s8, s1;
	v1 =	vsel vm1, v13, v1;
	s16 =	sand.u32 $0x3C00, s5;
	v25 =	vld [tilespmem:s9+$0x4380]  }
0x286: {  	vm0 =	vgt.f32 v5, v6;
	vm4 =	vgt.f32 v14, v7;
	v13 =	vor.u32 s8, v0;
	s8 =	smov.u32 s12;
	s9 =	sor.u32 s13, s16  }
0x287: {  	v6 =	vsel vm0, v5, v6;
	v7 =	vsel vm4, v14, v7;
	v8 =	vsel vm0, v13, v8;
	v5 =	vld [tilespmem:s9+$0x4000]  }
.Ltmp15:
0x288: {  	vm5 =	vgt.f32 v9, v10;
	vm6 =	vgt.f32 v22, v11;
	vm0 =	vgt.f32 v24, v12;
	v14 =	vld [tilespmem:s9+$0x4080];
	(pc) =	sbr.rel @p1 .LBB2_26-.Ltmp15, $4  }
0x289: {  	v10 =	vsel vm5, v9, v10;
	v11 =	vsel vm6, v22, v11;
	v12 =	vsel vm0, v24, v12;
	v9 =	vld [tilespmem:s9+$0x4100]  }
0x28a: {  	vm2 =	vgt.f32 v23, v15;
	vm3 =	vgt.f32 v18, v16;
	v22 =	vld [tilespmem:s9+$0x4180];
	vm1 =	vgt.f32 v25, v17  }
0x28b: {  	v15 =	vsel vm2, v23, v15;
	v16 =	vsel vm3, v18, v16;
	v24 =	vld [tilespmem:s9+$0x4200];
	v17 =	vsel vm1, v25, v17  }
0x28c: {  	s12 =	sadd.s32 $0x10, s12;
	v19 =	vsel vm4, v13, v19;
	v20 =	vsel vm5, v13, v20;
	v21 =	vsel vm6, v13, v21;
	v23 =	vld [tilespmem:s9+$0x4280]  }
0x28d: {  	v2 =	vsel vm0, v13, v2;
	v3 =	vsel vm2, v13, v3  }
0x28e: {  	v28 =	vld [tilespmem:s9+$0x4300];
	v29 =	vsel vm3, v13, v4;
	s5 =	sadd.s32 s8, s1;
	v30 =	vsel vm1, v13, v1;
	vm0 =	vgt.f32 v5, v6  }
0x28f: {  	v4 =	vld [tilespmem:s9+$0x4380];
	vm1 =	vgt.f32 v14, v7;
	v31 =	vor.u32 s5, v0;
	v27 =	vsel vm0, v5, v6  }
0x290: {  	v26 =	vsel vm1, v14, v7;
	v25 =	vsel vm0, v31, v8;
	vm0 =	vgt.f32 v9, v10  }
0x291: {  	vm2 =	vgt.f32 v22, v11;
	vm3 =	vgt.f32 v24, v12;
	v18 =	vsel vm0, v9, v10  }
.Ltmp16:
0x292: {  	v13 =	vsel vm2, v22, v11;
	v10 =	vsel vm1, v31, v19;
	v9 =	vsel vm0, v31, v20;
	(pc) =	sbr.rel @p0 .LBB2_29-.Ltmp16, $4  }
0x293: {  	v8 =	vsel vm2, v31, v21;
	v14 =	vsel vm3, v24, v12;
	vm4 =	vgt.f32 v23, v15  }
0x294: {  	v6 =	vsel vm3, v31, v2;
	vm5 =	vgt.f32 v28, v16;
	vm6 =	vgt.f32 v4, v17  }
0x295: {  	v7 =	vsel vm4, v23, v15;
	v5 =	vsel vm5, v28, v16;
	v1 =	vsel vm6, v4, v17  }
0x296: {  	v4 =	vsel vm4, v31, v3;
	v3 =	vsel vm5, v31, v29;
	v2 =	vsel vm6, v31, v30  }
.Ltmp17:
0x297: {  	(pc) =	sbr.rel .LBB2_23-.Ltmp17, $4  }
0x298: {  	s5 =	sadd.s32 s29, s18  }
0x299: {  	s26 =	sadd.s32 $0x1, s26;
	s5 =	sshrl.u32 s5, $0x3  }
0x29a: {  	s0 =	sadd.s32 $0x1000, s0;
	s1 =	sadd.s32 $0x1000, s1;
	s5 =	sadd.s32 s3, s5  }
0x29b: {  	[tilespmem:s23], [sflag:$0x2] =	stream.linear.gather [hbm4b:s5+s2], $0x4000, $0x38;
	[tilespmem:$0x8100] =	vst v63  }
.LBB2_30:
0x29c: {  	_ =	sfence.sel $0x180000  }
0x29d: {  	[bflag:$0x0] =	sbarrier.arrive $0xFFFF  }
0x29e: {  	_ =	strace $0x90000047  }
0x29f: {  	s0 =	stileid.u32;
	[bflag:$0x2] =	sbarrier.arrive $0xFFFF  }
0x2a0: {  	p0 =	sne.s32 s0, $0x0;
	s0 =	rddreg [dreg:$0x1]  }
0x2a1: {  	s0 =	sadd.s32 @!p0 $0x100000, s0  }
0x2a2: {  	[sflag:s0] =	ssyncadd.tile.s32 @!p0 $0x1;
	_ =	shalt  }
.Lfunc_end2:
_tile_overlayer_lowered:
.L_overlay_start_2:
0x2a3: {  	(tag) =	ssettag $0x2  }
0x2a4: {  	s0 =	rddreg [dreg:$0x0];
	s2 =	stileid.u32  }
0x2a5: {  	s1 =	rddreg [dreg:$0x1];
	p0 =	sne.s32 s2, $0x0  }
0x2a6: {  	s3 =	rddreg [dreg:$0x2];
	[bflag:$0x3] =	sbarrier.arrive $0xFFFF;
	s2 =	simm.s32 @!p0 $0x1C03  }
0x2a7: {  	[timem:s3], [sflag:s2] =	dma.local @!p0 [hbm:s0], s1  }
0x2a8: {  	s0 =	simm.s32 @!p0 $0x3  }
0x2a9: {  	_ =	swait.ge @!p0 [sflag:s0], s1  }
0x2aa: {  	s1 =	ssub.s32 @!p0 $0x0, s1;
	[sflag:s0] =	ssyncset.done @!p0 $0x0  }
0x2ab: {  	[sflag:s0] =	ssyncadd.s32 @!p0 s1  }
0x2ac: {  	[bflag:$0x3] =	sbarrier.arrive $0xFFFF  }
0x2ad: {  	_ =	shalt  }

// kernel: kernel.8.cloned.1.call-start
scs
__scs_entry_jumppad:
0x0: {  	(pc) =	sbr.rel $0x88, $3  }
0x1: {  	(tag) =	ssettag $0x0;
	lr =	simm.s32 $0x1  }
0x2: {  	[smem:$0x3F9F] =	sst lr;
	_ =	strace $0xD0000000  }
0x3: {  	_ = 	snop  }
0x4: {  	_ = 	snop  }
0x5: {  	_ = 	snop  }
0x6: {  	_ = 	snop  }
0x7: {  	_ = 	snop  }
__scs_overlays_trampoline_lowered:
0x8: {  	[smem:$0x3FAE] =	sst s0  }
0x9: {  	[smem:$0x3FAF] =	sst s1  }
0xa: {  	[smem:$0x3FB0] =	sst s2  }
0xb: {  	[smem:$0x3FB1] =	sst s3  }
0xc: {  	[smem:$0x3FB2] =	sst s4  }
0xd: {  	[smem:$0x3FB3] =	sst s5  }
0xe: {  	[smem:$0x3FB4] =	sst s6  }
0xf: {  	[smem:$0x3FB5] =	sst s7  }
0x10: {  	[smem:$0x3FB6] =	sst s8  }
0x11: {  	[smem:$0x3FB7] =	sst s9;
	s0 =	simm.s32 @!p0 $0x0  }
0x12: {  	s1 =	sld [smem:$0x3F9D];
	s0 =	simm.s32 @p0 $0x1  }
0x13: {  	[smem:$0x3FB8] =	sst s0;
	s0 =	simm.s32 @!p1 $0x0  }
0x14: {  	s2 =	sld [smem:$0x3F9C];
	s0 =	simm.s32 @p1 $0x1  }
0x15: {  	[smem:$0x3FB9] =	sst s0;
	s0 =	simm.s32 @!p2 $0x0  }
0x16: {  	s3 =	sld [smem:$0x3FDB];
	s0 =	simm.s32 @p2 $0x1  }
0x17: {  	s4 =	simm.s32 $0x1BF5;
	[smem:$0x3FBB] =	sst s0  }
0x18: {  	s0 =	sld [smem:$0x3F9E];
	_ =	swait.ge [sflag:s4], $0x0  }
0x19: {  	s7 =	sld [smem:$0x3F9F]  }
0x1a: {  	s8 =	sadd.s32 $0xFFFFE003, lr  }
0x1b: {  	s9 =	sadd.s32 $0xFFFFFEF7, lr;
	s5 =	simm.s32 $0xFFFFFFFF;
	p2 =	slt.u32 s8, $0xFFFFF086  }
0x1c: {  	p1 =	slt.u32 s9, $0xF7A;
	s5 =	simm.s32 @!p2 $0x0  }
0x1d: {  	s5 =	simm.s32 @p1 $0x1;
	p0 =	seq.s32 s7, s2  }
0x1e: {  	s7 =	smul.u32 @!p0 $0xF7A, s2;
	p2 =	seq.s32 @!p0 s5, $0x0  }
0x1f: {  	s9 =	smul.u32 $0xF7A, s1;
	s8 =	simm.s32 @!p0 $0x1BF5;
	p2 =	por !p2, p0  }
0x20: {  	[sflag:s8] =	ssyncset.s32 @!p0 $0xFFFFF086;
	s6 =	sadd.s32 @!p0 s3, s7;
	s7 =	simm.s32 @!p0 $0x108  }
0x21: {  	s3 =	sadd.s32 s3, s9;
	s6 =	sadd.s32 @!p0 $0x88, s6;
	s7 =	simm.s32 @p2 $0x1082  }
0x22: {  	[simem:s7], [sflag:s8] =	dma.local @!p0 [hbm:s6], $0xF7A  }
0x23: {  	s9 =	sor.u32 $0xD0000000, s2;
	s6 =	simm.s32 $0x108;
	_ =	swait.ge @!p0 [sflag:s8], $0x0  }
0x24: {  	s3 =	sadd.s32 $0x88, s3;
	s6 =	simm.s32 @!p1 $0x1082;
	[sflag:s4] =	ssyncset.s32 $0xFFFFF086  }
0x25: {  	[simem:s6], [sflag:s4] =	dma.local [hbm:s3], $0xF7A  }
0x26: {  	[smem:$0x3F9F] =	sst s1;
	(tag) =	ssettag s2;
	_ =	strace s9  }
0x27: {  	s1 =	sld [smem:$0x3FAF]  }
0x28: {  	s2 =	sld [smem:$0x3FB0]  }
0x29: {  	s4 =	sld [smem:$0x3FB2]  }
0x2a: {  	p0 =	seq.s32 s5, $0x0;
	s5 =	sld [smem:$0x3FB3]  }
0x2b: {  	s6 =	sld [smem:$0x3FB4]  }
0x2c: {  	s7 =	sld [smem:$0x3FB5]  }
0x2d: {  	s3 =	simm.s32 $0x108;
	s8 =	sld [smem:$0x3FB6]  }
0x2e: {  	s3 =	simm.s32 @!p0 $0x1082;
	s9 =	sld [smem:$0x3FB7]  }
0x2f: {  	lr =	sadd.s32 s0, s3;
	s0 =	sld [smem:$0x3FAE]  }
0x30: {  	s3 =	sld [smem:$0x3FB1]  }
0x31: {  	[smem:$0x3FBA] =	sst s10  }
0x32: {  	s10 =	sld [smem:$0x3FB8];
	_ =	sdelay $0x3  }
0x33: {  	p0 =	seq.s32 s10, $0x1;
	s10 =	sld [smem:$0x3FBA];
	_ =	sdelay $0x3  }
0x34: {  	[smem:$0x3FBA] =	sst s10  }
0x35: {  	s10 =	sld [smem:$0x3FB9];
	_ =	sdelay $0x3  }
0x36: {  	p1 =	seq.s32 s10, $0x1;
	s10 =	sld [smem:$0x3FBA];
	_ =	sdelay $0x3  }
0x37: {  	[smem:$0x3FBA] =	sst s10  }
0x38: {  	s10 =	sld [smem:$0x3FBB]  }
0x39: {  	_ = 	snop;
	(pc) =	sbr.ind lr, $3  }
0x3a: {  	_ = 	snop  }
0x3b: {  	_ = 	snop  }
0x3c: {  	p2 =	seq.s32 s10, $0x1;
	s10 =	sld [smem:$0x3FBA]  }
0x3d: {  	_ =	shalt  }
0x3e: {  	_ =	shalt  }
0x3f: {  	_ =	shalt  }
0x40: {  	_ =	shalt  }
0x41: {  	_ =	shalt  }
0x42: {  	_ =	shalt  }
0x43: {  	_ =	shalt  }
0x44: {  	_ =	shalt  }
0x45: {  	_ =	shalt  }
0x46: {  	_ =	shalt  }
0x47: {  	_ =	shalt  }
0x48: {  	_ =	shalt  }
0x49: {  	_ =	shalt  }
0x4a: {  	_ =	shalt  }
0x4b: {  	_ =	shalt  }
0x4c: {  	_ =	shalt  }
0x4d: {  	_ =	shalt  }
0x4e: {  	_ =	shalt  }
0x4f: {  	_ =	shalt  }
0x50: {  	_ =	shalt  }
0x51: {  	_ =	shalt  }
0x52: {  	_ =	shalt  }
0x53: {  	_ =	shalt  }
0x54: {  	_ =	shalt  }
0x55: {  	_ =	shalt  }
0x56: {  	_ =	shalt  }
0x57: {  	_ =	shalt  }
0x58: {  	_ =	shalt  }
0x59: {  	_ =	shalt  }
0x5a: {  	_ =	shalt  }
0x5b: {  	_ =	shalt  }
0x5c: {  	_ =	shalt  }
0x5d: {  	_ =	shalt  }
0x5e: {  	_ =	shalt  }
0x5f: {  	_ =	shalt  }
0x60: {  	_ =	shalt  }
0x61: {  	_ =	shalt  }
0x62: {  	_ =	shalt  }
0x63: {  	_ =	shalt  }
0x64: {  	_ =	shalt  }
0x65: {  	_ =	shalt  }
0x66: {  	_ =	shalt  }
0x67: {  	_ =	shalt  }
0x68: {  	_ =	shalt  }
0x69: {  	_ =	shalt  }
0x6a: {  	_ =	shalt  }
0x6b: {  	_ =	shalt  }
0x6c: {  	_ =	shalt  }
0x6d: {  	_ =	shalt  }
0x6e: {  	_ =	shalt  }
0x6f: {  	_ =	shalt  }
0x70: {  	_ =	shalt  }
0x71: {  	_ =	shalt  }
0x72: {  	_ =	shalt  }
0x73: {  	_ =	shalt  }
0x74: {  	_ =	shalt  }
0x75: {  	_ =	shalt  }
0x76: {  	_ =	shalt  }
0x77: {  	_ =	shalt  }
0x78: {  	_ =	shalt  }
0x79: {  	_ =	shalt  }
0x7a: {  	_ =	shalt  }
0x7b: {  	_ =	shalt  }
0x7c: {  	_ =	shalt  }
0x7d: {  	_ =	shalt  }
0x7e: {  	_ =	shalt  }
0x7f: {  	_ =	shalt  }
0x80: {  	_ =	shalt  }
0x81: {  	_ =	shalt  }
0x82: {  	_ =	shalt  }
0x83: {  	_ =	shalt  }
0x84: {  	_ =	shalt  }
0x85: {  	_ =	shalt  }
0x86: {  	_ =	shalt  }
0x87: {  	_ =	shalt  }
.Lfunc_end0:
.L_simem_size_0:
called_computation.1_lowered:
.L_overlay_start_0:
0x88: {  	s2 =	sld [smem:$0x3FD9]  }
0x89: {  	s3 =	sld [smem:$0x3FFE];
	_ =	sdelay $0x1  }
0x8a: {  	s1 =	srdreg.scid  }
0x8b: {  	s0 =	sand.u32 $0x1, s1  }
0x8c: {  	s17 =	sshll.u32 s0, $0xA;
	s2 =	sadd.s32 s3, s2  }
0x8d: {  	s2 =	sadd.s32 s2, s17  }
0x8e: {  	[smem:$0x3FC6] =	sst s2  }
0x8f: {  	_ = 	snop  }
0x90: {  	s2 =	sld [smem:$0x3FD0];
	(tm) =	ssettm $0x1  }
0x91: {  	s18 =	sld [smem:$0x3FFB];
	_ =	sdelay $0x3  }
0x92: {  	_ =	strace s18  }
0x93: {  	s3 =	sld [smem:$0x3FFC];
	_ =	sdelay $0x3  }
0x94: {  	_ =	strace s3  }
0x95: {  	s3 =	sld [smem:$0x3FFD];
	_ =	sdelay $0x3  }
0x96: {  	_ =	strace s3  }
0x97: {  	_ =	strace $0x8FFFFFFF  }
0x98: {  	s19 =	sld [smem:$0x3FDB];
	_ =	sdelay $0x1  }
0x99: {  	s4 =	simm.s32 $_scs_section_size  }
0x9a: {  	s5 =	simm.s32 $_size__tile_overlayer_lowered;
	s6 =	simm.s32 $_tile_overlayer_lowered  }
0x9b: {  	s22 =	simm.s32 $0x1BFF;
	s21 =	sshll.u32 s6, $0x1;
	s3 =	sadd.s32 s4, s19  }
0x9c: {  	s7 =	simm.s32 $0x0;
	s20 =	sshll.u32 s5, $0x1;
	s5 =	sadd.s32 s21, s3  }
0x9d: {  	[timem:s7], [sflag:s22] =	dma.local [hbm:s5], s20  }
0x9e: {  	_ =	swait.ge [sflag:s22], s20  }
0x9f: {  	s4 =	ssub.s32 $0x0, s20;
	[sflag:s22] =	ssyncset.done $0x0  }
0xa0: {  	[sflag:s22] =	ssyncadd.s32 s4;
	_ =	sdelay $0x1  }
0xa1: {  	s23 =	simm.s32 $0x1B8B  }
0xa2: {  	_ =	swait.ge [sflag:s23], $0x1  }
0xa3: {  	[sflag:s23] =	ssyncset.done $0x0  }
0xa4: {  	s25 =	simm.s32 $0x1B8E;
	s24 =	sld [smem:$0x3FFE];
	[sflag:s23] =	ssyncadd.s32 $0xFFFFFFFF  }
0xa5: {  	s26 =	simm.s32 $execute0_lowered;
	[smem:$0x3FD2] =	sst s25  }
0xa6: {  	s5 =	sshll.u32 s26, $0x1;
	_ =	strace $0x80000049;
	[dreg:$0x1] =	wrdreg $0xFFFFFFFF  }
0xa7: {  	s28 =	simm.s32 $_size_execute0_lowered;
	s3 =	sadd.s32 s3, s5;
	[dreg:$0x0] =	wrdreg $0x0  }
0xa8: {  	s5 =	sshll.u32 s28, $0x1;
	[dreg:$0x2] =	wrdreg s3  }
0xa9: {  	[dreg:$0x3] =	wrdreg s5  }
0xaa: {  	[dreg:$0x4] =	wrdreg $0xC0  }
0xab: {  	_ =	task [dreg:s7], $0x5FFFF  }
0xac: {  	[dreg:$0x1] =	wrdreg $0xFFFFFFFF  }
0xad: {  	[dreg:$0x0] =	wrdreg $0x60  }
0xae: {  	[dreg:$0x2] =	wrdreg s24  }
0xaf: {  	[dreg:$0x3] =	wrdreg s2  }
0xb0: {  	[dreg:$0x4] =	wrdreg $0x9  }
0xb1: {  	_ =	task.clear_ibuf [dreg:s7], $0x5FFFF;
	_ =	strace $0x90000049  }
0xb2: {  	s29 =	simm.s32 $0x9;
	_ =	strace $0x8000004B  }
0xb3: {  	_ =	swait.ge [sflag:s29], $0x1  }
0xb4: {  	[sflag:s29] =	ssyncadd.s32 $0xFFFFFFFF  }
0xb5: {  	_ =	strace $0x9000004B  }
0xb6: {  	_ =	sfence  }
0xb7: {  	s30 =	sld [smem:$0x0];
	_ =	sdelay $0x2  }
0xb8: {  	s31 =	sshll.u32 s1, $0xD;
	s1 =	sshrl.u32 s1, $0x2  }
0xb9: {  	s3 =	sand.u32 $0x4000, s31;
	s1 =	sadd.s32 s1, s30  }
0xba: {  	s0 =	sor.u32 s3, s0;
	s1 =	sshll.u32 s1, $0x11  }
0xbb: {  	s0 =	sor.u32 s1, s0  }
0xbc: {  	s0 =	sadd.s32 $0x8F2B, s0  }
0xbd: {  	[sflag:s0] =	ssyncadd.remote.s32 $0x1  }
0xbe: {  	_ =	sfence.sel $0xFFFF  }
0xbf: {  	[dreg:$0x0] =	wrdreg $0xFFFFFFFF;
	(pc) =	sbr.abs _section_cstart, $3  }
0xc0: {  	[dreg:$0x1] =	wrdreg $0xFFFFFFFF  }
0xc1: {  	_ =	task.clear_ibuf [dreg:s7], $0x2FFFF;
	_ =	strace $0x9FFFFFFF  }
0xc2: {  	(tm) =	ssettm $0x7FFFFFFF  }
0xc3: {  	_ =	shalt  }
tec
execute0_lowered:
.L_overlay_start_1:
0x0: {  	(tag) =	ssettag $0x1  }
0x1: {  	s1 =	srdreg.scid  }
0x2: {  	s0 =	stileid.u32;
	s11 =	sand.u32 $0x1, s1  }
0x3: {  	s12 =	rddreg [dreg:$0x0];
	s30 =	sshll.u32 s0, $0x6;
	s2 =	sshll.u32 s11, $0x5  }
0x4: {  	s14 =	rddreg [dreg:$0x1];
	s15 =	sor.u32 s2, s30  }
0x5: {  	s1 =	rddreg [dreg:$0x2];
	s2 =	simm.s32 $0x0;
	s3 =	sshrl.u32 s15, $0x3  }
0x6: {  	[smem:$0x7FF] =	sst s2;
	s9 =	sadd.s32 s3, s12  }
0x7: {  	_ =	strace $0x8000004A;
	s3 =	simm.s32 $0x2;
	s4 =	sadd.s32 $0xC38E00, s9  }
0x8: {  	[tilespmem:s2], [sflag:$0x2] =	stream.linear.gather [hbm4b:s4+s2], $0x20, $0x38;
	[tilespmem:$0x8A0] =	vst v63  }
0x9: {  	_ =	swait.ge [sflag:s3], $0x20  }
0xa: {  	[sflag:s3] =	ssyncset.done $0x0  }
0xb: {  	s6 =	simm.s32 $0x20;
	s5 =	sadd.s32 $0xC38C00, s9;
	[sflag:s3] =	ssyncadd.s32 $0xFFFFFFE0  }
0xc: {  	[tilespmem:s6], [sflag:$0x2] =	stream.linear.gather [hbm4b:s5+s2], $0x20, $0x38;
	[tilespmem:$0x8A0] =	vst v63  }
0xd: {  	_ =	swait.ge [sflag:s3], $0x20  }
0xe: {  	[sflag:s3] =	ssyncset.done $0x0  }
0xf: {  	s8 =	simm.s32 $0x40;
	s7 =	sadd.s32 $0xC38800, s9;
	[sflag:s3] =	ssyncadd.s32 $0xFFFFFFE0  }
0x10: {  	[tilespmem:s8], [sflag:$0x2] =	stream.linear.gather [hbm4b:s7+s2], $0x20, $0x38;
	[tilespmem:$0x8A0] =	vst v63  }
0x11: {  	_ =	swait.ge [sflag:s3], $0x20  }
0x12: {  	[sflag:s3] =	ssyncset.done $0x0  }
0x13: {  	s10 =	simm.s32 $0x60;
	s9 =	sadd.s32 $0xC38A00, s9;
	[sflag:s3] =	ssyncadd.s32 $0xFFFFFFE0  }
0x14: {  	[tilespmem:s10], [sflag:$0x2] =	stream.linear.gather [hbm4b:s9+s2], $0x20, $0x38;
	[tilespmem:$0x8A0] =	vst v63  }
0x15: {  	_ =	swait.ge [sflag:s3], $0x20  }
0x16: {  	[sflag:s3] =	ssyncset.done $0x0  }
0x17: {  	[sflag:s3] =	ssyncadd.s32 $0xFFFFFFE0  }
0x18: {  	v0 =	vld [tilespmem:$0x60]  }
0x19: {  	v1 =	vld [tilespmem:$0x70]  }
0x1a: {  	v2 =	vld [tilespmem:$0x30]  }
0x1b: {  	v3 =	vld [tilespmem:$0x50]  }
0x1c: {  	v4 =	vld [tilespmem:$0x0]  }
0x1d: {  	s13 =	ssub.s32 $0x2, s11;
	v5 =	vld [tilespmem:$0x10]  }
0x1e: {  	s16 =	sshrl.u32 s13, $0x1;
	v6 =	vld [tilespmem:$0x40]  }
0x1f: {  	s31 =	ssub.s32 s13, s16;
	v7 =	vld [tilespmem:$0x20]  }
0x20: {  	s16 =	smax.u32 s31, $0x1  }
0x21: {  	p0 =	sne.s32 s16, $0x1  }
.Ltmp0:
0x22: {  	vm0 =	vgt.f32 v5, v3;
	(pc) =	sbr.rel @!p0 .LBB2_2-.Ltmp0, $4  }
0x23: {  	s11 =	sadd.s32 $0xDC7600, s12;
	vm1 =	vgt.f32 v4, v6;
	v1 =	vsel vm0, v2, v1  }
0x24: {  	s13 =	simm.s32 $0x80;
	s15 =	sshll.u32 s15, $0x3;
	s12 =	simm.s32 $0xA0;
	v0 =	vsel vm1, v7, v0;
	[tilespmem:$0x90] =	vst v1  }
0x25: {  	s14 =	sadd.s32 s14, s15;
	s15 =	simm.s32 $0x1;
	s16 =	sadd.s32 $0xFFFFFFFF, s16;
	[tilespmem:$0x80] =	vst v0  }
0x26: {  	[tilespmem:s12], [sflag:$0x1] =	stream.indirect.gather [hbm4b:s11+s6], $0x40, s13, s6, $0xb8;
	[tilespmem:$0x8A0] =	vst v63  }
.LBB2_1:
0x27: {  	p0 =	sne.s32 s16, $0x1;
	s16 =	sadd.s32 $0xFFFFFFFF, s16;
	_ =	swait.ge [sflag:s15], $0x800  }
0x28: {  	[sflag:s15] =	ssyncset.done $0x0  }
0x29: {  	[sflag:s15] =	ssyncadd.s32 $0xFFFFF800  }
0x2a: {  	[hbm4b:s14+s2] =	stream.linear.scatter [tilespmem:s12], [sflag:$0x2], $0x800, $0x38;
	[tilespmem:$0x8A0] =	vst v63  }
0x2b: {  	_ =	swait.ge [sflag:s3], $0x800  }
0x2c: {  	[sflag:s3] =	ssyncset.done $0x0  }
0x2d: {  	[sflag:s3] =	ssyncadd.s32 $0xFFFFF800  }
0x2e: {  	[tilespmem:s2], [sflag:$0x2] =	stream.linear.gather [hbm4b:s4+s2], $0x20, $0x38;
	[tilespmem:$0x8A0] =	vst v63  }
0x2f: {  	_ =	swait.ge [sflag:s3], $0x20  }
0x30: {  	[sflag:s3] =	ssyncset.done $0x0  }
0x31: {  	[sflag:s3] =	ssyncadd.s32 $0xFFFFFFE0  }
0x32: {  	[tilespmem:s6], [sflag:$0x2] =	stream.linear.gather [hbm4b:s5+s2], $0x20, $0x38;
	[tilespmem:$0x8A0] =	vst v63  }
0x33: {  	_ =	swait.ge [sflag:s3], $0x20  }
0x34: {  	[sflag:s3] =	ssyncset.done $0x0  }
0x35: {  	[sflag:s3] =	ssyncadd.s32 $0xFFFFFFE0  }
0x36: {  	[tilespmem:s8], [sflag:$0x2] =	stream.linear.gather [hbm4b:s7+s2], $0x20, $0x38;
	[tilespmem:$0x8A0] =	vst v63  }
0x37: {  	_ =	swait.ge [sflag:s3], $0x20  }
0x38: {  	[sflag:s3] =	ssyncset.done $0x0  }
0x39: {  	[sflag:s3] =	ssyncadd.s32 $0xFFFFFFE0  }
0x3a: {  	[tilespmem:s10], [sflag:$0x2] =	stream.linear.gather [hbm4b:s9+s2], $0x20, $0x38;
	[tilespmem:$0x8A0] =	vst v63  }
0x3b: {  	_ =	swait.ge [sflag:s3], $0x20  }
0x3c: {  	[sflag:s3] =	ssyncset.done $0x0  }
0x3d: {  	[sflag:s3] =	ssyncadd.s32 $0xFFFFFFE0  }
0x3e: {  	v0 =	vld [tilespmem:$0x60]  }
0x3f: {  	v1 =	vld [tilespmem:$0x70]  }
0x40: {  	v2 =	vld [tilespmem:$0x30]  }
0x41: {  	v3 =	vld [tilespmem:$0x50]  }
0x42: {  	v4 =	vld [tilespmem:$0x0]  }
0x43: {  	v5 =	vld [tilespmem:$0x10]  }
0x44: {  	v6 =	vld [tilespmem:$0x40]  }
0x45: {  	v7 =	vld [tilespmem:$0x20];
	_ =	sdelay $0x2  }
.Ltmp1:
0x46: {  	vm0 =	vgt.f32 v5, v3;
	(pc) =	sbr.rel @p0 .LBB2_1-.Ltmp1, $4  }
0x47: {  	vm1 =	vgt.f32 v4, v6;
	v1 =	vsel vm0, v2, v1  }
0x48: {  	v0 =	vsel vm1, v7, v0;
	[tilespmem:$0x90] =	vst v1  }
0x49: {  	[tilespmem:$0x80] =	vst v0  }
0x4a: {  	[tilespmem:s12], [sflag:$0x1] =	stream.indirect.gather [hbm4b:s11+s6], $0x40, s13, s6, $0xb8;
	[tilespmem:$0x8A0] =	vst v63  }
.LBB2_2:
0x4b: {  	_ =	swait.ge [sflag:s15], $0x800  }
0x4c: {  	[sflag:s15] =	ssyncset.done $0x0  }
0x4d: {  	[sflag:s15] =	ssyncadd.s32 $0xFFFFF800  }
0x4e: {  	[hbm4b:s14+s2] =	stream.linear.scatter [tilespmem:s12], [sflag:$0x2], $0x800, $0x38;
	[tilespmem:$0x8A0] =	vst v63  }
0x4f: {  	_ =	swait.ge [sflag:s3], $0x800  }
0x50: {  	[sflag:s3] =	ssyncset.done $0x0  }
0x51: {  	[sflag:s3] =	ssyncadd.s32 $0xFFFFF800  }
0x52: {  	_ =	sfence.sel $0x180000  }
0x53: {  	[bflag:$0x0] =	sbarrier.arrive $0xFFFF  }
0x54: {  	p0 =	sne.s32 s0, $0x0;
	_ =	strace $0x9000004A  }
0x55: {  	s0 =	sadd.s32 @!p0 $0x100000, s1;
	[bflag:$0x2] =	sbarrier.arrive $0xFFFF  }
0x56: {  	[sflag:s0] =	ssyncadd.tile.s32 @!p0 $0x1;
	_ =	shalt  }
.Lfunc_end2:
_tile_overlayer_lowered:
.L_overlay_start_2:
0x57: {  	(tag) =	ssettag $0x2  }
0x58: {  	s0 =	rddreg [dreg:$0x0];
	s2 =	stileid.u32  }
0x59: {  	s1 =	rddreg [dreg:$0x1];
	p0 =	sne.s32 s2, $0x0  }
0x5a: {  	s3 =	rddreg [dreg:$0x2];
	[bflag:$0x3] =	sbarrier.arrive $0xFFFF;
	s2 =	simm.s32 @!p0 $0x1C02  }
0x5b: {  	[timem:s3], [sflag:s2] =	dma.local @!p0 [hbm:s0], s1  }
0x5c: {  	s0 =	simm.s32 @!p0 $0x2  }
0x5d: {  	_ =	swait.ge @!p0 [sflag:s0], s1  }
0x5e: {  	s1 =	ssub.s32 @!p0 $0x0, s1;
	[sflag:s0] =	ssyncset.done @!p0 $0x0  }
0x5f: {  	[sflag:s0] =	ssyncadd.s32 @!p0 s1  }
0x60: {  	[bflag:$0x3] =	sbarrier.arrive $0xFFFF  }
0x61: {  	_ =	shalt  }

</sc_bundles>
